<compile_context>
chip_gen: v7x
topology: tpu7x:2x2x1
jax: 0.10.2.dev20260603
libtpu: 0.0.44.dev20260713+nightly
codegen_flags: <defaults>
</compile_context>

<pallas_src>
import functools

import jax
import jax.numpy as jnp
from jax import lax
from jax.experimental import pallas as pl
from jax.experimental.pallas import tpu as pltpu
from jax.experimental.pallas import tpu_sc as plsc

T = 4
N = 10000
C = 128
E = 160000
H = 4
WWIN = 4
KD = 5

NP = 10240
EP = 163840
CH = 256
NB = 512
NBLK = NP // NB
ROWS_PER_SUB = N // 16
ZROWS = NP // 16

def _mesh():
    return plsc.VectorSubcoreMesh(core_axis_name="core",
                                  subcore_axis_name="subcore")


_SC_PARAMS = pltpu.CompilerParams(needs_layout_passes=False)


def _zero_vec16(ref, n):
    @pl.loop(0, n, step=16)
    def _(i):
        ref[pl.ds(i, 16)] = jnp.zeros((16,), jnp.float32)


def _zero_2d(ref, rows):
    @pl.loop(0, rows)
    def _(r):
        for j in range(8):
            ref[r, pl.ds(16 * j, 16)] = jnp.zeros((16,), jnp.float32)


def _sc_spatial(h_all, srcp, dstp):
    @functools.partial(
        pl.kernel,
        mesh=_mesh(),
        compiler_params=_SC_PARAMS,
        out_type=[
            jax.ShapeDtypeStruct((T, NP, C), jnp.float32),
            jax.ShapeDtypeStruct((NP,), jnp.float32),
        ],
        scratch_types=[
            pltpu.VMEM_SHARED((NP, C), jnp.float32),
            pltpu.VMEM_SHARED((NP,), jnp.float32),
            pltpu.VMEM((CH,), jnp.int32),
            pltpu.VMEM((CH,), jnp.int32),
            pltpu.VMEM((CH, C), jnp.float32),
            pltpu.VMEM((64, C), jnp.float32),
            pltpu.VMEM((ZROWS,), jnp.float32),
            pltpu.VMEM((CH,), jnp.float32),
            pltpu.SemaphoreType.DMA,
            pltpu.SemaphoreType.DMA,
        ],
    )
    def k(h_hbm, src_hbm, dst_hbm, xsp_hbm, deg_hbm, acc, degsh, idx_s, idx_d,
          rows, zbuf, zdeg, ones, sem1, sem2):
        c = lax.axis_index("core")
        s = lax.axis_index("subcore")
        _zero_2d(zbuf, 64)
        _zero_vec16(zdeg, ZROWS)

        @pl.when(c == 0)
        def _():
            pltpu.sync_copy(zdeg, degsh.at[pl.ds(s * ZROWS, ZROWS)])

        @pl.loop(0, CH, step=16)
        def _(i):
            ones[pl.ds(i, 16)] = jnp.ones((16,), jnp.float32)



        for i in range(2):
            t = 2 * c + i
            @pl.loop(0, ZROWS // 64)
            def _(d):
                pltpu.sync_copy(zbuf, acc.at[pl.ds(s * ZROWS + d * 64, 64)])
            plsc.subcore_barrier()

            @pl.loop(0, EP // 16 // CH)
            def _(ch):
                g = s * (EP // 16) + ch * CH
                c1 = pltpu.async_copy(src_hbm.at[pl.ds(g, CH)], idx_s, sem1)
                c2 = pltpu.async_copy(dst_hbm.at[pl.ds(g, CH)], idx_d, sem2)
                c1.wait()
                c2.wait()
                pltpu.sync_copy(h_hbm.at[t].at[idx_s], rows)
                pltpu.sync_copy(rows, acc.at[idx_d], add=True)
                if i == 0:
                    @pl.when(c == 0)
                    def _():
                        pltpu.sync_copy(ones, degsh.at[idx_d], add=True)

            plsc.subcore_barrier()
            pltpu.sync_copy(acc.at[pl.ds(s * ZROWS, ZROWS)],
                            xsp_hbm.at[t].at[pl.ds(s * ZROWS, ZROWS)])
            if i == 0:
                @pl.when(c == 0)
                def _():
                    pltpu.sync_copy(degsh.at[pl.ds(s * ZROWS, ZROWS)],
                                    deg_hbm.at[pl.ds(s * ZROWS, ZROWS)])
            plsc.subcore_barrier()

    return k(h_all, srcp, dstp)


def _sc_scores(q_all, k_all, srcp, dstp):
    @functools.partial(
        pl.kernel,
        mesh=_mesh(),
        compiler_params=_SC_PARAMS,
        out_type=jax.ShapeDtypeStruct((T, EP * H), jnp.float32),
        scratch_types=[
            pltpu.VMEM((CH,), jnp.int32),
            pltpu.VMEM((CH,), jnp.int32),
            pltpu.VMEM((CH, C), jnp.float32),
            pltpu.VMEM((CH, C), jnp.float32),
            pltpu.VMEM((CH * H,), jnp.float32),
            pltpu.SemaphoreType.DMA,
            pltpu.SemaphoreType.DMA,
        ],
    )
    def k(q_hbm, k_hbm, src_hbm, dst_hbm, sc_hbm, idx_s, idx_d, qd, ks, sc_v,
          sem1, sem2):
        c = lax.axis_index("core")
        s = lax.axis_index("subcore")
        wid = c * 16 + s
        for t in range(T):
            @pl.loop(0, EP // 32 // CH)
            def _(ch):
                g = wid * (EP // 32) + ch * CH
                c1 = pltpu.async_copy(dst_hbm.at[pl.ds(g, CH)], idx_d, sem1)
                c2 = pltpu.async_copy(src_hbm.at[pl.ds(g, CH)], idx_s, sem2)
                c1.wait()
                c2.wait()
                c3 = pltpu.async_copy(q_hbm.at[t].at[idx_d], qd, sem1)
                c4 = pltpu.async_copy(k_hbm.at[t].at[idx_s], ks, sem2)
                c3.wait()
                c4.wait()

                lane0 = lax.iota(jnp.int32, 16) == 0

                @pl.loop(0, CH)
                def _(e):
                    for h in range(H):
                        a = (qd[e, pl.ds(32 * h, 16)]
                             * ks[e, pl.ds(32 * h, 16)]
                             + qd[e, pl.ds(32 * h + 16, 16)]
                             * ks[e, pl.ds(32 * h + 16, 16)])
                        sv = jnp.full((16,), jnp.sum(a), jnp.float32)
                        plsc.store_scatter(
                            sc_v, [jnp.full((16,), e * H + h, jnp.int32)],
                            sv, mask=lane0)
                pltpu.sync_copy(sc_v, sc_hbm.at[t].at[pl.ds(g * H, CH * H)])

    return k(q_all, k_all, srcp, dstp)


def _sc_den(ex_all, dstp):
    @functools.partial(
        pl.kernel,
        mesh=_mesh(),
        compiler_params=_SC_PARAMS,
        out_type=jax.ShapeDtypeStruct((T, NP, C), jnp.float32),
        scratch_types=[
            pltpu.VMEM_SHARED((NP, C), jnp.float32),
            pltpu.VMEM((CH,), jnp.int32),
            pltpu.VMEM((CH * H,), jnp.float32),
            pltpu.VMEM((CH, C), jnp.float32),
            pltpu.VMEM((64, C), jnp.float32),
            pltpu.SemaphoreType.DMA,
            pltpu.SemaphoreType.DMA,
        ],
    )
    def k(ex_hbm, dst_hbm, den_hbm, densh, idx_d, exv, rowsbuf, zbuf,
          sem1, sem2):
        c = lax.axis_index("core")
        s = lax.axis_index("subcore")
        _zero_2d(zbuf, 64)
        _zero_2d(rowsbuf, CH)

        for i in range(2):
            t = 2 * c + i
            @pl.loop(0, ZROWS // 64)
            def _(d):
                pltpu.sync_copy(zbuf, densh.at[pl.ds(s * ZROWS + d * 64, 64)])
            plsc.subcore_barrier()

            @pl.loop(0, EP // 16 // CH)
            def _(ch):
                g = s * (EP // 16) + ch * CH
                c1 = pltpu.async_copy(dst_hbm.at[pl.ds(g, CH)], idx_d, sem1)
                c2 = pltpu.async_copy(ex_hbm.at[t].at[pl.ds(g * H, CH * H)],
                                      exv, sem2)
                c1.wait()
                c2.wait()
                @pl.loop(0, CH * H, step=16)
                def _(f0):
                    fi = f0 + lax.iota(jnp.int32, 16)
                    vals = exv[pl.ds(f0, 16)]
                    plsc.store_scatter(rowsbuf, [fi // H, lax.rem(fi, H)],
                                       vals)
                pltpu.sync_copy(rowsbuf, densh.at[idx_d], add=True)
            plsc.subcore_barrier()
            pltpu.sync_copy(densh.at[pl.ds(s * ZROWS, ZROWS)],
                            den_hbm.at[t].at[pl.ds(s * ZROWS, ZROWS)])
            plsc.subcore_barrier()

    return k(ex_all, dstp)


def _sc_msg(vs_all, ex_all, srcp, dstp):
    @functools.partial(
        pl.kernel,
        mesh=_mesh(),
        compiler_params=_SC_PARAMS,
        out_type=jax.ShapeDtypeStruct((T, NP, C), jnp.float32),
        scratch_types=[
            pltpu.VMEM_SHARED((NP, C), jnp.float32),
            pltpu.VMEM((CH,), jnp.int32),
            pltpu.VMEM((CH,), jnp.int32),
            pltpu.VMEM((CH, C), jnp.float32),
            pltpu.VMEM((CH * H,), jnp.float32),
            pltpu.VMEM((64, C), jnp.float32),
            pltpu.SemaphoreType.DMA,
            pltpu.SemaphoreType.DMA,
        ],
    )
    def k(vs_hbm, ex_hbm, src_hbm, dst_hbm, m_hbm, acc, idx_s, idx_d,
          rows, exv, zbuf, sem1, sem2):
        c = lax.axis_index("core")
        s = lax.axis_index("subcore")
        _zero_2d(zbuf, 64)
        for i in range(2):
            t = 2 * c + i
            @pl.loop(0, ZROWS // 64)
            def _(d):
                pltpu.sync_copy(zbuf, acc.at[pl.ds(s * ZROWS + d * 64, 64)])
            plsc.subcore_barrier()

            @pl.loop(0, EP // 16 // CH)
            def _(ch):
                g = s * (EP // 16) + ch * CH
                c1 = pltpu.async_copy(src_hbm.at[pl.ds(g, CH)], idx_s, sem1)
                c2 = pltpu.async_copy(dst_hbm.at[pl.ds(g, CH)], idx_d, sem2)
                c1.wait()
                c2.wait()
                c3 = pltpu.async_copy(vs_hbm.at[t].at[idx_s], rows, sem1)
                c4 = pltpu.async_copy(ex_hbm.at[t].at[pl.ds(g * H, CH * H)],
                                      exv, sem2)
                c3.wait()
                c4.wait()

                @pl.loop(0, CH)
                def _(e):
                    for h in range(H):
                        hc = jnp.full((16,), e * H + h, jnp.int32)
                        wh = plsc.load_gather(exv, [hc])
                        for jj in range(2):
                            j = 2 * h + jj
                            rows[e, pl.ds(16 * j, 16)] = (
                                rows[e, pl.ds(16 * j, 16)] * wh)
                pltpu.sync_copy(rows, acc.at[idx_d], add=True)
            plsc.subcore_barrier()
            pltpu.sync_copy(acc.at[pl.ds(s * ZROWS, ZROWS)],
                            m_hbm.at[t].at[pl.ds(s * ZROWS, ZROWS)])
            plsc.subcore_barrier()

    return k(vs_all, ex_all, srcp, dstp)


def _ln_rows(xr, g, b):
    m = xr.mean(-1, keepdims=True)
    v = ((xr - m) ** 2).mean(-1, keepdims=True)
    return g * (xr - m) * lax.rsqrt(v + 1e-5) + b


def _tc_h(x_flat, Ws, bs):
    def body(x_ref, w_ref, b_ref, o_ref):
        o_ref[...] = jnp.dot(x_ref[...], w_ref[...],
                             preferred_element_type=jnp.float32) + b_ref[...]

    return pl.pallas_call(
        body,
        grid=(T * NP // NB,),
        in_specs=[
            pl.BlockSpec((NB, C), lambda i: (i, 0)),
            pl.BlockSpec((C, C), lambda i: (0, 0)),
            pl.BlockSpec((1, C), lambda i: (0, 0)),
        ],
        out_specs=pl.BlockSpec((NB, C), lambda i: (i, 0)),
        out_shape=jax.ShapeDtypeStruct((T * NP, C), jnp.float32),
    )(x_flat, Ws, bs)


def _tc_mid(x_p, xsp_raw, deg2, spikes_p, g1, b1, dl_kernel, dl_bias, g2, b2,
            Wq, Wk, Wv):
    scale = float((C // H) ** -0.5)

    def body(x_ref, xsp_ref, deg_ref, sp_ref, g1_ref, b1_ref, dlk_ref,
             dlb_ref, g2_ref, b2_ref, wq_ref, wk_ref, wv_ref,
             x2_ref, q_ref, k_ref, vs_ref):
        x = x_ref[...]
        deg = jnp.maximum(deg_ref[...], 1.0)
        xs = xsp_ref[...] / deg[0, 0][None, :, None]
        x1 = _ln_rows(x + xs, g1_ref[...], b1_ref[...])
        dlk = dlk_ref[...]
        dlb = dlb_ref[...]
        x2s = []
        for t in range(T):
            xd = jnp.broadcast_to(dlb, (NB, C))
            for kk in range(KD):
                tt = t + kk - (KD - 1)
                if tt >= 0:
                    xd = xd + dlk[kk][None, :] * x1[tt]
            x2s.append(_ln_rows(x1[t] + xd, g2_ref[...], b2_ref[...]))
        x2 = jnp.stack(x2s)
        x2_ref[...] = x2
        flat = x2.reshape(T * NB, C)
        q_ref[...] = (jnp.dot(flat, wq_ref[...],
                              preferred_element_type=jnp.float32)
                      * scale).reshape(T, NB, C)
        k_ref[...] = jnp.dot(flat, wk_ref[...],
                             preferred_element_type=jnp.float32).reshape(T, NB, C)
        v = jnp.dot(flat, wv_ref[...],
                    preferred_element_type=jnp.float32).reshape(T, NB, C)
        vs_ref[...] = v * sp_ref[...][:, :, None]

    full = lambda shape: pl.BlockSpec(shape, lambda i: tuple(0 for _ in shape))
    blk3 = pl.BlockSpec((T, NB, C), lambda i: (0, i, 0))
    out = pl.pallas_call(
        body,
        grid=(NBLK,),
        in_specs=[
            blk3, blk3,
            pl.BlockSpec((1, 1, NB), lambda i: (i, 0, 0)),
            pl.BlockSpec((T, NB), lambda i: (0, i)),
            full((1, C)), full((1, C)), full((KD, C)), full((1, C)),
            full((1, C)), full((1, C)), full((C, C)), full((C, C)),
            full((C, C)),
        ],
        out_specs=[blk3, blk3, blk3, blk3],
        out_shape=[jax.ShapeDtypeStruct((T, NP, C), jnp.float32)] * 4,
    )(x_p, xsp_raw, deg2, spikes_p, g1, b1, dl_kernel, dl_bias, g2, b2,
      Wq, Wk, Wv)
    return out


def _tc_exp(sc2d):
    def body(x_ref, o_ref):
        o_ref[...] = jnp.exp(x_ref[...])

    R = sc2d.shape[0]
    return pl.pallas_call(
        body,
        grid=(R // 2048,),
        in_specs=[pl.BlockSpec((2048, 128), lambda i: (i, 0))],
        out_specs=pl.BlockSpec((2048, 128), lambda i: (i, 0)),
        out_shape=jax.ShapeDtypeStruct((R, 128), jnp.float32),
    )(sc2d)


def _tc_tail(m_all, den_all, x2_all, wts_p, Wo, bo, fc1_w, fc1_b, fc2_w,
             fc2_b, g3, b3):
    def body(m_ref, den_ref, x2_ref, wts_ref, wo_ref, bo_ref, f1_ref, f1b_ref,
             f2_ref, f2b_ref, g3_ref, b3_ref, out_ref, ns_ref):
        den = den_ref[...][:, :, :H]
        rden = 1.0 / (den + 1e-9)
        rden_c = jnp.repeat(rden, C // H, axis=-1)
        m = m_ref[...] * rden_c
        wts = wts_ref[...]
        mts = []
        for t in range(T):
            acc = wts[t, 0] * m[t]
            for w in range(1, WWIN):
                if t - w >= 0:
                    acc = acc + wts[t, w] * m[t - w]
            mts.append(acc)
        m_t = jnp.stack(mts).reshape(T * NB, C)
        agg = (jnp.dot(m_t, wo_ref[...], preferred_element_type=jnp.float32)
               + bo_ref[...]).reshape(T, NB, C)
        v = jnp.zeros((NB, C), jnp.float32)
        ss = []
        for t in range(T):
            v = 0.95 * v + agg[t]
            s_ = jax.nn.sigmoid(v - 1.0)
            v = v - s_
            ss.append(s_)
        s_hd = jnp.stack(ss)
        ffn_in = (agg * s_hd).reshape(T * NB, C)
        hmid = jax.nn.gelu(jnp.dot(ffn_in, f1_ref[...],
                                   preferred_element_type=jnp.float32)
                           + f1b_ref[...])
        ffn = (jnp.dot(hmid, f2_ref[...], preferred_element_type=jnp.float32)
               + f2b_ref[...]).reshape(T, NB, C)
        out_ref[...] = _ln_rows(x2_ref[...] + ffn, g3_ref[...], b3_ref[...])
        ns_ref[...] = s_hd.mean(-1)

    full = lambda shape: pl.BlockSpec(shape, lambda i: tuple(0 for _ in shape))
    blk3 = pl.BlockSpec((T, NB, C), lambda i: (0, i, 0))
    return pl.pallas_call(
        body,
        grid=(NBLK,),
        in_specs=[
            blk3, blk3, blk3,
            full((8, 128)), full((C, C)), full((1, C)),
            full((C, 4 * C)), full((1, 4 * C)), full((4 * C, C)),
            full((1, C)), full((1, C)), full((1, C)),
        ],
        out_specs=[blk3, pl.BlockSpec((T, NB), lambda i: (0, i))],
        out_shape=[
            jax.ShapeDtypeStruct((T, NP, C), jnp.float32),
            jax.ShapeDtypeStruct((T, NP), jnp.float32),
        ],
    )(m_all, den_all, x2_all, wts_p, Wo, bo, fc1_w, fc1_b, fc2_w, fc2_b,
      g3, b3)


def kernel(x, spikes, edge_index, time_idx, Ws, bs, g1, b1, dl_kernel, dl_bias,
           g2, b2, Wq, Wk, Wv, pos_logit, Wo, bo, fc1_w, fc1_b, fc2_w, fc2_b,
           g3, b3):
    f32 = jnp.float32
    src = edge_index[0]
    dst = edge_index[1]
    npad = EP - E
    srcp = jnp.concatenate([src, (jnp.arange(npad, dtype=jnp.int32) % N)])
    dstp = jnp.concatenate(
        [dst, N + (jnp.arange(npad, dtype=jnp.int32) % (NP - N))])
    x_p = jnp.pad(x, ((0, 0), (0, NP - N), (0, 0)))
    spikes_p = jnp.pad(spikes, ((0, 0), (0, NP - N)))
    bs2 = bs.reshape(1, C)
    g1r, b1r = g1.reshape(1, C), b1.reshape(1, C)
    g2r, b2r = g2.reshape(1, C), b2.reshape(1, C)
    g3r, b3r = g3.reshape(1, C), b3.reshape(1, C)
    dlb = dl_bias.reshape(1, C)
    bor = bo.reshape(1, C)
    f1b = fc1_b.reshape(1, 4 * C)
    f2b = fc2_b.reshape(1, C)

    offs = jnp.arange(WWIN)
    tpos = jnp.arange(T)
    idxw = tpos[:, None] - offs[None, :]
    valid = idxw >= 0
    idxc = jnp.clip(idxw, 0, T - 1)
    rel = jnp.clip(time_idx[tpos][:, None] - time_idx[idxc], 0, WWIN - 1)
    logits = jnp.where(valid, pos_logit[rel], -1e9)
    wts = jax.nn.softmax(logits, axis=-1).astype(f32)
    wts_p = jnp.zeros((8, 128), f32).at[:T, :WWIN].set(wts)

    h_all = _tc_h(x_p.reshape(T * NP, C), Ws, bs2).reshape(T, NP, C)
    xsp_raw, deg = _sc_spatial(h_all, srcp, dstp)
    x2_all, q_all, k_all, vs_all = _tc_mid(
        x_p, xsp_raw, deg.reshape(NBLK, 1, NB), spikes_p, g1r, b1r,
        dl_kernel, dlb, g2r, b2r, Wq, Wk, Wv)
    sc = _sc_scores(q_all, k_all, srcp, dstp)
    ex = _tc_exp(sc.reshape(T * EP * H // 128, 128)).reshape(T, EP * H)
    den = _sc_den(ex, dstp)
    m_all = _sc_msg(vs_all, ex, srcp, dstp)
    out_all, ns_all = _tc_tail(m_all, den, x2_all, wts_p, Wo, bor, fc1_w, f1b,
                               fc2_w, f2b, g3r, b3r)
    return out_all[:, :N, :], ns_all[:, :N]


def _jnp_pipeline(x, spikes, edge_index, time_idx, Ws, bs, g1, b1, dl_kernel,
                  dl_bias, g2, b2, Wq, Wk, Wv, pos_logit, Wo, bo, fc1_w,
                  fc1_b, fc2_w, fc2_b, g3, b3):
    import numpy as _np
    src = edge_index[0]
    dst = edge_index[1]
    Tn, Nn, Cn = x.shape
    deg = jnp.maximum(jax.ops.segment_sum(
        jnp.ones_like(src, dtype=x.dtype), dst, Nn), 1.0)

    def _ln(v, g, b):
        m = v.mean(-1, keepdims=True)
        va = ((v - m) ** 2).mean(-1, keepdims=True)
        return g * (v - m) / jnp.sqrt(va + 1e-5) + b

    x_spatial = jnp.stack([
        jax.ops.segment_sum((x[t] @ Ws + bs)[src], dst, Nn) / deg[:, None]
        for t in range(Tn)])
    x1 = _ln(x + x_spatial, g1, b1)
    xp = jnp.pad(x1, ((KD - 1, 0), (0, 0), (0, 0)))
    x_delayed = dl_bias
    for k in range(KD):
        x_delayed = x_delayed + dl_kernel[k][None, None, :] * xp[k:k + Tn]
    x2 = _ln(x1 + x_delayed, g2, b2)
    dh = Cn // H
    scale = 1.0 / _np.sqrt(dh)
    ms = []
    for t in range(Tn):
        q = x2[t] @ Wq
        k_ = x2[t] @ Wk
        v = (x2[t] @ Wv) * spikes[t][:, None]
        sc = jnp.sum((q[dst] * k_[src]).reshape(-1, H, dh), -1) * scale
        ex = jnp.exp(sc)
        ex128 = jnp.pad(ex, ((0, 0), (0, Cn - H)))
        den = jax.ops.segment_sum(ex128, dst, Nn)[:, :H]
        exr = jnp.repeat(ex, dh, axis=1)
        msg = jax.ops.segment_sum(v[src] * exr, dst, Nn)
        rden = 1.0 / (den + 1e-9)
        ms.append(msg * jnp.repeat(rden, dh, axis=1))
    m = jnp.stack(ms)
    offs = jnp.arange(WWIN)
    tpos = jnp.arange(Tn)
    idxw = tpos[:, None] - offs[None, :]
    valid = idxw >= 0
    idxc = jnp.clip(idxw, 0, Tn - 1)
    rel = jnp.clip(time_idx[tpos][:, None] - time_idx[idxc], 0, WWIN - 1)
    logits = jnp.where(valid, pos_logit[rel], -1e9)
    wts = jax.nn.softmax(logits, axis=-1)
    m_t = jnp.einsum('tw,twnc->tnc', wts, m[idxc])
    aggregated = m_t @ Wo + bo

    def lif_step(v, inp):
        v = 0.95 * v + inp
        s_ = jax.nn.sigmoid(v - 1.0)
        return v - s_, s_

    _, s_hd = jax.lax.scan(lif_step, jnp.zeros((Nn, Cn), x.dtype), aggregated)
    ffn_in = aggregated * s_hd
    hmid = jax.nn.gelu(ffn_in @ fc1_w + fc1_b)
    out = _ln(x2 + (hmid @ fc2_w + fc2_b), g3, b3)
    return out, s_hd.mean(-1)

# --- scband reference (transcript-rebuilt; emitter-appended) ---
"""Pipeline reference for scband-spike-tdanet-layer-72610717106761 (READ-ONLY COPY).

The authoritative reference and input builder live on the scoring server;
editing this copy changes nothing except your own understanding.
"""

import jax, jax.numpy as jnp
import numpy as np

T, N, C = 4, 10000, 128
E = 160000
H = 4
WWIN = 4
K = 5


def _ln(x, g, b):
    m = x.mean(-1, keepdims=True)
    v = ((x - m) ** 2).mean(-1, keepdims=True)
    return g * (x - m) / jnp.sqrt(v + 1e-5) + b


def setup_inputs(seed: int = 0):
    key = jax.random.key(seed)
    ks = jax.random.split(key, 16)
    s = 0.02
    inp = {}
    inp["x"] = jax.random.normal(ks[0], (T, N, C), dtype=jnp.float32)
    inp["spikes"] = jax.random.uniform(ks[1], (T, N), dtype=jnp.float32)
    inp["edge_index"] = jax.random.randint(ks[2], (2, E), 0, N, dtype=jnp.int32)
    inp["time_idx"] = jnp.arange(T, dtype=jnp.int32)
    inp["Ws"] = jax.random.normal(ks[3], (C, C), dtype=jnp.float32) * s
    inp["bs"] = jnp.zeros((C,), jnp.float32)
    inp["g1"] = jnp.ones((C,), jnp.float32)
    inp["b1"] = jnp.zeros((C,), jnp.float32)
    inp["dl_kernel"] = jax.random.normal(ks[4], (K, C), dtype=jnp.float32) * s
    inp["dl_bias"] = jnp.zeros((C,), jnp.float32)
    inp["g2"] = jnp.ones((C,), jnp.float32)
    inp["b2"] = jnp.zeros((C,), jnp.float32)
    inp["Wq"] = jax.random.normal(ks[5], (C, C), dtype=jnp.float32) * s
    inp["Wk"] = jax.random.normal(ks[6], (C, C), dtype=jnp.float32) * s
    inp["Wv"] = jax.random.normal(ks[7], (C, C), dtype=jnp.float32) * s
    inp["pos_logit"] = jax.random.normal(ks[8], (WWIN,), dtype=jnp.float32) * s
    inp["Wo"] = jax.random.normal(ks[9], (C, C), dtype=jnp.float32) * s
    inp["bo"] = jnp.zeros((C,), jnp.float32)
    inp["fc1_w"] = jax.random.normal(ks[10], (C, 4 * C), dtype=jnp.float32) * s
    inp["fc1_b"] = jnp.zeros((4 * C,), jnp.float32)
    inp["fc2_w"] = jax.random.normal(ks[11], (4 * C, C), dtype=jnp.float32) * s
    inp["fc2_b"] = jnp.zeros((C,), jnp.float32)
    inp["g3"] = jnp.ones((C,), jnp.float32)
    inp["b3"] = jnp.zeros((C,), jnp.float32)
    return inp


def reference(x, spikes, edge_index, time_idx, Ws, bs, g1, b1, dl_kernel, dl_bias, g2, b2, Wq, Wk, Wv, pos_logit, Wo, bo, fc1_w, fc1_b, fc2_w, fc2_b, g3, b3):
    Tn, Nn, Cn = x.shape
    src = edge_index[0]
    dst = edge_index[1]
    if spikes.ndim == 2:
        spikes3 = jnp.broadcast_to(spikes[..., None], (Tn, Nn, Cn))
    else:
        spikes3 = spikes
    deg = jax.ops.segment_sum(jnp.ones_like(src, dtype=x.dtype), dst, Nn)
    deg = jnp.maximum(deg, 1.0)

    def gnn_step(x_t):
        h = x_t @ Ws + bs
        return jax.ops.segment_sum(h[src], dst, Nn) / deg[:, None]

    x_spatial = jax.lax.map(gnn_step, x)
    x1 = _ln(x + x_spatial, g1, b1)

    xp = jnp.pad(x1, ((K - 1, 0), (0, 0), (0, 0)))
    x_delayed = dl_bias
    for k in range(K):
        x_delayed = x_delayed + dl_kernel[k][None, None, :] * xp[k:k + Tn]
    x2 = _ln(x1 + x_delayed, g2, b2)

    dh = Cn // H
    scale = 1.0 / np.sqrt(dh)

    def attn_step(inputs):
        x_t, s_t = inputs
        q = (x_t @ Wq).reshape(Nn, H, dh)
        k_ = (x_t @ Wk).reshape(Nn, H, dh)
        v = (x_t @ Wv).reshape(Nn, H, dh)
        sc = jnp.sum(q[dst] * k_[src], axis=-1) * scale
        mx = jax.ops.segment_max(sc, dst, Nn)
        mx = jnp.where(jnp.isfinite(mx), mx, 0.0)
        ex = jnp.exp(sc - mx[dst])
        den = jax.ops.segment_sum(ex, dst, Nn)[dst] + 1e-9
        w = ex / den
        msg = v[src] * s_t[src].reshape(-1, H, dh) * w[..., None]
        return jax.ops.segment_sum(msg, dst, Nn).reshape(Nn, Cn)

    m = jax.lax.map(attn_step, (x2, spikes3))

    offs = jnp.arange(WWIN)
    tpos = jnp.arange(Tn)
    idxw = tpos[:, None] - offs[None, :]
    valid = idxw >= 0
    idxc = jnp.clip(idxw, 0, Tn - 1)
    rel = time_idx[tpos][:, None] - time_idx[idxc]
    rel = jnp.clip(rel, 0, WWIN - 1)
    logits = pos_logit[rel]
    logits = jnp.where(valid, logits, -1e9)
    wts = jax.nn.softmax(logits, axis=-1)
    mw = m[idxc]
    m_t = jnp.einsum('tw,twnc->tnc', wts, mw)
    aggregated = m_t @ Wo + bo

    tau, v_th, alpha = 0.95, 1.0, 1.0

    def lif_step(v, inp):
        v = tau * v + inp
        s_ = jax.nn.sigmoid(alpha * (v - v_th))
        v = v - s_ * v_th
        return v, s_

    _, spikes_hd = jax.lax.scan(lif_step, jnp.zeros((Nn, Cn), x.dtype), aggregated)

    ffn_in = aggregated * spikes_hd
    hmid = jax.nn.gelu(ffn_in @ fc1_w + fc1_b)
    ffn_out = hmid @ fc2_w + fc2_b
    out = _ln(x2 + ffn_out, g3, b3)
    new_spikes = spikes_hd.mean(-1)
    return out, new_spikes

if __name__ == "__main__":
    import jax
    _d = setup_inputs()
    print(jax.jit(kernel)(*tuple(_d.values())))

</pallas_src>

<mosaic_0001>
#map = affine_map<(d0, d1) -> (0, 0, 0)>
#map1 = affine_map<(d0, d1) -> (0, 0)>
#map2 = affine_map<(d0, d1) -> (0)>
module attributes {stable_mosaic.version = 14 : i64} {
  func.func @k(%arg0: i32, %arg1: i32, %arg2: memref<4x10240x128xf32, #tpu.memory_space<hbm>>, %arg3: memref<4x655360xf32, #tpu.memory_space<hbm>>, %arg4: memref<163840xi32, #tpu.memory_space<hbm>>, %arg5: memref<163840xi32, #tpu.memory_space<hbm>>, %arg6: memref<4x10240x128xf32, #tpu.memory_space<hbm>>, %arg7: memref<10240x128xf32, #tpu.memory_space<vmem_shared>>, %arg8: memref<256xi32, #tpu.memory_space<vmem>>, %arg9: memref<256xi32, #tpu.memory_space<vmem>>, %arg10: memref<256x128xf32, #tpu.memory_space<vmem>>, %arg11: memref<1024xf32, #tpu.memory_space<vmem>>, %arg12: memref<64x128xf32, #tpu.memory_space<vmem>>, %arg13: memref<!tpu.dma_semaphore, #tpu.memory_space<semaphore_mem>>, %arg14: memref<!tpu.dma_semaphore, #tpu.memory_space<semaphore_mem>>) attributes {dimension_semantics = [#tpu.dimension_semantics<core_parallel>, #tpu.dimension_semantics<subcore_parallel>], iteration_bounds = array<i64: 2, 16>, scalar_prefetch = 0 : i64, scratch_operands = 8 : i64, tpu.core_type = #tpu.core_type<sc_vector_subcore>, window_params = [{transform_indices = #map}, {transform_indices = #map1}, {transform_indices = #map2}, {transform_indices = #map2}, {transform_indices = #map}]} {
    %scan3A = arith.constant 0 : i32
    %scan3A_0 = arith.constant 64 : i32
    %scan3A_1 = arith.addi %scan3A, %scan3A_0 : i32
    %scan3A_2 = arith.constant 1 : i32
    scf.for %scan3A_43 = %scan3A to %scan3A_1 step %scan3A_2  : i32 {
      %mul3A_44 = arith.constant 1 : i32
      %mul3A_45 = arith.muli %scan3A_43, %mul3A_44 : i32
      %add3A_46 = arith.constant 0 : i32
      %add3A_47 = arith.addi %add3A_46, %mul3A_45 : i32
      %broadcast_in_dim3A = arith.constant 0.000000e+00 : f32
      %broadcast_in_dim3A_48 = vector.broadcast %broadcast_in_dim3A : f32 to vector<16xf32>
      %swap3A = arith.index_cast %add3A_47 : i32 to index
      %swap3A_49 = arith.constant 0 : index
      %swap3A_50 = tpu.vector_load %arg12[%swap3A, %swap3A_49] {strides = array<i32>} : memref<64x128xf32, #tpu.memory_space<vmem>>, vector<16xf32>,
      tpu.vector_store %arg12[%swap3A, %swap3A_49], %broadcast_in_dim3A_48 {strides = array<i32>} : memref<64x128xf32, #tpu.memory_space<vmem>>, vector<16xf32>,
      %broadcast_in_dim3A_51 = arith.constant 0.000000e+00 : f32
      %broadcast_in_dim3A_52 = vector.broadcast %broadcast_in_dim3A_51 : f32 to vector<16xf32>
      %swap3A_53 = arith.index_cast %add3A_47 : i32 to index
      %swap3A_54 = arith.constant 16 : index
      %swap3A_55 = tpu.vector_load %arg12[%swap3A_53, %swap3A_54] {strides = array<i32>} : memref<64x128xf32, #tpu.memory_space<vmem>>, vector<16xf32>,
      tpu.vector_store %arg12[%swap3A_53, %swap3A_54], %broadcast_in_dim3A_52 {strides = array<i32>} : memref<64x128xf32, #tpu.memory_space<vmem>>, vector<16xf32>,
      %broadcast_in_dim3A_56 = arith.constant 0.000000e+00 : f32
      %broadcast_in_dim3A_57 = vector.broadcast %broadcast_in_dim3A_56 : f32 to vector<16xf32>
      %swap3A_58 = arith.index_cast %add3A_47 : i32 to index
      %swap3A_59 = arith.constant 32 : index
      %swap3A_60 = tpu.vector_load %arg12[%swap3A_58, %swap3A_59] {strides = array<i32>} : memref<64x128xf32, #tpu.memory_space<vmem>>, vector<16xf32>,
      tpu.vector_store %arg12[%swap3A_58, %swap3A_59], %broadcast_in_dim3A_57 {strides = array<i32>} : memref<64x128xf32, #tpu.memory_space<vmem>>, vector<16xf32>,
      %broadcast_in_dim3A_61 = arith.constant 0.000000e+00 : f32
      %broadcast_in_dim3A_62 = vector.broadcast %broadcast_in_dim3A_61 : f32 to vector<16xf32>
      %swap3A_63 = arith.index_cast %add3A_47 : i32 to index
      %swap3A_64 = arith.constant 48 : index
      %swap3A_65 = tpu.vector_load %arg12[%swap3A_63, %swap3A_64] {strides = array<i32>} : memref<64x128xf32, #tpu.memory_space<vmem>>, vector<16xf32>,
      tpu.vector_store %arg12[%swap3A_63, %swap3A_64], %broadcast_in_dim3A_62 {strides = array<i32>} : memref<64x128xf32, #tpu.memory_space<vmem>>, vector<16xf32>,
      %broadcast_in_dim3A_66 = arith.constant 0.000000e+00 : f32
      %broadcast_in_dim3A_67 = vector.broadcast %broadcast_in_dim3A_66 : f32 to vector<16xf32>
      %swap3A_68 = arith.index_cast %add3A_47 : i32 to index
      %swap3A_69 = arith.constant 64 : index
      %swap3A_70 = tpu.vector_load %arg12[%swap3A_68, %swap3A_69] {strides = array<i32>} : memref<64x128xf32, #tpu.memory_space<vmem>>, vector<16xf32>,
      tpu.vector_store %arg12[%swap3A_68, %swap3A_69], %broadcast_in_dim3A_67 {strides = array<i32>} : memref<64x128xf32, #tpu.memory_space<vmem>>, vector<16xf32>,
      %broadcast_in_dim3A_71 = arith.constant 0.000000e+00 : f32
      %broadcast_in_dim3A_72 = vector.broadcast %broadcast_in_dim3A_71 : f32 to vector<16xf32>
      %swap3A_73 = arith.index_cast %add3A_47 : i32 to index
      %swap3A_74 = arith.constant 80 : index
      %swap3A_75 = tpu.vector_load %arg12[%swap3A_73, %swap3A_74] {strides = array<i32>} : memref<64x128xf32, #tpu.memory_space<vmem>>, vector<16xf32>,
      tpu.vector_store %arg12[%swap3A_73, %swap3A_74], %broadcast_in_dim3A_72 {strides = array<i32>} : memref<64x128xf32, #tpu.memory_space<vmem>>, vector<16xf32>,
      %broadcast_in_dim3A_76 = arith.constant 0.000000e+00 : f32
      %broadcast_in_dim3A_77 = vector.broadcast %broadcast_in_dim3A_76 : f32 to vector<16xf32>
      %swap3A_78 = arith.index_cast %add3A_47 : i32 to index
      %swap3A_79 = arith.constant 96 : index
      %swap3A_80 = tpu.vector_load %arg12[%swap3A_78, %swap3A_79] {strides = array<i32>} : memref<64x128xf32, #tpu.memory_space<vmem>>, vector<16xf32>,
      tpu.vector_store %arg12[%swap3A_78, %swap3A_79], %broadcast_in_dim3A_77 {strides = array<i32>} : memref<64x128xf32, #tpu.memory_space<vmem>>, vector<16xf32>,
      %broadcast_in_dim3A_81 = arith.constant 0.000000e+00 : f32
      %broadcast_in_dim3A_82 = vector.broadcast %broadcast_in_dim3A_81 : f32 to vector<16xf32>
      %swap3A_83 = arith.index_cast %add3A_47 : i32 to index
      %swap3A_84 = arith.constant 112 : index
      %swap3A_85 = tpu.vector_load %arg12[%swap3A_83, %swap3A_84] {strides = array<i32>} : memref<64x128xf32, #tpu.memory_space<vmem>>, vector<16xf32>,
      tpu.vector_store %arg12[%swap3A_83, %swap3A_84], %broadcast_in_dim3A_82 {strides = array<i32>} : memref<64x128xf32, #tpu.memory_space<vmem>>, vector<16xf32>,
    }
    %scan3A_3 = arith.constant 64 : i32
    %mul3A = arith.constant 2 : i32
    %mul3A_4 = arith.muli %mul3A, %arg0 : i32
    %add3A = arith.constant 0 : i32
    %add3A_5 = arith.addi %mul3A_4, %add3A : i32
    %scan3A_6 = arith.constant 0 : i32
    %scan3A_7 = arith.constant 10 : i32
    %scan3A_8 = arith.addi %scan3A_6, %scan3A_7 : i32
    %scan3A_9 = arith.constant 1 : i32
    scf.for %scan3A_43 = %scan3A_6 to %scan3A_8 step %scan3A_9  : i32 {
      %mul3A_44 = arith.constant 1 : i32
      %mul3A_45 = arith.muli %scan3A_43, %mul3A_44 : i32
      %add3A_46 = arith.constant 0 : i32
      %add3A_47 = arith.addi %add3A_46, %mul3A_45 : i32
      %mul3A_48 = arith.constant 640 : i32
      %mul3A_49 = arith.muli %arg1, %mul3A_48 : i32
      %mul3A_50 = arith.constant 64 : i32
      %mul3A_51 = arith.muli %add3A_47, %mul3A_50 : i32
      %add3A_52 = arith.addi %mul3A_49, %mul3A_51 : i32
      "tpu.region"() ({
        %run_scoped3A = tpu.sem_alloc : memref<!tpu.dma_semaphore, #tpu.memory_space<semaphore_mem>>
        %dma_start3A = arith.constant 0 : i32
        %dma_start3A_53 = tpu.memref_slice %arg7[%add3A_52, %dma_start3A] : memref<10240x128xf32, #tpu.memory_space<vmem_shared>> -> memref<64x128xf32, #tpu.memory_space<vmem_shared>>
        %dma_start3A_54 = arith.constant 0 : i32
        %dma_start3A_55 = tpu.memref_slice %arg7[%add3A_52, %dma_start3A_54] : memref<10240x128xf32, #tpu.memory_space<vmem_shared>> -> memref<64x128xf32, #tpu.memory_space<vmem_shared>>
        tpu.enqueue_dma source(%arg12 : memref<64x128xf32, #tpu.memory_space<vmem>>) target(%dma_start3A_55 : memref<64x128xf32, #tpu.memory_space<vmem_shared>>) target_semaphore(%run_scoped3A : memref<!tpu.dma_semaphore, #tpu.memory_space<semaphore_mem>>)
        %dma_wait3A = arith.constant 0 : i32
        %dma_wait3A_56 = tpu.memref_slice %arg7[%add3A_52, %dma_wait3A] : memref<10240x128xf32, #tpu.memory_space<vmem_shared>> -> memref<64x128xf32, #tpu.memory_space<vmem_shared>>
        %dma_wait3A_57 = arith.constant 0 : i32
        %dma_wait3A_58 = tpu.memref_slice %arg7[%add3A_52, %dma_wait3A_57] : memref<10240x128xf32, #tpu.memory_space<vmem_shared>> -> memref<64x128xf32, #tpu.memory_space<vmem_shared>>
        tpu.wait_dma2 semaphore(%run_scoped3A : memref<!tpu.dma_semaphore, #tpu.memory_space<semaphore_mem>>) src(%arg12 : memref<64x128xf32, #tpu.memory_space<vmem>>) dst(%dma_wait3A_58 : memref<64x128xf32, #tpu.memory_space<vmem_shared>>)
        tpu.yield
      }) : () -> ()
    }
    %scan3A_10 = arith.constant 10 : i32
    %barrier3A = arith.constant 0 : index
    tpu.barrier barrier_id(%barrier3A)
    %scan3A_11 = arith.constant 0 : i32
    %scan3A_12 = arith.constant 40 : i32
    %scan3A_13 = arith.addi %scan3A_11, %scan3A_12 : i32
    %scan3A_14 = arith.constant 1 : i32
    scf.for %scan3A_43 = %scan3A_11 to %scan3A_13 step %scan3A_14  : i32 {
      %mul3A_44 = arith.constant 1 : i32
      %mul3A_45 = arith.muli %scan3A_43, %mul3A_44 : i32
      %add3A_46 = arith.constant 0 : i32
      %add3A_47 = arith.addi %add3A_46, %mul3A_45 : i32
      %mul3A_48 = arith.constant 10240 : i32
      %mul3A_49 = arith.muli %arg1, %mul3A_48 : i32
      %mul3A_50 = arith.constant 256 : i32
      %mul3A_51 = arith.muli %add3A_47, %mul3A_50 : i32
      %add3A_52 = arith.addi %mul3A_49, %mul3A_51 : i32
      %dma_start3A = tpu.memref_slice %arg4[%add3A_52] : memref<163840xi32, #tpu.memory_space<hbm>> -> memref<256xi32, #tpu.memory_space<hbm>>
      %dma_start3A_53 = tpu.memref_slice %arg4[%add3A_52] : memref<163840xi32, #tpu.memory_space<hbm>> -> memref<256xi32, #tpu.memory_space<hbm>>
      tpu.enqueue_dma source(%dma_start3A_53 : memref<256xi32, #tpu.memory_space<hbm>>) target(%arg8 : memref<256xi32, #tpu.memory_space<vmem>>) target_semaphore(%arg13 : memref<!tpu.dma_semaphore, #tpu.memory_space<semaphore_mem>>)
      %dma_start3A_54 = tpu.memref_slice %arg5[%add3A_52] : memref<163840xi32, #tpu.memory_space<hbm>> -> memref<256xi32, #tpu.memory_space<hbm>>
      %dma_start3A_55 = tpu.memref_slice %arg5[%add3A_52] : memref<163840xi32, #tpu.memory_space<hbm>> -> memref<256xi32, #tpu.memory_space<hbm>>
      tpu.enqueue_dma source(%dma_start3A_55 : memref<256xi32, #tpu.memory_space<hbm>>) target(%arg9 : memref<256xi32, #tpu.memory_space<vmem>>) target_semaphore(%arg14 : memref<!tpu.dma_semaphore, #tpu.memory_space<semaphore_mem>>)
      %dma_wait3A = tpu.memref_slice %arg4[%add3A_52] : memref<163840xi32, #tpu.memory_space<hbm>> -> memref<256xi32, #tpu.memory_space<hbm>>
      %dma_wait3A_56 = tpu.memref_slice %arg4[%add3A_52] : memref<163840xi32, #tpu.memory_space<hbm>> -> memref<256xi32, #tpu.memory_space<hbm>>
      tpu.wait_dma2 semaphore(%arg13 : memref<!tpu.dma_semaphore, #tpu.memory_space<semaphore_mem>>) src(%dma_wait3A_56 : memref<256xi32, #tpu.memory_space<hbm>>) dst(%arg8 : memref<256xi32, #tpu.memory_space<vmem>>)
      %dma_wait3A_57 = tpu.memref_slice %arg5[%add3A_52] : memref<163840xi32, #tpu.memory_space<hbm>> -> memref<256xi32, #tpu.memory_space<hbm>>
      %dma_wait3A_58 = tpu.memref_slice %arg5[%add3A_52] : memref<163840xi32, #tpu.memory_space<hbm>> -> memref<256xi32, #tpu.memory_space<hbm>>
      tpu.wait_dma2 semaphore(%arg14 : memref<!tpu.dma_semaphore, #tpu.memory_space<semaphore_mem>>) src(%dma_wait3A_58 : memref<256xi32, #tpu.memory_space<hbm>>) dst(%arg9 : memref<256xi32, #tpu.memory_space<vmem>>)
      %dma_start3A_59 = arith.constant 0 : i32
      %dma_start3A_60 = arith.constant 0 : i32
      %dma_start3A_61 = tpu.memref_slice %arg2[%add3A_5, %dma_start3A_59, %dma_start3A_60] : memref<4x10240x128xf32, #tpu.memory_space<hbm>> -> memref<1x10240x128xf32, #tpu.memory_space<hbm>>
      %dma_start3A_62 = tpu.memref_squeeze %dma_start3A_61 : memref<1x10240x128xf32, #tpu.memory_space<hbm>> -> memref<10240x128xf32, #tpu.memory_space<hbm>>
      %dma_start3A_63 = arith.constant 0 : i32
      %dma_start3A_64 = arith.constant 0 : i32
      %dma_start3A_65 = tpu.memref_slice %dma_start3A_62[%dma_start3A_63, %dma_start3A_64] : memref<10240x128xf32, #tpu.memory_space<hbm>> -> memref<10240x128xf32, #tpu.memory_space<hbm>>
      tpu.enqueue_indirect_dma source(%dma_start3A_65 : memref<10240x128xf32, #tpu.memory_space<hbm>>) target(%arg10 : memref<256x128xf32, #tpu.memory_space<vmem>>) offsets(%arg8 : memref<256xi32, #tpu.memory_space<vmem>>) semaphore(%arg13 : memref<!tpu.dma_semaphore, #tpu.memory_space<semaphore_mem>>)
      %mul3A_66 = arith.constant 4 : i32
      %mul3A_67 = arith.muli %add3A_52, %mul3A_66 : i32
      %dma_start3A_68 = arith.constant 0 : i32
      %dma_start3A_69 = tpu.memref_slice %arg3[%add3A_5, %dma_start3A_68] : memref<4x655360xf32, #tpu.memory_space<hbm>> -> memref<1x655360xf32, #tpu.memory_space<hbm>>
      %dma_start3A_70 = tpu.memref_squeeze %dma_start3A_69 : memref<1x655360xf32, #tpu.memory_space<hbm>> -> memref<655360xf32, #tpu.memory_space<hbm>>
      %dma_start3A_71 = tpu.memref_slice %dma_start3A_70[%mul3A_67] : memref<655360xf32, #tpu.memory_space<hbm>> -> memref<1024xf32, #tpu.memory_space<hbm>>
      %dma_start3A_72 = arith.constant 0 : i32
      %dma_start3A_73 = tpu.memref_slice %arg3[%add3A_5, %dma_start3A_72] : memref<4x655360xf32, #tpu.memory_space<hbm>> -> memref<1x655360xf32, #tpu.memory_space<hbm>>
      %dma_start3A_74 = tpu.memref_squeeze %dma_start3A_73 : memref<1x655360xf32, #tpu.memory_space<hbm>> -> memref<655360xf32, #tpu.memory_space<hbm>>
      %dma_start3A_75 = tpu.memref_slice %dma_start3A_74[%mul3A_67] : memref<655360xf32, #tpu.memory_space<hbm>> -> memref<1024xf32, #tpu.memory_space<hbm>>
      tpu.enqueue_dma source(%dma_start3A_75 : memref<1024xf32, #tpu.memory_space<hbm>>) target(%arg11 : memref<1024xf32, #tpu.memory_space<vmem>>) target_semaphore(%arg14 : memref<!tpu.dma_semaphore, #tpu.memory_space<semaphore_mem>>)
      %dma_wait3A_76 = arith.constant 0 : i32
      %dma_wait3A_77 = arith.constant 0 : i32
      %dma_wait3A_78 = tpu.memref_slice %arg2[%add3A_5, %dma_wait3A_76, %dma_wait3A_77] : memref<4x10240x128xf32, #tpu.memory_space<hbm>> -> memref<1x10240x128xf32, #tpu.memory_space<hbm>>
      %dma_wait3A_79 = tpu.memref_squeeze %dma_wait3A_78 : memref<1x10240x128xf32, #tpu.memory_space<hbm>> -> memref<10240x128xf32, #tpu.memory_space<hbm>>
      %dma_wait3A_80 = arith.constant 0 : i32
      %dma_wait3A_81 = arith.constant 0 : i32
      %dma_wait3A_82 = tpu.memref_slice %dma_wait3A_79[%dma_wait3A_80, %dma_wait3A_81] : memref<10240x128xf32, #tpu.memory_space<hbm>> -> memref<10240x128xf32, #tpu.memory_space<hbm>>
      tpu.wait_indirect_dma semaphore(%arg13 : memref<!tpu.dma_semaphore, #tpu.memory_space<semaphore_mem>>) src(%dma_wait3A_82 : memref<10240x128xf32, #tpu.memory_space<hbm>>) dst(%arg10 : memref<256x128xf32, #tpu.memory_space<vmem>>)
      %dma_wait3A_83 = arith.constant 0 : i32
      %dma_wait3A_84 = tpu.memref_slice %arg3[%add3A_5, %dma_wait3A_83] : memref<4x655360xf32, #tpu.memory_space<hbm>> -> memref<1x655360xf32, #tpu.memory_space<hbm>>
      %dma_wait3A_85 = tpu.memref_squeeze %dma_wait3A_84 : memref<1x655360xf32, #tpu.memory_space<hbm>> -> memref<655360xf32, #tpu.memory_space<hbm>>
      %dma_wait3A_86 = tpu.memref_slice %dma_wait3A_85[%mul3A_67] : memref<655360xf32, #tpu.memory_space<hbm>> -> memref<1024xf32, #tpu.memory_space<hbm>>
      %dma_wait3A_87 = arith.constant 0 : i32
      %dma_wait3A_88 = tpu.memref_slice %arg3[%add3A_5, %dma_wait3A_87] : memref<4x655360xf32, #tpu.memory_space<hbm>> -> memref<1x655360xf32, #tpu.memory_space<hbm>>
      %dma_wait3A_89 = tpu.memref_squeeze %dma_wait3A_88 : memref<1x655360xf32, #tpu.memory_space<hbm>> -> memref<655360xf32, #tpu.memory_space<hbm>>
      %dma_wait3A_90 = tpu.memref_slice %dma_wait3A_89[%mul3A_67] : memref<655360xf32, #tpu.memory_space<hbm>> -> memref<1024xf32, #tpu.memory_space<hbm>>
      tpu.wait_dma2 semaphore(%arg14 : memref<!tpu.dma_semaphore, #tpu.memory_space<semaphore_mem>>) src(%dma_wait3A_90 : memref<1024xf32, #tpu.memory_space<hbm>>) dst(%arg11 : memref<1024xf32, #tpu.memory_space<vmem>>)
      %scan3A_91 = arith.constant 0 : i32
      %scan3A_92 = arith.constant 256 : i32
      %scan3A_93 = arith.addi %scan3A_91, %scan3A_92 : i32
      %scan3A_94 = arith.constant 1 : i32
      scf.for %scan3A_96 = %scan3A_91 to %scan3A_93 step %scan3A_94  : i32 {
        %mul3A_97 = arith.constant 1 : i32
        %mul3A_98 = arith.muli %scan3A_96, %mul3A_97 : i32
        %add3A_99 = arith.constant 0 : i32
        %add3A_100 = arith.addi %add3A_99, %mul3A_98 : i32
        %mul3A_101 = arith.constant 4 : i32
        %mul3A_102 = arith.muli %add3A_100, %mul3A_101 : i32
        %add3A_103 = arith.constant 0 : i32
        %add3A_104 = arith.addi %mul3A_102, %add3A_103 : i32
        %broadcast_in_dim3A = vector.broadcast %add3A_104 : i32 to vector<16xi32>
        %gather3A = tpu.vector_load_idx %arg11[%broadcast_in_dim3A] : memref<1024xf32, #tpu.memory_space<vmem>>[vector<16xi32>], vector<16xf32>,
        %get3A = arith.index_cast %add3A_100 : i32 to index
        %get3A_105 = arith.constant 0 : index
        %get3A_106 = tpu.vector_load %arg10[%get3A, %get3A_105] {strides = array<i32>} : memref<256x128xf32, #tpu.memory_space<vmem>>, vector<16xf32>,
        %mul3A_107 = arith.mulf %get3A_106, %gather3A : vector<16xf32>
        %swap3A = arith.index_cast %add3A_100 : i32 to index
        %swap3A_108 = arith.constant 0 : index
        %swap3A_109 = tpu.vector_load %arg10[%swap3A, %swap3A_108] {strides = array<i32>} : memref<256x128xf32, #tpu.memory_space<vmem>>, vector<16xf32>,
        tpu.vector_store %arg10[%swap3A, %swap3A_108], %mul3A_107 {strides = array<i32>} : memref<256x128xf32, #tpu.memory_space<vmem>>, vector<16xf32>,
        %get3A_110 = arith.index_cast %add3A_100 : i32 to index
        %get3A_111 = arith.constant 16 : index
        %get3A_112 = tpu.vector_load %arg10[%get3A_110, %get3A_111] {strides = array<i32>} : memref<256x128xf32, #tpu.memory_space<vmem>>, vector<16xf32>,
        %mul3A_113 = arith.mulf %get3A_112, %gather3A : vector<16xf32>
        %swap3A_114 = arith.index_cast %add3A_100 : i32 to index
        %swap3A_115 = arith.constant 16 : index
        %swap3A_116 = tpu.vector_load %arg10[%swap3A_114, %swap3A_115] {strides = array<i32>} : memref<256x128xf32, #tpu.memory_space<vmem>>, vector<16xf32>,
        tpu.vector_store %arg10[%swap3A_114, %swap3A_115], %mul3A_113 {strides = array<i32>} : memref<256x128xf32, #tpu.memory_space<vmem>>, vector<16xf32>,
        %mul3A_117 = arith.constant 4 : i32
        %mul3A_118 = arith.muli %add3A_100, %mul3A_117 : i32
        %add3A_119 = arith.constant 1 : i32
        %add3A_120 = arith.addi %mul3A_118, %add3A_119 : i32
        %broadcast_in_dim3A_121 = vector.broadcast %add3A_120 : i32 to vector<16xi32>
        %gather3A_122 = tpu.vector_load_idx %arg11[%broadcast_in_dim3A_121] : memref<1024xf32, #tpu.memory_space<vmem>>[vector<16xi32>], vector<16xf32>,
        %get3A_123 = arith.index_cast %add3A_100 : i32 to index
        %get3A_124 = arith.constant 32 : index
        %get3A_125 = tpu.vector_load %arg10[%get3A_123, %get3A_124] {strides = array<i32>} : memref<256x128xf32, #tpu.memory_space<vmem>>, vector<16xf32>,
        %mul3A_126 = arith.mulf %get3A_125, %gather3A_122 : vector<16xf32>
        %swap3A_127 = arith.index_cast %add3A_100 : i32 to index
        %swap3A_128 = arith.constant 32 : index
        %swap3A_129 = tpu.vector_load %arg10[%swap3A_127, %swap3A_128] {strides = array<i32>} : memref<256x128xf32, #tpu.memory_space<vmem>>, vector<16xf32>,
        tpu.vector_store %arg10[%swap3A_127, %swap3A_128], %mul3A_126 {strides = array<i32>} : memref<256x128xf32, #tpu.memory_space<vmem>>, vector<16xf32>,
        %get3A_130 = arith.index_cast %add3A_100 : i32 to index
        %get3A_131 = arith.constant 48 : index
        %get3A_132 = tpu.vector_load %arg10[%get3A_130, %get3A_131] {strides = array<i32>} : memref<256x128xf32, #tpu.memory_space<vmem>>, vector<16xf32>,
        %mul3A_133 = arith.mulf %get3A_132, %gather3A_122 : vector<16xf32>
        %swap3A_134 = arith.index_cast %add3A_100 : i32 to index
        %swap3A_135 = arith.constant 48 : index
        %swap3A_136 = tpu.vector_load %arg10[%swap3A_134, %swap3A_135] {strides = array<i32>} : memref<256x128xf32, #tpu.memory_space<vmem>>, vector<16xf32>,
        tpu.vector_store %arg10[%swap3A_134, %swap3A_135], %mul3A_133 {strides = array<i32>} : memref<256x128xf32, #tpu.memory_space<vmem>>, vector<16xf32>,
        %mul3A_137 = arith.constant 4 : i32
        %mul3A_138 = arith.muli %add3A_100, %mul3A_137 : i32
        %add3A_139 = arith.constant 2 : i32
        %add3A_140 = arith.addi %mul3A_138, %add3A_139 : i32
        %broadcast_in_dim3A_141 = vector.broadcast %add3A_140 : i32 to vector<16xi32>
        %gather3A_142 = tpu.vector_load_idx %arg11[%broadcast_in_dim3A_141] : memref<1024xf32, #tpu.memory_space<vmem>>[vector<16xi32>], vector<16xf32>,
        %get3A_143 = arith.index_cast %add3A_100 : i32 to index
        %get3A_144 = arith.constant 64 : index
        %get3A_145 = tpu.vector_load %arg10[%get3A_143, %get3A_144] {strides = array<i32>} : memref<256x128xf32, #tpu.memory_space<vmem>>, vector<16xf32>,
        %mul3A_146 = arith.mulf %get3A_145, %gather3A_142 : vector<16xf32>
        %swap3A_147 = arith.index_cast %add3A_100 : i32 to index
        %swap3A_148 = arith.constant 64 : index
        %swap3A_149 = tpu.vector_load %arg10[%swap3A_147, %swap3A_148] {strides = array<i32>} : memref<256x128xf32, #tpu.memory_space<vmem>>, vector<16xf32>,
        tpu.vector_store %arg10[%swap3A_147, %swap3A_148], %mul3A_146 {strides = array<i32>} : memref<256x128xf32, #tpu.memory_space<vmem>>, vector<16xf32>,
        %get3A_150 = arith.index_cast %add3A_100 : i32 to index
        %get3A_151 = arith.constant 80 : index
        %get3A_152 = tpu.vector_load %arg10[%get3A_150, %get3A_151] {strides = array<i32>} : memref<256x128xf32, #tpu.memory_space<vmem>>, vector<16xf32>,
        %mul3A_153 = arith.mulf %get3A_152, %gather3A_142 : vector<16xf32>
        %swap3A_154 = arith.index_cast %add3A_100 : i32 to index
        %swap3A_155 = arith.constant 80 : index
        %swap3A_156 = tpu.vector_load %arg10[%swap3A_154, %swap3A_155] {strides = array<i32>} : memref<256x128xf32, #tpu.memory_space<vmem>>, vector<16xf32>,
        tpu.vector_store %arg10[%swap3A_154, %swap3A_155], %mul3A_153 {strides = array<i32>} : memref<256x128xf32, #tpu.memory_space<vmem>>, vector<16xf32>,
        %mul3A_157 = arith.constant 4 : i32
        %mul3A_158 = arith.muli %add3A_100, %mul3A_157 : i32
        %add3A_159 = arith.constant 3 : i32
        %add3A_160 = arith.addi %mul3A_158, %add3A_159 : i32
        %broadcast_in_dim3A_161 = vector.broadcast %add3A_160 : i32 to vector<16xi32>
        %gather3A_162 = tpu.vector_load_idx %arg11[%broadcast_in_dim3A_161] : memref<1024xf32, #tpu.memory_space<vmem>>[vector<16xi32>], vector<16xf32>,
        %get3A_163 = arith.index_cast %add3A_100 : i32 to index
        %get3A_164 = arith.constant 96 : index
        %get3A_165 = tpu.vector_load %arg10[%get3A_163, %get3A_164] {strides = array<i32>} : memref<256x128xf32, #tpu.memory_space<vmem>>, vector<16xf32>,
        %mul3A_166 = arith.mulf %get3A_165, %gather3A_162 : vector<16xf32>
        %swap3A_167 = arith.index_cast %add3A_100 : i32 to index
        %swap3A_168 = arith.constant 96 : index
        %swap3A_169 = tpu.vector_load %arg10[%swap3A_167, %swap3A_168] {strides = array<i32>} : memref<256x128xf32, #tpu.memory_space<vmem>>, vector<16xf32>,
        tpu.vector_store %arg10[%swap3A_167, %swap3A_168], %mul3A_166 {strides = array<i32>} : memref<256x128xf32, #tpu.memory_space<vmem>>, vector<16xf32>,
        %get3A_170 = arith.index_cast %add3A_100 : i32 to index
        %get3A_171 = arith.constant 112 : index
        %get3A_172 = tpu.vector_load %arg10[%get3A_170, %get3A_171] {strides = array<i32>} : memref<256x128xf32, #tpu.memory_space<vmem>>, vector<16xf32>,
        %mul3A_173 = arith.mulf %get3A_172, %gather3A_162 : vector<16xf32>
        %swap3A_174 = arith.index_cast %add3A_100 : i32 to index
        %swap3A_175 = arith.constant 112 : index
        %swap3A_176 = tpu.vector_load %arg10[%swap3A_174, %swap3A_175] {strides = array<i32>} : memref<256x128xf32, #tpu.memory_space<vmem>>, vector<16xf32>,
        tpu.vector_store %arg10[%swap3A_174, %swap3A_175], %mul3A_173 {strides = array<i32>} : memref<256x128xf32, #tpu.memory_space<vmem>>, vector<16xf32>,
      }
      %scan3A_95 = arith.constant 256 : i32
      "tpu.region"() ({
        %run_scoped3A = tpu.sem_alloc : memref<!tpu.dma_semaphore, #tpu.memory_space<semaphore_mem>>
        %dma_start3A_96 = arith.constant 0 : i32
        %dma_start3A_97 = arith.constant 0 : i32
        %dma_start3A_98 = tpu.memref_slice %arg7[%dma_start3A_96, %dma_start3A_97] : memref<10240x128xf32, #tpu.memory_space<vmem_shared>> -> memref<10240x128xf32, #tpu.memory_space<vmem_shared>>
        tpu.enqueue_indirect_dma source(%arg10 : memref<256x128xf32, #tpu.memory_space<vmem>>) target(%dma_start3A_98 : memref<10240x128xf32, #tpu.memory_space<vmem_shared>>) offsets(%arg9 : memref<256xi32, #tpu.memory_space<vmem>>) semaphore(%run_scoped3A : memref<!tpu.dma_semaphore, #tpu.memory_space<semaphore_mem>>) {add = true}
        %dma_wait3A_99 = arith.constant 0 : i32
        %dma_wait3A_100 = arith.constant 0 : i32
        %dma_wait3A_101 = tpu.memref_slice %arg7[%dma_wait3A_99, %dma_wait3A_100] : memref<10240x128xf32, #tpu.memory_space<vmem_shared>> -> memref<10240x128xf32, #tpu.memory_space<vmem_shared>>
        tpu.wait_indirect_dma semaphore(%run_scoped3A : memref<!tpu.dma_semaphore, #tpu.memory_space<semaphore_mem>>) src(%arg10 : memref<256x128xf32, #tpu.memory_space<vmem>>) dst(%dma_wait3A_101 : memref<10240x128xf32, #tpu.memory_space<vmem_shared>>)
        tpu.yield
      }) : () -> ()
    }
    %scan3A_15 = arith.constant 40 : i32
    %barrier3A_16 = arith.constant 0 : index
    tpu.barrier barrier_id(%barrier3A_16)
    %mul3A_17 = arith.constant 640 : i32
    %mul3A_18 = arith.muli %arg1, %mul3A_17 : i32
    %mul3A_19 = arith.constant 640 : i32
    %mul3A_20 = arith.muli %arg1, %mul3A_19 : i32
    "tpu.region"() ({
      %run_scoped3A = tpu.sem_alloc : memref<!tpu.dma_semaphore, #tpu.memory_space<semaphore_mem>>
      %dma_start3A = arith.constant 0 : i32
      %dma_start3A_43 = arith.constant 0 : i32
      %dma_start3A_44 = tpu.memref_slice %arg6[%add3A_5, %dma_start3A, %dma_start3A_43] : memref<4x10240x128xf32, #tpu.memory_space<hbm>> -> memref<1x10240x128xf32, #tpu.memory_space<hbm>>
      %dma_start3A_45 = tpu.memref_squeeze %dma_start3A_44 : memref<1x10240x128xf32, #tpu.memory_space<hbm>> -> memref<10240x128xf32, #tpu.memory_space<hbm>>
      %dma_start3A_46 = arith.constant 0 : i32
      %dma_start3A_47 = tpu.memref_slice %dma_start3A_45[%mul3A_20, %dma_start3A_46] : memref<10240x128xf32, #tpu.memory_space<hbm>> -> memref<640x128xf32, #tpu.memory_space<hbm>>
      %dma_start3A_48 = arith.constant 0 : i32
      %dma_start3A_49 = tpu.memref_slice %arg7[%mul3A_18, %dma_start3A_48] : memref<10240x128xf32, #tpu.memory_space<vmem_shared>> -> memref<640x128xf32, #tpu.memory_space<vmem_shared>>
      tpu.enqueue_dma source(%dma_start3A_49 : memref<640x128xf32, #tpu.memory_space<vmem_shared>>) target(%dma_start3A_47 : memref<640x128xf32, #tpu.memory_space<hbm>>) target_semaphore(%run_scoped3A : memref<!tpu.dma_semaphore, #tpu.memory_space<semaphore_mem>>)
      %dma_wait3A = arith.constant 0 : i32
      %dma_wait3A_50 = arith.constant 0 : i32
      %dma_wait3A_51 = tpu.memref_slice %arg6[%add3A_5, %dma_wait3A, %dma_wait3A_50] : memref<4x10240x128xf32, #tpu.memory_space<hbm>> -> memref<1x10240x128xf32, #tpu.memory_space<hbm>>
      %dma_wait3A_52 = tpu.memref_squeeze %dma_wait3A_51 : memref<1x10240x128xf32, #tpu.memory_space<hbm>> -> memref<10240x128xf32, #tpu.memory_space<hbm>>
      %dma_wait3A_53 = arith.constant 0 : i32
      %dma_wait3A_54 = tpu.memref_slice %dma_wait3A_52[%mul3A_20, %dma_wait3A_53] : memref<10240x128xf32, #tpu.memory_space<hbm>> -> memref<640x128xf32, #tpu.memory_space<hbm>>
      %dma_wait3A_55 = arith.constant 0 : i32
      %dma_wait3A_56 = tpu.memref_slice %arg7[%mul3A_18, %dma_wait3A_55] : memref<10240x128xf32, #tpu.memory_space<vmem_shared>> -> memref<640x128xf32, #tpu.memory_space<vmem_shared>>
      tpu.wait_dma2 semaphore(%run_scoped3A : memref<!tpu.dma_semaphore, #tpu.memory_space<semaphore_mem>>) src(%dma_wait3A_56 : memref<640x128xf32, #tpu.memory_space<vmem_shared>>) dst(%dma_wait3A_54 : memref<640x128xf32, #tpu.memory_space<hbm>>)
      tpu.yield
    }) : () -> ()
    %barrier3A_21 = arith.constant 0 : index
    tpu.barrier barrier_id(%barrier3A_21)
    %mul3A_22 = arith.constant 2 : i32
    %mul3A_23 = arith.muli %mul3A_22, %arg0 : i32
    %add3A_24 = arith.constant 1 : i32
    %add3A_25 = arith.addi %mul3A_23, %add3A_24 : i32
    %scan3A_26 = arith.constant 0 : i32
    %scan3A_27 = arith.constant 10 : i32
    %scan3A_28 = arith.addi %scan3A_26, %scan3A_27 : i32
    %scan3A_29 = arith.constant 1 : i32
    scf.for %scan3A_43 = %scan3A_26 to %scan3A_28 step %scan3A_29  : i32 {
      %mul3A_44 = arith.constant 1 : i32
      %mul3A_45 = arith.muli %scan3A_43, %mul3A_44 : i32
      %add3A_46 = arith.constant 0 : i32
      %add3A_47 = arith.addi %add3A_46, %mul3A_45 : i32
      %mul3A_48 = arith.constant 640 : i32
      %mul3A_49 = arith.muli %arg1, %mul3A_48 : i32
      %mul3A_50 = arith.constant 64 : i32
      %mul3A_51 = arith.muli %add3A_47, %mul3A_50 : i32
      %add3A_52 = arith.addi %mul3A_49, %mul3A_51 : i32
      "tpu.region"() ({
        %run_scoped3A = tpu.sem_alloc : memref<!tpu.dma_semaphore, #tpu.memory_space<semaphore_mem>>
        %dma_start3A = arith.constant 0 : i32
        %dma_start3A_53 = tpu.memref_slice %arg7[%add3A_52, %dma_start3A] : memref<10240x128xf32, #tpu.memory_space<vmem_shared>> -> memref<64x128xf32, #tpu.memory_space<vmem_shared>>
        %dma_start3A_54 = arith.constant 0 : i32
        %dma_start3A_55 = tpu.memref_slice %arg7[%add3A_52, %dma_start3A_54] : memref<10240x128xf32, #tpu.memory_space<vmem_shared>> -> memref<64x128xf32, #tpu.memory_space<vmem_shared>>
        tpu.enqueue_dma source(%arg12 : memref<64x128xf32, #tpu.memory_space<vmem>>) target(%dma_start3A_55 : memref<64x128xf32, #tpu.memory_space<vmem_shared>>) target_semaphore(%run_scoped3A : memref<!tpu.dma_semaphore, #tpu.memory_space<semaphore_mem>>)
        %dma_wait3A = arith.constant 0 : i32
        %dma_wait3A_56 = tpu.memref_slice %arg7[%add3A_52, %dma_wait3A] : memref<10240x128xf32, #tpu.memory_space<vmem_shared>> -> memref<64x128xf32, #tpu.memory_space<vmem_shared>>
        %dma_wait3A_57 = arith.constant 0 : i32
        %dma_wait3A_58 = tpu.memref_slice %arg7[%add3A_52, %dma_wait3A_57] : memref<10240x128xf32, #tpu.memory_space<vmem_shared>> -> memref<64x128xf32, #tpu.memory_space<vmem_shared>>
        tpu.wait_dma2 semaphore(%run_scoped3A : memref<!tpu.dma_semaphore, #tpu.memory_space<semaphore_mem>>) src(%arg12 : memref<64x128xf32, #tpu.memory_space<vmem>>) dst(%dma_wait3A_58 : memref<64x128xf32, #tpu.memory_space<vmem_shared>>)
        tpu.yield
      }) : () -> ()
    }
    %scan3A_30 = arith.constant 10 : i32
    %barrier3A_31 = arith.constant 0 : index
    tpu.barrier barrier_id(%barrier3A_31)
    %scan3A_32 = arith.constant 0 : i32
    %scan3A_33 = arith.constant 40 : i32
    %scan3A_34 = arith.addi %scan3A_32, %scan3A_33 : i32
    %scan3A_35 = arith.constant 1 : i32
    scf.for %scan3A_43 = %scan3A_32 to %scan3A_34 step %scan3A_35  : i32 {
      %mul3A_44 = arith.constant 1 : i32
      %mul3A_45 = arith.muli %scan3A_43, %mul3A_44 : i32
      %add3A_46 = arith.constant 0 : i32
      %add3A_47 = arith.addi %add3A_46, %mul3A_45 : i32
      %mul3A_48 = arith.constant 10240 : i32
      %mul3A_49 = arith.muli %arg1, %mul3A_48 : i32
      %mul3A_50 = arith.constant 256 : i32
      %mul3A_51 = arith.muli %add3A_47, %mul3A_50 : i32
      %add3A_52 = arith.addi %mul3A_49, %mul3A_51 : i32
      %dma_start3A = tpu.memref_slice %arg4[%add3A_52] : memref<163840xi32, #tpu.memory_space<hbm>> -> memref<256xi32, #tpu.memory_space<hbm>>
      %dma_start3A_53 = tpu.memref_slice %arg4[%add3A_52] : memref<163840xi32, #tpu.memory_space<hbm>> -> memref<256xi32, #tpu.memory_space<hbm>>
      tpu.enqueue_dma source(%dma_start3A_53 : memref<256xi32, #tpu.memory_space<hbm>>) target(%arg8 : memref<256xi32, #tpu.memory_space<vmem>>) target_semaphore(%arg13 : memref<!tpu.dma_semaphore, #tpu.memory_space<semaphore_mem>>)
      %dma_start3A_54 = tpu.memref_slice %arg5[%add3A_52] : memref<163840xi32, #tpu.memory_space<hbm>> -> memref<256xi32, #tpu.memory_space<hbm>>
      %dma_start3A_55 = tpu.memref_slice %arg5[%add3A_52] : memref<163840xi32, #tpu.memory_space<hbm>> -> memref<256xi32, #tpu.memory_space<hbm>>
      tpu.enqueue_dma source(%dma_start3A_55 : memref<256xi32, #tpu.memory_space<hbm>>) target(%arg9 : memref<256xi32, #tpu.memory_space<vmem>>) target_semaphore(%arg14 : memref<!tpu.dma_semaphore, #tpu.memory_space<semaphore_mem>>)
      %dma_wait3A = tpu.memref_slice %arg4[%add3A_52] : memref<163840xi32, #tpu.memory_space<hbm>> -> memref<256xi32, #tpu.memory_space<hbm>>
      %dma_wait3A_56 = tpu.memref_slice %arg4[%add3A_52] : memref<163840xi32, #tpu.memory_space<hbm>> -> memref<256xi32, #tpu.memory_space<hbm>>
      tpu.wait_dma2 semaphore(%arg13 : memref<!tpu.dma_semaphore, #tpu.memory_space<semaphore_mem>>) src(%dma_wait3A_56 : memref<256xi32, #tpu.memory_space<hbm>>) dst(%arg8 : memref<256xi32, #tpu.memory_space<vmem>>)
      %dma_wait3A_57 = tpu.memref_slice %arg5[%add3A_52] : memref<163840xi32, #tpu.memory_space<hbm>> -> memref<256xi32, #tpu.memory_space<hbm>>
      %dma_wait3A_58 = tpu.memref_slice %arg5[%add3A_52] : memref<163840xi32, #tpu.memory_space<hbm>> -> memref<256xi32, #tpu.memory_space<hbm>>
      tpu.wait_dma2 semaphore(%arg14 : memref<!tpu.dma_semaphore, #tpu.memory_space<semaphore_mem>>) src(%dma_wait3A_58 : memref<256xi32, #tpu.memory_space<hbm>>) dst(%arg9 : memref<256xi32, #tpu.memory_space<vmem>>)
      %dma_start3A_59 = arith.constant 0 : i32
      %dma_start3A_60 = arith.constant 0 : i32
      %dma_start3A_61 = tpu.memref_slice %arg2[%add3A_25, %dma_start3A_59, %dma_start3A_60] : memref<4x10240x128xf32, #tpu.memory_space<hbm>> -> memref<1x10240x128xf32, #tpu.memory_space<hbm>>
      %dma_start3A_62 = tpu.memref_squeeze %dma_start3A_61 : memref<1x10240x128xf32, #tpu.memory_space<hbm>> -> memref<10240x128xf32, #tpu.memory_space<hbm>>
      %dma_start3A_63 = arith.constant 0 : i32
      %dma_start3A_64 = arith.constant 0 : i32
      %dma_start3A_65 = tpu.memref_slice %dma_start3A_62[%dma_start3A_63, %dma_start3A_64] : memref<10240x128xf32, #tpu.memory_space<hbm>> -> memref<10240x128xf32, #tpu.memory_space<hbm>>
      tpu.enqueue_indirect_dma source(%dma_start3A_65 : memref<10240x128xf32, #tpu.memory_space<hbm>>) target(%arg10 : memref<256x128xf32, #tpu.memory_space<vmem>>) offsets(%arg8 : memref<256xi32, #tpu.memory_space<vmem>>) semaphore(%arg13 : memref<!tpu.dma_semaphore, #tpu.memory_space<semaphore_mem>>)
      %mul3A_66 = arith.constant 4 : i32
      %mul3A_67 = arith.muli %add3A_52, %mul3A_66 : i32
      %dma_start3A_68 = arith.constant 0 : i32
      %dma_start3A_69 = tpu.memref_slice %arg3[%add3A_25, %dma_start3A_68] : memref<4x655360xf32, #tpu.memory_space<hbm>> -> memref<1x655360xf32, #tpu.memory_space<hbm>>
      %dma_start3A_70 = tpu.memref_squeeze %dma_start3A_69 : memref<1x655360xf32, #tpu.memory_space<hbm>> -> memref<655360xf32, #tpu.memory_space<hbm>>
      %dma_start3A_71 = tpu.memref_slice %dma_start3A_70[%mul3A_67] : memref<655360xf32, #tpu.memory_space<hbm>> -> memref<1024xf32, #tpu.memory_space<hbm>>
      %dma_start3A_72 = arith.constant 0 : i32
      %dma_start3A_73 = tpu.memref_slice %arg3[%add3A_25, %dma_start3A_72] : memref<4x655360xf32, #tpu.memory_space<hbm>> -> memref<1x655360xf32, #tpu.memory_space<hbm>>
      %dma_start3A_74 = tpu.memref_squeeze %dma_start3A_73 : memref<1x655360xf32, #tpu.memory_space<hbm>> -> memref<655360xf32, #tpu.memory_space<hbm>>
      %dma_start3A_75 = tpu.memref_slice %dma_start3A_74[%mul3A_67] : memref<655360xf32, #tpu.memory_space<hbm>> -> memref<1024xf32, #tpu.memory_space<hbm>>
      tpu.enqueue_dma source(%dma_start3A_75 : memref<1024xf32, #tpu.memory_space<hbm>>) target(%arg11 : memref<1024xf32, #tpu.memory_space<vmem>>) target_semaphore(%arg14 : memref<!tpu.dma_semaphore, #tpu.memory_space<semaphore_mem>>)
      %dma_wait3A_76 = arith.constant 0 : i32
      %dma_wait3A_77 = arith.constant 0 : i32
      %dma_wait3A_78 = tpu.memref_slice %arg2[%add3A_25, %dma_wait3A_76, %dma_wait3A_77] : memref<4x10240x128xf32, #tpu.memory_space<hbm>> -> memref<1x10240x128xf32, #tpu.memory_space<hbm>>
      %dma_wait3A_79 = tpu.memref_squeeze %dma_wait3A_78 : memref<1x10240x128xf32, #tpu.memory_space<hbm>> -> memref<10240x128xf32, #tpu.memory_space<hbm>>
      %dma_wait3A_80 = arith.constant 0 : i32
      %dma_wait3A_81 = arith.constant 0 : i32
      %dma_wait3A_82 = tpu.memref_slice %dma_wait3A_79[%dma_wait3A_80, %dma_wait3A_81] : memref<10240x128xf32, #tpu.memory_space<hbm>> -> memref<10240x128xf32, #tpu.memory_space<hbm>>
      tpu.wait_indirect_dma semaphore(%arg13 : memref<!tpu.dma_semaphore, #tpu.memory_space<semaphore_mem>>) src(%dma_wait3A_82 : memref<10240x128xf32, #tpu.memory_space<hbm>>) dst(%arg10 : memref<256x128xf32, #tpu.memory_space<vmem>>)
      %dma_wait3A_83 = arith.constant 0 : i32
      %dma_wait3A_84 = tpu.memref_slice %arg3[%add3A_25, %dma_wait3A_83] : memref<4x655360xf32, #tpu.memory_space<hbm>> -> memref<1x655360xf32, #tpu.memory_space<hbm>>
      %dma_wait3A_85 = tpu.memref_squeeze %dma_wait3A_84 : memref<1x655360xf32, #tpu.memory_space<hbm>> -> memref<655360xf32, #tpu.memory_space<hbm>>
      %dma_wait3A_86 = tpu.memref_slice %dma_wait3A_85[%mul3A_67] : memref<655360xf32, #tpu.memory_space<hbm>> -> memref<1024xf32, #tpu.memory_space<hbm>>
      %dma_wait3A_87 = arith.constant 0 : i32
      %dma_wait3A_88 = tpu.memref_slice %arg3[%add3A_25, %dma_wait3A_87] : memref<4x655360xf32, #tpu.memory_space<hbm>> -> memref<1x655360xf32, #tpu.memory_space<hbm>>
      %dma_wait3A_89 = tpu.memref_squeeze %dma_wait3A_88 : memref<1x655360xf32, #tpu.memory_space<hbm>> -> memref<655360xf32, #tpu.memory_space<hbm>>
      %dma_wait3A_90 = tpu.memref_slice %dma_wait3A_89[%mul3A_67] : memref<655360xf32, #tpu.memory_space<hbm>> -> memref<1024xf32, #tpu.memory_space<hbm>>
      tpu.wait_dma2 semaphore(%arg14 : memref<!tpu.dma_semaphore, #tpu.memory_space<semaphore_mem>>) src(%dma_wait3A_90 : memref<1024xf32, #tpu.memory_space<hbm>>) dst(%arg11 : memref<1024xf32, #tpu.memory_space<vmem>>)
      %scan3A_91 = arith.constant 0 : i32
      %scan3A_92 = arith.constant 256 : i32
      %scan3A_93 = arith.addi %scan3A_91, %scan3A_92 : i32
      %scan3A_94 = arith.constant 1 : i32
      scf.for %scan3A_96 = %scan3A_91 to %scan3A_93 step %scan3A_94  : i32 {
        %mul3A_97 = arith.constant 1 : i32
        %mul3A_98 = arith.muli %scan3A_96, %mul3A_97 : i32
        %add3A_99 = arith.constant 0 : i32
        %add3A_100 = arith.addi %add3A_99, %mul3A_98 : i32
        %mul3A_101 = arith.constant 4 : i32
        %mul3A_102 = arith.muli %add3A_100, %mul3A_101 : i32
        %add3A_103 = arith.constant 0 : i32
        %add3A_104 = arith.addi %mul3A_102, %add3A_103 : i32
        %broadcast_in_dim3A = vector.broadcast %add3A_104 : i32 to vector<16xi32>
        %gather3A = tpu.vector_load_idx %arg11[%broadcast_in_dim3A] : memref<1024xf32, #tpu.memory_space<vmem>>[vector<16xi32>], vector<16xf32>,
        %get3A = arith.index_cast %add3A_100 : i32 to index
        %get3A_105 = arith.constant 0 : index
        %get3A_106 = tpu.vector_load %arg10[%get3A, %get3A_105] {strides = array<i32>} : memref<256x128xf32, #tpu.memory_space<vmem>>, vector<16xf32>,
        %mul3A_107 = arith.mulf %get3A_106, %gather3A : vector<16xf32>
        %swap3A = arith.index_cast %add3A_100 : i32 to index
        %swap3A_108 = arith.constant 0 : index
        %swap3A_109 = tpu.vector_load %arg10[%swap3A, %swap3A_108] {strides = array<i32>} : memref<256x128xf32, #tpu.memory_space<vmem>>, vector<16xf32>,
        tpu.vector_store %arg10[%swap3A, %swap3A_108], %mul3A_107 {strides = array<i32>} : memref<256x128xf32, #tpu.memory_space<vmem>>, vector<16xf32>,
        %get3A_110 = arith.index_cast %add3A_100 : i32 to index
        %get3A_111 = arith.constant 16 : index
        %get3A_112 = tpu.vector_load %arg10[%get3A_110, %get3A_111] {strides = array<i32>} : memref<256x128xf32, #tpu.memory_space<vmem>>, vector<16xf32>,
        %mul3A_113 = arith.mulf %get3A_112, %gather3A : vector<16xf32>
        %swap3A_114 = arith.index_cast %add3A_100 : i32 to index
        %swap3A_115 = arith.constant 16 : index
        %swap3A_116 = tpu.vector_load %arg10[%swap3A_114, %swap3A_115] {strides = array<i32>} : memref<256x128xf32, #tpu.memory_space<vmem>>, vector<16xf32>,
        tpu.vector_store %arg10[%swap3A_114, %swap3A_115], %mul3A_113 {strides = array<i32>} : memref<256x128xf32, #tpu.memory_space<vmem>>, vector<16xf32>,
        %mul3A_117 = arith.constant 4 : i32
        %mul3A_118 = arith.muli %add3A_100, %mul3A_117 : i32
        %add3A_119 = arith.constant 1 : i32
        %add3A_120 = arith.addi %mul3A_118, %add3A_119 : i32
        %broadcast_in_dim3A_121 = vector.broadcast %add3A_120 : i32 to vector<16xi32>
        %gather3A_122 = tpu.vector_load_idx %arg11[%broadcast_in_dim3A_121] : memref<1024xf32, #tpu.memory_space<vmem>>[vector<16xi32>], vector<16xf32>,
        %get3A_123 = arith.index_cast %add3A_100 : i32 to index
        %get3A_124 = arith.constant 32 : index
        %get3A_125 = tpu.vector_load %arg10[%get3A_123, %get3A_124] {strides = array<i32>} : memref<256x128xf32, #tpu.memory_space<vmem>>, vector<16xf32>,
        %mul3A_126 = arith.mulf %get3A_125, %gather3A_122 : vector<16xf32>
        %swap3A_127 = arith.index_cast %add3A_100 : i32 to index
        %swap3A_128 = arith.constant 32 : index
        %swap3A_129 = tpu.vector_load %arg10[%swap3A_127, %swap3A_128] {strides = array<i32>} : memref<256x128xf32, #tpu.memory_space<vmem>>, vector<16xf32>,
        tpu.vector_store %arg10[%swap3A_127, %swap3A_128], %mul3A_126 {strides = array<i32>} : memref<256x128xf32, #tpu.memory_space<vmem>>, vector<16xf32>,
        %get3A_130 = arith.index_cast %add3A_100 : i32 to index
        %get3A_131 = arith.constant 48 : index
        %get3A_132 = tpu.vector_load %arg10[%get3A_130, %get3A_131] {strides = array<i32>} : memref<256x128xf32, #tpu.memory_space<vmem>>, vector<16xf32>,
        %mul3A_133 = arith.mulf %get3A_132, %gather3A_122 : vector<16xf32>
        %swap3A_134 = arith.index_cast %add3A_100 : i32 to index
        %swap3A_135 = arith.constant 48 : index
        %swap3A_136 = tpu.vector_load %arg10[%swap3A_134, %swap3A_135] {strides = array<i32>} : memref<256x128xf32, #tpu.memory_space<vmem>>, vector<16xf32>,
        tpu.vector_store %arg10[%swap3A_134, %swap3A_135], %mul3A_133 {strides = array<i32>} : memref<256x128xf32, #tpu.memory_space<vmem>>, vector<16xf32>,
        %mul3A_137 = arith.constant 4 : i32
        %mul3A_138 = arith.muli %add3A_100, %mul3A_137 : i32
        %add3A_139 = arith.constant 2 : i32
        %add3A_140 = arith.addi %mul3A_138, %add3A_139 : i32
        %broadcast_in_dim3A_141 = vector.broadcast %add3A_140 : i32 to vector<16xi32>
        %gather3A_142 = tpu.vector_load_idx %arg11[%broadcast_in_dim3A_141] : memref<1024xf32, #tpu.memory_space<vmem>>[vector<16xi32>], vector<16xf32>,
        %get3A_143 = arith.index_cast %add3A_100 : i32 to index
        %get3A_144 = arith.constant 64 : index
        %get3A_145 = tpu.vector_load %arg10[%get3A_143, %get3A_144] {strides = array<i32>} : memref<256x128xf32, #tpu.memory_space<vmem>>, vector<16xf32>,
        %mul3A_146 = arith.mulf %get3A_145, %gather3A_142 : vector<16xf32>
        %swap3A_147 = arith.index_cast %add3A_100 : i32 to index
        %swap3A_148 = arith.constant 64 : index
        %swap3A_149 = tpu.vector_load %arg10[%swap3A_147, %swap3A_148] {strides = array<i32>} : memref<256x128xf32, #tpu.memory_space<vmem>>, vector<16xf32>,
        tpu.vector_store %arg10[%swap3A_147, %swap3A_148], %mul3A_146 {strides = array<i32>} : memref<256x128xf32, #tpu.memory_space<vmem>>, vector<16xf32>,
        %get3A_150 = arith.index_cast %add3A_100 : i32 to index
        %get3A_151 = arith.constant 80 : index
        %get3A_152 = tpu.vector_load %arg10[%get3A_150, %get3A_151] {strides = array<i32>} : memref<256x128xf32, #tpu.memory_space<vmem>>, vector<16xf32>,
        %mul3A_153 = arith.mulf %get3A_152, %gather3A_142 : vector<16xf32>
        %swap3A_154 = arith.index_cast %add3A_100 : i32 to index
        %swap3A_155 = arith.constant 80 : index
        %swap3A_156 = tpu.vector_load %arg10[%swap3A_154, %swap3A_155] {strides = array<i32>} : memref<256x128xf32, #tpu.memory_space<vmem>>, vector<16xf32>,
        tpu.vector_store %arg10[%swap3A_154, %swap3A_155], %mul3A_153 {strides = array<i32>} : memref<256x128xf32, #tpu.memory_space<vmem>>, vector<16xf32>,
        %mul3A_157 = arith.constant 4 : i32
        %mul3A_158 = arith.muli %add3A_100, %mul3A_157 : i32
        %add3A_159 = arith.constant 3 : i32
        %add3A_160 = arith.addi %mul3A_158, %add3A_159 : i32
        %broadcast_in_dim3A_161 = vector.broadcast %add3A_160 : i32 to vector<16xi32>
        %gather3A_162 = tpu.vector_load_idx %arg11[%broadcast_in_dim3A_161] : memref<1024xf32, #tpu.memory_space<vmem>>[vector<16xi32>], vector<16xf32>,
        %get3A_163 = arith.index_cast %add3A_100 : i32 to index
        %get3A_164 = arith.constant 96 : index
        %get3A_165 = tpu.vector_load %arg10[%get3A_163, %get3A_164] {strides = array<i32>} : memref<256x128xf32, #tpu.memory_space<vmem>>, vector<16xf32>,
        %mul3A_166 = arith.mulf %get3A_165, %gather3A_162 : vector<16xf32>
        %swap3A_167 = arith.index_cast %add3A_100 : i32 to index
        %swap3A_168 = arith.constant 96 : index
        %swap3A_169 = tpu.vector_load %arg10[%swap3A_167, %swap3A_168] {strides = array<i32>} : memref<256x128xf32, #tpu.memory_space<vmem>>, vector<16xf32>,
        tpu.vector_store %arg10[%swap3A_167, %swap3A_168], %mul3A_166 {strides = array<i32>} : memref<256x128xf32, #tpu.memory_space<vmem>>, vector<16xf32>,
        %get3A_170 = arith.index_cast %add3A_100 : i32 to index
        %get3A_171 = arith.constant 112 : index
        %get3A_172 = tpu.vector_load %arg10[%get3A_170, %get3A_171] {strides = array<i32>} : memref<256x128xf32, #tpu.memory_space<vmem>>, vector<16xf32>,
        %mul3A_173 = arith.mulf %get3A_172, %gather3A_162 : vector<16xf32>
        %swap3A_174 = arith.index_cast %add3A_100 : i32 to index
        %swap3A_175 = arith.constant 112 : index
        %swap3A_176 = tpu.vector_load %arg10[%swap3A_174, %swap3A_175] {strides = array<i32>} : memref<256x128xf32, #tpu.memory_space<vmem>>, vector<16xf32>,
        tpu.vector_store %arg10[%swap3A_174, %swap3A_175], %mul3A_173 {strides = array<i32>} : memref<256x128xf32, #tpu.memory_space<vmem>>, vector<16xf32>,
      }
      %scan3A_95 = arith.constant 256 : i32
      "tpu.region"() ({
        %run_scoped3A = tpu.sem_alloc : memref<!tpu.dma_semaphore, #tpu.memory_space<semaphore_mem>>
        %dma_start3A_96 = arith.constant 0 : i32
        %dma_start3A_97 = arith.constant 0 : i32
        %dma_start3A_98 = tpu.memref_slice %arg7[%dma_start3A_96, %dma_start3A_97] : memref<10240x128xf32, #tpu.memory_space<vmem_shared>> -> memref<10240x128xf32, #tpu.memory_space<vmem_shared>>
        tpu.enqueue_indirect_dma source(%arg10 : memref<256x128xf32, #tpu.memory_space<vmem>>) target(%dma_start3A_98 : memref<10240x128xf32, #tpu.memory_space<vmem_shared>>) offsets(%arg9 : memref<256xi32, #tpu.memory_space<vmem>>) semaphore(%run_scoped3A : memref<!tpu.dma_semaphore, #tpu.memory_space<semaphore_mem>>) {add = true}
        %dma_wait3A_99 = arith.constant 0 : i32
        %dma_wait3A_100 = arith.constant 0 : i32
        %dma_wait3A_101 = tpu.memref_slice %arg7[%dma_wait3A_99, %dma_wait3A_100] : memref<10240x128xf32, #tpu.memory_space<vmem_shared>> -> memref<10240x128xf32, #tpu.memory_space<vmem_shared>>
        tpu.wait_indirect_dma semaphore(%run_scoped3A : memref<!tpu.dma_semaphore, #tpu.memory_space<semaphore_mem>>) src(%arg10 : memref<256x128xf32, #tpu.memory_space<vmem>>) dst(%dma_wait3A_101 : memref<10240x128xf32, #tpu.memory_space<vmem_shared>>)
        tpu.yield
      }) : () -> ()
    }
    %scan3A_36 = arith.constant 40 : i32
    %barrier3A_37 = arith.constant 0 : index
    tpu.barrier barrier_id(%barrier3A_37)
    %mul3A_38 = arith.constant 640 : i32
    %mul3A_39 = arith.muli %arg1, %mul3A_38 : i32
    %mul3A_40 = arith.constant 640 : i32
    %mul3A_41 = arith.muli %arg1, %mul3A_40 : i32
    "tpu.region"() ({
      %run_scoped3A = tpu.sem_alloc : memref<!tpu.dma_semaphore, #tpu.memory_space<semaphore_mem>>
      %dma_start3A = arith.constant 0 : i32
      %dma_start3A_43 = arith.constant 0 : i32
      %dma_start3A_44 = tpu.memref_slice %arg6[%add3A_25, %dma_start3A, %dma_start3A_43] : memref<4x10240x128xf32, #tpu.memory_space<hbm>> -> memref<1x10240x128xf32, #tpu.memory_space<hbm>>
      %dma_start3A_45 = tpu.memref_squeeze %dma_start3A_44 : memref<1x10240x128xf32, #tpu.memory_space<hbm>> -> memref<10240x128xf32, #tpu.memory_space<hbm>>
      %dma_start3A_46 = arith.constant 0 : i32
      %dma_start3A_47 = tpu.memref_slice %dma_start3A_45[%mul3A_41, %dma_start3A_46] : memref<10240x128xf32, #tpu.memory_space<hbm>> -> memref<640x128xf32, #tpu.memory_space<hbm>>
      %dma_start3A_48 = arith.constant 0 : i32
      %dma_start3A_49 = tpu.memref_slice %arg7[%mul3A_39, %dma_start3A_48] : memref<10240x128xf32, #tpu.memory_space<vmem_shared>> -> memref<640x128xf32, #tpu.memory_space<vmem_shared>>
      tpu.enqueue_dma source(%dma_start3A_49 : memref<640x128xf32, #tpu.memory_space<vmem_shared>>) target(%dma_start3A_47 : memref<640x128xf32, #tpu.memory_space<hbm>>) target_semaphore(%run_scoped3A : memref<!tpu.dma_semaphore, #tpu.memory_space<semaphore_mem>>)
      %dma_wait3A = arith.constant 0 : i32
      %dma_wait3A_50 = arith.constant 0 : i32
      %dma_wait3A_51 = tpu.memref_slice %arg6[%add3A_25, %dma_wait3A, %dma_wait3A_50] : memref<4x10240x128xf32, #tpu.memory_space<hbm>> -> memref<1x10240x128xf32, #tpu.memory_space<hbm>>
      %dma_wait3A_52 = tpu.memref_squeeze %dma_wait3A_51 : memref<1x10240x128xf32, #tpu.memory_space<hbm>> -> memref<10240x128xf32, #tpu.memory_space<hbm>>
      %dma_wait3A_53 = arith.constant 0 : i32
      %dma_wait3A_54 = tpu.memref_slice %dma_wait3A_52[%mul3A_41, %dma_wait3A_53] : memref<10240x128xf32, #tpu.memory_space<hbm>> -> memref<640x128xf32, #tpu.memory_space<hbm>>
      %dma_wait3A_55 = arith.constant 0 : i32
      %dma_wait3A_56 = tpu.memref_slice %arg7[%mul3A_39, %dma_wait3A_55] : memref<10240x128xf32, #tpu.memory_space<vmem_shared>> -> memref<640x128xf32, #tpu.memory_space<vmem_shared>>
      tpu.wait_dma2 semaphore(%run_scoped3A : memref<!tpu.dma_semaphore, #tpu.memory_space<semaphore_mem>>) src(%dma_wait3A_56 : memref<640x128xf32, #tpu.memory_space<vmem_shared>>) dst(%dma_wait3A_54 : memref<640x128xf32, #tpu.memory_space<hbm>>)
      tpu.yield
    }) : () -> ()
    %barrier3A_42 = arith.constant 0 : index
    tpu.barrier barrier_id(%barrier3A_42)
    return
  }
}

#map = affine_map<(d0, d1) -> (0, 0)>
#map1 = affine_map<(d0, d1) -> (0)>
#map2 = affine_map<(d0, d1) -> (0, 0, 0)>
module attributes {stable_mosaic.version = 14 : i64} {
  func.func @k(%arg0: i32, %arg1: i32, %arg2: memref<4x655360xf32, #tpu.memory_space<hbm>>, %arg3: memref<163840xi32, #tpu.memory_space<hbm>>, %arg4: memref<4x10240x128xf32, #tpu.memory_space<hbm>>, %arg5: memref<10240x128xf32, #tpu.memory_space<vmem_shared>>, %arg6: memref<256xi32, #tpu.memory_space<vmem>>, %arg7: memref<1024xf32, #tpu.memory_space<vmem>>, %arg8: memref<256x128xf32, #tpu.memory_space<vmem>>, %arg9: memref<64x128xf32, #tpu.memory_space<vmem>>, %arg10: memref<!tpu.dma_semaphore, #tpu.memory_space<semaphore_mem>>, %arg11: memref<!tpu.dma_semaphore, #tpu.memory_space<semaphore_mem>>) attributes {dimension_semantics = [#tpu.dimension_semantics<core_parallel>, #tpu.dimension_semantics<subcore_parallel>], iteration_bounds = array<i64: 2, 16>, scalar_prefetch = 0 : i64, scratch_operands = 7 : i64, tpu.core_type = #tpu.core_type<sc_vector_subcore>, window_params = [{transform_indices = #map}, {transform_indices = #map1}, {transform_indices = #map2}]} {
    %scan3A = arith.constant 0 : i32
    %scan3A_0 = arith.constant 64 : i32
    %scan3A_1 = arith.addi %scan3A, %scan3A_0 : i32
    %scan3A_2 = arith.constant 1 : i32
    scf.for %scan3A_48 = %scan3A to %scan3A_1 step %scan3A_2  : i32 {
      %mul3A_49 = arith.constant 1 : i32
      %mul3A_50 = arith.muli %scan3A_48, %mul3A_49 : i32
      %add3A_51 = arith.constant 0 : i32
      %add3A_52 = arith.addi %add3A_51, %mul3A_50 : i32
      %broadcast_in_dim3A = arith.constant 0.000000e+00 : f32
      %broadcast_in_dim3A_53 = vector.broadcast %broadcast_in_dim3A : f32 to vector<16xf32>
      %swap3A = arith.index_cast %add3A_52 : i32 to index
      %swap3A_54 = arith.constant 0 : index
      %swap3A_55 = tpu.vector_load %arg9[%swap3A, %swap3A_54] {strides = array<i32>} : memref<64x128xf32, #tpu.memory_space<vmem>>, vector<16xf32>,
      tpu.vector_store %arg9[%swap3A, %swap3A_54], %broadcast_in_dim3A_53 {strides = array<i32>} : memref<64x128xf32, #tpu.memory_space<vmem>>, vector<16xf32>,
      %broadcast_in_dim3A_56 = arith.constant 0.000000e+00 : f32
      %broadcast_in_dim3A_57 = vector.broadcast %broadcast_in_dim3A_56 : f32 to vector<16xf32>
      %swap3A_58 = arith.index_cast %add3A_52 : i32 to index
      %swap3A_59 = arith.constant 16 : index
      %swap3A_60 = tpu.vector_load %arg9[%swap3A_58, %swap3A_59] {strides = array<i32>} : memref<64x128xf32, #tpu.memory_space<vmem>>, vector<16xf32>,
      tpu.vector_store %arg9[%swap3A_58, %swap3A_59], %broadcast_in_dim3A_57 {strides = array<i32>} : memref<64x128xf32, #tpu.memory_space<vmem>>, vector<16xf32>,
      %broadcast_in_dim3A_61 = arith.constant 0.000000e+00 : f32
      %broadcast_in_dim3A_62 = vector.broadcast %broadcast_in_dim3A_61 : f32 to vector<16xf32>
      %swap3A_63 = arith.index_cast %add3A_52 : i32 to index
      %swap3A_64 = arith.constant 32 : index
      %swap3A_65 = tpu.vector_load %arg9[%swap3A_63, %swap3A_64] {strides = array<i32>} : memref<64x128xf32, #tpu.memory_space<vmem>>, vector<16xf32>,
      tpu.vector_store %arg9[%swap3A_63, %swap3A_64], %broadcast_in_dim3A_62 {strides = array<i32>} : memref<64x128xf32, #tpu.memory_space<vmem>>, vector<16xf32>,
      %broadcast_in_dim3A_66 = arith.constant 0.000000e+00 : f32
      %broadcast_in_dim3A_67 = vector.broadcast %broadcast_in_dim3A_66 : f32 to vector<16xf32>
      %swap3A_68 = arith.index_cast %add3A_52 : i32 to index
      %swap3A_69 = arith.constant 48 : index
      %swap3A_70 = tpu.vector_load %arg9[%swap3A_68, %swap3A_69] {strides = array<i32>} : memref<64x128xf32, #tpu.memory_space<vmem>>, vector<16xf32>,
      tpu.vector_store %arg9[%swap3A_68, %swap3A_69], %broadcast_in_dim3A_67 {strides = array<i32>} : memref<64x128xf32, #tpu.memory_space<vmem>>, vector<16xf32>,
      %broadcast_in_dim3A_71 = arith.constant 0.000000e+00 : f32
      %broadcast_in_dim3A_72 = vector.broadcast %broadcast_in_dim3A_71 : f32 to vector<16xf32>
      %swap3A_73 = arith.index_cast %add3A_52 : i32 to index
      %swap3A_74 = arith.constant 64 : index
      %swap3A_75 = tpu.vector_load %arg9[%swap3A_73, %swap3A_74] {strides = array<i32>} : memref<64x128xf32, #tpu.memory_space<vmem>>, vector<16xf32>,
      tpu.vector_store %arg9[%swap3A_73, %swap3A_74], %broadcast_in_dim3A_72 {strides = array<i32>} : memref<64x128xf32, #tpu.memory_space<vmem>>, vector<16xf32>,
      %broadcast_in_dim3A_76 = arith.constant 0.000000e+00 : f32
      %broadcast_in_dim3A_77 = vector.broadcast %broadcast_in_dim3A_76 : f32 to vector<16xf32>
      %swap3A_78 = arith.index_cast %add3A_52 : i32 to index
      %swap3A_79 = arith.constant 80 : index
      %swap3A_80 = tpu.vector_load %arg9[%swap3A_78, %swap3A_79] {strides = array<i32>} : memref<64x128xf32, #tpu.memory_space<vmem>>, vector<16xf32>,
      tpu.vector_store %arg9[%swap3A_78, %swap3A_79], %broadcast_in_dim3A_77 {strides = array<i32>} : memref<64x128xf32, #tpu.memory_space<vmem>>, vector<16xf32>,
      %broadcast_in_dim3A_81 = arith.constant 0.000000e+00 : f32
      %broadcast_in_dim3A_82 = vector.broadcast %broadcast_in_dim3A_81 : f32 to vector<16xf32>
      %swap3A_83 = arith.index_cast %add3A_52 : i32 to index
      %swap3A_84 = arith.constant 96 : index
      %swap3A_85 = tpu.vector_load %arg9[%swap3A_83, %swap3A_84] {strides = array<i32>} : memref<64x128xf32, #tpu.memory_space<vmem>>, vector<16xf32>,
      tpu.vector_store %arg9[%swap3A_83, %swap3A_84], %broadcast_in_dim3A_82 {strides = array<i32>} : memref<64x128xf32, #tpu.memory_space<vmem>>, vector<16xf32>,
      %broadcast_in_dim3A_86 = arith.constant 0.000000e+00 : f32
      %broadcast_in_dim3A_87 = vector.broadcast %broadcast_in_dim3A_86 : f32 to vector<16xf32>
      %swap3A_88 = arith.index_cast %add3A_52 : i32 to index
      %swap3A_89 = arith.constant 112 : index
      %swap3A_90 = tpu.vector_load %arg9[%swap3A_88, %swap3A_89] {strides = array<i32>} : memref<64x128xf32, #tpu.memory_space<vmem>>, vector<16xf32>,
      tpu.vector_store %arg9[%swap3A_88, %swap3A_89], %broadcast_in_dim3A_87 {strides = array<i32>} : memref<64x128xf32, #tpu.memory_space<vmem>>, vector<16xf32>,
    }
    %scan3A_3 = arith.constant 64 : i32
    %scan3A_4 = arith.constant 0 : i32
    %scan3A_5 = arith.constant 256 : i32
    %scan3A_6 = arith.addi %scan3A_4, %scan3A_5 : i32
    %scan3A_7 = arith.constant 1 : i32
    scf.for %scan3A_48 = %scan3A_4 to %scan3A_6 step %scan3A_7  : i32 {
      %mul3A_49 = arith.constant 1 : i32
      %mul3A_50 = arith.muli %scan3A_48, %mul3A_49 : i32
      %add3A_51 = arith.constant 0 : i32
      %add3A_52 = arith.addi %add3A_51, %mul3A_50 : i32
      %broadcast_in_dim3A = arith.constant 0.000000e+00 : f32
      %broadcast_in_dim3A_53 = vector.broadcast %broadcast_in_dim3A : f32 to vector<16xf32>
      %swap3A = arith.index_cast %add3A_52 : i32 to index
      %swap3A_54 = arith.constant 0 : index
      %swap3A_55 = tpu.vector_load %arg8[%swap3A, %swap3A_54] {strides = array<i32>} : memref<256x128xf32, #tpu.memory_space<vmem>>, vector<16xf32>,
      tpu.vector_store %arg8[%swap3A, %swap3A_54], %broadcast_in_dim3A_53 {strides = array<i32>} : memref<256x128xf32, #tpu.memory_space<vmem>>, vector<16xf32>,
      %broadcast_in_dim3A_56 = arith.constant 0.000000e+00 : f32
      %broadcast_in_dim3A_57 = vector.broadcast %broadcast_in_dim3A_56 : f32 to vector<16xf32>
      %swap3A_58 = arith.index_cast %add3A_52 : i32 to index
      %swap3A_59 = arith.constant 16 : index
      %swap3A_60 = tpu.vector_load %arg8[%swap3A_58, %swap3A_59] {strides = array<i32>} : memref<256x128xf32, #tpu.memory_space<vmem>>, vector<16xf32>,
      tpu.vector_store %arg8[%swap3A_58, %swap3A_59], %broadcast_in_dim3A_57 {strides = array<i32>} : memref<256x128xf32, #tpu.memory_space<vmem>>, vector<16xf32>,
      %broadcast_in_dim3A_61 = arith.constant 0.000000e+00 : f32
      %broadcast_in_dim3A_62 = vector.broadcast %broadcast_in_dim3A_61 : f32 to vector<16xf32>
      %swap3A_63 = arith.index_cast %add3A_52 : i32 to index
      %swap3A_64 = arith.constant 32 : index
      %swap3A_65 = tpu.vector_load %arg8[%swap3A_63, %swap3A_64] {strides = array<i32>} : memref<256x128xf32, #tpu.memory_space<vmem>>, vector<16xf32>,
      tpu.vector_store %arg8[%swap3A_63, %swap3A_64], %broadcast_in_dim3A_62 {strides = array<i32>} : memref<256x128xf32, #tpu.memory_space<vmem>>, vector<16xf32>,
      %broadcast_in_dim3A_66 = arith.constant 0.000000e+00 : f32
      %broadcast_in_dim3A_67 = vector.broadcast %broadcast_in_dim3A_66 : f32 to vector<16xf32>
      %swap3A_68 = arith.index_cast %add3A_52 : i32 to index
      %swap3A_69 = arith.constant 48 : index
      %swap3A_70 = tpu.vector_load %arg8[%swap3A_68, %swap3A_69] {strides = array<i32>} : memref<256x128xf32, #tpu.memory_space<vmem>>, vector<16xf32>,
      tpu.vector_store %arg8[%swap3A_68, %swap3A_69], %broadcast_in_dim3A_67 {strides = array<i32>} : memref<256x128xf32, #tpu.memory_space<vmem>>, vector<16xf32>,
      %broadcast_in_dim3A_71 = arith.constant 0.000000e+00 : f32
      %broadcast_in_dim3A_72 = vector.broadcast %broadcast_in_dim3A_71 : f32 to vector<16xf32>
      %swap3A_73 = arith.index_cast %add3A_52 : i32 to index
      %swap3A_74 = arith.constant 64 : index
      %swap3A_75 = tpu.vector_load %arg8[%swap3A_73, %swap3A_74] {strides = array<i32>} : memref<256x128xf32, #tpu.memory_space<vmem>>, vector<16xf32>,
      tpu.vector_store %arg8[%swap3A_73, %swap3A_74], %broadcast_in_dim3A_72 {strides = array<i32>} : memref<256x128xf32, #tpu.memory_space<vmem>>, vector<16xf32>,
      %broadcast_in_dim3A_76 = arith.constant 0.000000e+00 : f32
      %broadcast_in_dim3A_77 = vector.broadcast %broadcast_in_dim3A_76 : f32 to vector<16xf32>
      %swap3A_78 = arith.index_cast %add3A_52 : i32 to index
      %swap3A_79 = arith.constant 80 : index
      %swap3A_80 = tpu.vector_load %arg8[%swap3A_78, %swap3A_79] {strides = array<i32>} : memref<256x128xf32, #tpu.memory_space<vmem>>, vector<16xf32>,
      tpu.vector_store %arg8[%swap3A_78, %swap3A_79], %broadcast_in_dim3A_77 {strides = array<i32>} : memref<256x128xf32, #tpu.memory_space<vmem>>, vector<16xf32>,
      %broadcast_in_dim3A_81 = arith.constant 0.000000e+00 : f32
      %broadcast_in_dim3A_82 = vector.broadcast %broadcast_in_dim3A_81 : f32 to vector<16xf32>
      %swap3A_83 = arith.index_cast %add3A_52 : i32 to index
      %swap3A_84 = arith.constant 96 : index
      %swap3A_85 = tpu.vector_load %arg8[%swap3A_83, %swap3A_84] {strides = array<i32>} : memref<256x128xf32, #tpu.memory_space<vmem>>, vector<16xf32>,
      tpu.vector_store %arg8[%swap3A_83, %swap3A_84], %broadcast_in_dim3A_82 {strides = array<i32>} : memref<256x128xf32, #tpu.memory_space<vmem>>, vector<16xf32>,
      %broadcast_in_dim3A_86 = arith.constant 0.000000e+00 : f32
      %broadcast_in_dim3A_87 = vector.broadcast %broadcast_in_dim3A_86 : f32 to vector<16xf32>
      %swap3A_88 = arith.index_cast %add3A_52 : i32 to index
      %swap3A_89 = arith.constant 112 : index
      %swap3A_90 = tpu.vector_load %arg8[%swap3A_88, %swap3A_89] {strides = array<i32>} : memref<256x128xf32, #tpu.memory_space<vmem>>, vector<16xf32>,
      tpu.vector_store %arg8[%swap3A_88, %swap3A_89], %broadcast_in_dim3A_87 {strides = array<i32>} : memref<256x128xf32, #tpu.memory_space<vmem>>, vector<16xf32>,
    }
    %scan3A_8 = arith.constant 256 : i32
    %mul3A = arith.constant 2 : i32
    %mul3A_9 = arith.muli %mul3A, %arg0 : i32
    %add3A = arith.constant 0 : i32
    %add3A_10 = arith.addi %mul3A_9, %add3A : i32
    %scan3A_11 = arith.constant 0 : i32
    %scan3A_12 = arith.constant 10 : i32
    %scan3A_13 = arith.addi %scan3A_11, %scan3A_12 : i32
    %scan3A_14 = arith.constant 1 : i32
    scf.for %scan3A_48 = %scan3A_11 to %scan3A_13 step %scan3A_14  : i32 {
      %mul3A_49 = arith.constant 1 : i32
      %mul3A_50 = arith.muli %scan3A_48, %mul3A_49 : i32
      %add3A_51 = arith.constant 0 : i32
      %add3A_52 = arith.addi %add3A_51, %mul3A_50 : i32
      %mul3A_53 = arith.constant 640 : i32
      %mul3A_54 = arith.muli %arg1, %mul3A_53 : i32
      %mul3A_55 = arith.constant 64 : i32
      %mul3A_56 = arith.muli %add3A_52, %mul3A_55 : i32
      %add3A_57 = arith.addi %mul3A_54, %mul3A_56 : i32
      "tpu.region"() ({
        %run_scoped3A = tpu.sem_alloc : memref<!tpu.dma_semaphore, #tpu.memory_space<semaphore_mem>>
        %dma_start3A = arith.constant 0 : i32
        %dma_start3A_58 = tpu.memref_slice %arg5[%add3A_57, %dma_start3A] : memref<10240x128xf32, #tpu.memory_space<vmem_shared>> -> memref<64x128xf32, #tpu.memory_space<vmem_shared>>
        %dma_start3A_59 = arith.constant 0 : i32
        %dma_start3A_60 = tpu.memref_slice %arg5[%add3A_57, %dma_start3A_59] : memref<10240x128xf32, #tpu.memory_space<vmem_shared>> -> memref<64x128xf32, #tpu.memory_space<vmem_shared>>
        tpu.enqueue_dma source(%arg9 : memref<64x128xf32, #tpu.memory_space<vmem>>) target(%dma_start3A_60 : memref<64x128xf32, #tpu.memory_space<vmem_shared>>) target_semaphore(%run_scoped3A : memref<!tpu.dma_semaphore, #tpu.memory_space<semaphore_mem>>)
        %dma_wait3A = arith.constant 0 : i32
        %dma_wait3A_61 = tpu.memref_slice %arg5[%add3A_57, %dma_wait3A] : memref<10240x128xf32, #tpu.memory_space<vmem_shared>> -> memref<64x128xf32, #tpu.memory_space<vmem_shared>>
        %dma_wait3A_62 = arith.constant 0 : i32
        %dma_wait3A_63 = tpu.memref_slice %arg5[%add3A_57, %dma_wait3A_62] : memref<10240x128xf32, #tpu.memory_space<vmem_shared>> -> memref<64x128xf32, #tpu.memory_space<vmem_shared>>
        tpu.wait_dma2 semaphore(%run_scoped3A : memref<!tpu.dma_semaphore, #tpu.memory_space<semaphore_mem>>) src(%arg9 : memref<64x128xf32, #tpu.memory_space<vmem>>) dst(%dma_wait3A_63 : memref<64x128xf32, #tpu.memory_space<vmem_shared>>)
        tpu.yield
      }) : () -> ()
    }
    %scan3A_15 = arith.constant 10 : i32
    %barrier3A = arith.constant 0 : index
    tpu.barrier barrier_id(%barrier3A)
    %scan3A_16 = arith.constant 0 : i32
    %scan3A_17 = arith.constant 40 : i32
    %scan3A_18 = arith.addi %scan3A_16, %scan3A_17 : i32
    %scan3A_19 = arith.constant 1 : i32
    scf.for %scan3A_48 = %scan3A_16 to %scan3A_18 step %scan3A_19  : i32 {
      %mul3A_49 = arith.constant 1 : i32
      %mul3A_50 = arith.muli %scan3A_48, %mul3A_49 : i32
      %add3A_51 = arith.constant 0 : i32
      %add3A_52 = arith.addi %add3A_51, %mul3A_50 : i32
      %mul3A_53 = arith.constant 10240 : i32
      %mul3A_54 = arith.muli %arg1, %mul3A_53 : i32
      %mul3A_55 = arith.constant 256 : i32
      %mul3A_56 = arith.muli %add3A_52, %mul3A_55 : i32
      %add3A_57 = arith.addi %mul3A_54, %mul3A_56 : i32
      %dma_start3A = tpu.memref_slice %arg3[%add3A_57] : memref<163840xi32, #tpu.memory_space<hbm>> -> memref<256xi32, #tpu.memory_space<hbm>>
      %dma_start3A_58 = tpu.memref_slice %arg3[%add3A_57] : memref<163840xi32, #tpu.memory_space<hbm>> -> memref<256xi32, #tpu.memory_space<hbm>>
      tpu.enqueue_dma source(%dma_start3A_58 : memref<256xi32, #tpu.memory_space<hbm>>) target(%arg6 : memref<256xi32, #tpu.memory_space<vmem>>) target_semaphore(%arg10 : memref<!tpu.dma_semaphore, #tpu.memory_space<semaphore_mem>>)
      %mul3A_59 = arith.constant 4 : i32
      %mul3A_60 = arith.muli %add3A_57, %mul3A_59 : i32
      %dma_start3A_61 = arith.constant 0 : i32
      %dma_start3A_62 = tpu.memref_slice %arg2[%add3A_10, %dma_start3A_61] : memref<4x655360xf32, #tpu.memory_space<hbm>> -> memref<1x655360xf32, #tpu.memory_space<hbm>>
      %dma_start3A_63 = tpu.memref_squeeze %dma_start3A_62 : memref<1x655360xf32, #tpu.memory_space<hbm>> -> memref<655360xf32, #tpu.memory_space<hbm>>
      %dma_start3A_64 = tpu.memref_slice %dma_start3A_63[%mul3A_60] : memref<655360xf32, #tpu.memory_space<hbm>> -> memref<1024xf32, #tpu.memory_space<hbm>>
      %dma_start3A_65 = arith.constant 0 : i32
      %dma_start3A_66 = tpu.memref_slice %arg2[%add3A_10, %dma_start3A_65] : memref<4x655360xf32, #tpu.memory_space<hbm>> -> memref<1x655360xf32, #tpu.memory_space<hbm>>
      %dma_start3A_67 = tpu.memref_squeeze %dma_start3A_66 : memref<1x655360xf32, #tpu.memory_space<hbm>> -> memref<655360xf32, #tpu.memory_space<hbm>>
      %dma_start3A_68 = tpu.memref_slice %dma_start3A_67[%mul3A_60] : memref<655360xf32, #tpu.memory_space<hbm>> -> memref<1024xf32, #tpu.memory_space<hbm>>
      tpu.enqueue_dma source(%dma_start3A_68 : memref<1024xf32, #tpu.memory_space<hbm>>) target(%arg7 : memref<1024xf32, #tpu.memory_space<vmem>>) target_semaphore(%arg11 : memref<!tpu.dma_semaphore, #tpu.memory_space<semaphore_mem>>)
      %dma_wait3A = tpu.memref_slice %arg3[%add3A_57] : memref<163840xi32, #tpu.memory_space<hbm>> -> memref<256xi32, #tpu.memory_space<hbm>>
      %dma_wait3A_69 = tpu.memref_slice %arg3[%add3A_57] : memref<163840xi32, #tpu.memory_space<hbm>> -> memref<256xi32, #tpu.memory_space<hbm>>
      tpu.wait_dma2 semaphore(%arg10 : memref<!tpu.dma_semaphore, #tpu.memory_space<semaphore_mem>>) src(%dma_wait3A_69 : memref<256xi32, #tpu.memory_space<hbm>>) dst(%arg6 : memref<256xi32, #tpu.memory_space<vmem>>)
      %dma_wait3A_70 = arith.constant 0 : i32
      %dma_wait3A_71 = tpu.memref_slice %arg2[%add3A_10, %dma_wait3A_70] : memref<4x655360xf32, #tpu.memory_space<hbm>> -> memref<1x655360xf32, #tpu.memory_space<hbm>>
      %dma_wait3A_72 = tpu.memref_squeeze %dma_wait3A_71 : memref<1x655360xf32, #tpu.memory_space<hbm>> -> memref<655360xf32, #tpu.memory_space<hbm>>
      %dma_wait3A_73 = tpu.memref_slice %dma_wait3A_72[%mul3A_60] : memref<655360xf32, #tpu.memory_space<hbm>> -> memref<1024xf32, #tpu.memory_space<hbm>>
      %dma_wait3A_74 = arith.constant 0 : i32
      %dma_wait3A_75 = tpu.memref_slice %arg2[%add3A_10, %dma_wait3A_74] : memref<4x655360xf32, #tpu.memory_space<hbm>> -> memref<1x655360xf32, #tpu.memory_space<hbm>>
      %dma_wait3A_76 = tpu.memref_squeeze %dma_wait3A_75 : memref<1x655360xf32, #tpu.memory_space<hbm>> -> memref<655360xf32, #tpu.memory_space<hbm>>
      %dma_wait3A_77 = tpu.memref_slice %dma_wait3A_76[%mul3A_60] : memref<655360xf32, #tpu.memory_space<hbm>> -> memref<1024xf32, #tpu.memory_space<hbm>>
      tpu.wait_dma2 semaphore(%arg11 : memref<!tpu.dma_semaphore, #tpu.memory_space<semaphore_mem>>) src(%dma_wait3A_77 : memref<1024xf32, #tpu.memory_space<hbm>>) dst(%arg7 : memref<1024xf32, #tpu.memory_space<vmem>>)
      %scan3A_78 = arith.constant 0 : i32
      %scan3A_79 = arith.constant 64 : i32
      %scan3A_80 = arith.addi %scan3A_78, %scan3A_79 : i32
      %scan3A_81 = arith.constant 1 : i32
      scf.for %scan3A_83 = %scan3A_78 to %scan3A_80 step %scan3A_81  : i32 {
        %mul3A_84 = arith.constant 16 : i32
        %mul3A_85 = arith.muli %scan3A_83, %mul3A_84 : i32
        %add3A_86 = arith.constant 0 : i32
        %add3A_87 = arith.addi %add3A_86, %mul3A_85 : i32
        %iota3A = tpu.iota {dimensions = array<i32: 0>} : vector<16xi32>
        %add3A_88 = vector.broadcast %add3A_87 : i32 to vector<16xi32>
        %add3A_89 = arith.addi %add3A_88, %iota3A : vector<16xi32>
        %get3A = arith.index_cast %add3A_87 : i32 to index
        %get3A_90 = tpu.vector_load %arg7[%get3A] {strides = array<i32>} : memref<1024xf32, #tpu.memory_space<vmem>>, vector<16xf32>,
        %jit3A = arith.constant 4 : i32
        %div3A = vector.broadcast %jit3A : i32 to vector<16xi32>
        %div3A_91 = arith.divsi %add3A_89, %div3A : vector<16xi32>
        %sign3A = arith.constant 0 : i32
        %sign3A_92 = vector.broadcast %sign3A : i32 to vector<16xi32>
        %sign3A_93 = arith.cmpi sgt, %add3A_89, %sign3A_92 : vector<16xi32>
        %sign3A_94 = arith.extui %sign3A_93 : vector<16xi1> to vector<16xi32>
        %sign3A_95 = arith.constant 0 : i32
        %sign3A_96 = vector.broadcast %sign3A_95 : i32 to vector<16xi32>
        %sign3A_97 = arith.cmpi slt, %add3A_89, %sign3A_96 : vector<16xi32>
        %sign3A_98 = arith.extui %sign3A_97 : vector<16xi1> to vector<16xi32>
        %sign3A_99 = arith.subi %sign3A_94, %sign3A_98 : vector<16xi32>
        %sign3A_100 = arith.constant 0 : i32
        %sign3A_101 = arith.cmpi sgt, %jit3A, %sign3A_100 : i32
        %sign3A_102 = arith.extui %sign3A_101 : i1 to i32
        %sign3A_103 = arith.constant 0 : i32
        %sign3A_104 = arith.cmpi slt, %jit3A, %sign3A_103 : i32
        %sign3A_105 = arith.extui %sign3A_104 : i1 to i32
        %sign3A_106 = arith.subi %sign3A_102, %sign3A_105 : i32
        %ne3A = vector.broadcast %sign3A_106 : i32 to vector<16xi32>
        %ne3A_107 = arith.cmpi ne, %sign3A_99, %ne3A : vector<16xi32>
        %rem3A = vector.broadcast %jit3A : i32 to vector<16xi32>
        %rem3A_108 = arith.remsi %add3A_89, %rem3A : vector<16xi32>
        %ne3A_109 = arith.constant 0 : i32
        %ne3A_110 = vector.broadcast %ne3A_109 : i32 to vector<16xi32>
        %ne3A_111 = arith.cmpi ne, %rem3A_108, %ne3A_110 : vector<16xi32>
        %and3A = arith.andi %ne3A_107, %ne3A_111 : vector<16xi1>
        %sub3A = arith.constant 1 : i32
        %sub3A_112 = vector.broadcast %sub3A : i32 to vector<16xi32>
        %sub3A_113 = arith.subi %div3A_91, %sub3A_112 : vector<16xi32>
        %select_n3A = arith.select %and3A, %sub3A_113, %div3A_91 : vector<16xi1>, vector<16xi32>
        %rem3A_114 = arith.constant 4 : i32
        %rem3A_115 = vector.broadcast %rem3A_114 : i32 to vector<16xi32>
        %rem3A_116 = arith.remsi %add3A_89, %rem3A_115 : vector<16xi32>
        tpu.vector_store_idx %arg8[%select_n3A, %rem3A_116], %get3A_90 : memref<256x128xf32, #tpu.memory_space<vmem>>[vector<16xi32>, vector<16xi32>], vector<16xf32>,
      }
      %scan3A_82 = arith.constant 64 : i32
      "tpu.region"() ({
        %run_scoped3A = tpu.sem_alloc : memref<!tpu.dma_semaphore, #tpu.memory_space<semaphore_mem>>
        %dma_start3A_83 = arith.constant 0 : i32
        %dma_start3A_84 = arith.constant 0 : i32
        %dma_start3A_85 = tpu.memref_slice %arg5[%dma_start3A_83, %dma_start3A_84] : memref<10240x128xf32, #tpu.memory_space<vmem_shared>> -> memref<10240x128xf32, #tpu.memory_space<vmem_shared>>
        tpu.enqueue_indirect_dma source(%arg8 : memref<256x128xf32, #tpu.memory_space<vmem>>) target(%dma_start3A_85 : memref<10240x128xf32, #tpu.memory_space<vmem_shared>>) offsets(%arg6 : memref<256xi32, #tpu.memory_space<vmem>>) semaphore(%run_scoped3A : memref<!tpu.dma_semaphore, #tpu.memory_space<semaphore_mem>>) {add = true}
        %dma_wait3A_86 = arith.constant 0 : i32
        %dma_wait3A_87 = arith.constant 0 : i32
        %dma_wait3A_88 = tpu.memref_slice %arg5[%dma_wait3A_86, %dma_wait3A_87] : memref<10240x128xf32, #tpu.memory_space<vmem_shared>> -> memref<10240x128xf32, #tpu.memory_space<vmem_shared>>
        tpu.wait_indirect_dma semaphore(%run_scoped3A : memref<!tpu.dma_semaphore, #tpu.memory_space<semaphore_mem>>) src(%arg8 : memref<256x128xf32, #tpu.memory_space<vmem>>) dst(%dma_wait3A_88 : memref<10240x128xf32, #tpu.memory_space<vmem_shared>>)
        tpu.yield
      }) : () -> ()
    }
    %scan3A_20 = arith.constant 40 : i32
    %barrier3A_21 = arith.constant 0 : index
    tpu.barrier barrier_id(%barrier3A_21)
    %mul3A_22 = arith.constant 640 : i32
    %mul3A_23 = arith.muli %arg1, %mul3A_22 : i32
    %mul3A_24 = arith.constant 640 : i32
    %mul3A_25 = arith.muli %arg1, %mul3A_24 : i32
    "tpu.region"() ({
      %run_scoped3A = tpu.sem_alloc : memref<!tpu.dma_semaphore, #tpu.memory_space<semaphore_mem>>
      %dma_start3A = arith.constant 0 : i32
      %dma_start3A_48 = arith.constant 0 : i32
      %dma_start3A_49 = tpu.memref_slice %arg4[%add3A_10, %dma_start3A, %dma_start3A_48] : memref<4x10240x128xf32, #tpu.memory_space<hbm>> -> memref<1x10240x128xf32, #tpu.memory_space<hbm>>
      %dma_start3A_50 = tpu.memref_squeeze %dma_start3A_49 : memref<1x10240x128xf32, #tpu.memory_space<hbm>> -> memref<10240x128xf32, #tpu.memory_space<hbm>>
      %dma_start3A_51 = arith.constant 0 : i32
      %dma_start3A_52 = tpu.memref_slice %dma_start3A_50[%mul3A_25, %dma_start3A_51] : memref<10240x128xf32, #tpu.memory_space<hbm>> -> memref<640x128xf32, #tpu.memory_space<hbm>>
      %dma_start3A_53 = arith.constant 0 : i32
      %dma_start3A_54 = tpu.memref_slice %arg5[%mul3A_23, %dma_start3A_53] : memref<10240x128xf32, #tpu.memory_space<vmem_shared>> -> memref<640x128xf32, #tpu.memory_space<vmem_shared>>
      tpu.enqueue_dma source(%dma_start3A_54 : memref<640x128xf32, #tpu.memory_space<vmem_shared>>) target(%dma_start3A_52 : memref<640x128xf32, #tpu.memory_space<hbm>>) target_semaphore(%run_scoped3A : memref<!tpu.dma_semaphore, #tpu.memory_space<semaphore_mem>>)
      %dma_wait3A = arith.constant 0 : i32
      %dma_wait3A_55 = arith.constant 0 : i32
      %dma_wait3A_56 = tpu.memref_slice %arg4[%add3A_10, %dma_wait3A, %dma_wait3A_55] : memref<4x10240x128xf32, #tpu.memory_space<hbm>> -> memref<1x10240x128xf32, #tpu.memory_space<hbm>>
      %dma_wait3A_57 = tpu.memref_squeeze %dma_wait3A_56 : memref<1x10240x128xf32, #tpu.memory_space<hbm>> -> memref<10240x128xf32, #tpu.memory_space<hbm>>
      %dma_wait3A_58 = arith.constant 0 : i32
      %dma_wait3A_59 = tpu.memref_slice %dma_wait3A_57[%mul3A_25, %dma_wait3A_58] : memref<10240x128xf32, #tpu.memory_space<hbm>> -> memref<640x128xf32, #tpu.memory_space<hbm>>
      %dma_wait3A_60 = arith.constant 0 : i32
      %dma_wait3A_61 = tpu.memref_slice %arg5[%mul3A_23, %dma_wait3A_60] : memref<10240x128xf32, #tpu.memory_space<vmem_shared>> -> memref<640x128xf32, #tpu.memory_space<vmem_shared>>
      tpu.wait_dma2 semaphore(%run_scoped3A : memref<!tpu.dma_semaphore, #tpu.memory_space<semaphore_mem>>) src(%dma_wait3A_61 : memref<640x128xf32, #tpu.memory_space<vmem_shared>>) dst(%dma_wait3A_59 : memref<640x128xf32, #tpu.memory_space<hbm>>)
      tpu.yield
    }) : () -> ()
    %barrier3A_26 = arith.constant 0 : index
    tpu.barrier barrier_id(%barrier3A_26)
    %mul3A_27 = arith.constant 2 : i32
    %mul3A_28 = arith.muli %mul3A_27, %arg0 : i32
    %add3A_29 = arith.constant 1 : i32
    %add3A_30 = arith.addi %mul3A_28, %add3A_29 : i32
    %scan3A_31 = arith.constant 0 : i32
    %scan3A_32 = arith.constant 10 : i32
    %scan3A_33 = arith.addi %scan3A_31, %scan3A_32 : i32
    %scan3A_34 = arith.constant 1 : i32
    scf.for %scan3A_48 = %scan3A_31 to %scan3A_33 step %scan3A_34  : i32 {
      %mul3A_49 = arith.constant 1 : i32
      %mul3A_50 = arith.muli %scan3A_48, %mul3A_49 : i32
      %add3A_51 = arith.constant 0 : i32
      %add3A_52 = arith.addi %add3A_51, %mul3A_50 : i32
      %mul3A_53 = arith.constant 640 : i32
      %mul3A_54 = arith.muli %arg1, %mul3A_53 : i32
      %mul3A_55 = arith.constant 64 : i32
      %mul3A_56 = arith.muli %add3A_52, %mul3A_55 : i32
      %add3A_57 = arith.addi %mul3A_54, %mul3A_56 : i32
      "tpu.region"() ({
        %run_scoped3A = tpu.sem_alloc : memref<!tpu.dma_semaphore, #tpu.memory_space<semaphore_mem>>
        %dma_start3A = arith.constant 0 : i32
        %dma_start3A_58 = tpu.memref_slice %arg5[%add3A_57, %dma_start3A] : memref<10240x128xf32, #tpu.memory_space<vmem_shared>> -> memref<64x128xf32, #tpu.memory_space<vmem_shared>>
        %dma_start3A_59 = arith.constant 0 : i32
        %dma_start3A_60 = tpu.memref_slice %arg5[%add3A_57, %dma_start3A_59] : memref<10240x128xf32, #tpu.memory_space<vmem_shared>> -> memref<64x128xf32, #tpu.memory_space<vmem_shared>>
        tpu.enqueue_dma source(%arg9 : memref<64x128xf32, #tpu.memory_space<vmem>>) target(%dma_start3A_60 : memref<64x128xf32, #tpu.memory_space<vmem_shared>>) target_semaphore(%run_scoped3A : memref<!tpu.dma_semaphore, #tpu.memory_space<semaphore_mem>>)
        %dma_wait3A = arith.constant 0 : i32
        %dma_wait3A_61 = tpu.memref_slice %arg5[%add3A_57, %dma_wait3A] : memref<10240x128xf32, #tpu.memory_space<vmem_shared>> -> memref<64x128xf32, #tpu.memory_space<vmem_shared>>
        %dma_wait3A_62 = arith.constant 0 : i32
        %dma_wait3A_63 = tpu.memref_slice %arg5[%add3A_57, %dma_wait3A_62] : memref<10240x128xf32, #tpu.memory_space<vmem_shared>> -> memref<64x128xf32, #tpu.memory_space<vmem_shared>>
        tpu.wait_dma2 semaphore(%run_scoped3A : memref<!tpu.dma_semaphore, #tpu.memory_space<semaphore_mem>>) src(%arg9 : memref<64x128xf32, #tpu.memory_space<vmem>>) dst(%dma_wait3A_63 : memref<64x128xf32, #tpu.memory_space<vmem_shared>>)
        tpu.yield
      }) : () -> ()
    }
    %scan3A_35 = arith.constant 10 : i32
    %barrier3A_36 = arith.constant 0 : index
    tpu.barrier barrier_id(%barrier3A_36)
    %scan3A_37 = arith.constant 0 : i32
    %scan3A_38 = arith.constant 40 : i32
    %scan3A_39 = arith.addi %scan3A_37, %scan3A_38 : i32
    %scan3A_40 = arith.constant 1 : i32
    scf.for %scan3A_48 = %scan3A_37 to %scan3A_39 step %scan3A_40  : i32 {
      %mul3A_49 = arith.constant 1 : i32
      %mul3A_50 = arith.muli %scan3A_48, %mul3A_49 : i32
      %add3A_51 = arith.constant 0 : i32
      %add3A_52 = arith.addi %add3A_51, %mul3A_50 : i32
      %mul3A_53 = arith.constant 10240 : i32
      %mul3A_54 = arith.muli %arg1, %mul3A_53 : i32
      %mul3A_55 = arith.constant 256 : i32
      %mul3A_56 = arith.muli %add3A_52, %mul3A_55 : i32
      %add3A_57 = arith.addi %mul3A_54, %mul3A_56 : i32
      %dma_start3A = tpu.memref_slice %arg3[%add3A_57] : memref<163840xi32, #tpu.memory_space<hbm>> -> memref<256xi32, #tpu.memory_space<hbm>>
      %dma_start3A_58 = tpu.memref_slice %arg3[%add3A_57] : memref<163840xi32, #tpu.memory_space<hbm>> -> memref<256xi32, #tpu.memory_space<hbm>>
      tpu.enqueue_dma source(%dma_start3A_58 : memref<256xi32, #tpu.memory_space<hbm>>) target(%arg6 : memref<256xi32, #tpu.memory_space<vmem>>) target_semaphore(%arg10 : memref<!tpu.dma_semaphore, #tpu.memory_space<semaphore_mem>>)
      %mul3A_59 = arith.constant 4 : i32
      %mul3A_60 = arith.muli %add3A_57, %mul3A_59 : i32
      %dma_start3A_61 = arith.constant 0 : i32
      %dma_start3A_62 = tpu.memref_slice %arg2[%add3A_30, %dma_start3A_61] : memref<4x655360xf32, #tpu.memory_space<hbm>> -> memref<1x655360xf32, #tpu.memory_space<hbm>>
      %dma_start3A_63 = tpu.memref_squeeze %dma_start3A_62 : memref<1x655360xf32, #tpu.memory_space<hbm>> -> memref<655360xf32, #tpu.memory_space<hbm>>
      %dma_start3A_64 = tpu.memref_slice %dma_start3A_63[%mul3A_60] : memref<655360xf32, #tpu.memory_space<hbm>> -> memref<1024xf32, #tpu.memory_space<hbm>>
      %dma_start3A_65 = arith.constant 0 : i32
      %dma_start3A_66 = tpu.memref_slice %arg2[%add3A_30, %dma_start3A_65] : memref<4x655360xf32, #tpu.memory_space<hbm>> -> memref<1x655360xf32, #tpu.memory_space<hbm>>
      %dma_start3A_67 = tpu.memref_squeeze %dma_start3A_66 : memref<1x655360xf32, #tpu.memory_space<hbm>> -> memref<655360xf32, #tpu.memory_space<hbm>>
      %dma_start3A_68 = tpu.memref_slice %dma_start3A_67[%mul3A_60] : memref<655360xf32, #tpu.memory_space<hbm>> -> memref<1024xf32, #tpu.memory_space<hbm>>
      tpu.enqueue_dma source(%dma_start3A_68 : memref<1024xf32, #tpu.memory_space<hbm>>) target(%arg7 : memref<1024xf32, #tpu.memory_space<vmem>>) target_semaphore(%arg11 : memref<!tpu.dma_semaphore, #tpu.memory_space<semaphore_mem>>)
      %dma_wait3A = tpu.memref_slice %arg3[%add3A_57] : memref<163840xi32, #tpu.memory_space<hbm>> -> memref<256xi32, #tpu.memory_space<hbm>>
      %dma_wait3A_69 = tpu.memref_slice %arg3[%add3A_57] : memref<163840xi32, #tpu.memory_space<hbm>> -> memref<256xi32, #tpu.memory_space<hbm>>
      tpu.wait_dma2 semaphore(%arg10 : memref<!tpu.dma_semaphore, #tpu.memory_space<semaphore_mem>>) src(%dma_wait3A_69 : memref<256xi32, #tpu.memory_space<hbm>>) dst(%arg6 : memref<256xi32, #tpu.memory_space<vmem>>)
      %dma_wait3A_70 = arith.constant 0 : i32
      %dma_wait3A_71 = tpu.memref_slice %arg2[%add3A_30, %dma_wait3A_70] : memref<4x655360xf32, #tpu.memory_space<hbm>> -> memref<1x655360xf32, #tpu.memory_space<hbm>>
      %dma_wait3A_72 = tpu.memref_squeeze %dma_wait3A_71 : memref<1x655360xf32, #tpu.memory_space<hbm>> -> memref<655360xf32, #tpu.memory_space<hbm>>
      %dma_wait3A_73 = tpu.memref_slice %dma_wait3A_72[%mul3A_60] : memref<655360xf32, #tpu.memory_space<hbm>> -> memref<1024xf32, #tpu.memory_space<hbm>>
      %dma_wait3A_74 = arith.constant 0 : i32
      %dma_wait3A_75 = tpu.memref_slice %arg2[%add3A_30, %dma_wait3A_74] : memref<4x655360xf32, #tpu.memory_space<hbm>> -> memref<1x655360xf32, #tpu.memory_space<hbm>>
      %dma_wait3A_76 = tpu.memref_squeeze %dma_wait3A_75 : memref<1x655360xf32, #tpu.memory_space<hbm>> -> memref<655360xf32, #tpu.memory_space<hbm>>
      %dma_wait3A_77 = tpu.memref_slice %dma_wait3A_76[%mul3A_60] : memref<655360xf32, #tpu.memory_space<hbm>> -> memref<1024xf32, #tpu.memory_space<hbm>>
      tpu.wait_dma2 semaphore(%arg11 : memref<!tpu.dma_semaphore, #tpu.memory_space<semaphore_mem>>) src(%dma_wait3A_77 : memref<1024xf32, #tpu.memory_space<hbm>>) dst(%arg7 : memref<1024xf32, #tpu.memory_space<vmem>>)
      %scan3A_78 = arith.constant 0 : i32
      %scan3A_79 = arith.constant 64 : i32
      %scan3A_80 = arith.addi %scan3A_78, %scan3A_79 : i32
      %scan3A_81 = arith.constant 1 : i32
      scf.for %scan3A_83 = %scan3A_78 to %scan3A_80 step %scan3A_81  : i32 {
        %mul3A_84 = arith.constant 16 : i32
        %mul3A_85 = arith.muli %scan3A_83, %mul3A_84 : i32
        %add3A_86 = arith.constant 0 : i32
        %add3A_87 = arith.addi %add3A_86, %mul3A_85 : i32
        %iota3A = tpu.iota {dimensions = array<i32: 0>} : vector<16xi32>
        %add3A_88 = vector.broadcast %add3A_87 : i32 to vector<16xi32>
        %add3A_89 = arith.addi %add3A_88, %iota3A : vector<16xi32>
        %get3A = arith.index_cast %add3A_87 : i32 to index
        %get3A_90 = tpu.vector_load %arg7[%get3A] {strides = array<i32>} : memref<1024xf32, #tpu.memory_space<vmem>>, vector<16xf32>,
        %jit3A = arith.constant 4 : i32
        %div3A = vector.broadcast %jit3A : i32 to vector<16xi32>
        %div3A_91 = arith.divsi %add3A_89, %div3A : vector<16xi32>
        %sign3A = arith.constant 0 : i32
        %sign3A_92 = vector.broadcast %sign3A : i32 to vector<16xi32>
        %sign3A_93 = arith.cmpi sgt, %add3A_89, %sign3A_92 : vector<16xi32>
        %sign3A_94 = arith.extui %sign3A_93 : vector<16xi1> to vector<16xi32>
        %sign3A_95 = arith.constant 0 : i32
        %sign3A_96 = vector.broadcast %sign3A_95 : i32 to vector<16xi32>
        %sign3A_97 = arith.cmpi slt, %add3A_89, %sign3A_96 : vector<16xi32>
        %sign3A_98 = arith.extui %sign3A_97 : vector<16xi1> to vector<16xi32>
        %sign3A_99 = arith.subi %sign3A_94, %sign3A_98 : vector<16xi32>
        %sign3A_100 = arith.constant 0 : i32
        %sign3A_101 = arith.cmpi sgt, %jit3A, %sign3A_100 : i32
        %sign3A_102 = arith.extui %sign3A_101 : i1 to i32
        %sign3A_103 = arith.constant 0 : i32
        %sign3A_104 = arith.cmpi slt, %jit3A, %sign3A_103 : i32
        %sign3A_105 = arith.extui %sign3A_104 : i1 to i32
        %sign3A_106 = arith.subi %sign3A_102, %sign3A_105 : i32
        %ne3A = vector.broadcast %sign3A_106 : i32 to vector<16xi32>
        %ne3A_107 = arith.cmpi ne, %sign3A_99, %ne3A : vector<16xi32>
        %rem3A = vector.broadcast %jit3A : i32 to vector<16xi32>
        %rem3A_108 = arith.remsi %add3A_89, %rem3A : vector<16xi32>
        %ne3A_109 = arith.constant 0 : i32
        %ne3A_110 = vector.broadcast %ne3A_109 : i32 to vector<16xi32>
        %ne3A_111 = arith.cmpi ne, %rem3A_108, %ne3A_110 : vector<16xi32>
        %and3A = arith.andi %ne3A_107, %ne3A_111 : vector<16xi1>
        %sub3A = arith.constant 1 : i32
        %sub3A_112 = vector.broadcast %sub3A : i32 to vector<16xi32>
        %sub3A_113 = arith.subi %div3A_91, %sub3A_112 : vector<16xi32>
        %select_n3A = arith.select %and3A, %sub3A_113, %div3A_91 : vector<16xi1>, vector<16xi32>
        %rem3A_114 = arith.constant 4 : i32
        %rem3A_115 = vector.broadcast %rem3A_114 : i32 to vector<16xi32>
        %rem3A_116 = arith.remsi %add3A_89, %rem3A_115 : vector<16xi32>
        tpu.vector_store_idx %arg8[%select_n3A, %rem3A_116], %get3A_90 : memref<256x128xf32, #tpu.memory_space<vmem>>[vector<16xi32>, vector<16xi32>], vector<16xf32>,
      }
      %scan3A_82 = arith.constant 64 : i32
      "tpu.region"() ({
        %run_scoped3A = tpu.sem_alloc : memref<!tpu.dma_semaphore, #tpu.memory_space<semaphore_mem>>
        %dma_start3A_83 = arith.constant 0 : i32
        %dma_start3A_84 = arith.constant 0 : i32
        %dma_start3A_85 = tpu.memref_slice %arg5[%dma_start3A_83, %dma_start3A_84] : memref<10240x128xf32, #tpu.memory_space<vmem_shared>> -> memref<10240x128xf32, #tpu.memory_space<vmem_shared>>
        tpu.enqueue_indirect_dma source(%arg8 : memref<256x128xf32, #tpu.memory_space<vmem>>) target(%dma_start3A_85 : memref<10240x128xf32, #tpu.memory_space<vmem_shared>>) offsets(%arg6 : memref<256xi32, #tpu.memory_space<vmem>>) semaphore(%run_scoped3A : memref<!tpu.dma_semaphore, #tpu.memory_space<semaphore_mem>>) {add = true}
        %dma_wait3A_86 = arith.constant 0 : i32
        %dma_wait3A_87 = arith.constant 0 : i32
        %dma_wait3A_88 = tpu.memref_slice %arg5[%dma_wait3A_86, %dma_wait3A_87] : memref<10240x128xf32, #tpu.memory_space<vmem_shared>> -> memref<10240x128xf32, #tpu.memory_space<vmem_shared>>
        tpu.wait_indirect_dma semaphore(%run_scoped3A : memref<!tpu.dma_semaphore, #tpu.memory_space<semaphore_mem>>) src(%arg8 : memref<256x128xf32, #tpu.memory_space<vmem>>) dst(%dma_wait3A_88 : memref<10240x128xf32, #tpu.memory_space<vmem_shared>>)
        tpu.yield
      }) : () -> ()
    }
    %scan3A_41 = arith.constant 40 : i32
    %barrier3A_42 = arith.constant 0 : index
    tpu.barrier barrier_id(%barrier3A_42)
    %mul3A_43 = arith.constant 640 : i32
    %mul3A_44 = arith.muli %arg1, %mul3A_43 : i32
    %mul3A_45 = arith.constant 640 : i32
    %mul3A_46 = arith.muli %arg1, %mul3A_45 : i32
    "tpu.region"() ({
      %run_scoped3A = tpu.sem_alloc : memref<!tpu.dma_semaphore, #tpu.memory_space<semaphore_mem>>
      %dma_start3A = arith.constant 0 : i32
      %dma_start3A_48 = arith.constant 0 : i32
      %dma_start3A_49 = tpu.memref_slice %arg4[%add3A_30, %dma_start3A, %dma_start3A_48] : memref<4x10240x128xf32, #tpu.memory_space<hbm>> -> memref<1x10240x128xf32, #tpu.memory_space<hbm>>
      %dma_start3A_50 = tpu.memref_squeeze %dma_start3A_49 : memref<1x10240x128xf32, #tpu.memory_space<hbm>> -> memref<10240x128xf32, #tpu.memory_space<hbm>>
      %dma_start3A_51 = arith.constant 0 : i32
      %dma_start3A_52 = tpu.memref_slice %dma_start3A_50[%mul3A_46, %dma_start3A_51] : memref<10240x128xf32, #tpu.memory_space<hbm>> -> memref<640x128xf32, #tpu.memory_space<hbm>>
      %dma_start3A_53 = arith.constant 0 : i32
      %dma_start3A_54 = tpu.memref_slice %arg5[%mul3A_44, %dma_start3A_53] : memref<10240x128xf32, #tpu.memory_space<vmem_shared>> -> memref<640x128xf32, #tpu.memory_space<vmem_shared>>
      tpu.enqueue_dma source(%dma_start3A_54 : memref<640x128xf32, #tpu.memory_space<vmem_shared>>) target(%dma_start3A_52 : memref<640x128xf32, #tpu.memory_space<hbm>>) target_semaphore(%run_scoped3A : memref<!tpu.dma_semaphore, #tpu.memory_space<semaphore_mem>>)
      %dma_wait3A = arith.constant 0 : i32
      %dma_wait3A_55 = arith.constant 0 : i32
      %dma_wait3A_56 = tpu.memref_slice %arg4[%add3A_30, %dma_wait3A, %dma_wait3A_55] : memref<4x10240x128xf32, #tpu.memory_space<hbm>> -> memref<1x10240x128xf32, #tpu.memory_space<hbm>>
      %dma_wait3A_57 = tpu.memref_squeeze %dma_wait3A_56 : memref<1x10240x128xf32, #tpu.memory_space<hbm>> -> memref<10240x128xf32, #tpu.memory_space<hbm>>
      %dma_wait3A_58 = arith.constant 0 : i32
      %dma_wait3A_59 = tpu.memref_slice %dma_wait3A_57[%mul3A_46, %dma_wait3A_58] : memref<10240x128xf32, #tpu.memory_space<hbm>> -> memref<640x128xf32, #tpu.memory_space<hbm>>
      %dma_wait3A_60 = arith.constant 0 : i32
      %dma_wait3A_61 = tpu.memref_slice %arg5[%mul3A_44, %dma_wait3A_60] : memref<10240x128xf32, #tpu.memory_space<vmem_shared>> -> memref<640x128xf32, #tpu.memory_space<vmem_shared>>
      tpu.wait_dma2 semaphore(%run_scoped3A : memref<!tpu.dma_semaphore, #tpu.memory_space<semaphore_mem>>) src(%dma_wait3A_61 : memref<640x128xf32, #tpu.memory_space<vmem_shared>>) dst(%dma_wait3A_59 : memref<640x128xf32, #tpu.memory_space<hbm>>)
      tpu.yield
    }) : () -> ()
    %barrier3A_47 = arith.constant 0 : index
    tpu.barrier barrier_id(%barrier3A_47)
    return
  }
}

#map = affine_map<(d0, d1) -> (0, 0, 0)>
#map1 = affine_map<(d0, d1) -> (0)>
#map2 = affine_map<(d0, d1) -> (0, 0)>
module attributes {stable_mosaic.version = 14 : i64} {
  func.func @k(%arg0: i32, %arg1: i32, %arg2: memref<4x10240x128xf32, #tpu.memory_space<hbm>>, %arg3: memref<4x10240x128xf32, #tpu.memory_space<hbm>>, %arg4: memref<163840xi32, #tpu.memory_space<hbm>>, %arg5: memref<163840xi32, #tpu.memory_space<hbm>>, %arg6: memref<4x655360xf32, #tpu.memory_space<hbm>>, %arg7: memref<256xi32, #tpu.memory_space<vmem>>, %arg8: memref<256xi32, #tpu.memory_space<vmem>>, %arg9: memref<256x128xf32, #tpu.memory_space<vmem>>, %arg10: memref<256x128xf32, #tpu.memory_space<vmem>>, %arg11: memref<1024xf32, #tpu.memory_space<vmem>>, %arg12: memref<!tpu.dma_semaphore, #tpu.memory_space<semaphore_mem>>, %arg13: memref<!tpu.dma_semaphore, #tpu.memory_space<semaphore_mem>>) attributes {dimension_semantics = [#tpu.dimension_semantics<core_parallel>, #tpu.dimension_semantics<subcore_parallel>], iteration_bounds = array<i64: 2, 16>, scalar_prefetch = 0 : i64, scratch_operands = 7 : i64, tpu.core_type = #tpu.core_type<sc_vector_subcore>, window_params = [{transform_indices = #map}, {transform_indices = #map}, {transform_indices = #map1}, {transform_indices = #map1}, {transform_indices = #map2}]} {
    %mul3A = arith.constant 16 : i32
    %mul3A_0 = arith.muli %arg0, %mul3A : i32
    %add3A = arith.addi %mul3A_0, %arg1 : i32
    %scan3A = arith.constant 0 : i32
    %scan3A_1 = arith.constant 20 : i32
    %scan3A_2 = arith.addi %scan3A, %scan3A_1 : i32
    %scan3A_3 = arith.constant 1 : i32
    scf.for %scan3A_20 = %scan3A to %scan3A_2 step %scan3A_3  : i32 {
      %mul3A_21 = arith.constant 1 : i32
      %mul3A_22 = arith.muli %scan3A_20, %mul3A_21 : i32
      %add3A_23 = arith.constant 0 : i32
      %add3A_24 = arith.addi %add3A_23, %mul3A_22 : i32
      %mul3A_25 = arith.constant 5120 : i32
      %mul3A_26 = arith.muli %add3A, %mul3A_25 : i32
      %mul3A_27 = arith.constant 256 : i32
      %mul3A_28 = arith.muli %add3A_24, %mul3A_27 : i32
      %add3A_29 = arith.addi %mul3A_26, %mul3A_28 : i32
      %dma_start3A = tpu.memref_slice %arg5[%add3A_29] : memref<163840xi32, #tpu.memory_space<hbm>> -> memref<256xi32, #tpu.memory_space<hbm>>
      %dma_start3A_30 = tpu.memref_slice %arg5[%add3A_29] : memref<163840xi32, #tpu.memory_space<hbm>> -> memref<256xi32, #tpu.memory_space<hbm>>
      tpu.enqueue_dma source(%dma_start3A_30 : memref<256xi32, #tpu.memory_space<hbm>>) target(%arg8 : memref<256xi32, #tpu.memory_space<vmem>>) target_semaphore(%arg12 : memref<!tpu.dma_semaphore, #tpu.memory_space<semaphore_mem>>)
      %dma_start3A_31 = tpu.memref_slice %arg4[%add3A_29] : memref<163840xi32, #tpu.memory_space<hbm>> -> memref<256xi32, #tpu.memory_space<hbm>>
      %dma_start3A_32 = tpu.memref_slice %arg4[%add3A_29] : memref<163840xi32, #tpu.memory_space<hbm>> -> memref<256xi32, #tpu.memory_space<hbm>>
      tpu.enqueue_dma source(%dma_start3A_32 : memref<256xi32, #tpu.memory_space<hbm>>) target(%arg7 : memref<256xi32, #tpu.memory_space<vmem>>) target_semaphore(%arg13 : memref<!tpu.dma_semaphore, #tpu.memory_space<semaphore_mem>>)
      %dma_wait3A = tpu.memref_slice %arg5[%add3A_29] : memref<163840xi32, #tpu.memory_space<hbm>> -> memref<256xi32, #tpu.memory_space<hbm>>
      %dma_wait3A_33 = tpu.memref_slice %arg5[%add3A_29] : memref<163840xi32, #tpu.memory_space<hbm>> -> memref<256xi32, #tpu.memory_space<hbm>>
      tpu.wait_dma2 semaphore(%arg12 : memref<!tpu.dma_semaphore, #tpu.memory_space<semaphore_mem>>) src(%dma_wait3A_33 : memref<256xi32, #tpu.memory_space<hbm>>) dst(%arg8 : memref<256xi32, #tpu.memory_space<vmem>>)
      %dma_wait3A_34 = tpu.memref_slice %arg4[%add3A_29] : memref<163840xi32, #tpu.memory_space<hbm>> -> memref<256xi32, #tpu.memory_space<hbm>>
      %dma_wait3A_35 = tpu.memref_slice %arg4[%add3A_29] : memref<163840xi32, #tpu.memory_space<hbm>> -> memref<256xi32, #tpu.memory_space<hbm>>
      tpu.wait_dma2 semaphore(%arg13 : memref<!tpu.dma_semaphore, #tpu.memory_space<semaphore_mem>>) src(%dma_wait3A_35 : memref<256xi32, #tpu.memory_space<hbm>>) dst(%arg7 : memref<256xi32, #tpu.memory_space<vmem>>)
      %dma_start3A_36 = arith.constant 0 : i32
      %dma_start3A_37 = arith.constant 0 : i32
      %dma_start3A_38 = arith.constant 0 : i32
      %dma_start3A_39 = tpu.memref_slice %arg2[%dma_start3A_36, %dma_start3A_37, %dma_start3A_38] : memref<4x10240x128xf32, #tpu.memory_space<hbm>> -> memref<1x10240x128xf32, #tpu.memory_space<hbm>>
      %dma_start3A_40 = tpu.memref_squeeze %dma_start3A_39 : memref<1x10240x128xf32, #tpu.memory_space<hbm>> -> memref<10240x128xf32, #tpu.memory_space<hbm>>
      %dma_start3A_41 = arith.constant 0 : i32
      %dma_start3A_42 = arith.constant 0 : i32
      %dma_start3A_43 = tpu.memref_slice %dma_start3A_40[%dma_start3A_41, %dma_start3A_42] : memref<10240x128xf32, #tpu.memory_space<hbm>> -> memref<10240x128xf32, #tpu.memory_space<hbm>>
      tpu.enqueue_indirect_dma source(%dma_start3A_43 : memref<10240x128xf32, #tpu.memory_space<hbm>>) target(%arg9 : memref<256x128xf32, #tpu.memory_space<vmem>>) offsets(%arg8 : memref<256xi32, #tpu.memory_space<vmem>>) semaphore(%arg12 : memref<!tpu.dma_semaphore, #tpu.memory_space<semaphore_mem>>)
      %dma_start3A_44 = arith.constant 0 : i32
      %dma_start3A_45 = arith.constant 0 : i32
      %dma_start3A_46 = arith.constant 0 : i32
      %dma_start3A_47 = tpu.memref_slice %arg3[%dma_start3A_44, %dma_start3A_45, %dma_start3A_46] : memref<4x10240x128xf32, #tpu.memory_space<hbm>> -> memref<1x10240x128xf32, #tpu.memory_space<hbm>>
      %dma_start3A_48 = tpu.memref_squeeze %dma_start3A_47 : memref<1x10240x128xf32, #tpu.memory_space<hbm>> -> memref<10240x128xf32, #tpu.memory_space<hbm>>
      %dma_start3A_49 = arith.constant 0 : i32
      %dma_start3A_50 = arith.constant 0 : i32
      %dma_start3A_51 = tpu.memref_slice %dma_start3A_48[%dma_start3A_49, %dma_start3A_50] : memref<10240x128xf32, #tpu.memory_space<hbm>> -> memref<10240x128xf32, #tpu.memory_space<hbm>>
      tpu.enqueue_indirect_dma source(%dma_start3A_51 : memref<10240x128xf32, #tpu.memory_space<hbm>>) target(%arg10 : memref<256x128xf32, #tpu.memory_space<vmem>>) offsets(%arg7 : memref<256xi32, #tpu.memory_space<vmem>>) semaphore(%arg13 : memref<!tpu.dma_semaphore, #tpu.memory_space<semaphore_mem>>)
      %dma_wait3A_52 = arith.constant 0 : i32
      %dma_wait3A_53 = arith.constant 0 : i32
      %dma_wait3A_54 = arith.constant 0 : i32
      %dma_wait3A_55 = tpu.memref_slice %arg2[%dma_wait3A_52, %dma_wait3A_53, %dma_wait3A_54] : memref<4x10240x128xf32, #tpu.memory_space<hbm>> -> memref<1x10240x128xf32, #tpu.memory_space<hbm>>
      %dma_wait3A_56 = tpu.memref_squeeze %dma_wait3A_55 : memref<1x10240x128xf32, #tpu.memory_space<hbm>> -> memref<10240x128xf32, #tpu.memory_space<hbm>>
      %dma_wait3A_57 = arith.constant 0 : i32
      %dma_wait3A_58 = arith.constant 0 : i32
      %dma_wait3A_59 = tpu.memref_slice %dma_wait3A_56[%dma_wait3A_57, %dma_wait3A_58] : memref<10240x128xf32, #tpu.memory_space<hbm>> -> memref<10240x128xf32, #tpu.memory_space<hbm>>
      tpu.wait_indirect_dma semaphore(%arg12 : memref<!tpu.dma_semaphore, #tpu.memory_space<semaphore_mem>>) src(%dma_wait3A_59 : memref<10240x128xf32, #tpu.memory_space<hbm>>) dst(%arg9 : memref<256x128xf32, #tpu.memory_space<vmem>>)
      %dma_wait3A_60 = arith.constant 0 : i32
      %dma_wait3A_61 = arith.constant 0 : i32
      %dma_wait3A_62 = arith.constant 0 : i32
      %dma_wait3A_63 = tpu.memref_slice %arg3[%dma_wait3A_60, %dma_wait3A_61, %dma_wait3A_62] : memref<4x10240x128xf32, #tpu.memory_space<hbm>> -> memref<1x10240x128xf32, #tpu.memory_space<hbm>>
      %dma_wait3A_64 = tpu.memref_squeeze %dma_wait3A_63 : memref<1x10240x128xf32, #tpu.memory_space<hbm>> -> memref<10240x128xf32, #tpu.memory_space<hbm>>
      %dma_wait3A_65 = arith.constant 0 : i32
      %dma_wait3A_66 = arith.constant 0 : i32
      %dma_wait3A_67 = tpu.memref_slice %dma_wait3A_64[%dma_wait3A_65, %dma_wait3A_66] : memref<10240x128xf32, #tpu.memory_space<hbm>> -> memref<10240x128xf32, #tpu.memory_space<hbm>>
      tpu.wait_indirect_dma semaphore(%arg13 : memref<!tpu.dma_semaphore, #tpu.memory_space<semaphore_mem>>) src(%dma_wait3A_67 : memref<10240x128xf32, #tpu.memory_space<hbm>>) dst(%arg10 : memref<256x128xf32, #tpu.memory_space<vmem>>)
      %iota3A = tpu.iota {dimensions = array<i32: 0>} : vector<16xi32>
      %eq3A = arith.constant 0 : i32
      %eq3A_68 = vector.broadcast %eq3A : i32 to vector<16xi32>
      %eq3A_69 = arith.cmpi eq, %iota3A, %eq3A_68 : vector<16xi32>
      %scan3A_70 = arith.constant 0 : i32
      %scan3A_71 = arith.constant 256 : i32
      %scan3A_72 = arith.addi %scan3A_70, %scan3A_71 : i32
      %scan3A_73 = arith.constant 1 : i32
      scf.for %scan3A_77 = %scan3A_70 to %scan3A_72 step %scan3A_73  : i32 {
        %mul3A_78 = arith.constant 1 : i32
        %mul3A_79 = arith.muli %scan3A_77, %mul3A_78 : i32
        %add3A_80 = arith.constant 0 : i32
        %add3A_81 = arith.addi %add3A_80, %mul3A_79 : i32
        %get3A = arith.index_cast %add3A_81 : i32 to index
        %get3A_82 = arith.constant 0 : index
        %get3A_83 = tpu.vector_load %arg9[%get3A, %get3A_82] {strides = array<i32>} : memref<256x128xf32, #tpu.memory_space<vmem>>, vector<16xf32>,
        %get3A_84 = arith.index_cast %add3A_81 : i32 to index
        %get3A_85 = arith.constant 0 : index
        %get3A_86 = tpu.vector_load %arg10[%get3A_84, %get3A_85] {strides = array<i32>} : memref<256x128xf32, #tpu.memory_space<vmem>>, vector<16xf32>,
        %mul3A_87 = arith.mulf %get3A_83, %get3A_86 : vector<16xf32>
        %get3A_88 = arith.index_cast %add3A_81 : i32 to index
        %get3A_89 = arith.constant 16 : index
        %get3A_90 = tpu.vector_load %arg9[%get3A_88, %get3A_89] {strides = array<i32>} : memref<256x128xf32, #tpu.memory_space<vmem>>, vector<16xf32>,
        %get3A_91 = arith.index_cast %add3A_81 : i32 to index
        %get3A_92 = arith.constant 16 : index
        %get3A_93 = tpu.vector_load %arg10[%get3A_91, %get3A_92] {strides = array<i32>} : memref<256x128xf32, #tpu.memory_space<vmem>>, vector<16xf32>,
        %mul3A_94 = arith.mulf %get3A_90, %get3A_93 : vector<16xf32>
        %add3A_95 = arith.addf %mul3A_87, %mul3A_94 : vector<16xf32>
        %reduce_sum3A = arith.constant true
        %reduce_sum3A_96 = vector.broadcast %reduce_sum3A : i1 to vector<16xi1>
        %reduce_sum3A_97 = tpu.scan <sum>, %add3A_95 masked %reduce_sum3A_96 : vector<16xf32>, vector<16xi1> -> vector<16xf32>
        %reduce_sum3A_98 = vector.extract %reduce_sum3A_97[15] : f32 from vector<16xf32>
        %broadcast_in_dim3A = vector.broadcast %reduce_sum3A_98 : f32 to vector<16xf32>
        %mul3A_99 = arith.constant 4 : i32
        %mul3A_100 = arith.muli %add3A_81, %mul3A_99 : i32
        %add3A_101 = arith.constant 0 : i32
        %add3A_102 = arith.addi %mul3A_100, %add3A_101 : i32
        %broadcast_in_dim3A_103 = vector.broadcast %add3A_102 : i32 to vector<16xi32>
        tpu.vector_store_idx %arg11[%broadcast_in_dim3A_103], %broadcast_in_dim3A masked %eq3A_69 : memref<1024xf32, #tpu.memory_space<vmem>>[vector<16xi32>], vector<16xf32>, vector<16xi1>
        %get3A_104 = arith.index_cast %add3A_81 : i32 to index
        %get3A_105 = arith.constant 32 : index
        %get3A_106 = tpu.vector_load %arg9[%get3A_104, %get3A_105] {strides = array<i32>} : memref<256x128xf32, #tpu.memory_space<vmem>>, vector<16xf32>,
        %get3A_107 = arith.index_cast %add3A_81 : i32 to index
        %get3A_108 = arith.constant 32 : index
        %get3A_109 = tpu.vector_load %arg10[%get3A_107, %get3A_108] {strides = array<i32>} : memref<256x128xf32, #tpu.memory_space<vmem>>, vector<16xf32>,
        %mul3A_110 = arith.mulf %get3A_106, %get3A_109 : vector<16xf32>
        %get3A_111 = arith.index_cast %add3A_81 : i32 to index
        %get3A_112 = arith.constant 48 : index
        %get3A_113 = tpu.vector_load %arg9[%get3A_111, %get3A_112] {strides = array<i32>} : memref<256x128xf32, #tpu.memory_space<vmem>>, vector<16xf32>,
        %get3A_114 = arith.index_cast %add3A_81 : i32 to index
        %get3A_115 = arith.constant 48 : index
        %get3A_116 = tpu.vector_load %arg10[%get3A_114, %get3A_115] {strides = array<i32>} : memref<256x128xf32, #tpu.memory_space<vmem>>, vector<16xf32>,
        %mul3A_117 = arith.mulf %get3A_113, %get3A_116 : vector<16xf32>
        %add3A_118 = arith.addf %mul3A_110, %mul3A_117 : vector<16xf32>
        %reduce_sum3A_119 = arith.constant true
        %reduce_sum3A_120 = vector.broadcast %reduce_sum3A_119 : i1 to vector<16xi1>
        %reduce_sum3A_121 = tpu.scan <sum>, %add3A_118 masked %reduce_sum3A_120 : vector<16xf32>, vector<16xi1> -> vector<16xf32>
        %reduce_sum3A_122 = vector.extract %reduce_sum3A_121[15] : f32 from vector<16xf32>
        %broadcast_in_dim3A_123 = vector.broadcast %reduce_sum3A_122 : f32 to vector<16xf32>
        %mul3A_124 = arith.constant 4 : i32
        %mul3A_125 = arith.muli %add3A_81, %mul3A_124 : i32
        %add3A_126 = arith.constant 1 : i32
        %add3A_127 = arith.addi %mul3A_125, %add3A_126 : i32
        %broadcast_in_dim3A_128 = vector.broadcast %add3A_127 : i32 to vector<16xi32>
        tpu.vector_store_idx %arg11[%broadcast_in_dim3A_128], %broadcast_in_dim3A_123 masked %eq3A_69 : memref<1024xf32, #tpu.memory_space<vmem>>[vector<16xi32>], vector<16xf32>, vector<16xi1>
        %get3A_129 = arith.index_cast %add3A_81 : i32 to index
        %get3A_130 = arith.constant 64 : index
        %get3A_131 = tpu.vector_load %arg9[%get3A_129, %get3A_130] {strides = array<i32>} : memref<256x128xf32, #tpu.memory_space<vmem>>, vector<16xf32>,
        %get3A_132 = arith.index_cast %add3A_81 : i32 to index
        %get3A_133 = arith.constant 64 : index
        %get3A_134 = tpu.vector_load %arg10[%get3A_132, %get3A_133] {strides = array<i32>} : memref<256x128xf32, #tpu.memory_space<vmem>>, vector<16xf32>,
        %mul3A_135 = arith.mulf %get3A_131, %get3A_134 : vector<16xf32>
        %get3A_136 = arith.index_cast %add3A_81 : i32 to index
        %get3A_137 = arith.constant 80 : index
        %get3A_138 = tpu.vector_load %arg9[%get3A_136, %get3A_137] {strides = array<i32>} : memref<256x128xf32, #tpu.memory_space<vmem>>, vector<16xf32>,
        %get3A_139 = arith.index_cast %add3A_81 : i32 to index
        %get3A_140 = arith.constant 80 : index
        %get3A_141 = tpu.vector_load %arg10[%get3A_139, %get3A_140] {strides = array<i32>} : memref<256x128xf32, #tpu.memory_space<vmem>>, vector<16xf32>,
        %mul3A_142 = arith.mulf %get3A_138, %get3A_141 : vector<16xf32>
        %add3A_143 = arith.addf %mul3A_135, %mul3A_142 : vector<16xf32>
        %reduce_sum3A_144 = arith.constant true
        %reduce_sum3A_145 = vector.broadcast %reduce_sum3A_144 : i1 to vector<16xi1>
        %reduce_sum3A_146 = tpu.scan <sum>, %add3A_143 masked %reduce_sum3A_145 : vector<16xf32>, vector<16xi1> -> vector<16xf32>
        %reduce_sum3A_147 = vector.extract %reduce_sum3A_146[15] : f32 from vector<16xf32>
        %broadcast_in_dim3A_148 = vector.broadcast %reduce_sum3A_147 : f32 to vector<16xf32>
        %mul3A_149 = arith.constant 4 : i32
        %mul3A_150 = arith.muli %add3A_81, %mul3A_149 : i32
        %add3A_151 = arith.constant 2 : i32
        %add3A_152 = arith.addi %mul3A_150, %add3A_151 : i32
        %broadcast_in_dim3A_153 = vector.broadcast %add3A_152 : i32 to vector<16xi32>
        tpu.vector_store_idx %arg11[%broadcast_in_dim3A_153], %broadcast_in_dim3A_148 masked %eq3A_69 : memref<1024xf32, #tpu.memory_space<vmem>>[vector<16xi32>], vector<16xf32>, vector<16xi1>
        %get3A_154 = arith.index_cast %add3A_81 : i32 to index
        %get3A_155 = arith.constant 96 : index
        %get3A_156 = tpu.vector_load %arg9[%get3A_154, %get3A_155] {strides = array<i32>} : memref<256x128xf32, #tpu.memory_space<vmem>>, vector<16xf32>,
        %get3A_157 = arith.index_cast %add3A_81 : i32 to index
        %get3A_158 = arith.constant 96 : index
        %get3A_159 = tpu.vector_load %arg10[%get3A_157, %get3A_158] {strides = array<i32>} : memref<256x128xf32, #tpu.memory_space<vmem>>, vector<16xf32>,
        %mul3A_160 = arith.mulf %get3A_156, %get3A_159 : vector<16xf32>
        %get3A_161 = arith.index_cast %add3A_81 : i32 to index
        %get3A_162 = arith.constant 112 : index
        %get3A_163 = tpu.vector_load %arg9[%get3A_161, %get3A_162] {strides = array<i32>} : memref<256x128xf32, #tpu.memory_space<vmem>>, vector<16xf32>,
        %get3A_164 = arith.index_cast %add3A_81 : i32 to index
        %get3A_165 = arith.constant 112 : index
        %get3A_166 = tpu.vector_load %arg10[%get3A_164, %get3A_165] {strides = array<i32>} : memref<256x128xf32, #tpu.memory_space<vmem>>, vector<16xf32>,
        %mul3A_167 = arith.mulf %get3A_163, %get3A_166 : vector<16xf32>
        %add3A_168 = arith.addf %mul3A_160, %mul3A_167 : vector<16xf32>
        %reduce_sum3A_169 = arith.constant true
        %reduce_sum3A_170 = vector.broadcast %reduce_sum3A_169 : i1 to vector<16xi1>
        %reduce_sum3A_171 = tpu.scan <sum>, %add3A_168 masked %reduce_sum3A_170 : vector<16xf32>, vector<16xi1> -> vector<16xf32>
        %reduce_sum3A_172 = vector.extract %reduce_sum3A_171[15] : f32 from vector<16xf32>
        %broadcast_in_dim3A_173 = vector.broadcast %reduce_sum3A_172 : f32 to vector<16xf32>
        %mul3A_174 = arith.constant 4 : i32
        %mul3A_175 = arith.muli %add3A_81, %mul3A_174 : i32
        %add3A_176 = arith.constant 3 : i32
        %add3A_177 = arith.addi %mul3A_175, %add3A_176 : i32
        %broadcast_in_dim3A_178 = vector.broadcast %add3A_177 : i32 to vector<16xi32>
        tpu.vector_store_idx %arg11[%broadcast_in_dim3A_178], %broadcast_in_dim3A_173 masked %eq3A_69 : memref<1024xf32, #tpu.memory_space<vmem>>[vector<16xi32>], vector<16xf32>, vector<16xi1>
      }
      %scan3A_74 = arith.constant 256 : i32
      %mul3A_75 = arith.constant 4 : i32
      %mul3A_76 = arith.muli %add3A_29, %mul3A_75 : i32
      %run_scoped3A = arith.constant 0 : i32
      "tpu.region"() ({
        %run_scoped3A_77 = tpu.sem_alloc : memref<!tpu.dma_semaphore, #tpu.memory_space<semaphore_mem>>
        %dma_start3A_78 = arith.constant 0 : i32
        %dma_start3A_79 = tpu.memref_slice %arg6[%run_scoped3A, %dma_start3A_78] : memref<4x655360xf32, #tpu.memory_space<hbm>> -> memref<1x655360xf32, #tpu.memory_space<hbm>>
        %dma_start3A_80 = tpu.memref_squeeze %dma_start3A_79 : memref<1x655360xf32, #tpu.memory_space<hbm>> -> memref<655360xf32, #tpu.memory_space<hbm>>
        %dma_start3A_81 = tpu.memref_slice %dma_start3A_80[%mul3A_76] : memref<655360xf32, #tpu.memory_space<hbm>> -> memref<1024xf32, #tpu.memory_space<hbm>>
        %dma_start3A_82 = arith.constant 0 : i32
        %dma_start3A_83 = tpu.memref_slice %arg6[%run_scoped3A, %dma_start3A_82] : memref<4x655360xf32, #tpu.memory_space<hbm>> -> memref<1x655360xf32, #tpu.memory_space<hbm>>
        %dma_start3A_84 = tpu.memref_squeeze %dma_start3A_83 : memref<1x655360xf32, #tpu.memory_space<hbm>> -> memref<655360xf32, #tpu.memory_space<hbm>>
        %dma_start3A_85 = tpu.memref_slice %dma_start3A_84[%mul3A_76] : memref<655360xf32, #tpu.memory_space<hbm>> -> memref<1024xf32, #tpu.memory_space<hbm>>
        tpu.enqueue_dma source(%arg11 : memref<1024xf32, #tpu.memory_space<vmem>>) target(%dma_start3A_85 : memref<1024xf32, #tpu.memory_space<hbm>>) target_semaphore(%run_scoped3A_77 : memref<!tpu.dma_semaphore, #tpu.memory_space<semaphore_mem>>)
        %dma_wait3A_86 = arith.constant 0 : i32
        %dma_wait3A_87 = tpu.memref_slice %arg6[%run_scoped3A, %dma_wait3A_86] : memref<4x655360xf32, #tpu.memory_space<hbm>> -> memref<1x655360xf32, #tpu.memory_space<hbm>>
        %dma_wait3A_88 = tpu.memref_squeeze %dma_wait3A_87 : memref<1x655360xf32, #tpu.memory_space<hbm>> -> memref<655360xf32, #tpu.memory_space<hbm>>
        %dma_wait3A_89 = tpu.memref_slice %dma_wait3A_88[%mul3A_76] : memref<655360xf32, #tpu.memory_space<hbm>> -> memref<1024xf32, #tpu.memory_space<hbm>>
        %dma_wait3A_90 = arith.constant 0 : i32
        %dma_wait3A_91 = tpu.memref_slice %arg6[%run_scoped3A, %dma_wait3A_90] : memref<4x655360xf32, #tpu.memory_space<hbm>> -> memref<1x655360xf32, #tpu.memory_space<hbm>>
        %dma_wait3A_92 = tpu.memref_squeeze %dma_wait3A_91 : memref<1x655360xf32, #tpu.memory_space<hbm>> -> memref<655360xf32, #tpu.memory_space<hbm>>
        %dma_wait3A_93 = tpu.memref_slice %dma_wait3A_92[%mul3A_76] : memref<655360xf32, #tpu.memory_space<hbm>> -> memref<1024xf32, #tpu.memory_space<hbm>>
        tpu.wait_dma2 semaphore(%run_scoped3A_77 : memref<!tpu.dma_semaphore, #tpu.memory_space<semaphore_mem>>) src(%arg11 : memref<1024xf32, #tpu.memory_space<vmem>>) dst(%dma_wait3A_93 : memref<1024xf32, #tpu.memory_space<hbm>>)
        tpu.yield
      }) : () -> ()
    }
    %scan3A_4 = arith.constant 20 : i32
    %scan3A_5 = arith.constant 0 : i32
    %scan3A_6 = arith.constant 20 : i32
    %scan3A_7 = arith.addi %scan3A_5, %scan3A_6 : i32
    %scan3A_8 = arith.constant 1 : i32
    scf.for %scan3A_20 = %scan3A_5 to %scan3A_7 step %scan3A_8  : i32 {
      %mul3A_21 = arith.constant 1 : i32
      %mul3A_22 = arith.muli %scan3A_20, %mul3A_21 : i32
      %add3A_23 = arith.constant 0 : i32
      %add3A_24 = arith.addi %add3A_23, %mul3A_22 : i32
      %mul3A_25 = arith.constant 5120 : i32
      %mul3A_26 = arith.muli %add3A, %mul3A_25 : i32
      %mul3A_27 = arith.constant 256 : i32
      %mul3A_28 = arith.muli %add3A_24, %mul3A_27 : i32
      %add3A_29 = arith.addi %mul3A_26, %mul3A_28 : i32
      %dma_start3A = tpu.memref_slice %arg5[%add3A_29] : memref<163840xi32, #tpu.memory_space<hbm>> -> memref<256xi32, #tpu.memory_space<hbm>>
      %dma_start3A_30 = tpu.memref_slice %arg5[%add3A_29] : memref<163840xi32, #tpu.memory_space<hbm>> -> memref<256xi32, #tpu.memory_space<hbm>>
      tpu.enqueue_dma source(%dma_start3A_30 : memref<256xi32, #tpu.memory_space<hbm>>) target(%arg8 : memref<256xi32, #tpu.memory_space<vmem>>) target_semaphore(%arg12 : memref<!tpu.dma_semaphore, #tpu.memory_space<semaphore_mem>>)
      %dma_start3A_31 = tpu.memref_slice %arg4[%add3A_29] : memref<163840xi32, #tpu.memory_space<hbm>> -> memref<256xi32, #tpu.memory_space<hbm>>
      %dma_start3A_32 = tpu.memref_slice %arg4[%add3A_29] : memref<163840xi32, #tpu.memory_space<hbm>> -> memref<256xi32, #tpu.memory_space<hbm>>
      tpu.enqueue_dma source(%dma_start3A_32 : memref<256xi32, #tpu.memory_space<hbm>>) target(%arg7 : memref<256xi32, #tpu.memory_space<vmem>>) target_semaphore(%arg13 : memref<!tpu.dma_semaphore, #tpu.memory_space<semaphore_mem>>)
      %dma_wait3A = tpu.memref_slice %arg5[%add3A_29] : memref<163840xi32, #tpu.memory_space<hbm>> -> memref<256xi32, #tpu.memory_space<hbm>>
      %dma_wait3A_33 = tpu.memref_slice %arg5[%add3A_29] : memref<163840xi32, #tpu.memory_space<hbm>> -> memref<256xi32, #tpu.memory_space<hbm>>
      tpu.wait_dma2 semaphore(%arg12 : memref<!tpu.dma_semaphore, #tpu.memory_space<semaphore_mem>>) src(%dma_wait3A_33 : memref<256xi32, #tpu.memory_space<hbm>>) dst(%arg8 : memref<256xi32, #tpu.memory_space<vmem>>)
      %dma_wait3A_34 = tpu.memref_slice %arg4[%add3A_29] : memref<163840xi32, #tpu.memory_space<hbm>> -> memref<256xi32, #tpu.memory_space<hbm>>
      %dma_wait3A_35 = tpu.memref_slice %arg4[%add3A_29] : memref<163840xi32, #tpu.memory_space<hbm>> -> memref<256xi32, #tpu.memory_space<hbm>>
      tpu.wait_dma2 semaphore(%arg13 : memref<!tpu.dma_semaphore, #tpu.memory_space<semaphore_mem>>) src(%dma_wait3A_35 : memref<256xi32, #tpu.memory_space<hbm>>) dst(%arg7 : memref<256xi32, #tpu.memory_space<vmem>>)
      %dma_start3A_36 = arith.constant 1 : i32
      %dma_start3A_37 = arith.constant 0 : i32
      %dma_start3A_38 = arith.constant 0 : i32
      %dma_start3A_39 = tpu.memref_slice %arg2[%dma_start3A_36, %dma_start3A_37, %dma_start3A_38] : memref<4x10240x128xf32, #tpu.memory_space<hbm>> -> memref<1x10240x128xf32, #tpu.memory_space<hbm>>
      %dma_start3A_40 = tpu.memref_squeeze %dma_start3A_39 : memref<1x10240x128xf32, #tpu.memory_space<hbm>> -> memref<10240x128xf32, #tpu.memory_space<hbm>>
      %dma_start3A_41 = arith.constant 0 : i32
      %dma_start3A_42 = arith.constant 0 : i32
      %dma_start3A_43 = tpu.memref_slice %dma_start3A_40[%dma_start3A_41, %dma_start3A_42] : memref<10240x128xf32, #tpu.memory_space<hbm>> -> memref<10240x128xf32, #tpu.memory_space<hbm>>
      tpu.enqueue_indirect_dma source(%dma_start3A_43 : memref<10240x128xf32, #tpu.memory_space<hbm>>) target(%arg9 : memref<256x128xf32, #tpu.memory_space<vmem>>) offsets(%arg8 : memref<256xi32, #tpu.memory_space<vmem>>) semaphore(%arg12 : memref<!tpu.dma_semaphore, #tpu.memory_space<semaphore_mem>>)
      %dma_start3A_44 = arith.constant 1 : i32
      %dma_start3A_45 = arith.constant 0 : i32
      %dma_start3A_46 = arith.constant 0 : i32
      %dma_start3A_47 = tpu.memref_slice %arg3[%dma_start3A_44, %dma_start3A_45, %dma_start3A_46] : memref<4x10240x128xf32, #tpu.memory_space<hbm>> -> memref<1x10240x128xf32, #tpu.memory_space<hbm>>
      %dma_start3A_48 = tpu.memref_squeeze %dma_start3A_47 : memref<1x10240x128xf32, #tpu.memory_space<hbm>> -> memref<10240x128xf32, #tpu.memory_space<hbm>>
      %dma_start3A_49 = arith.constant 0 : i32
      %dma_start3A_50 = arith.constant 0 : i32
      %dma_start3A_51 = tpu.memref_slice %dma_start3A_48[%dma_start3A_49, %dma_start3A_50] : memref<10240x128xf32, #tpu.memory_space<hbm>> -> memref<10240x128xf32, #tpu.memory_space<hbm>>
      tpu.enqueue_indirect_dma source(%dma_start3A_51 : memref<10240x128xf32, #tpu.memory_space<hbm>>) target(%arg10 : memref<256x128xf32, #tpu.memory_space<vmem>>) offsets(%arg7 : memref<256xi32, #tpu.memory_space<vmem>>) semaphore(%arg13 : memref<!tpu.dma_semaphore, #tpu.memory_space<semaphore_mem>>)
      %dma_wait3A_52 = arith.constant 1 : i32
      %dma_wait3A_53 = arith.constant 0 : i32
      %dma_wait3A_54 = arith.constant 0 : i32
      %dma_wait3A_55 = tpu.memref_slice %arg2[%dma_wait3A_52, %dma_wait3A_53, %dma_wait3A_54] : memref<4x10240x128xf32, #tpu.memory_space<hbm>> -> memref<1x10240x128xf32, #tpu.memory_space<hbm>>
      %dma_wait3A_56 = tpu.memref_squeeze %dma_wait3A_55 : memref<1x10240x128xf32, #tpu.memory_space<hbm>> -> memref<10240x128xf32, #tpu.memory_space<hbm>>
      %dma_wait3A_57 = arith.constant 0 : i32
      %dma_wait3A_58 = arith.constant 0 : i32
      %dma_wait3A_59 = tpu.memref_slice %dma_wait3A_56[%dma_wait3A_57, %dma_wait3A_58] : memref<10240x128xf32, #tpu.memory_space<hbm>> -> memref<10240x128xf32, #tpu.memory_space<hbm>>
      tpu.wait_indirect_dma semaphore(%arg12 : memref<!tpu.dma_semaphore, #tpu.memory_space<semaphore_mem>>) src(%dma_wait3A_59 : memref<10240x128xf32, #tpu.memory_space<hbm>>) dst(%arg9 : memref<256x128xf32, #tpu.memory_space<vmem>>)
      %dma_wait3A_60 = arith.constant 1 : i32
      %dma_wait3A_61 = arith.constant 0 : i32
      %dma_wait3A_62 = arith.constant 0 : i32
      %dma_wait3A_63 = tpu.memref_slice %arg3[%dma_wait3A_60, %dma_wait3A_61, %dma_wait3A_62] : memref<4x10240x128xf32, #tpu.memory_space<hbm>> -> memref<1x10240x128xf32, #tpu.memory_space<hbm>>
      %dma_wait3A_64 = tpu.memref_squeeze %dma_wait3A_63 : memref<1x10240x128xf32, #tpu.memory_space<hbm>> -> memref<10240x128xf32, #tpu.memory_space<hbm>>
      %dma_wait3A_65 = arith.constant 0 : i32
      %dma_wait3A_66 = arith.constant 0 : i32
      %dma_wait3A_67 = tpu.memref_slice %dma_wait3A_64[%dma_wait3A_65, %dma_wait3A_66] : memref<10240x128xf32, #tpu.memory_space<hbm>> -> memref<10240x128xf32, #tpu.memory_space<hbm>>
      tpu.wait_indirect_dma semaphore(%arg13 : memref<!tpu.dma_semaphore, #tpu.memory_space<semaphore_mem>>) src(%dma_wait3A_67 : memref<10240x128xf32, #tpu.memory_space<hbm>>) dst(%arg10 : memref<256x128xf32, #tpu.memory_space<vmem>>)
      %iota3A = tpu.iota {dimensions = array<i32: 0>} : vector<16xi32>
      %eq3A = arith.constant 0 : i32
      %eq3A_68 = vector.broadcast %eq3A : i32 to vector<16xi32>
      %eq3A_69 = arith.cmpi eq, %iota3A, %eq3A_68 : vector<16xi32>
      %scan3A_70 = arith.constant 0 : i32
      %scan3A_71 = arith.constant 256 : i32
      %scan3A_72 = arith.addi %scan3A_70, %scan3A_71 : i32
      %scan3A_73 = arith.constant 1 : i32
      scf.for %scan3A_77 = %scan3A_70 to %scan3A_72 step %scan3A_73  : i32 {
        %mul3A_78 = arith.constant 1 : i32
        %mul3A_79 = arith.muli %scan3A_77, %mul3A_78 : i32
        %add3A_80 = arith.constant 0 : i32
        %add3A_81 = arith.addi %add3A_80, %mul3A_79 : i32
        %get3A = arith.index_cast %add3A_81 : i32 to index
        %get3A_82 = arith.constant 0 : index
        %get3A_83 = tpu.vector_load %arg9[%get3A, %get3A_82] {strides = array<i32>} : memref<256x128xf32, #tpu.memory_space<vmem>>, vector<16xf32>,
        %get3A_84 = arith.index_cast %add3A_81 : i32 to index
        %get3A_85 = arith.constant 0 : index
        %get3A_86 = tpu.vector_load %arg10[%get3A_84, %get3A_85] {strides = array<i32>} : memref<256x128xf32, #tpu.memory_space<vmem>>, vector<16xf32>,
        %mul3A_87 = arith.mulf %get3A_83, %get3A_86 : vector<16xf32>
        %get3A_88 = arith.index_cast %add3A_81 : i32 to index
        %get3A_89 = arith.constant 16 : index
        %get3A_90 = tpu.vector_load %arg9[%get3A_88, %get3A_89] {strides = array<i32>} : memref<256x128xf32, #tpu.memory_space<vmem>>, vector<16xf32>,
        %get3A_91 = arith.index_cast %add3A_81 : i32 to index
        %get3A_92 = arith.constant 16 : index
        %get3A_93 = tpu.vector_load %arg10[%get3A_91, %get3A_92] {strides = array<i32>} : memref<256x128xf32, #tpu.memory_space<vmem>>, vector<16xf32>,
        %mul3A_94 = arith.mulf %get3A_90, %get3A_93 : vector<16xf32>
        %add3A_95 = arith.addf %mul3A_87, %mul3A_94 : vector<16xf32>
        %reduce_sum3A = arith.constant true
        %reduce_sum3A_96 = vector.broadcast %reduce_sum3A : i1 to vector<16xi1>
        %reduce_sum3A_97 = tpu.scan <sum>, %add3A_95 masked %reduce_sum3A_96 : vector<16xf32>, vector<16xi1> -> vector<16xf32>
        %reduce_sum3A_98 = vector.extract %reduce_sum3A_97[15] : f32 from vector<16xf32>
        %broadcast_in_dim3A = vector.broadcast %reduce_sum3A_98 : f32 to vector<16xf32>
        %mul3A_99 = arith.constant 4 : i32
        %mul3A_100 = arith.muli %add3A_81, %mul3A_99 : i32
        %add3A_101 = arith.constant 0 : i32
        %add3A_102 = arith.addi %mul3A_100, %add3A_101 : i32
        %broadcast_in_dim3A_103 = vector.broadcast %add3A_102 : i32 to vector<16xi32>
        tpu.vector_store_idx %arg11[%broadcast_in_dim3A_103], %broadcast_in_dim3A masked %eq3A_69 : memref<1024xf32, #tpu.memory_space<vmem>>[vector<16xi32>], vector<16xf32>, vector<16xi1>
        %get3A_104 = arith.index_cast %add3A_81 : i32 to index
        %get3A_105 = arith.constant 32 : index
        %get3A_106 = tpu.vector_load %arg9[%get3A_104, %get3A_105] {strides = array<i32>} : memref<256x128xf32, #tpu.memory_space<vmem>>, vector<16xf32>,
        %get3A_107 = arith.index_cast %add3A_81 : i32 to index
        %get3A_108 = arith.constant 32 : index
        %get3A_109 = tpu.vector_load %arg10[%get3A_107, %get3A_108] {strides = array<i32>} : memref<256x128xf32, #tpu.memory_space<vmem>>, vector<16xf32>,
        %mul3A_110 = arith.mulf %get3A_106, %get3A_109 : vector<16xf32>
        %get3A_111 = arith.index_cast %add3A_81 : i32 to index
        %get3A_112 = arith.constant 48 : index
        %get3A_113 = tpu.vector_load %arg9[%get3A_111, %get3A_112] {strides = array<i32>} : memref<256x128xf32, #tpu.memory_space<vmem>>, vector<16xf32>,
        %get3A_114 = arith.index_cast %add3A_81 : i32 to index
        %get3A_115 = arith.constant 48 : index
        %get3A_116 = tpu.vector_load %arg10[%get3A_114, %get3A_115] {strides = array<i32>} : memref<256x128xf32, #tpu.memory_space<vmem>>, vector<16xf32>,
        %mul3A_117 = arith.mulf %get3A_113, %get3A_116 : vector<16xf32>
        %add3A_118 = arith.addf %mul3A_110, %mul3A_117 : vector<16xf32>
        %reduce_sum3A_119 = arith.constant true
        %reduce_sum3A_120 = vector.broadcast %reduce_sum3A_119 : i1 to vector<16xi1>
        %reduce_sum3A_121 = tpu.scan <sum>, %add3A_118 masked %reduce_sum3A_120 : vector<16xf32>, vector<16xi1> -> vector<16xf32>
        %reduce_sum3A_122 = vector.extract %reduce_sum3A_121[15] : f32 from vector<16xf32>
        %broadcast_in_dim3A_123 = vector.broadcast %reduce_sum3A_122 : f32 to vector<16xf32>
        %mul3A_124 = arith.constant 4 : i32
        %mul3A_125 = arith.muli %add3A_81, %mul3A_124 : i32
        %add3A_126 = arith.constant 1 : i32
        %add3A_127 = arith.addi %mul3A_125, %add3A_126 : i32
        %broadcast_in_dim3A_128 = vector.broadcast %add3A_127 : i32 to vector<16xi32>
        tpu.vector_store_idx %arg11[%broadcast_in_dim3A_128], %broadcast_in_dim3A_123 masked %eq3A_69 : memref<1024xf32, #tpu.memory_space<vmem>>[vector<16xi32>], vector<16xf32>, vector<16xi1>
        %get3A_129 = arith.index_cast %add3A_81 : i32 to index
        %get3A_130 = arith.constant 64 : index
        %get3A_131 = tpu.vector_load %arg9[%get3A_129, %get3A_130] {strides = array<i32>} : memref<256x128xf32, #tpu.memory_space<vmem>>, vector<16xf32>,
        %get3A_132 = arith.index_cast %add3A_81 : i32 to index
        %get3A_133 = arith.constant 64 : index
        %get3A_134 = tpu.vector_load %arg10[%get3A_132, %get3A_133] {strides = array<i32>} : memref<256x128xf32, #tpu.memory_space<vmem>>, vector<16xf32>,
        %mul3A_135 = arith.mulf %get3A_131, %get3A_134 : vector<16xf32>
        %get3A_136 = arith.index_cast %add3A_81 : i32 to index
        %get3A_137 = arith.constant 80 : index
        %get3A_138 = tpu.vector_load %arg9[%get3A_136, %get3A_137] {strides = array<i32>} : memref<256x128xf32, #tpu.memory_space<vmem>>, vector<16xf32>,
        %get3A_139 = arith.index_cast %add3A_81 : i32 to index
        %get3A_140 = arith.constant 80 : index
        %get3A_141 = tpu.vector_load %arg10[%get3A_139, %get3A_140] {strides = array<i32>} : memref<256x128xf32, #tpu.memory_space<vmem>>, vector<16xf32>,
        %mul3A_142 = arith.mulf %get3A_138, %get3A_141 : vector<16xf32>
        %add3A_143 = arith.addf %mul3A_135, %mul3A_142 : vector<16xf32>
        %reduce_sum3A_144 = arith.constant true
        %reduce_sum3A_145 = vector.broadcast %reduce_sum3A_144 : i1 to vector<16xi1>
        %reduce_sum3A_146 = tpu.scan <sum>, %add3A_143 masked %reduce_sum3A_145 : vector<16xf32>, vector<16xi1> -> vector<16xf32>
        %reduce_sum3A_147 = vector.extract %reduce_sum3A_146[15] : f32 from vector<16xf32>
        %broadcast_in_dim3A_148 = vector.broadcast %reduce_sum3A_147 : f32 to vector<16xf32>
        %mul3A_149 = arith.constant 4 : i32
        %mul3A_150 = arith.muli %add3A_81, %mul3A_149 : i32
        %add3A_151 = arith.constant 2 : i32
        %add3A_152 = arith.addi %mul3A_150, %add3A_151 : i32
        %broadcast_in_dim3A_153 = vector.broadcast %add3A_152 : i32 to vector<16xi32>
        tpu.vector_store_idx %arg11[%broadcast_in_dim3A_153], %broadcast_in_dim3A_148 masked %eq3A_69 : memref<1024xf32, #tpu.memory_space<vmem>>[vector<16xi32>], vector<16xf32>, vector<16xi1>
        %get3A_154 = arith.index_cast %add3A_81 : i32 to index
        %get3A_155 = arith.constant 96 : index
        %get3A_156 = tpu.vector_load %arg9[%get3A_154, %get3A_155] {strides = array<i32>} : memref<256x128xf32, #tpu.memory_space<vmem>>, vector<16xf32>,
        %get3A_157 = arith.index_cast %add3A_81 : i32 to index
        %get3A_158 = arith.constant 96 : index
        %get3A_159 = tpu.vector_load %arg10[%get3A_157, %get3A_158] {strides = array<i32>} : memref<256x128xf32, #tpu.memory_space<vmem>>, vector<16xf32>,
        %mul3A_160 = arith.mulf %get3A_156, %get3A_159 : vector<16xf32>
        %get3A_161 = arith.index_cast %add3A_81 : i32 to index
        %get3A_162 = arith.constant 112 : index
        %get3A_163 = tpu.vector_load %arg9[%get3A_161, %get3A_162] {strides = array<i32>} : memref<256x128xf32, #tpu.memory_space<vmem>>, vector<16xf32>,
        %get3A_164 = arith.index_cast %add3A_81 : i32 to index
        %get3A_165 = arith.constant 112 : index
        %get3A_166 = tpu.vector_load %arg10[%get3A_164, %get3A_165] {strides = array<i32>} : memref<256x128xf32, #tpu.memory_space<vmem>>, vector<16xf32>,
        %mul3A_167 = arith.mulf %get3A_163, %get3A_166 : vector<16xf32>
        %add3A_168 = arith.addf %mul3A_160, %mul3A_167 : vector<16xf32>
        %reduce_sum3A_169 = arith.constant true
        %reduce_sum3A_170 = vector.broadcast %reduce_sum3A_169 : i1 to vector<16xi1>
        %reduce_sum3A_171 = tpu.scan <sum>, %add3A_168 masked %reduce_sum3A_170 : vector<16xf32>, vector<16xi1> -> vector<16xf32>
        %reduce_sum3A_172 = vector.extract %reduce_sum3A_171[15] : f32 from vector<16xf32>
        %broadcast_in_dim3A_173 = vector.broadcast %reduce_sum3A_172 : f32 to vector<16xf32>
        %mul3A_174 = arith.constant 4 : i32
        %mul3A_175 = arith.muli %add3A_81, %mul3A_174 : i32
        %add3A_176 = arith.constant 3 : i32
        %add3A_177 = arith.addi %mul3A_175, %add3A_176 : i32
        %broadcast_in_dim3A_178 = vector.broadcast %add3A_177 : i32 to vector<16xi32>
        tpu.vector_store_idx %arg11[%broadcast_in_dim3A_178], %broadcast_in_dim3A_173 masked %eq3A_69 : memref<1024xf32, #tpu.memory_space<vmem>>[vector<16xi32>], vector<16xf32>, vector<16xi1>
      }
      %scan3A_74 = arith.constant 256 : i32
      %mul3A_75 = arith.constant 4 : i32
      %mul3A_76 = arith.muli %add3A_29, %mul3A_75 : i32
      %run_scoped3A = arith.constant 1 : i32
      "tpu.region"() ({
        %run_scoped3A_77 = tpu.sem_alloc : memref<!tpu.dma_semaphore, #tpu.memory_space<semaphore_mem>>
        %dma_start3A_78 = arith.constant 0 : i32
        %dma_start3A_79 = tpu.memref_slice %arg6[%run_scoped3A, %dma_start3A_78] : memref<4x655360xf32, #tpu.memory_space<hbm>> -> memref<1x655360xf32, #tpu.memory_space<hbm>>
        %dma_start3A_80 = tpu.memref_squeeze %dma_start3A_79 : memref<1x655360xf32, #tpu.memory_space<hbm>> -> memref<655360xf32, #tpu.memory_space<hbm>>
        %dma_start3A_81 = tpu.memref_slice %dma_start3A_80[%mul3A_76] : memref<655360xf32, #tpu.memory_space<hbm>> -> memref<1024xf32, #tpu.memory_space<hbm>>
        %dma_start3A_82 = arith.constant 0 : i32
        %dma_start3A_83 = tpu.memref_slice %arg6[%run_scoped3A, %dma_start3A_82] : memref<4x655360xf32, #tpu.memory_space<hbm>> -> memref<1x655360xf32, #tpu.memory_space<hbm>>
        %dma_start3A_84 = tpu.memref_squeeze %dma_start3A_83 : memref<1x655360xf32, #tpu.memory_space<hbm>> -> memref<655360xf32, #tpu.memory_space<hbm>>
        %dma_start3A_85 = tpu.memref_slice %dma_start3A_84[%mul3A_76] : memref<655360xf32, #tpu.memory_space<hbm>> -> memref<1024xf32, #tpu.memory_space<hbm>>
        tpu.enqueue_dma source(%arg11 : memref<1024xf32, #tpu.memory_space<vmem>>) target(%dma_start3A_85 : memref<1024xf32, #tpu.memory_space<hbm>>) target_semaphore(%run_scoped3A_77 : memref<!tpu.dma_semaphore, #tpu.memory_space<semaphore_mem>>)
        %dma_wait3A_86 = arith.constant 0 : i32
        %dma_wait3A_87 = tpu.memref_slice %arg6[%run_scoped3A, %dma_wait3A_86] : memref<4x655360xf32, #tpu.memory_space<hbm>> -> memref<1x655360xf32, #tpu.memory_space<hbm>>
        %dma_wait3A_88 = tpu.memref_squeeze %dma_wait3A_87 : memref<1x655360xf32, #tpu.memory_space<hbm>> -> memref<655360xf32, #tpu.memory_space<hbm>>
        %dma_wait3A_89 = tpu.memref_slice %dma_wait3A_88[%mul3A_76] : memref<655360xf32, #tpu.memory_space<hbm>> -> memref<1024xf32, #tpu.memory_space<hbm>>
        %dma_wait3A_90 = arith.constant 0 : i32
        %dma_wait3A_91 = tpu.memref_slice %arg6[%run_scoped3A, %dma_wait3A_90] : memref<4x655360xf32, #tpu.memory_space<hbm>> -> memref<1x655360xf32, #tpu.memory_space<hbm>>
        %dma_wait3A_92 = tpu.memref_squeeze %dma_wait3A_91 : memref<1x655360xf32, #tpu.memory_space<hbm>> -> memref<655360xf32, #tpu.memory_space<hbm>>
        %dma_wait3A_93 = tpu.memref_slice %dma_wait3A_92[%mul3A_76] : memref<655360xf32, #tpu.memory_space<hbm>> -> memref<1024xf32, #tpu.memory_space<hbm>>
        tpu.wait_dma2 semaphore(%run_scoped3A_77 : memref<!tpu.dma_semaphore, #tpu.memory_space<semaphore_mem>>) src(%arg11 : memref<1024xf32, #tpu.memory_space<vmem>>) dst(%dma_wait3A_93 : memref<1024xf32, #tpu.memory_space<hbm>>)
        tpu.yield
      }) : () -> ()
    }
    %scan3A_9 = arith.constant 20 : i32
    %scan3A_10 = arith.constant 0 : i32
    %scan3A_11 = arith.constant 20 : i32
    %scan3A_12 = arith.addi %scan3A_10, %scan3A_11 : i32
    %scan3A_13 = arith.constant 1 : i32
    scf.for %scan3A_20 = %scan3A_10 to %scan3A_12 step %scan3A_13  : i32 {
      %mul3A_21 = arith.constant 1 : i32
      %mul3A_22 = arith.muli %scan3A_20, %mul3A_21 : i32
      %add3A_23 = arith.constant 0 : i32
      %add3A_24 = arith.addi %add3A_23, %mul3A_22 : i32
      %mul3A_25 = arith.constant 5120 : i32
      %mul3A_26 = arith.muli %add3A, %mul3A_25 : i32
      %mul3A_27 = arith.constant 256 : i32
      %mul3A_28 = arith.muli %add3A_24, %mul3A_27 : i32
      %add3A_29 = arith.addi %mul3A_26, %mul3A_28 : i32
      %dma_start3A = tpu.memref_slice %arg5[%add3A_29] : memref<163840xi32, #tpu.memory_space<hbm>> -> memref<256xi32, #tpu.memory_space<hbm>>
      %dma_start3A_30 = tpu.memref_slice %arg5[%add3A_29] : memref<163840xi32, #tpu.memory_space<hbm>> -> memref<256xi32, #tpu.memory_space<hbm>>
      tpu.enqueue_dma source(%dma_start3A_30 : memref<256xi32, #tpu.memory_space<hbm>>) target(%arg8 : memref<256xi32, #tpu.memory_space<vmem>>) target_semaphore(%arg12 : memref<!tpu.dma_semaphore, #tpu.memory_space<semaphore_mem>>)
      %dma_start3A_31 = tpu.memref_slice %arg4[%add3A_29] : memref<163840xi32, #tpu.memory_space<hbm>> -> memref<256xi32, #tpu.memory_space<hbm>>
      %dma_start3A_32 = tpu.memref_slice %arg4[%add3A_29] : memref<163840xi32, #tpu.memory_space<hbm>> -> memref<256xi32, #tpu.memory_space<hbm>>
      tpu.enqueue_dma source(%dma_start3A_32 : memref<256xi32, #tpu.memory_space<hbm>>) target(%arg7 : memref<256xi32, #tpu.memory_space<vmem>>) target_semaphore(%arg13 : memref<!tpu.dma_semaphore, #tpu.memory_space<semaphore_mem>>)
      %dma_wait3A = tpu.memref_slice %arg5[%add3A_29] : memref<163840xi32, #tpu.memory_space<hbm>> -> memref<256xi32, #tpu.memory_space<hbm>>
      %dma_wait3A_33 = tpu.memref_slice %arg5[%add3A_29] : memref<163840xi32, #tpu.memory_space<hbm>> -> memref<256xi32, #tpu.memory_space<hbm>>
      tpu.wait_dma2 semaphore(%arg12 : memref<!tpu.dma_semaphore, #tpu.memory_space<semaphore_mem>>) src(%dma_wait3A_33 : memref<256xi32, #tpu.memory_space<hbm>>) dst(%arg8 : memref<256xi32, #tpu.memory_space<vmem>>)
      %dma_wait3A_34 = tpu.memref_slice %arg4[%add3A_29] : memref<163840xi32, #tpu.memory_space<hbm>> -> memref<256xi32, #tpu.memory_space<hbm>>
      %dma_wait3A_35 = tpu.memref_slice %arg4[%add3A_29] : memref<163840xi32, #tpu.memory_space<hbm>> -> memref<256xi32, #tpu.memory_space<hbm>>
      tpu.wait_dma2 semaphore(%arg13 : memref<!tpu.dma_semaphore, #tpu.memory_space<semaphore_mem>>) src(%dma_wait3A_35 : memref<256xi32, #tpu.memory_space<hbm>>) dst(%arg7 : memref<256xi32, #tpu.memory_space<vmem>>)
      %dma_start3A_36 = arith.constant 2 : i32
      %dma_start3A_37 = arith.constant 0 : i32
      %dma_start3A_38 = arith.constant 0 : i32
      %dma_start3A_39 = tpu.memref_slice %arg2[%dma_start3A_36, %dma_start3A_37, %dma_start3A_38] : memref<4x10240x128xf32, #tpu.memory_space<hbm>> -> memref<1x10240x128xf32, #tpu.memory_space<hbm>>
      %dma_start3A_40 = tpu.memref_squeeze %dma_start3A_39 : memref<1x10240x128xf32, #tpu.memory_space<hbm>> -> memref<10240x128xf32, #tpu.memory_space<hbm>>
      %dma_start3A_41 = arith.constant 0 : i32
      %dma_start3A_42 = arith.constant 0 : i32
      %dma_start3A_43 = tpu.memref_slice %dma_start3A_40[%dma_start3A_41, %dma_start3A_42] : memref<10240x128xf32, #tpu.memory_space<hbm>> -> memref<10240x128xf32, #tpu.memory_space<hbm>>
      tpu.enqueue_indirect_dma source(%dma_start3A_43 : memref<10240x128xf32, #tpu.memory_space<hbm>>) target(%arg9 : memref<256x128xf32, #tpu.memory_space<vmem>>) offsets(%arg8 : memref<256xi32, #tpu.memory_space<vmem>>) semaphore(%arg12 : memref<!tpu.dma_semaphore, #tpu.memory_space<semaphore_mem>>)
      %dma_start3A_44 = arith.constant 2 : i32
      %dma_start3A_45 = arith.constant 0 : i32
      %dma_start3A_46 = arith.constant 0 : i32
      %dma_start3A_47 = tpu.memref_slice %arg3[%dma_start3A_44, %dma_start3A_45, %dma_start3A_46] : memref<4x10240x128xf32, #tpu.memory_space<hbm>> -> memref<1x10240x128xf32, #tpu.memory_space<hbm>>
      %dma_start3A_48 = tpu.memref_squeeze %dma_start3A_47 : memref<1x10240x128xf32, #tpu.memory_space<hbm>> -> memref<10240x128xf32, #tpu.memory_space<hbm>>
      %dma_start3A_49 = arith.constant 0 : i32
      %dma_start3A_50 = arith.constant 0 : i32
      %dma_start3A_51 = tpu.memref_slice %dma_start3A_48[%dma_start3A_49, %dma_start3A_50] : memref<10240x128xf32, #tpu.memory_space<hbm>> -> memref<10240x128xf32, #tpu.memory_space<hbm>>
      tpu.enqueue_indirect_dma source(%dma_start3A_51 : memref<10240x128xf32, #tpu.memory_space<hbm>>) target(%arg10 : memref<256x128xf32, #tpu.memory_space<vmem>>) offsets(%arg7 : memref<256xi32, #tpu.memory_space<vmem>>) semaphore(%arg13 : memref<!tpu.dma_semaphore, #tpu.memory_space<semaphore_mem>>)
      %dma_wait3A_52 = arith.constant 2 : i32
      %dma_wait3A_53 = arith.constant 0 : i32
      %dma_wait3A_54 = arith.constant 0 : i32
      %dma_wait3A_55 = tpu.memref_slice %arg2[%dma_wait3A_52, %dma_wait3A_53, %dma_wait3A_54] : memref<4x10240x128xf32, #tpu.memory_space<hbm>> -> memref<1x10240x128xf32, #tpu.memory_space<hbm>>
      %dma_wait3A_56 = tpu.memref_squeeze %dma_wait3A_55 : memref<1x10240x128xf32, #tpu.memory_space<hbm>> -> memref<10240x128xf32, #tpu.memory_space<hbm>>
      %dma_wait3A_57 = arith.constant 0 : i32
      %dma_wait3A_58 = arith.constant 0 : i32
      %dma_wait3A_59 = tpu.memref_slice %dma_wait3A_56[%dma_wait3A_57, %dma_wait3A_58] : memref<10240x128xf32, #tpu.memory_space<hbm>> -> memref<10240x128xf32, #tpu.memory_space<hbm>>
      tpu.wait_indirect_dma semaphore(%arg12 : memref<!tpu.dma_semaphore, #tpu.memory_space<semaphore_mem>>) src(%dma_wait3A_59 : memref<10240x128xf32, #tpu.memory_space<hbm>>) dst(%arg9 : memref<256x128xf32, #tpu.memory_space<vmem>>)
      %dma_wait3A_60 = arith.constant 2 : i32
      %dma_wait3A_61 = arith.constant 0 : i32
      %dma_wait3A_62 = arith.constant 0 : i32
      %dma_wait3A_63 = tpu.memref_slice %arg3[%dma_wait3A_60, %dma_wait3A_61, %dma_wait3A_62] : memref<4x10240x128xf32, #tpu.memory_space<hbm>> -> memref<1x10240x128xf32, #tpu.memory_space<hbm>>
      %dma_wait3A_64 = tpu.memref_squeeze %dma_wait3A_63 : memref<1x10240x128xf32, #tpu.memory_space<hbm>> -> memref<10240x128xf32, #tpu.memory_space<hbm>>
      %dma_wait3A_65 = arith.constant 0 : i32
      %dma_wait3A_66 = arith.constant 0 : i32
      %dma_wait3A_67 = tpu.memref_slice %dma_wait3A_64[%dma_wait3A_65, %dma_wait3A_66] : memref<10240x128xf32, #tpu.memory_space<hbm>> -> memref<10240x128xf32, #tpu.memory_space<hbm>>
      tpu.wait_indirect_dma semaphore(%arg13 : memref<!tpu.dma_semaphore, #tpu.memory_space<semaphore_mem>>) src(%dma_wait3A_67 : memref<10240x128xf32, #tpu.memory_space<hbm>>) dst(%arg10 : memref<256x128xf32, #tpu.memory_space<vmem>>)
      %iota3A = tpu.iota {dimensions = array<i32: 0>} : vector<16xi32>
      %eq3A = arith.constant 0 : i32
      %eq3A_68 = vector.broadcast %eq3A : i32 to vector<16xi32>
      %eq3A_69 = arith.cmpi eq, %iota3A, %eq3A_68 : vector<16xi32>
      %scan3A_70 = arith.constant 0 : i32
      %scan3A_71 = arith.constant 256 : i32
      %scan3A_72 = arith.addi %scan3A_70, %scan3A_71 : i32
      %scan3A_73 = arith.constant 1 : i32
      scf.for %scan3A_77 = %scan3A_70 to %scan3A_72 step %scan3A_73  : i32 {
        %mul3A_78 = arith.constant 1 : i32
        %mul3A_79 = arith.muli %scan3A_77, %mul3A_78 : i32
        %add3A_80 = arith.constant 0 : i32
        %add3A_81 = arith.addi %add3A_80, %mul3A_79 : i32
        %get3A = arith.index_cast %add3A_81 : i32 to index
        %get3A_82 = arith.constant 0 : index
        %get3A_83 = tpu.vector_load %arg9[%get3A, %get3A_82] {strides = array<i32>} : memref<256x128xf32, #tpu.memory_space<vmem>>, vector<16xf32>,
        %get3A_84 = arith.index_cast %add3A_81 : i32 to index
        %get3A_85 = arith.constant 0 : index
        %get3A_86 = tpu.vector_load %arg10[%get3A_84, %get3A_85] {strides = array<i32>} : memref<256x128xf32, #tpu.memory_space<vmem>>, vector<16xf32>,
        %mul3A_87 = arith.mulf %get3A_83, %get3A_86 : vector<16xf32>
        %get3A_88 = arith.index_cast %add3A_81 : i32 to index
        %get3A_89 = arith.constant 16 : index
        %get3A_90 = tpu.vector_load %arg9[%get3A_88, %get3A_89] {strides = array<i32>} : memref<256x128xf32, #tpu.memory_space<vmem>>, vector<16xf32>,
        %get3A_91 = arith.index_cast %add3A_81 : i32 to index
        %get3A_92 = arith.constant 16 : index
        %get3A_93 = tpu.vector_load %arg10[%get3A_91, %get3A_92] {strides = array<i32>} : memref<256x128xf32, #tpu.memory_space<vmem>>, vector<16xf32>,
        %mul3A_94 = arith.mulf %get3A_90, %get3A_93 : vector<16xf32>
        %add3A_95 = arith.addf %mul3A_87, %mul3A_94 : vector<16xf32>
        %reduce_sum3A = arith.constant true
        %reduce_sum3A_96 = vector.broadcast %reduce_sum3A : i1 to vector<16xi1>
        %reduce_sum3A_97 = tpu.scan <sum>, %add3A_95 masked %reduce_sum3A_96 : vector<16xf32>, vector<16xi1> -> vector<16xf32>
        %reduce_sum3A_98 = vector.extract %reduce_sum3A_97[15] : f32 from vector<16xf32>
        %broadcast_in_dim3A = vector.broadcast %reduce_sum3A_98 : f32 to vector<16xf32>
        %mul3A_99 = arith.constant 4 : i32
        %mul3A_100 = arith.muli %add3A_81, %mul3A_99 : i32
        %add3A_101 = arith.constant 0 : i32
        %add3A_102 = arith.addi %mul3A_100, %add3A_101 : i32
        %broadcast_in_dim3A_103 = vector.broadcast %add3A_102 : i32 to vector<16xi32>
        tpu.vector_store_idx %arg11[%broadcast_in_dim3A_103], %broadcast_in_dim3A masked %eq3A_69 : memref<1024xf32, #tpu.memory_space<vmem>>[vector<16xi32>], vector<16xf32>, vector<16xi1>
        %get3A_104 = arith.index_cast %add3A_81 : i32 to index
        %get3A_105 = arith.constant 32 : index
        %get3A_106 = tpu.vector_load %arg9[%get3A_104, %get3A_105] {strides = array<i32>} : memref<256x128xf32, #tpu.memory_space<vmem>>, vector<16xf32>,
        %get3A_107 = arith.index_cast %add3A_81 : i32 to index
        %get3A_108 = arith.constant 32 : index
        %get3A_109 = tpu.vector_load %arg10[%get3A_107, %get3A_108] {strides = array<i32>} : memref<256x128xf32, #tpu.memory_space<vmem>>, vector<16xf32>,
        %mul3A_110 = arith.mulf %get3A_106, %get3A_109 : vector<16xf32>
        %get3A_111 = arith.index_cast %add3A_81 : i32 to index
        %get3A_112 = arith.constant 48 : index
        %get3A_113 = tpu.vector_load %arg9[%get3A_111, %get3A_112] {strides = array<i32>} : memref<256x128xf32, #tpu.memory_space<vmem>>, vector<16xf32>,
        %get3A_114 = arith.index_cast %add3A_81 : i32 to index
        %get3A_115 = arith.constant 48 : index
        %get3A_116 = tpu.vector_load %arg10[%get3A_114, %get3A_115] {strides = array<i32>} : memref<256x128xf32, #tpu.memory_space<vmem>>, vector<16xf32>,
        %mul3A_117 = arith.mulf %get3A_113, %get3A_116 : vector<16xf32>
        %add3A_118 = arith.addf %mul3A_110, %mul3A_117 : vector<16xf32>
        %reduce_sum3A_119 = arith.constant true
        %reduce_sum3A_120 = vector.broadcast %reduce_sum3A_119 : i1 to vector<16xi1>
        %reduce_sum3A_121 = tpu.scan <sum>, %add3A_118 masked %reduce_sum3A_120 : vector<16xf32>, vector<16xi1> -> vector<16xf32>
        %reduce_sum3A_122 = vector.extract %reduce_sum3A_121[15] : f32 from vector<16xf32>
        %broadcast_in_dim3A_123 = vector.broadcast %reduce_sum3A_122 : f32 to vector<16xf32>
        %mul3A_124 = arith.constant 4 : i32
        %mul3A_125 = arith.muli %add3A_81, %mul3A_124 : i32
        %add3A_126 = arith.constant 1 : i32
        %add3A_127 = arith.addi %mul3A_125, %add3A_126 : i32
        %broadcast_in_dim3A_128 = vector.broadcast %add3A_127 : i32 to vector<16xi32>
        tpu.vector_store_idx %arg11[%broadcast_in_dim3A_128], %broadcast_in_dim3A_123 masked %eq3A_69 : memref<1024xf32, #tpu.memory_space<vmem>>[vector<16xi32>], vector<16xf32>, vector<16xi1>
        %get3A_129 = arith.index_cast %add3A_81 : i32 to index
        %get3A_130 = arith.constant 64 : index
        %get3A_131 = tpu.vector_load %arg9[%get3A_129, %get3A_130] {strides = array<i32>} : memref<256x128xf32, #tpu.memory_space<vmem>>, vector<16xf32>,
        %get3A_132 = arith.index_cast %add3A_81 : i32 to index
        %get3A_133 = arith.constant 64 : index
        %get3A_134 = tpu.vector_load %arg10[%get3A_132, %get3A_133] {strides = array<i32>} : memref<256x128xf32, #tpu.memory_space<vmem>>, vector<16xf32>,
        %mul3A_135 = arith.mulf %get3A_131, %get3A_134 : vector<16xf32>
        %get3A_136 = arith.index_cast %add3A_81 : i32 to index
        %get3A_137 = arith.constant 80 : index
        %get3A_138 = tpu.vector_load %arg9[%get3A_136, %get3A_137] {strides = array<i32>} : memref<256x128xf32, #tpu.memory_space<vmem>>, vector<16xf32>,
        %get3A_139 = arith.index_cast %add3A_81 : i32 to index
        %get3A_140 = arith.constant 80 : index
        %get3A_141 = tpu.vector_load %arg10[%get3A_139, %get3A_140] {strides = array<i32>} : memref<256x128xf32, #tpu.memory_space<vmem>>, vector<16xf32>,
        %mul3A_142 = arith.mulf %get3A_138, %get3A_141 : vector<16xf32>
        %add3A_143 = arith.addf %mul3A_135, %mul3A_142 : vector<16xf32>
        %reduce_sum3A_144 = arith.constant true
        %reduce_sum3A_145 = vector.broadcast %reduce_sum3A_144 : i1 to vector<16xi1>
        %reduce_sum3A_146 = tpu.scan <sum>, %add3A_143 masked %reduce_sum3A_145 : vector<16xf32>, vector<16xi1> -> vector<16xf32>
        %reduce_sum3A_147 = vector.extract %reduce_sum3A_146[15] : f32 from vector<16xf32>
        %broadcast_in_dim3A_148 = vector.broadcast %reduce_sum3A_147 : f32 to vector<16xf32>
        %mul3A_149 = arith.constant 4 : i32
        %mul3A_150 = arith.muli %add3A_81, %mul3A_149 : i32
        %add3A_151 = arith.constant 2 : i32
        %add3A_152 = arith.addi %mul3A_150, %add3A_151 : i32
        %broadcast_in_dim3A_153 = vector.broadcast %add3A_152 : i32 to vector<16xi32>
        tpu.vector_store_idx %arg11[%broadcast_in_dim3A_153], %broadcast_in_dim3A_148 masked %eq3A_69 : memref<1024xf32, #tpu.memory_space<vmem>>[vector<16xi32>], vector<16xf32>, vector<16xi1>
        %get3A_154 = arith.index_cast %add3A_81 : i32 to index
        %get3A_155 = arith.constant 96 : index
        %get3A_156 = tpu.vector_load %arg9[%get3A_154, %get3A_155] {strides = array<i32>} : memref<256x128xf32, #tpu.memory_space<vmem>>, vector<16xf32>,
        %get3A_157 = arith.index_cast %add3A_81 : i32 to index
        %get3A_158 = arith.constant 96 : index
        %get3A_159 = tpu.vector_load %arg10[%get3A_157, %get3A_158] {strides = array<i32>} : memref<256x128xf32, #tpu.memory_space<vmem>>, vector<16xf32>,
        %mul3A_160 = arith.mulf %get3A_156, %get3A_159 : vector<16xf32>
        %get3A_161 = arith.index_cast %add3A_81 : i32 to index
        %get3A_162 = arith.constant 112 : index
        %get3A_163 = tpu.vector_load %arg9[%get3A_161, %get3A_162] {strides = array<i32>} : memref<256x128xf32, #tpu.memory_space<vmem>>, vector<16xf32>,
        %get3A_164 = arith.index_cast %add3A_81 : i32 to index
        %get3A_165 = arith.constant 112 : index
        %get3A_166 = tpu.vector_load %arg10[%get3A_164, %get3A_165] {strides = array<i32>} : memref<256x128xf32, #tpu.memory_space<vmem>>, vector<16xf32>,
        %mul3A_167 = arith.mulf %get3A_163, %get3A_166 : vector<16xf32>
        %add3A_168 = arith.addf %mul3A_160, %mul3A_167 : vector<16xf32>
        %reduce_sum3A_169 = arith.constant true
        %reduce_sum3A_170 = vector.broadcast %reduce_sum3A_169 : i1 to vector<16xi1>
        %reduce_sum3A_171 = tpu.scan <sum>, %add3A_168 masked %reduce_sum3A_170 : vector<16xf32>, vector<16xi1> -> vector<16xf32>
        %reduce_sum3A_172 = vector.extract %reduce_sum3A_171[15] : f32 from vector<16xf32>
        %broadcast_in_dim3A_173 = vector.broadcast %reduce_sum3A_172 : f32 to vector<16xf32>
        %mul3A_174 = arith.constant 4 : i32
        %mul3A_175 = arith.muli %add3A_81, %mul3A_174 : i32
        %add3A_176 = arith.constant 3 : i32
        %add3A_177 = arith.addi %mul3A_175, %add3A_176 : i32
        %broadcast_in_dim3A_178 = vector.broadcast %add3A_177 : i32 to vector<16xi32>
        tpu.vector_store_idx %arg11[%broadcast_in_dim3A_178], %broadcast_in_dim3A_173 masked %eq3A_69 : memref<1024xf32, #tpu.memory_space<vmem>>[vector<16xi32>], vector<16xf32>, vector<16xi1>
      }
      %scan3A_74 = arith.constant 256 : i32
      %mul3A_75 = arith.constant 4 : i32
      %mul3A_76 = arith.muli %add3A_29, %mul3A_75 : i32
      %run_scoped3A = arith.constant 2 : i32
      "tpu.region"() ({
        %run_scoped3A_77 = tpu.sem_alloc : memref<!tpu.dma_semaphore, #tpu.memory_space<semaphore_mem>>
        %dma_start3A_78 = arith.constant 0 : i32
        %dma_start3A_79 = tpu.memref_slice %arg6[%run_scoped3A, %dma_start3A_78] : memref<4x655360xf32, #tpu.memory_space<hbm>> -> memref<1x655360xf32, #tpu.memory_space<hbm>>
        %dma_start3A_80 = tpu.memref_squeeze %dma_start3A_79 : memref<1x655360xf32, #tpu.memory_space<hbm>> -> memref<655360xf32, #tpu.memory_space<hbm>>
        %dma_start3A_81 = tpu.memref_slice %dma_start3A_80[%mul3A_76] : memref<655360xf32, #tpu.memory_space<hbm>> -> memref<1024xf32, #tpu.memory_space<hbm>>
        %dma_start3A_82 = arith.constant 0 : i32
        %dma_start3A_83 = tpu.memref_slice %arg6[%run_scoped3A, %dma_start3A_82] : memref<4x655360xf32, #tpu.memory_space<hbm>> -> memref<1x655360xf32, #tpu.memory_space<hbm>>
        %dma_start3A_84 = tpu.memref_squeeze %dma_start3A_83 : memref<1x655360xf32, #tpu.memory_space<hbm>> -> memref<655360xf32, #tpu.memory_space<hbm>>
        %dma_start3A_85 = tpu.memref_slice %dma_start3A_84[%mul3A_76] : memref<655360xf32, #tpu.memory_space<hbm>> -> memref<1024xf32, #tpu.memory_space<hbm>>
        tpu.enqueue_dma source(%arg11 : memref<1024xf32, #tpu.memory_space<vmem>>) target(%dma_start3A_85 : memref<1024xf32, #tpu.memory_space<hbm>>) target_semaphore(%run_scoped3A_77 : memref<!tpu.dma_semaphore, #tpu.memory_space<semaphore_mem>>)
        %dma_wait3A_86 = arith.constant 0 : i32
        %dma_wait3A_87 = tpu.memref_slice %arg6[%run_scoped3A, %dma_wait3A_86] : memref<4x655360xf32, #tpu.memory_space<hbm>> -> memref<1x655360xf32, #tpu.memory_space<hbm>>
        %dma_wait3A_88 = tpu.memref_squeeze %dma_wait3A_87 : memref<1x655360xf32, #tpu.memory_space<hbm>> -> memref<655360xf32, #tpu.memory_space<hbm>>
        %dma_wait3A_89 = tpu.memref_slice %dma_wait3A_88[%mul3A_76] : memref<655360xf32, #tpu.memory_space<hbm>> -> memref<1024xf32, #tpu.memory_space<hbm>>
        %dma_wait3A_90 = arith.constant 0 : i32
        %dma_wait3A_91 = tpu.memref_slice %arg6[%run_scoped3A, %dma_wait3A_90] : memref<4x655360xf32, #tpu.memory_space<hbm>> -> memref<1x655360xf32, #tpu.memory_space<hbm>>
        %dma_wait3A_92 = tpu.memref_squeeze %dma_wait3A_91 : memref<1x655360xf32, #tpu.memory_space<hbm>> -> memref<655360xf32, #tpu.memory_space<hbm>>
        %dma_wait3A_93 = tpu.memref_slice %dma_wait3A_92[%mul3A_76] : memref<655360xf32, #tpu.memory_space<hbm>> -> memref<1024xf32, #tpu.memory_space<hbm>>
        tpu.wait_dma2 semaphore(%run_scoped3A_77 : memref<!tpu.dma_semaphore, #tpu.memory_space<semaphore_mem>>) src(%arg11 : memref<1024xf32, #tpu.memory_space<vmem>>) dst(%dma_wait3A_93 : memref<1024xf32, #tpu.memory_space<hbm>>)
        tpu.yield
      }) : () -> ()
    }
    %scan3A_14 = arith.constant 20 : i32
    %scan3A_15 = arith.constant 0 : i32
    %scan3A_16 = arith.constant 20 : i32
    %scan3A_17 = arith.addi %scan3A_15, %scan3A_16 : i32
    %scan3A_18 = arith.constant 1 : i32
    scf.for %scan3A_20 = %scan3A_15 to %scan3A_17 step %scan3A_18  : i32 {
      %mul3A_21 = arith.constant 1 : i32
      %mul3A_22 = arith.muli %scan3A_20, %mul3A_21 : i32
      %add3A_23 = arith.constant 0 : i32
      %add3A_24 = arith.addi %add3A_23, %mul3A_22 : i32
      %mul3A_25 = arith.constant 5120 : i32
      %mul3A_26 = arith.muli %add3A, %mul3A_25 : i32
      %mul3A_27 = arith.constant 256 : i32
      %mul3A_28 = arith.muli %add3A_24, %mul3A_27 : i32
      %add3A_29 = arith.addi %mul3A_26, %mul3A_28 : i32
      %dma_start3A = tpu.memref_slice %arg5[%add3A_29] : memref<163840xi32, #tpu.memory_space<hbm>> -> memref<256xi32, #tpu.memory_space<hbm>>
      %dma_start3A_30 = tpu.memref_slice %arg5[%add3A_29] : memref<163840xi32, #tpu.memory_space<hbm>> -> memref<256xi32, #tpu.memory_space<hbm>>
      tpu.enqueue_dma source(%dma_start3A_30 : memref<256xi32, #tpu.memory_space<hbm>>) target(%arg8 : memref<256xi32, #tpu.memory_space<vmem>>) target_semaphore(%arg12 : memref<!tpu.dma_semaphore, #tpu.memory_space<semaphore_mem>>)
      %dma_start3A_31 = tpu.memref_slice %arg4[%add3A_29] : memref<163840xi32, #tpu.memory_space<hbm>> -> memref<256xi32, #tpu.memory_space<hbm>>
      %dma_start3A_32 = tpu.memref_slice %arg4[%add3A_29] : memref<163840xi32, #tpu.memory_space<hbm>> -> memref<256xi32, #tpu.memory_space<hbm>>
      tpu.enqueue_dma source(%dma_start3A_32 : memref<256xi32, #tpu.memory_space<hbm>>) target(%arg7 : memref<256xi32, #tpu.memory_space<vmem>>) target_semaphore(%arg13 : memref<!tpu.dma_semaphore, #tpu.memory_space<semaphore_mem>>)
      %dma_wait3A = tpu.memref_slice %arg5[%add3A_29] : memref<163840xi32, #tpu.memory_space<hbm>> -> memref<256xi32, #tpu.memory_space<hbm>>
      %dma_wait3A_33 = tpu.memref_slice %arg5[%add3A_29] : memref<163840xi32, #tpu.memory_space<hbm>> -> memref<256xi32, #tpu.memory_space<hbm>>
      tpu.wait_dma2 semaphore(%arg12 : memref<!tpu.dma_semaphore, #tpu.memory_space<semaphore_mem>>) src(%dma_wait3A_33 : memref<256xi32, #tpu.memory_space<hbm>>) dst(%arg8 : memref<256xi32, #tpu.memory_space<vmem>>)
      %dma_wait3A_34 = tpu.memref_slice %arg4[%add3A_29] : memref<163840xi32, #tpu.memory_space<hbm>> -> memref<256xi32, #tpu.memory_space<hbm>>
      %dma_wait3A_35 = tpu.memref_slice %arg4[%add3A_29] : memref<163840xi32, #tpu.memory_space<hbm>> -> memref<256xi32, #tpu.memory_space<hbm>>
      tpu.wait_dma2 semaphore(%arg13 : memref<!tpu.dma_semaphore, #tpu.memory_space<semaphore_mem>>) src(%dma_wait3A_35 : memref<256xi32, #tpu.memory_space<hbm>>) dst(%arg7 : memref<256xi32, #tpu.memory_space<vmem>>)
      %dma_start3A_36 = arith.constant 3 : i32
      %dma_start3A_37 = arith.constant 0 : i32
      %dma_start3A_38 = arith.constant 0 : i32
      %dma_start3A_39 = tpu.memref_slice %arg2[%dma_start3A_36, %dma_start3A_37, %dma_start3A_38] : memref<4x10240x128xf32, #tpu.memory_space<hbm>> -> memref<1x10240x128xf32, #tpu.memory_space<hbm>>
      %dma_start3A_40 = tpu.memref_squeeze %dma_start3A_39 : memref<1x10240x128xf32, #tpu.memory_space<hbm>> -> memref<10240x128xf32, #tpu.memory_space<hbm>>
      %dma_start3A_41 = arith.constant 0 : i32
      %dma_start3A_42 = arith.constant 0 : i32
      %dma_start3A_43 = tpu.memref_slice %dma_start3A_40[%dma_start3A_41, %dma_start3A_42] : memref<10240x128xf32, #tpu.memory_space<hbm>> -> memref<10240x128xf32, #tpu.memory_space<hbm>>
      tpu.enqueue_indirect_dma source(%dma_start3A_43 : memref<10240x128xf32, #tpu.memory_space<hbm>>) target(%arg9 : memref<256x128xf32, #tpu.memory_space<vmem>>) offsets(%arg8 : memref<256xi32, #tpu.memory_space<vmem>>) semaphore(%arg12 : memref<!tpu.dma_semaphore, #tpu.memory_space<semaphore_mem>>)
      %dma_start3A_44 = arith.constant 3 : i32
      %dma_start3A_45 = arith.constant 0 : i32
      %dma_start3A_46 = arith.constant 0 : i32
      %dma_start3A_47 = tpu.memref_slice %arg3[%dma_start3A_44, %dma_start3A_45, %dma_start3A_46] : memref<4x10240x128xf32, #tpu.memory_space<hbm>> -> memref<1x10240x128xf32, #tpu.memory_space<hbm>>
      %dma_start3A_48 = tpu.memref_squeeze %dma_start3A_47 : memref<1x10240x128xf32, #tpu.memory_space<hbm>> -> memref<10240x128xf32, #tpu.memory_space<hbm>>
      %dma_start3A_49 = arith.constant 0 : i32
      %dma_start3A_50 = arith.constant 0 : i32
      %dma_start3A_51 = tpu.memref_slice %dma_start3A_48[%dma_start3A_49, %dma_start3A_50] : memref<10240x128xf32, #tpu.memory_space<hbm>> -> memref<10240x128xf32, #tpu.memory_space<hbm>>
      tpu.enqueue_indirect_dma source(%dma_start3A_51 : memref<10240x128xf32, #tpu.memory_space<hbm>>) target(%arg10 : memref<256x128xf32, #tpu.memory_space<vmem>>) offsets(%arg7 : memref<256xi32, #tpu.memory_space<vmem>>) semaphore(%arg13 : memref<!tpu.dma_semaphore, #tpu.memory_space<semaphore_mem>>)
      %dma_wait3A_52 = arith.constant 3 : i32
      %dma_wait3A_53 = arith.constant 0 : i32
      %dma_wait3A_54 = arith.constant 0 : i32
      %dma_wait3A_55 = tpu.memref_slice %arg2[%dma_wait3A_52, %dma_wait3A_53, %dma_wait3A_54] : memref<4x10240x128xf32, #tpu.memory_space<hbm>> -> memref<1x10240x128xf32, #tpu.memory_space<hbm>>
      %dma_wait3A_56 = tpu.memref_squeeze %dma_wait3A_55 : memref<1x10240x128xf32, #tpu.memory_space<hbm>> -> memref<10240x128xf32, #tpu.memory_space<hbm>>
      %dma_wait3A_57 = arith.constant 0 : i32
      %dma_wait3A_58 = arith.constant 0 : i32
      %dma_wait3A_59 = tpu.memref_slice %dma_wait3A_56[%dma_wait3A_57, %dma_wait3A_58] : memref<10240x128xf32, #tpu.memory_space<hbm>> -> memref<10240x128xf32, #tpu.memory_space<hbm>>
      tpu.wait_indirect_dma semaphore(%arg12 : memref<!tpu.dma_semaphore, #tpu.memory_space<semaphore_mem>>) src(%dma_wait3A_59 : memref<10240x128xf32, #tpu.memory_space<hbm>>) dst(%arg9 : memref<256x128xf32, #tpu.memory_space<vmem>>)
      %dma_wait3A_60 = arith.constant 3 : i32
      %dma_wait3A_61 = arith.constant 0 : i32
      %dma_wait3A_62 = arith.constant 0 : i32
      %dma_wait3A_63 = tpu.memref_slice %arg3[%dma_wait3A_60, %dma_wait3A_61, %dma_wait3A_62] : memref<4x10240x128xf32, #tpu.memory_space<hbm>> -> memref<1x10240x128xf32, #tpu.memory_space<hbm>>
      %dma_wait3A_64 = tpu.memref_squeeze %dma_wait3A_63 : memref<1x10240x128xf32, #tpu.memory_space<hbm>> -> memref<10240x128xf32, #tpu.memory_space<hbm>>
      %dma_wait3A_65 = arith.constant 0 : i32
      %dma_wait3A_66 = arith.constant 0 : i32
      %dma_wait3A_67 = tpu.memref_slice %dma_wait3A_64[%dma_wait3A_65, %dma_wait3A_66] : memref<10240x128xf32, #tpu.memory_space<hbm>> -> memref<10240x128xf32, #tpu.memory_space<hbm>>
      tpu.wait_indirect_dma semaphore(%arg13 : memref<!tpu.dma_semaphore, #tpu.memory_space<semaphore_mem>>) src(%dma_wait3A_67 : memref<10240x128xf32, #tpu.memory_space<hbm>>) dst(%arg10 : memref<256x128xf32, #tpu.memory_space<vmem>>)
      %iota3A = tpu.iota {dimensions = array<i32: 0>} : vector<16xi32>
      %eq3A = arith.constant 0 : i32
      %eq3A_68 = vector.broadcast %eq3A : i32 to vector<16xi32>
      %eq3A_69 = arith.cmpi eq, %iota3A, %eq3A_68 : vector<16xi32>
      %scan3A_70 = arith.constant 0 : i32
      %scan3A_71 = arith.constant 256 : i32
      %scan3A_72 = arith.addi %scan3A_70, %scan3A_71 : i32
      %scan3A_73 = arith.constant 1 : i32
      scf.for %scan3A_77 = %scan3A_70 to %scan3A_72 step %scan3A_73  : i32 {
        %mul3A_78 = arith.constant 1 : i32
        %mul3A_79 = arith.muli %scan3A_77, %mul3A_78 : i32
        %add3A_80 = arith.constant 0 : i32
        %add3A_81 = arith.addi %add3A_80, %mul3A_79 : i32
        %get3A = arith.index_cast %add3A_81 : i32 to index
        %get3A_82 = arith.constant 0 : index
        %get3A_83 = tpu.vector_load %arg9[%get3A, %get3A_82] {strides = array<i32>} : memref<256x128xf32, #tpu.memory_space<vmem>>, vector<16xf32>,
        %get3A_84 = arith.index_cast %add3A_81 : i32 to index
        %get3A_85 = arith.constant 0 : index
        %get3A_86 = tpu.vector_load %arg10[%get3A_84, %get3A_85] {strides = array<i32>} : memref<256x128xf32, #tpu.memory_space<vmem>>, vector<16xf32>,
        %mul3A_87 = arith.mulf %get3A_83, %get3A_86 : vector<16xf32>
        %get3A_88 = arith.index_cast %add3A_81 : i32 to index
        %get3A_89 = arith.constant 16 : index
        %get3A_90 = tpu.vector_load %arg9[%get3A_88, %get3A_89] {strides = array<i32>} : memref<256x128xf32, #tpu.memory_space<vmem>>, vector<16xf32>,
        %get3A_91 = arith.index_cast %add3A_81 : i32 to index
        %get3A_92 = arith.constant 16 : index
        %get3A_93 = tpu.vector_load %arg10[%get3A_91, %get3A_92] {strides = array<i32>} : memref<256x128xf32, #tpu.memory_space<vmem>>, vector<16xf32>,
        %mul3A_94 = arith.mulf %get3A_90, %get3A_93 : vector<16xf32>
        %add3A_95 = arith.addf %mul3A_87, %mul3A_94 : vector<16xf32>
        %reduce_sum3A = arith.constant true
        %reduce_sum3A_96 = vector.broadcast %reduce_sum3A : i1 to vector<16xi1>
        %reduce_sum3A_97 = tpu.scan <sum>, %add3A_95 masked %reduce_sum3A_96 : vector<16xf32>, vector<16xi1> -> vector<16xf32>
        %reduce_sum3A_98 = vector.extract %reduce_sum3A_97[15] : f32 from vector<16xf32>
        %broadcast_in_dim3A = vector.broadcast %reduce_sum3A_98 : f32 to vector<16xf32>
        %mul3A_99 = arith.constant 4 : i32
        %mul3A_100 = arith.muli %add3A_81, %mul3A_99 : i32
        %add3A_101 = arith.constant 0 : i32
        %add3A_102 = arith.addi %mul3A_100, %add3A_101 : i32
        %broadcast_in_dim3A_103 = vector.broadcast %add3A_102 : i32 to vector<16xi32>
        tpu.vector_store_idx %arg11[%broadcast_in_dim3A_103], %broadcast_in_dim3A masked %eq3A_69 : memref<1024xf32, #tpu.memory_space<vmem>>[vector<16xi32>], vector<16xf32>, vector<16xi1>
        %get3A_104 = arith.index_cast %add3A_81 : i32 to index
        %get3A_105 = arith.constant 32 : index
        %get3A_106 = tpu.vector_load %arg9[%get3A_104, %get3A_105] {strides = array<i32>} : memref<256x128xf32, #tpu.memory_space<vmem>>, vector<16xf32>,
        %get3A_107 = arith.index_cast %add3A_81 : i32 to index
        %get3A_108 = arith.constant 32 : index
        %get3A_109 = tpu.vector_load %arg10[%get3A_107, %get3A_108] {strides = array<i32>} : memref<256x128xf32, #tpu.memory_space<vmem>>, vector<16xf32>,
        %mul3A_110 = arith.mulf %get3A_106, %get3A_109 : vector<16xf32>
        %get3A_111 = arith.index_cast %add3A_81 : i32 to index
        %get3A_112 = arith.constant 48 : index
        %get3A_113 = tpu.vector_load %arg9[%get3A_111, %get3A_112] {strides = array<i32>} : memref<256x128xf32, #tpu.memory_space<vmem>>, vector<16xf32>,
        %get3A_114 = arith.index_cast %add3A_81 : i32 to index
        %get3A_115 = arith.constant 48 : index
        %get3A_116 = tpu.vector_load %arg10[%get3A_114, %get3A_115] {strides = array<i32>} : memref<256x128xf32, #tpu.memory_space<vmem>>, vector<16xf32>,
        %mul3A_117 = arith.mulf %get3A_113, %get3A_116 : vector<16xf32>
        %add3A_118 = arith.addf %mul3A_110, %mul3A_117 : vector<16xf32>
        %reduce_sum3A_119 = arith.constant true
        %reduce_sum3A_120 = vector.broadcast %reduce_sum3A_119 : i1 to vector<16xi1>
        %reduce_sum3A_121 = tpu.scan <sum>, %add3A_118 masked %reduce_sum3A_120 : vector<16xf32>, vector<16xi1> -> vector<16xf32>
        %reduce_sum3A_122 = vector.extract %reduce_sum3A_121[15] : f32 from vector<16xf32>
        %broadcast_in_dim3A_123 = vector.broadcast %reduce_sum3A_122 : f32 to vector<16xf32>
        %mul3A_124 = arith.constant 4 : i32
        %mul3A_125 = arith.muli %add3A_81, %mul3A_124 : i32
        %add3A_126 = arith.constant 1 : i32
        %add3A_127 = arith.addi %mul3A_125, %add3A_126 : i32
        %broadcast_in_dim3A_128 = vector.broadcast %add3A_127 : i32 to vector<16xi32>
        tpu.vector_store_idx %arg11[%broadcast_in_dim3A_128], %broadcast_in_dim3A_123 masked %eq3A_69 : memref<1024xf32, #tpu.memory_space<vmem>>[vector<16xi32>], vector<16xf32>, vector<16xi1>
        %get3A_129 = arith.index_cast %add3A_81 : i32 to index
        %get3A_130 = arith.constant 64 : index
        %get3A_131 = tpu.vector_load %arg9[%get3A_129, %get3A_130] {strides = array<i32>} : memref<256x128xf32, #tpu.memory_space<vmem>>, vector<16xf32>,
        %get3A_132 = arith.index_cast %add3A_81 : i32 to index
        %get3A_133 = arith.constant 64 : index
        %get3A_134 = tpu.vector_load %arg10[%get3A_132, %get3A_133] {strides = array<i32>} : memref<256x128xf32, #tpu.memory_space<vmem>>, vector<16xf32>,
        %mul3A_135 = arith.mulf %get3A_131, %get3A_134 : vector<16xf32>
        %get3A_136 = arith.index_cast %add3A_81 : i32 to index
        %get3A_137 = arith.constant 80 : index
        %get3A_138 = tpu.vector_load %arg9[%get3A_136, %get3A_137] {strides = array<i32>} : memref<256x128xf32, #tpu.memory_space<vmem>>, vector<16xf32>,
        %get3A_139 = arith.index_cast %add3A_81 : i32 to index
        %get3A_140 = arith.constant 80 : index
        %get3A_141 = tpu.vector_load %arg10[%get3A_139, %get3A_140] {strides = array<i32>} : memref<256x128xf32, #tpu.memory_space<vmem>>, vector<16xf32>,
        %mul3A_142 = arith.mulf %get3A_138, %get3A_141 : vector<16xf32>
        %add3A_143 = arith.addf %mul3A_135, %mul3A_142 : vector<16xf32>
        %reduce_sum3A_144 = arith.constant true
        %reduce_sum3A_145 = vector.broadcast %reduce_sum3A_144 : i1 to vector<16xi1>
        %reduce_sum3A_146 = tpu.scan <sum>, %add3A_143 masked %reduce_sum3A_145 : vector<16xf32>, vector<16xi1> -> vector<16xf32>
        %reduce_sum3A_147 = vector.extract %reduce_sum3A_146[15] : f32 from vector<16xf32>
        %broadcast_in_dim3A_148 = vector.broadcast %reduce_sum3A_147 : f32 to vector<16xf32>
        %mul3A_149 = arith.constant 4 : i32
        %mul3A_150 = arith.muli %add3A_81, %mul3A_149 : i32
        %add3A_151 = arith.constant 2 : i32
        %add3A_152 = arith.addi %mul3A_150, %add3A_151 : i32
        %broadcast_in_dim3A_153 = vector.broadcast %add3A_152 : i32 to vector<16xi32>
        tpu.vector_store_idx %arg11[%broadcast_in_dim3A_153], %broadcast_in_dim3A_148 masked %eq3A_69 : memref<1024xf32, #tpu.memory_space<vmem>>[vector<16xi32>], vector<16xf32>, vector<16xi1>
        %get3A_154 = arith.index_cast %add3A_81 : i32 to index
        %get3A_155 = arith.constant 96 : index
        %get3A_156 = tpu.vector_load %arg9[%get3A_154, %get3A_155] {strides = array<i32>} : memref<256x128xf32, #tpu.memory_space<vmem>>, vector<16xf32>,
        %get3A_157 = arith.index_cast %add3A_81 : i32 to index
        %get3A_158 = arith.constant 96 : index
        %get3A_159 = tpu.vector_load %arg10[%get3A_157, %get3A_158] {strides = array<i32>} : memref<256x128xf32, #tpu.memory_space<vmem>>, vector<16xf32>,
        %mul3A_160 = arith.mulf %get3A_156, %get3A_159 : vector<16xf32>
        %get3A_161 = arith.index_cast %add3A_81 : i32 to index
        %get3A_162 = arith.constant 112 : index
        %get3A_163 = tpu.vector_load %arg9[%get3A_161, %get3A_162] {strides = array<i32>} : memref<256x128xf32, #tpu.memory_space<vmem>>, vector<16xf32>,
        %get3A_164 = arith.index_cast %add3A_81 : i32 to index
        %get3A_165 = arith.constant 112 : index
        %get3A_166 = tpu.vector_load %arg10[%get3A_164, %get3A_165] {strides = array<i32>} : memref<256x128xf32, #tpu.memory_space<vmem>>, vector<16xf32>,
        %mul3A_167 = arith.mulf %get3A_163, %get3A_166 : vector<16xf32>
        %add3A_168 = arith.addf %mul3A_160, %mul3A_167 : vector<16xf32>
        %reduce_sum3A_169 = arith.constant true
        %reduce_sum3A_170 = vector.broadcast %reduce_sum3A_169 : i1 to vector<16xi1>
        %reduce_sum3A_171 = tpu.scan <sum>, %add3A_168 masked %reduce_sum3A_170 : vector<16xf32>, vector<16xi1> -> vector<16xf32>
        %reduce_sum3A_172 = vector.extract %reduce_sum3A_171[15] : f32 from vector<16xf32>
        %broadcast_in_dim3A_173 = vector.broadcast %reduce_sum3A_172 : f32 to vector<16xf32>
        %mul3A_174 = arith.constant 4 : i32
        %mul3A_175 = arith.muli %add3A_81, %mul3A_174 : i32
        %add3A_176 = arith.constant 3 : i32
        %add3A_177 = arith.addi %mul3A_175, %add3A_176 : i32
        %broadcast_in_dim3A_178 = vector.broadcast %add3A_177 : i32 to vector<16xi32>
        tpu.vector_store_idx %arg11[%broadcast_in_dim3A_178], %broadcast_in_dim3A_173 masked %eq3A_69 : memref<1024xf32, #tpu.memory_space<vmem>>[vector<16xi32>], vector<16xf32>, vector<16xi1>
      }
      %scan3A_74 = arith.constant 256 : i32
      %mul3A_75 = arith.constant 4 : i32
      %mul3A_76 = arith.muli %add3A_29, %mul3A_75 : i32
      %run_scoped3A = arith.constant 3 : i32
      "tpu.region"() ({
        %run_scoped3A_77 = tpu.sem_alloc : memref<!tpu.dma_semaphore, #tpu.memory_space<semaphore_mem>>
        %dma_start3A_78 = arith.constant 0 : i32
        %dma_start3A_79 = tpu.memref_slice %arg6[%run_scoped3A, %dma_start3A_78] : memref<4x655360xf32, #tpu.memory_space<hbm>> -> memref<1x655360xf32, #tpu.memory_space<hbm>>
        %dma_start3A_80 = tpu.memref_squeeze %dma_start3A_79 : memref<1x655360xf32, #tpu.memory_space<hbm>> -> memref<655360xf32, #tpu.memory_space<hbm>>
        %dma_start3A_81 = tpu.memref_slice %dma_start3A_80[%mul3A_76] : memref<655360xf32, #tpu.memory_space<hbm>> -> memref<1024xf32, #tpu.memory_space<hbm>>
        %dma_start3A_82 = arith.constant 0 : i32
        %dma_start3A_83 = tpu.memref_slice %arg6[%run_scoped3A, %dma_start3A_82] : memref<4x655360xf32, #tpu.memory_space<hbm>> -> memref<1x655360xf32, #tpu.memory_space<hbm>>
        %dma_start3A_84 = tpu.memref_squeeze %dma_start3A_83 : memref<1x655360xf32, #tpu.memory_space<hbm>> -> memref<655360xf32, #tpu.memory_space<hbm>>
        %dma_start3A_85 = tpu.memref_slice %dma_start3A_84[%mul3A_76] : memref<655360xf32, #tpu.memory_space<hbm>> -> memref<1024xf32, #tpu.memory_space<hbm>>
        tpu.enqueue_dma source(%arg11 : memref<1024xf32, #tpu.memory_space<vmem>>) target(%dma_start3A_85 : memref<1024xf32, #tpu.memory_space<hbm>>) target_semaphore(%run_scoped3A_77 : memref<!tpu.dma_semaphore, #tpu.memory_space<semaphore_mem>>)
        %dma_wait3A_86 = arith.constant 0 : i32
        %dma_wait3A_87 = tpu.memref_slice %arg6[%run_scoped3A, %dma_wait3A_86] : memref<4x655360xf32, #tpu.memory_space<hbm>> -> memref<1x655360xf32, #tpu.memory_space<hbm>>
        %dma_wait3A_88 = tpu.memref_squeeze %dma_wait3A_87 : memref<1x655360xf32, #tpu.memory_space<hbm>> -> memref<655360xf32, #tpu.memory_space<hbm>>
        %dma_wait3A_89 = tpu.memref_slice %dma_wait3A_88[%mul3A_76] : memref<655360xf32, #tpu.memory_space<hbm>> -> memref<1024xf32, #tpu.memory_space<hbm>>
        %dma_wait3A_90 = arith.constant 0 : i32
        %dma_wait3A_91 = tpu.memref_slice %arg6[%run_scoped3A, %dma_wait3A_90] : memref<4x655360xf32, #tpu.memory_space<hbm>> -> memref<1x655360xf32, #tpu.memory_space<hbm>>
        %dma_wait3A_92 = tpu.memref_squeeze %dma_wait3A_91 : memref<1x655360xf32, #tpu.memory_space<hbm>> -> memref<655360xf32, #tpu.memory_space<hbm>>
        %dma_wait3A_93 = tpu.memref_slice %dma_wait3A_92[%mul3A_76] : memref<655360xf32, #tpu.memory_space<hbm>> -> memref<1024xf32, #tpu.memory_space<hbm>>
        tpu.wait_dma2 semaphore(%run_scoped3A_77 : memref<!tpu.dma_semaphore, #tpu.memory_space<semaphore_mem>>) src(%arg11 : memref<1024xf32, #tpu.memory_space<vmem>>) dst(%dma_wait3A_93 : memref<1024xf32, #tpu.memory_space<hbm>>)
        tpu.yield
      }) : () -> ()
    }
    %scan3A_19 = arith.constant 20 : i32
    return
  }
}

#map = affine_map<(d0, d1) -> (0, 0, 0)>
#map1 = affine_map<(d0, d1) -> (0)>
module attributes {stable_mosaic.version = 14 : i64} {
  func.func @k(%arg0: i32, %arg1: i32, %arg2: memref<4x10240x128xf32, #tpu.memory_space<hbm>>, %arg3: memref<163840xi32, #tpu.memory_space<hbm>>, %arg4: memref<163840xi32, #tpu.memory_space<hbm>>, %arg5: memref<4x10240x128xf32, #tpu.memory_space<hbm>>, %arg6: memref<10240xf32, #tpu.memory_space<hbm>>, %arg7: memref<10240x128xf32, #tpu.memory_space<vmem_shared>>, %arg8: memref<10240xf32, #tpu.memory_space<vmem_shared>>, %arg9: memref<256xi32, #tpu.memory_space<vmem>>, %arg10: memref<256xi32, #tpu.memory_space<vmem>>, %arg11: memref<256x128xf32, #tpu.memory_space<vmem>>, %arg12: memref<64x128xf32, #tpu.memory_space<vmem>>, %arg13: memref<640xf32, #tpu.memory_space<vmem>>, %arg14: memref<256xf32, #tpu.memory_space<vmem>>, %arg15: memref<!tpu.dma_semaphore, #tpu.memory_space<semaphore_mem>>, %arg16: memref<!tpu.dma_semaphore, #tpu.memory_space<semaphore_mem>>) attributes {dimension_semantics = [#tpu.dimension_semantics<core_parallel>, #tpu.dimension_semantics<subcore_parallel>], iteration_bounds = array<i64: 2, 16>, scalar_prefetch = 0 : i64, scratch_operands = 10 : i64, tpu.core_type = #tpu.core_type<sc_vector_subcore>, window_params = [{transform_indices = #map}, {transform_indices = #map1}, {transform_indices = #map1}, {transform_indices = #map}, {transform_indices = #map1}]} {
    %scan3A = arith.constant 0 : i32
    %scan3A_0 = arith.constant 64 : i32
    %scan3A_1 = arith.addi %scan3A, %scan3A_0 : i32
    %scan3A_2 = arith.constant 1 : i32
    scf.for %scan3A_60 = %scan3A to %scan3A_1 step %scan3A_2  : i32 {
      %mul3A_61 = arith.constant 1 : i32
      %mul3A_62 = arith.muli %scan3A_60, %mul3A_61 : i32
      %add3A_63 = arith.constant 0 : i32
      %add3A_64 = arith.addi %add3A_63, %mul3A_62 : i32
      %broadcast_in_dim3A = arith.constant 0.000000e+00 : f32
      %broadcast_in_dim3A_65 = vector.broadcast %broadcast_in_dim3A : f32 to vector<16xf32>
      %swap3A = arith.index_cast %add3A_64 : i32 to index
      %swap3A_66 = arith.constant 0 : index
      %swap3A_67 = tpu.vector_load %arg12[%swap3A, %swap3A_66] {strides = array<i32>} : memref<64x128xf32, #tpu.memory_space<vmem>>, vector<16xf32>,
      tpu.vector_store %arg12[%swap3A, %swap3A_66], %broadcast_in_dim3A_65 {strides = array<i32>} : memref<64x128xf32, #tpu.memory_space<vmem>>, vector<16xf32>,
      %broadcast_in_dim3A_68 = arith.constant 0.000000e+00 : f32
      %broadcast_in_dim3A_69 = vector.broadcast %broadcast_in_dim3A_68 : f32 to vector<16xf32>
      %swap3A_70 = arith.index_cast %add3A_64 : i32 to index
      %swap3A_71 = arith.constant 16 : index
      %swap3A_72 = tpu.vector_load %arg12[%swap3A_70, %swap3A_71] {strides = array<i32>} : memref<64x128xf32, #tpu.memory_space<vmem>>, vector<16xf32>,
      tpu.vector_store %arg12[%swap3A_70, %swap3A_71], %broadcast_in_dim3A_69 {strides = array<i32>} : memref<64x128xf32, #tpu.memory_space<vmem>>, vector<16xf32>,
      %broadcast_in_dim3A_73 = arith.constant 0.000000e+00 : f32
      %broadcast_in_dim3A_74 = vector.broadcast %broadcast_in_dim3A_73 : f32 to vector<16xf32>
      %swap3A_75 = arith.index_cast %add3A_64 : i32 to index
      %swap3A_76 = arith.constant 32 : index
      %swap3A_77 = tpu.vector_load %arg12[%swap3A_75, %swap3A_76] {strides = array<i32>} : memref<64x128xf32, #tpu.memory_space<vmem>>, vector<16xf32>,
      tpu.vector_store %arg12[%swap3A_75, %swap3A_76], %broadcast_in_dim3A_74 {strides = array<i32>} : memref<64x128xf32, #tpu.memory_space<vmem>>, vector<16xf32>,
      %broadcast_in_dim3A_78 = arith.constant 0.000000e+00 : f32
      %broadcast_in_dim3A_79 = vector.broadcast %broadcast_in_dim3A_78 : f32 to vector<16xf32>
      %swap3A_80 = arith.index_cast %add3A_64 : i32 to index
      %swap3A_81 = arith.constant 48 : index
      %swap3A_82 = tpu.vector_load %arg12[%swap3A_80, %swap3A_81] {strides = array<i32>} : memref<64x128xf32, #tpu.memory_space<vmem>>, vector<16xf32>,
      tpu.vector_store %arg12[%swap3A_80, %swap3A_81], %broadcast_in_dim3A_79 {strides = array<i32>} : memref<64x128xf32, #tpu.memory_space<vmem>>, vector<16xf32>,
      %broadcast_in_dim3A_83 = arith.constant 0.000000e+00 : f32
      %broadcast_in_dim3A_84 = vector.broadcast %broadcast_in_dim3A_83 : f32 to vector<16xf32>
      %swap3A_85 = arith.index_cast %add3A_64 : i32 to index
      %swap3A_86 = arith.constant 64 : index
      %swap3A_87 = tpu.vector_load %arg12[%swap3A_85, %swap3A_86] {strides = array<i32>} : memref<64x128xf32, #tpu.memory_space<vmem>>, vector<16xf32>,
      tpu.vector_store %arg12[%swap3A_85, %swap3A_86], %broadcast_in_dim3A_84 {strides = array<i32>} : memref<64x128xf32, #tpu.memory_space<vmem>>, vector<16xf32>,
      %broadcast_in_dim3A_88 = arith.constant 0.000000e+00 : f32
      %broadcast_in_dim3A_89 = vector.broadcast %broadcast_in_dim3A_88 : f32 to vector<16xf32>
      %swap3A_90 = arith.index_cast %add3A_64 : i32 to index
      %swap3A_91 = arith.constant 80 : index
      %swap3A_92 = tpu.vector_load %arg12[%swap3A_90, %swap3A_91] {strides = array<i32>} : memref<64x128xf32, #tpu.memory_space<vmem>>, vector<16xf32>,
      tpu.vector_store %arg12[%swap3A_90, %swap3A_91], %broadcast_in_dim3A_89 {strides = array<i32>} : memref<64x128xf32, #tpu.memory_space<vmem>>, vector<16xf32>,
      %broadcast_in_dim3A_93 = arith.constant 0.000000e+00 : f32
      %broadcast_in_dim3A_94 = vector.broadcast %broadcast_in_dim3A_93 : f32 to vector<16xf32>
      %swap3A_95 = arith.index_cast %add3A_64 : i32 to index
      %swap3A_96 = arith.constant 96 : index
      %swap3A_97 = tpu.vector_load %arg12[%swap3A_95, %swap3A_96] {strides = array<i32>} : memref<64x128xf32, #tpu.memory_space<vmem>>, vector<16xf32>,
      tpu.vector_store %arg12[%swap3A_95, %swap3A_96], %broadcast_in_dim3A_94 {strides = array<i32>} : memref<64x128xf32, #tpu.memory_space<vmem>>, vector<16xf32>,
      %broadcast_in_dim3A_98 = arith.constant 0.000000e+00 : f32
      %broadcast_in_dim3A_99 = vector.broadcast %broadcast_in_dim3A_98 : f32 to vector<16xf32>
      %swap3A_100 = arith.index_cast %add3A_64 : i32 to index
      %swap3A_101 = arith.constant 112 : index
      %swap3A_102 = tpu.vector_load %arg12[%swap3A_100, %swap3A_101] {strides = array<i32>} : memref<64x128xf32, #tpu.memory_space<vmem>>, vector<16xf32>,
      tpu.vector_store %arg12[%swap3A_100, %swap3A_101], %broadcast_in_dim3A_99 {strides = array<i32>} : memref<64x128xf32, #tpu.memory_space<vmem>>, vector<16xf32>,
    }
    %scan3A_3 = arith.constant 64 : i32
    %scan3A_4 = arith.constant 0 : i32
    %scan3A_5 = arith.constant 40 : i32
    %scan3A_6 = arith.addi %scan3A_4, %scan3A_5 : i32
    %scan3A_7 = arith.constant 1 : i32
    scf.for %scan3A_60 = %scan3A_4 to %scan3A_6 step %scan3A_7  : i32 {
      %mul3A_61 = arith.constant 16 : i32
      %mul3A_62 = arith.muli %scan3A_60, %mul3A_61 : i32
      %add3A_63 = arith.constant 0 : i32
      %add3A_64 = arith.addi %add3A_63, %mul3A_62 : i32
      %broadcast_in_dim3A = arith.constant 0.000000e+00 : f32
      %broadcast_in_dim3A_65 = vector.broadcast %broadcast_in_dim3A : f32 to vector<16xf32>
      %swap3A = arith.index_cast %add3A_64 : i32 to index
      %swap3A_66 = tpu.vector_load %arg13[%swap3A] {strides = array<i32>} : memref<640xf32, #tpu.memory_space<vmem>>, vector<16xf32>,
      tpu.vector_store %arg13[%swap3A], %broadcast_in_dim3A_65 {strides = array<i32>} : memref<640xf32, #tpu.memory_space<vmem>>, vector<16xf32>,
    }
    %scan3A_8 = arith.constant 40 : i32
    %eq3A = arith.constant 0 : i32
    %eq3A_9 = arith.cmpi eq, %arg0, %eq3A : i32
    %convert_element_type3A = arith.extui %eq3A_9 : i1 to i32
    %cond3A = arith.constant 0 : i32
    %cond3A_10 = arith.cmpi ne, %convert_element_type3A, %cond3A : i32
    scf.if %cond3A_10 {
      %mul3A_60 = arith.constant 640 : i32
      %mul3A_61 = arith.muli %arg1, %mul3A_60 : i32
      "tpu.region"() ({
        %run_scoped3A = tpu.sem_alloc : memref<!tpu.dma_semaphore, #tpu.memory_space<semaphore_mem>>
        %dma_start3A = tpu.memref_slice %arg8[%mul3A_61] : memref<10240xf32, #tpu.memory_space<vmem_shared>> -> memref<640xf32, #tpu.memory_space<vmem_shared>>
        %dma_start3A_62 = tpu.memref_slice %arg8[%mul3A_61] : memref<10240xf32, #tpu.memory_space<vmem_shared>> -> memref<640xf32, #tpu.memory_space<vmem_shared>>
        tpu.enqueue_dma source(%arg13 : memref<640xf32, #tpu.memory_space<vmem>>) target(%dma_start3A_62 : memref<640xf32, #tpu.memory_space<vmem_shared>>) target_semaphore(%run_scoped3A : memref<!tpu.dma_semaphore, #tpu.memory_space<semaphore_mem>>)
        %dma_wait3A = tpu.memref_slice %arg8[%mul3A_61] : memref<10240xf32, #tpu.memory_space<vmem_shared>> -> memref<640xf32, #tpu.memory_space<vmem_shared>>
        %dma_wait3A_63 = tpu.memref_slice %arg8[%mul3A_61] : memref<10240xf32, #tpu.memory_space<vmem_shared>> -> memref<640xf32, #tpu.memory_space<vmem_shared>>
        tpu.wait_dma2 semaphore(%run_scoped3A : memref<!tpu.dma_semaphore, #tpu.memory_space<semaphore_mem>>) src(%arg13 : memref<640xf32, #tpu.memory_space<vmem>>) dst(%dma_wait3A_63 : memref<640xf32, #tpu.memory_space<vmem_shared>>)
        tpu.yield
      }) : () -> ()
    } else {
    }
    %scan3A_11 = arith.constant 0 : i32
    %scan3A_12 = arith.constant 16 : i32
    %scan3A_13 = arith.addi %scan3A_11, %scan3A_12 : i32
    %scan3A_14 = arith.constant 1 : i32
    scf.for %scan3A_60 = %scan3A_11 to %scan3A_13 step %scan3A_14  : i32 {
      %mul3A_61 = arith.constant 16 : i32
      %mul3A_62 = arith.muli %scan3A_60, %mul3A_61 : i32
      %add3A_63 = arith.constant 0 : i32
      %add3A_64 = arith.addi %add3A_63, %mul3A_62 : i32
      %broadcast_in_dim3A = arith.constant 1.000000e+00 : f32
      %broadcast_in_dim3A_65 = vector.broadcast %broadcast_in_dim3A : f32 to vector<16xf32>
      %swap3A = arith.index_cast %add3A_64 : i32 to index
      %swap3A_66 = tpu.vector_load %arg14[%swap3A] {strides = array<i32>} : memref<256xf32, #tpu.memory_space<vmem>>, vector<16xf32>,
      tpu.vector_store %arg14[%swap3A], %broadcast_in_dim3A_65 {strides = array<i32>} : memref<256xf32, #tpu.memory_space<vmem>>, vector<16xf32>,
    }
    %scan3A_15 = arith.constant 16 : i32
    %mul3A = arith.constant 2 : i32
    %mul3A_16 = arith.muli %mul3A, %arg0 : i32
    %add3A = arith.constant 0 : i32
    %add3A_17 = arith.addi %mul3A_16, %add3A : i32
    %scan3A_18 = arith.constant 0 : i32
    %scan3A_19 = arith.constant 10 : i32
    %scan3A_20 = arith.addi %scan3A_18, %scan3A_19 : i32
    %scan3A_21 = arith.constant 1 : i32
    scf.for %scan3A_60 = %scan3A_18 to %scan3A_20 step %scan3A_21  : i32 {
      %mul3A_61 = arith.constant 1 : i32
      %mul3A_62 = arith.muli %scan3A_60, %mul3A_61 : i32
      %add3A_63 = arith.constant 0 : i32
      %add3A_64 = arith.addi %add3A_63, %mul3A_62 : i32
      %mul3A_65 = arith.constant 640 : i32
      %mul3A_66 = arith.muli %arg1, %mul3A_65 : i32
      %mul3A_67 = arith.constant 64 : i32
      %mul3A_68 = arith.muli %add3A_64, %mul3A_67 : i32
      %add3A_69 = arith.addi %mul3A_66, %mul3A_68 : i32
      "tpu.region"() ({
        %run_scoped3A = tpu.sem_alloc : memref<!tpu.dma_semaphore, #tpu.memory_space<semaphore_mem>>
        %dma_start3A = arith.constant 0 : i32
        %dma_start3A_70 = tpu.memref_slice %arg7[%add3A_69, %dma_start3A] : memref<10240x128xf32, #tpu.memory_space<vmem_shared>> -> memref<64x128xf32, #tpu.memory_space<vmem_shared>>
        %dma_start3A_71 = arith.constant 0 : i32
        %dma_start3A_72 = tpu.memref_slice %arg7[%add3A_69, %dma_start3A_71] : memref<10240x128xf32, #tpu.memory_space<vmem_shared>> -> memref<64x128xf32, #tpu.memory_space<vmem_shared>>
        tpu.enqueue_dma source(%arg12 : memref<64x128xf32, #tpu.memory_space<vmem>>) target(%dma_start3A_72 : memref<64x128xf32, #tpu.memory_space<vmem_shared>>) target_semaphore(%run_scoped3A : memref<!tpu.dma_semaphore, #tpu.memory_space<semaphore_mem>>)
        %dma_wait3A = arith.constant 0 : i32
        %dma_wait3A_73 = tpu.memref_slice %arg7[%add3A_69, %dma_wait3A] : memref<10240x128xf32, #tpu.memory_space<vmem_shared>> -> memref<64x128xf32, #tpu.memory_space<vmem_shared>>
        %dma_wait3A_74 = arith.constant 0 : i32
        %dma_wait3A_75 = tpu.memref_slice %arg7[%add3A_69, %dma_wait3A_74] : memref<10240x128xf32, #tpu.memory_space<vmem_shared>> -> memref<64x128xf32, #tpu.memory_space<vmem_shared>>
        tpu.wait_dma2 semaphore(%run_scoped3A : memref<!tpu.dma_semaphore, #tpu.memory_space<semaphore_mem>>) src(%arg12 : memref<64x128xf32, #tpu.memory_space<vmem>>) dst(%dma_wait3A_75 : memref<64x128xf32, #tpu.memory_space<vmem_shared>>)
        tpu.yield
      }) : () -> ()
    }
    %scan3A_22 = arith.constant 10 : i32
    %barrier3A = arith.constant 0 : index
    tpu.barrier barrier_id(%barrier3A)
    %scan3A_23 = arith.constant 0 : i32
    %scan3A_24 = arith.constant 40 : i32
    %scan3A_25 = arith.addi %scan3A_23, %scan3A_24 : i32
    %scan3A_26 = arith.constant 1 : i32
    scf.for %scan3A_60 = %scan3A_23 to %scan3A_25 step %scan3A_26  : i32 {
      %mul3A_61 = arith.constant 1 : i32
      %mul3A_62 = arith.muli %scan3A_60, %mul3A_61 : i32
      %add3A_63 = arith.constant 0 : i32
      %add3A_64 = arith.addi %add3A_63, %mul3A_62 : i32
      %mul3A_65 = arith.constant 10240 : i32
      %mul3A_66 = arith.muli %arg1, %mul3A_65 : i32
      %mul3A_67 = arith.constant 256 : i32
      %mul3A_68 = arith.muli %add3A_64, %mul3A_67 : i32
      %add3A_69 = arith.addi %mul3A_66, %mul3A_68 : i32
      %dma_start3A = tpu.memref_slice %arg3[%add3A_69] : memref<163840xi32, #tpu.memory_space<hbm>> -> memref<256xi32, #tpu.memory_space<hbm>>
      %dma_start3A_70 = tpu.memref_slice %arg3[%add3A_69] : memref<163840xi32, #tpu.memory_space<hbm>> -> memref<256xi32, #tpu.memory_space<hbm>>
      tpu.enqueue_dma source(%dma_start3A_70 : memref<256xi32, #tpu.memory_space<hbm>>) target(%arg9 : memref<256xi32, #tpu.memory_space<vmem>>) target_semaphore(%arg15 : memref<!tpu.dma_semaphore, #tpu.memory_space<semaphore_mem>>)
      %dma_start3A_71 = tpu.memref_slice %arg4[%add3A_69] : memref<163840xi32, #tpu.memory_space<hbm>> -> memref<256xi32, #tpu.memory_space<hbm>>
      %dma_start3A_72 = tpu.memref_slice %arg4[%add3A_69] : memref<163840xi32, #tpu.memory_space<hbm>> -> memref<256xi32, #tpu.memory_space<hbm>>
      tpu.enqueue_dma source(%dma_start3A_72 : memref<256xi32, #tpu.memory_space<hbm>>) target(%arg10 : memref<256xi32, #tpu.memory_space<vmem>>) target_semaphore(%arg16 : memref<!tpu.dma_semaphore, #tpu.memory_space<semaphore_mem>>)
      %dma_wait3A = tpu.memref_slice %arg3[%add3A_69] : memref<163840xi32, #tpu.memory_space<hbm>> -> memref<256xi32, #tpu.memory_space<hbm>>
      %dma_wait3A_73 = tpu.memref_slice %arg3[%add3A_69] : memref<163840xi32, #tpu.memory_space<hbm>> -> memref<256xi32, #tpu.memory_space<hbm>>
      tpu.wait_dma2 semaphore(%arg15 : memref<!tpu.dma_semaphore, #tpu.memory_space<semaphore_mem>>) src(%dma_wait3A_73 : memref<256xi32, #tpu.memory_space<hbm>>) dst(%arg9 : memref<256xi32, #tpu.memory_space<vmem>>)
      %dma_wait3A_74 = tpu.memref_slice %arg4[%add3A_69] : memref<163840xi32, #tpu.memory_space<hbm>> -> memref<256xi32, #tpu.memory_space<hbm>>
      %dma_wait3A_75 = tpu.memref_slice %arg4[%add3A_69] : memref<163840xi32, #tpu.memory_space<hbm>> -> memref<256xi32, #tpu.memory_space<hbm>>
      tpu.wait_dma2 semaphore(%arg16 : memref<!tpu.dma_semaphore, #tpu.memory_space<semaphore_mem>>) src(%dma_wait3A_75 : memref<256xi32, #tpu.memory_space<hbm>>) dst(%arg10 : memref<256xi32, #tpu.memory_space<vmem>>)
      "tpu.region"() ({
        %run_scoped3A = tpu.sem_alloc : memref<!tpu.dma_semaphore, #tpu.memory_space<semaphore_mem>>
        %dma_start3A_81 = arith.constant 0 : i32
        %dma_start3A_82 = arith.constant 0 : i32
        %dma_start3A_83 = tpu.memref_slice %arg2[%add3A_17, %dma_start3A_81, %dma_start3A_82] : memref<4x10240x128xf32, #tpu.memory_space<hbm>> -> memref<1x10240x128xf32, #tpu.memory_space<hbm>>
        %dma_start3A_84 = tpu.memref_squeeze %dma_start3A_83 : memref<1x10240x128xf32, #tpu.memory_space<hbm>> -> memref<10240x128xf32, #tpu.memory_space<hbm>>
        %dma_start3A_85 = arith.constant 0 : i32
        %dma_start3A_86 = arith.constant 0 : i32
        %dma_start3A_87 = tpu.memref_slice %dma_start3A_84[%dma_start3A_85, %dma_start3A_86] : memref<10240x128xf32, #tpu.memory_space<hbm>> -> memref<10240x128xf32, #tpu.memory_space<hbm>>
        tpu.enqueue_indirect_dma source(%dma_start3A_87 : memref<10240x128xf32, #tpu.memory_space<hbm>>) target(%arg11 : memref<256x128xf32, #tpu.memory_space<vmem>>) offsets(%arg9 : memref<256xi32, #tpu.memory_space<vmem>>) semaphore(%run_scoped3A : memref<!tpu.dma_semaphore, #tpu.memory_space<semaphore_mem>>)
        %dma_wait3A_88 = arith.constant 0 : i32
        %dma_wait3A_89 = arith.constant 0 : i32
        %dma_wait3A_90 = tpu.memref_slice %arg2[%add3A_17, %dma_wait3A_88, %dma_wait3A_89] : memref<4x10240x128xf32, #tpu.memory_space<hbm>> -> memref<1x10240x128xf32, #tpu.memory_space<hbm>>
        %dma_wait3A_91 = tpu.memref_squeeze %dma_wait3A_90 : memref<1x10240x128xf32, #tpu.memory_space<hbm>> -> memref<10240x128xf32, #tpu.memory_space<hbm>>
        %dma_wait3A_92 = arith.constant 0 : i32
        %dma_wait3A_93 = arith.constant 0 : i32
        %dma_wait3A_94 = tpu.memref_slice %dma_wait3A_91[%dma_wait3A_92, %dma_wait3A_93] : memref<10240x128xf32, #tpu.memory_space<hbm>> -> memref<10240x128xf32, #tpu.memory_space<hbm>>
        tpu.wait_indirect_dma semaphore(%run_scoped3A : memref<!tpu.dma_semaphore, #tpu.memory_space<semaphore_mem>>) src(%dma_wait3A_94 : memref<10240x128xf32, #tpu.memory_space<hbm>>) dst(%arg11 : memref<256x128xf32, #tpu.memory_space<vmem>>)
        tpu.yield
      }) : () -> ()
      "tpu.region"() ({
        %run_scoped3A = tpu.sem_alloc : memref<!tpu.dma_semaphore, #tpu.memory_space<semaphore_mem>>
        %dma_start3A_81 = arith.constant 0 : i32
        %dma_start3A_82 = arith.constant 0 : i32
        %dma_start3A_83 = tpu.memref_slice %arg7[%dma_start3A_81, %dma_start3A_82] : memref<10240x128xf32, #tpu.memory_space<vmem_shared>> -> memref<10240x128xf32, #tpu.memory_space<vmem_shared>>
        tpu.enqueue_indirect_dma source(%arg11 : memref<256x128xf32, #tpu.memory_space<vmem>>) target(%dma_start3A_83 : memref<10240x128xf32, #tpu.memory_space<vmem_shared>>) offsets(%arg10 : memref<256xi32, #tpu.memory_space<vmem>>) semaphore(%run_scoped3A : memref<!tpu.dma_semaphore, #tpu.memory_space<semaphore_mem>>) {add = true}
        %dma_wait3A_84 = arith.constant 0 : i32
        %dma_wait3A_85 = arith.constant 0 : i32
        %dma_wait3A_86 = tpu.memref_slice %arg7[%dma_wait3A_84, %dma_wait3A_85] : memref<10240x128xf32, #tpu.memory_space<vmem_shared>> -> memref<10240x128xf32, #tpu.memory_space<vmem_shared>>
        tpu.wait_indirect_dma semaphore(%run_scoped3A : memref<!tpu.dma_semaphore, #tpu.memory_space<semaphore_mem>>) src(%arg11 : memref<256x128xf32, #tpu.memory_space<vmem>>) dst(%dma_wait3A_86 : memref<10240x128xf32, #tpu.memory_space<vmem_shared>>)
        tpu.yield
      }) : () -> ()
      %eq3A_76 = arith.constant 0 : i32
      %eq3A_77 = arith.cmpi eq, %arg0, %eq3A_76 : i32
      %convert_element_type3A_78 = arith.extui %eq3A_77 : i1 to i32
      %cond3A_79 = arith.constant 0 : i32
      %cond3A_80 = arith.cmpi ne, %convert_element_type3A_78, %cond3A_79 : i32
      scf.if %cond3A_80 {
        "tpu.region"() ({
          %run_scoped3A = tpu.sem_alloc : memref<!tpu.dma_semaphore, #tpu.memory_space<semaphore_mem>>
          %dma_start3A_81 = arith.constant 0 : i32
          %dma_start3A_82 = tpu.memref_slice %arg8[%dma_start3A_81] : memref<10240xf32, #tpu.memory_space<vmem_shared>> -> memref<10240xf32, #tpu.memory_space<vmem_shared>>
          tpu.enqueue_indirect_dma source(%arg14 : memref<256xf32, #tpu.memory_space<vmem>>) target(%dma_start3A_82 : memref<10240xf32, #tpu.memory_space<vmem_shared>>) offsets(%arg10 : memref<256xi32, #tpu.memory_space<vmem>>) semaphore(%run_scoped3A : memref<!tpu.dma_semaphore, #tpu.memory_space<semaphore_mem>>) {add = true}
          %dma_wait3A_83 = arith.constant 0 : i32
          %dma_wait3A_84 = tpu.memref_slice %arg8[%dma_wait3A_83] : memref<10240xf32, #tpu.memory_space<vmem_shared>> -> memref<10240xf32, #tpu.memory_space<vmem_shared>>
          tpu.wait_indirect_dma semaphore(%run_scoped3A : memref<!tpu.dma_semaphore, #tpu.memory_space<semaphore_mem>>) src(%arg14 : memref<256xf32, #tpu.memory_space<vmem>>) dst(%dma_wait3A_84 : memref<10240xf32, #tpu.memory_space<vmem_shared>>)
          tpu.yield
        }) : () -> ()
      } else {
      }
    }
    %scan3A_27 = arith.constant 40 : i32
    %barrier3A_28 = arith.constant 0 : index
    tpu.barrier barrier_id(%barrier3A_28)
    %mul3A_29 = arith.constant 640 : i32
    %mul3A_30 = arith.muli %arg1, %mul3A_29 : i32
    %mul3A_31 = arith.constant 640 : i32
    %mul3A_32 = arith.muli %arg1, %mul3A_31 : i32
    "tpu.region"() ({
      %run_scoped3A = tpu.sem_alloc : memref<!tpu.dma_semaphore, #tpu.memory_space<semaphore_mem>>
      %dma_start3A = arith.constant 0 : i32
      %dma_start3A_60 = arith.constant 0 : i32
      %dma_start3A_61 = tpu.memref_slice %arg5[%add3A_17, %dma_start3A, %dma_start3A_60] : memref<4x10240x128xf32, #tpu.memory_space<hbm>> -> memref<1x10240x128xf32, #tpu.memory_space<hbm>>
      %dma_start3A_62 = tpu.memref_squeeze %dma_start3A_61 : memref<1x10240x128xf32, #tpu.memory_space<hbm>> -> memref<10240x128xf32, #tpu.memory_space<hbm>>
      %dma_start3A_63 = arith.constant 0 : i32
      %dma_start3A_64 = tpu.memref_slice %dma_start3A_62[%mul3A_32, %dma_start3A_63] : memref<10240x128xf32, #tpu.memory_space<hbm>> -> memref<640x128xf32, #tpu.memory_space<hbm>>
      %dma_start3A_65 = arith.constant 0 : i32
      %dma_start3A_66 = tpu.memref_slice %arg7[%mul3A_30, %dma_start3A_65] : memref<10240x128xf32, #tpu.memory_space<vmem_shared>> -> memref<640x128xf32, #tpu.memory_space<vmem_shared>>
      tpu.enqueue_dma source(%dma_start3A_66 : memref<640x128xf32, #tpu.memory_space<vmem_shared>>) target(%dma_start3A_64 : memref<640x128xf32, #tpu.memory_space<hbm>>) target_semaphore(%run_scoped3A : memref<!tpu.dma_semaphore, #tpu.memory_space<semaphore_mem>>)
      %dma_wait3A = arith.constant 0 : i32
      %dma_wait3A_67 = arith.constant 0 : i32
      %dma_wait3A_68 = tpu.memref_slice %arg5[%add3A_17, %dma_wait3A, %dma_wait3A_67] : memref<4x10240x128xf32, #tpu.memory_space<hbm>> -> memref<1x10240x128xf32, #tpu.memory_space<hbm>>
      %dma_wait3A_69 = tpu.memref_squeeze %dma_wait3A_68 : memref<1x10240x128xf32, #tpu.memory_space<hbm>> -> memref<10240x128xf32, #tpu.memory_space<hbm>>
      %dma_wait3A_70 = arith.constant 0 : i32
      %dma_wait3A_71 = tpu.memref_slice %dma_wait3A_69[%mul3A_32, %dma_wait3A_70] : memref<10240x128xf32, #tpu.memory_space<hbm>> -> memref<640x128xf32, #tpu.memory_space<hbm>>
      %dma_wait3A_72 = arith.constant 0 : i32
      %dma_wait3A_73 = tpu.memref_slice %arg7[%mul3A_30, %dma_wait3A_72] : memref<10240x128xf32, #tpu.memory_space<vmem_shared>> -> memref<640x128xf32, #tpu.memory_space<vmem_shared>>
      tpu.wait_dma2 semaphore(%run_scoped3A : memref<!tpu.dma_semaphore, #tpu.memory_space<semaphore_mem>>) src(%dma_wait3A_73 : memref<640x128xf32, #tpu.memory_space<vmem_shared>>) dst(%dma_wait3A_71 : memref<640x128xf32, #tpu.memory_space<hbm>>)
      tpu.yield
    }) : () -> ()
    %eq3A_33 = arith.constant 0 : i32
    %eq3A_34 = arith.cmpi eq, %arg0, %eq3A_33 : i32
    %convert_element_type3A_35 = arith.extui %eq3A_34 : i1 to i32
    %cond3A_36 = arith.constant 0 : i32
    %cond3A_37 = arith.cmpi ne, %convert_element_type3A_35, %cond3A_36 : i32
    scf.if %cond3A_37 {
      %mul3A_60 = arith.constant 640 : i32
      %mul3A_61 = arith.muli %arg1, %mul3A_60 : i32
      %mul3A_62 = arith.constant 640 : i32
      %mul3A_63 = arith.muli %arg1, %mul3A_62 : i32
      "tpu.region"() ({
        %run_scoped3A = tpu.sem_alloc : memref<!tpu.dma_semaphore, #tpu.memory_space<semaphore_mem>>
        %dma_start3A = tpu.memref_slice %arg6[%mul3A_63] : memref<10240xf32, #tpu.memory_space<hbm>> -> memref<640xf32, #tpu.memory_space<hbm>>
        %dma_start3A_64 = tpu.memref_slice %arg8[%mul3A_61] : memref<10240xf32, #tpu.memory_space<vmem_shared>> -> memref<640xf32, #tpu.memory_space<vmem_shared>>
        tpu.enqueue_dma source(%dma_start3A_64 : memref<640xf32, #tpu.memory_space<vmem_shared>>) target(%dma_start3A : memref<640xf32, #tpu.memory_space<hbm>>) target_semaphore(%run_scoped3A : memref<!tpu.dma_semaphore, #tpu.memory_space<semaphore_mem>>)
        %dma_wait3A = tpu.memref_slice %arg6[%mul3A_63] : memref<10240xf32, #tpu.memory_space<hbm>> -> memref<640xf32, #tpu.memory_space<hbm>>
        %dma_wait3A_65 = tpu.memref_slice %arg8[%mul3A_61] : memref<10240xf32, #tpu.memory_space<vmem_shared>> -> memref<640xf32, #tpu.memory_space<vmem_shared>>
        tpu.wait_dma2 semaphore(%run_scoped3A : memref<!tpu.dma_semaphore, #tpu.memory_space<semaphore_mem>>) src(%dma_wait3A_65 : memref<640xf32, #tpu.memory_space<vmem_shared>>) dst(%dma_wait3A : memref<640xf32, #tpu.memory_space<hbm>>)
        tpu.yield
      }) : () -> ()
    } else {
    }
    %barrier3A_38 = arith.constant 0 : index
    tpu.barrier barrier_id(%barrier3A_38)
    %mul3A_39 = arith.constant 2 : i32
    %mul3A_40 = arith.muli %mul3A_39, %arg0 : i32
    %add3A_41 = arith.constant 1 : i32
    %add3A_42 = arith.addi %mul3A_40, %add3A_41 : i32
    %scan3A_43 = arith.constant 0 : i32
    %scan3A_44 = arith.constant 10 : i32
    %scan3A_45 = arith.addi %scan3A_43, %scan3A_44 : i32
    %scan3A_46 = arith.constant 1 : i32
    scf.for %scan3A_60 = %scan3A_43 to %scan3A_45 step %scan3A_46  : i32 {
      %mul3A_61 = arith.constant 1 : i32
      %mul3A_62 = arith.muli %scan3A_60, %mul3A_61 : i32
      %add3A_63 = arith.constant 0 : i32
      %add3A_64 = arith.addi %add3A_63, %mul3A_62 : i32
      %mul3A_65 = arith.constant 640 : i32
      %mul3A_66 = arith.muli %arg1, %mul3A_65 : i32
      %mul3A_67 = arith.constant 64 : i32
      %mul3A_68 = arith.muli %add3A_64, %mul3A_67 : i32
      %add3A_69 = arith.addi %mul3A_66, %mul3A_68 : i32
      "tpu.region"() ({
        %run_scoped3A = tpu.sem_alloc : memref<!tpu.dma_semaphore, #tpu.memory_space<semaphore_mem>>
        %dma_start3A = arith.constant 0 : i32
        %dma_start3A_70 = tpu.memref_slice %arg7[%add3A_69, %dma_start3A] : memref<10240x128xf32, #tpu.memory_space<vmem_shared>> -> memref<64x128xf32, #tpu.memory_space<vmem_shared>>
        %dma_start3A_71 = arith.constant 0 : i32
        %dma_start3A_72 = tpu.memref_slice %arg7[%add3A_69, %dma_start3A_71] : memref<10240x128xf32, #tpu.memory_space<vmem_shared>> -> memref<64x128xf32, #tpu.memory_space<vmem_shared>>
        tpu.enqueue_dma source(%arg12 : memref<64x128xf32, #tpu.memory_space<vmem>>) target(%dma_start3A_72 : memref<64x128xf32, #tpu.memory_space<vmem_shared>>) target_semaphore(%run_scoped3A : memref<!tpu.dma_semaphore, #tpu.memory_space<semaphore_mem>>)
        %dma_wait3A = arith.constant 0 : i32
        %dma_wait3A_73 = tpu.memref_slice %arg7[%add3A_69, %dma_wait3A] : memref<10240x128xf32, #tpu.memory_space<vmem_shared>> -> memref<64x128xf32, #tpu.memory_space<vmem_shared>>
        %dma_wait3A_74 = arith.constant 0 : i32
        %dma_wait3A_75 = tpu.memref_slice %arg7[%add3A_69, %dma_wait3A_74] : memref<10240x128xf32, #tpu.memory_space<vmem_shared>> -> memref<64x128xf32, #tpu.memory_space<vmem_shared>>
        tpu.wait_dma2 semaphore(%run_scoped3A : memref<!tpu.dma_semaphore, #tpu.memory_space<semaphore_mem>>) src(%arg12 : memref<64x128xf32, #tpu.memory_space<vmem>>) dst(%dma_wait3A_75 : memref<64x128xf32, #tpu.memory_space<vmem_shared>>)
        tpu.yield
      }) : () -> ()
    }
    %scan3A_47 = arith.constant 10 : i32
    %barrier3A_48 = arith.constant 0 : index
    tpu.barrier barrier_id(%barrier3A_48)
    %scan3A_49 = arith.constant 0 : i32
    %scan3A_50 = arith.constant 40 : i32
    %scan3A_51 = arith.addi %scan3A_49, %scan3A_50 : i32
    %scan3A_52 = arith.constant 1 : i32
    scf.for %scan3A_60 = %scan3A_49 to %scan3A_51 step %scan3A_52  : i32 {
      %mul3A_61 = arith.constant 1 : i32
      %mul3A_62 = arith.muli %scan3A_60, %mul3A_61 : i32
      %add3A_63 = arith.constant 0 : i32
      %add3A_64 = arith.addi %add3A_63, %mul3A_62 : i32
      %mul3A_65 = arith.constant 10240 : i32
      %mul3A_66 = arith.muli %arg1, %mul3A_65 : i32
      %mul3A_67 = arith.constant 256 : i32
      %mul3A_68 = arith.muli %add3A_64, %mul3A_67 : i32
      %add3A_69 = arith.addi %mul3A_66, %mul3A_68 : i32
      %dma_start3A = tpu.memref_slice %arg3[%add3A_69] : memref<163840xi32, #tpu.memory_space<hbm>> -> memref<256xi32, #tpu.memory_space<hbm>>
      %dma_start3A_70 = tpu.memref_slice %arg3[%add3A_69] : memref<163840xi32, #tpu.memory_space<hbm>> -> memref<256xi32, #tpu.memory_space<hbm>>
      tpu.enqueue_dma source(%dma_start3A_70 : memref<256xi32, #tpu.memory_space<hbm>>) target(%arg9 : memref<256xi32, #tpu.memory_space<vmem>>) target_semaphore(%arg15 : memref<!tpu.dma_semaphore, #tpu.memory_space<semaphore_mem>>)
      %dma_start3A_71 = tpu.memref_slice %arg4[%add3A_69] : memref<163840xi32, #tpu.memory_space<hbm>> -> memref<256xi32, #tpu.memory_space<hbm>>
      %dma_start3A_72 = tpu.memref_slice %arg4[%add3A_69] : memref<163840xi32, #tpu.memory_space<hbm>> -> memref<256xi32, #tpu.memory_space<hbm>>
      tpu.enqueue_dma source(%dma_start3A_72 : memref<256xi32, #tpu.memory_space<hbm>>) target(%arg10 : memref<256xi32, #tpu.memory_space<vmem>>) target_semaphore(%arg16 : memref<!tpu.dma_semaphore, #tpu.memory_space<semaphore_mem>>)
      %dma_wait3A = tpu.memref_slice %arg3[%add3A_69] : memref<163840xi32, #tpu.memory_space<hbm>> -> memref<256xi32, #tpu.memory_space<hbm>>
      %dma_wait3A_73 = tpu.memref_slice %arg3[%add3A_69] : memref<163840xi32, #tpu.memory_space<hbm>> -> memref<256xi32, #tpu.memory_space<hbm>>
      tpu.wait_dma2 semaphore(%arg15 : memref<!tpu.dma_semaphore, #tpu.memory_space<semaphore_mem>>) src(%dma_wait3A_73 : memref<256xi32, #tpu.memory_space<hbm>>) dst(%arg9 : memref<256xi32, #tpu.memory_space<vmem>>)
      %dma_wait3A_74 = tpu.memref_slice %arg4[%add3A_69] : memref<163840xi32, #tpu.memory_space<hbm>> -> memref<256xi32, #tpu.memory_space<hbm>>
      %dma_wait3A_75 = tpu.memref_slice %arg4[%add3A_69] : memref<163840xi32, #tpu.memory_space<hbm>> -> memref<256xi32, #tpu.memory_space<hbm>>
      tpu.wait_dma2 semaphore(%arg16 : memref<!tpu.dma_semaphore, #tpu.memory_space<semaphore_mem>>) src(%dma_wait3A_75 : memref<256xi32, #tpu.memory_space<hbm>>) dst(%arg10 : memref<256xi32, #tpu.memory_space<vmem>>)
      "tpu.region"() ({
        %run_scoped3A = tpu.sem_alloc : memref<!tpu.dma_semaphore, #tpu.memory_space<semaphore_mem>>
        %dma_start3A_76 = arith.constant 0 : i32
        %dma_start3A_77 = arith.constant 0 : i32
        %dma_start3A_78 = tpu.memref_slice %arg2[%add3A_42, %dma_start3A_76, %dma_start3A_77] : memref<4x10240x128xf32, #tpu.memory_space<hbm>> -> memref<1x10240x128xf32, #tpu.memory_space<hbm>>
        %dma_start3A_79 = tpu.memref_squeeze %dma_start3A_78 : memref<1x10240x128xf32, #tpu.memory_space<hbm>> -> memref<10240x128xf32, #tpu.memory_space<hbm>>
        %dma_start3A_80 = arith.constant 0 : i32
        %dma_start3A_81 = arith.constant 0 : i32
        %dma_start3A_82 = tpu.memref_slice %dma_start3A_79[%dma_start3A_80, %dma_start3A_81] : memref<10240x128xf32, #tpu.memory_space<hbm>> -> memref<10240x128xf32, #tpu.memory_space<hbm>>
        tpu.enqueue_indirect_dma source(%dma_start3A_82 : memref<10240x128xf32, #tpu.memory_space<hbm>>) target(%arg11 : memref<256x128xf32, #tpu.memory_space<vmem>>) offsets(%arg9 : memref<256xi32, #tpu.memory_space<vmem>>) semaphore(%run_scoped3A : memref<!tpu.dma_semaphore, #tpu.memory_space<semaphore_mem>>)
        %dma_wait3A_83 = arith.constant 0 : i32
        %dma_wait3A_84 = arith.constant 0 : i32
        %dma_wait3A_85 = tpu.memref_slice %arg2[%add3A_42, %dma_wait3A_83, %dma_wait3A_84] : memref<4x10240x128xf32, #tpu.memory_space<hbm>> -> memref<1x10240x128xf32, #tpu.memory_space<hbm>>
        %dma_wait3A_86 = tpu.memref_squeeze %dma_wait3A_85 : memref<1x10240x128xf32, #tpu.memory_space<hbm>> -> memref<10240x128xf32, #tpu.memory_space<hbm>>
        %dma_wait3A_87 = arith.constant 0 : i32
        %dma_wait3A_88 = arith.constant 0 : i32
        %dma_wait3A_89 = tpu.memref_slice %dma_wait3A_86[%dma_wait3A_87, %dma_wait3A_88] : memref<10240x128xf32, #tpu.memory_space<hbm>> -> memref<10240x128xf32, #tpu.memory_space<hbm>>
        tpu.wait_indirect_dma semaphore(%run_scoped3A : memref<!tpu.dma_semaphore, #tpu.memory_space<semaphore_mem>>) src(%dma_wait3A_89 : memref<10240x128xf32, #tpu.memory_space<hbm>>) dst(%arg11 : memref<256x128xf32, #tpu.memory_space<vmem>>)
        tpu.yield
      }) : () -> ()
      "tpu.region"() ({
        %run_scoped3A = tpu.sem_alloc : memref<!tpu.dma_semaphore, #tpu.memory_space<semaphore_mem>>
        %dma_start3A_76 = arith.constant 0 : i32
        %dma_start3A_77 = arith.constant 0 : i32
        %dma_start3A_78 = tpu.memref_slice %arg7[%dma_start3A_76, %dma_start3A_77] : memref<10240x128xf32, #tpu.memory_space<vmem_shared>> -> memref<10240x128xf32, #tpu.memory_space<vmem_shared>>
        tpu.enqueue_indirect_dma source(%arg11 : memref<256x128xf32, #tpu.memory_space<vmem>>) target(%dma_start3A_78 : memref<10240x128xf32, #tpu.memory_space<vmem_shared>>) offsets(%arg10 : memref<256xi32, #tpu.memory_space<vmem>>) semaphore(%run_scoped3A : memref<!tpu.dma_semaphore, #tpu.memory_space<semaphore_mem>>) {add = true}
        %dma_wait3A_79 = arith.constant 0 : i32
        %dma_wait3A_80 = arith.constant 0 : i32
        %dma_wait3A_81 = tpu.memref_slice %arg7[%dma_wait3A_79, %dma_wait3A_80] : memref<10240x128xf32, #tpu.memory_space<vmem_shared>> -> memref<10240x128xf32, #tpu.memory_space<vmem_shared>>
        tpu.wait_indirect_dma semaphore(%run_scoped3A : memref<!tpu.dma_semaphore, #tpu.memory_space<semaphore_mem>>) src(%arg11 : memref<256x128xf32, #tpu.memory_space<vmem>>) dst(%dma_wait3A_81 : memref<10240x128xf32, #tpu.memory_space<vmem_shared>>)
        tpu.yield
      }) : () -> ()
    }
    %scan3A_53 = arith.constant 40 : i32
    %barrier3A_54 = arith.constant 0 : index
    tpu.barrier barrier_id(%barrier3A_54)
    %mul3A_55 = arith.constant 640 : i32
    %mul3A_56 = arith.muli %arg1, %mul3A_55 : i32
    %mul3A_57 = arith.constant 640 : i32
    %mul3A_58 = arith.muli %arg1, %mul3A_57 : i32
    "tpu.region"() ({
      %run_scoped3A = tpu.sem_alloc : memref<!tpu.dma_semaphore, #tpu.memory_space<semaphore_mem>>
      %dma_start3A = arith.constant 0 : i32
      %dma_start3A_60 = arith.constant 0 : i32
      %dma_start3A_61 = tpu.memref_slice %arg5[%add3A_42, %dma_start3A, %dma_start3A_60] : memref<4x10240x128xf32, #tpu.memory_space<hbm>> -> memref<1x10240x128xf32, #tpu.memory_space<hbm>>
      %dma_start3A_62 = tpu.memref_squeeze %dma_start3A_61 : memref<1x10240x128xf32, #tpu.memory_space<hbm>> -> memref<10240x128xf32, #tpu.memory_space<hbm>>
      %dma_start3A_63 = arith.constant 0 : i32
      %dma_start3A_64 = tpu.memref_slice %dma_start3A_62[%mul3A_58, %dma_start3A_63] : memref<10240x128xf32, #tpu.memory_space<hbm>> -> memref<640x128xf32, #tpu.memory_space<hbm>>
      %dma_start3A_65 = arith.constant 0 : i32
      %dma_start3A_66 = tpu.memref_slice %arg7[%mul3A_56, %dma_start3A_65] : memref<10240x128xf32, #tpu.memory_space<vmem_shared>> -> memref<640x128xf32, #tpu.memory_space<vmem_shared>>
      tpu.enqueue_dma source(%dma_start3A_66 : memref<640x128xf32, #tpu.memory_space<vmem_shared>>) target(%dma_start3A_64 : memref<640x128xf32, #tpu.memory_space<hbm>>) target_semaphore(%run_scoped3A : memref<!tpu.dma_semaphore, #tpu.memory_space<semaphore_mem>>)
      %dma_wait3A = arith.constant 0 : i32
      %dma_wait3A_67 = arith.constant 0 : i32
      %dma_wait3A_68 = tpu.memref_slice %arg5[%add3A_42, %dma_wait3A, %dma_wait3A_67] : memref<4x10240x128xf32, #tpu.memory_space<hbm>> -> memref<1x10240x128xf32, #tpu.memory_space<hbm>>
      %dma_wait3A_69 = tpu.memref_squeeze %dma_wait3A_68 : memref<1x10240x128xf32, #tpu.memory_space<hbm>> -> memref<10240x128xf32, #tpu.memory_space<hbm>>
      %dma_wait3A_70 = arith.constant 0 : i32
      %dma_wait3A_71 = tpu.memref_slice %dma_wait3A_69[%mul3A_58, %dma_wait3A_70] : memref<10240x128xf32, #tpu.memory_space<hbm>> -> memref<640x128xf32, #tpu.memory_space<hbm>>
      %dma_wait3A_72 = arith.constant 0 : i32
      %dma_wait3A_73 = tpu.memref_slice %arg7[%mul3A_56, %dma_wait3A_72] : memref<10240x128xf32, #tpu.memory_space<vmem_shared>> -> memref<640x128xf32, #tpu.memory_space<vmem_shared>>
      tpu.wait_dma2 semaphore(%run_scoped3A : memref<!tpu.dma_semaphore, #tpu.memory_space<semaphore_mem>>) src(%dma_wait3A_73 : memref<640x128xf32, #tpu.memory_space<vmem_shared>>) dst(%dma_wait3A_71 : memref<640x128xf32, #tpu.memory_space<hbm>>)
      tpu.yield
    }) : () -> ()
    %barrier3A_59 = arith.constant 0 : index
    tpu.barrier barrier_id(%barrier3A_59)
    return
  }
}

module attributes {stable_mosaic.version = 14 : i64} {
  func.func @body(%arg0: i32, %arg1: memref<512x128xf32, #tpu.memory_space<vmem>>, %arg2: memref<128x128xf32, #tpu.memory_space<vmem>>, %arg3: memref<1x128xf32, #tpu.memory_space<vmem>>, %arg4: memref<512x128xf32, #tpu.memory_space<vmem>>) attributes {dimension_semantics = [#tpu.dimension_semantics<arbitrary>], iteration_bounds = array<i64: 80>, scalar_prefetch = 0 : i64, scratch_operands = 0 : i64, tpu.core_type = #tpu.core_type<tc>, window_params = [{transform_indices = @transform_0, window_bounds = array<i64: 512, 128>}, {pipeline_mode = #tpu.pipeline_mode<synchronous>, transform_indices = @transform_1, window_bounds = array<i64: 128, 128>}, {pipeline_mode = #tpu.pipeline_mode<synchronous>, transform_indices = @transform_2, window_bounds = array<i64: 1, 128>}, {transform_indices = @transform_3, window_bounds = array<i64: 512, 128>}]} {
    %get3A = arith.constant 0 : index
    %get3A_0 = arith.constant 0 : index
    %get3A_1 = vector.load %arg1[%get3A, %get3A_0] : memref<512x128xf32, #tpu.memory_space<vmem>>, vector<512x128xf32>
    %get3A_2 = arith.constant 0 : index
    %get3A_3 = arith.constant 0 : index
    %get3A_4 = vector.load %arg2[%get3A_2, %get3A_3] : memref<128x128xf32, #tpu.memory_space<vmem>>, vector<128x128xf32>
    %dot_general3A = arith.constant dense<0.000000e+00> : vector<512x128xf32>
    %dot_general3A_5 = tpu.matmul %get3A_1, %get3A_4, %dot_general3A {dimension_numbers = #tpu.dot_dimension_numbers<[1], [0], [0], [1], [0, 0, 1, 1], [], []>, transpose_lhs_hint = false} : vector<512x128xf32>, vector<128x128xf32>, vector<512x128xf32> -> vector<512x128xf32>
    %get3A_6 = arith.constant 0 : index
    %get3A_7 = arith.constant 0 : index
    %get3A_8 = vector.load %arg3[%get3A_6, %get3A_7] : memref<1x128xf32, #tpu.memory_space<vmem>>, vector<1x128xf32>
    %add3A = vector.broadcast %get3A_8 : vector<1x128xf32> to vector<512x128xf32>
    %add3A_9 = arith.addf %dot_general3A_5, %add3A : vector<512x128xf32>
    %swap3A = arith.constant 0 : index
    %swap3A_10 = arith.constant 0 : index
    %swap3A_11 = vector.load %arg4[%swap3A, %swap3A_10] : memref<512x128xf32, #tpu.memory_space<vmem>>, vector<512x128xf32>
    tpu.vector_store %arg4[%swap3A, %swap3A_10], %add3A_9 {strides = array<i32>} : memref<512x128xf32, #tpu.memory_space<vmem>>, vector<512x128xf32>,
    return
  }
  func.func @transform_0(%arg0: i32) -> (i32, i32) {
    %c0_i32 = arith.constant 0 : i32
    %c0_i32_0 = arith.constant 0 : i32
    return %arg0, %c0_i32 : i32, i32
  }
  func.func @transform_1(%arg0: i32) -> (i32, i32) {
    %c0_i32 = arith.constant 0 : i32
    %c0_i32_0 = arith.constant 0 : i32
    %c0_i32_1 = arith.constant 0 : i32
    return %c0_i32, %c0_i32_0 : i32, i32
  }
  func.func @transform_2(%arg0: i32) -> (i32, i32) {
    %c0_i32 = arith.constant 0 : i32
    %c0_i32_0 = arith.constant 0 : i32
    %c0_i32_1 = arith.constant 0 : i32
    return %c0_i32, %c0_i32_0 : i32, i32
  }
  func.func @transform_3(%arg0: i32) -> (i32, i32) {
    %c0_i32 = arith.constant 0 : i32
    %c0_i32_0 = arith.constant 0 : i32
    return %arg0, %c0_i32 : i32, i32
  }
}

module attributes {stable_mosaic.version = 14 : i64} {
  func.func @body(%arg0: i32, %arg1: memref<4x512x128xf32, #tpu.memory_space<vmem>>, %arg2: memref<4x512x128xf32, #tpu.memory_space<vmem>>, %arg3: memref<1x1x512xf32, #tpu.memory_space<vmem>>, %arg4: memref<4x512xf32, #tpu.memory_space<vmem>>, %arg5: memref<1x128xf32, #tpu.memory_space<vmem>>, %arg6: memref<1x128xf32, #tpu.memory_space<vmem>>, %arg7: memref<5x128xf32, #tpu.memory_space<vmem>>, %arg8: memref<1x128xf32, #tpu.memory_space<vmem>>, %arg9: memref<1x128xf32, #tpu.memory_space<vmem>>, %arg10: memref<1x128xf32, #tpu.memory_space<vmem>>, %arg11: memref<128x128xf32, #tpu.memory_space<vmem>>, %arg12: memref<128x128xf32, #tpu.memory_space<vmem>>, %arg13: memref<128x128xf32, #tpu.memory_space<vmem>>, %arg14: memref<4x512x128xf32, #tpu.memory_space<vmem>>, %arg15: memref<4x512x128xf32, #tpu.memory_space<vmem>>, %arg16: memref<4x512x128xf32, #tpu.memory_space<vmem>>, %arg17: memref<4x512x128xf32, #tpu.memory_space<vmem>>) attributes {dimension_semantics = [#tpu.dimension_semantics<arbitrary>], iteration_bounds = array<i64: 20>, scalar_prefetch = 0 : i64, scratch_operands = 0 : i64, tpu.core_type = #tpu.core_type<tc>, window_params = [{transform_indices = @transform_0, window_bounds = array<i64: 4, 512, 128>}, {transform_indices = @transform_1, window_bounds = array<i64: 4, 512, 128>}, {transform_indices = @transform_2, window_bounds = array<i64: 1, 1, 512>}, {transform_indices = @transform_3, window_bounds = array<i64: 4, 512>}, {pipeline_mode = #tpu.pipeline_mode<synchronous>, transform_indices = @transform_4, window_bounds = array<i64: 1, 128>}, {pipeline_mode = #tpu.pipeline_mode<synchronous>, transform_indices = @transform_5, window_bounds = array<i64: 1, 128>}, {pipeline_mode = #tpu.pipeline_mode<synchronous>, transform_indices = @transform_6, window_bounds = array<i64: 5, 128>}, {pipeline_mode = #tpu.pipeline_mode<synchronous>, transform_indices = @transform_7, window_bounds = array<i64: 1, 128>}, {pipeline_mode = #tpu.pipeline_mode<synchronous>, transform_indices = @transform_8, window_bounds = array<i64: 1, 128>}, {pipeline_mode = #tpu.pipeline_mode<synchronous>, transform_indices = @transform_9, window_bounds = array<i64: 1, 128>}, {pipeline_mode = #tpu.pipeline_mode<synchronous>, transform_indices = @transform_10, window_bounds = array<i64: 128, 128>}, {pipeline_mode = #tpu.pipeline_mode<synchronous>, transform_indices = @transform_11, window_bounds = array<i64: 128, 128>}, {pipeline_mode = #tpu.pipeline_mode<synchronous>, transform_indices = @transform_12, window_bounds = array<i64: 128, 128>}, {transform_indices = @transform_13, window_bounds = array<i64: 4, 512, 128>}, {transform_indices = @transform_14, window_bounds = array<i64: 4, 512, 128>}, {transform_indices = @transform_15, window_bounds = array<i64: 4, 512, 128>}, {transform_indices = @transform_16, window_bounds = array<i64: 4, 512, 128>}]} {
    %get3A = arith.constant 0 : index
    %get3A_0 = arith.constant 0 : index
    %get3A_1 = arith.constant 0 : index
    %get3A_2 = vector.load %arg1[%get3A, %get3A_0, %get3A_1] : memref<4x512x128xf32, #tpu.memory_space<vmem>>, vector<4x512x128xf32>
    %get3A_3 = arith.constant 0 : index
    %get3A_4 = arith.constant 0 : index
    %get3A_5 = arith.constant 0 : index
    %get3A_6 = vector.load %arg3[%get3A_3, %get3A_4, %get3A_5] : memref<1x1x512xf32, #tpu.memory_space<vmem>>, vector<1x1x512xf32>
    %max3A = arith.constant 1.000000e+00 : f32
    %max3A_7 = vector.broadcast %max3A : f32 to vector<1x1x512xf32>
    %max3A_8 = arith.maximumf %get3A_6, %max3A_7 : vector<1x1x512xf32>
    %get3A_9 = arith.constant 0 : index
    %get3A_10 = arith.constant 0 : index
    %get3A_11 = arith.constant 0 : index
    %get3A_12 = vector.load %arg2[%get3A_9, %get3A_10, %get3A_11] : memref<4x512x128xf32, #tpu.memory_space<vmem>>, vector<4x512x128xf32>
    %squeeze3A = vector.shape_cast %max3A_8 : vector<1x1x512xf32> to vector<512xf32>
    %broadcast_in_dim3A = vector.shape_cast %squeeze3A : vector<512xf32> to vector<1x512x1xf32>
    %div3A = vector.broadcast %broadcast_in_dim3A : vector<1x512x1xf32> to vector<4x512x128xf32>
    %div3A_13 = arith.divf %get3A_12, %div3A : vector<4x512x128xf32>
    %add3A = arith.addf %get3A_2, %div3A_13 : vector<4x512x128xf32>
    %get3A_14 = arith.constant 0 : index
    %get3A_15 = arith.constant 0 : index
    %get3A_16 = vector.load %arg5[%get3A_14, %get3A_15] : memref<1x128xf32, #tpu.memory_space<vmem>>, vector<1x128xf32>
    %get3A_17 = arith.constant 0 : index
    %get3A_18 = arith.constant 0 : index
    %get3A_19 = vector.load %arg6[%get3A_17, %get3A_18] : memref<1x128xf32, #tpu.memory_space<vmem>>, vector<1x128xf32>
    %reduce_sum3A = arith.constant dense<0.000000e+00> : vector<4x512xf32>
    %reduce_sum3A_20 = vector.multi_reduction <add>, %add3A, %reduce_sum3A [2] : vector<4x512x128xf32> to vector<4x512xf32>
    %broadcast_in_dim3A_21 = vector.shape_cast %reduce_sum3A_20 : vector<4x512xf32> to vector<4x512x1xf32>
    %div3A_22 = arith.constant 1.280000e+02 : f32
    %div3A_23 = vector.broadcast %div3A_22 : f32 to vector<4x512x1xf32>
    %div3A_24 = arith.divf %broadcast_in_dim3A_21, %div3A_23 : vector<4x512x1xf32>
    %sub3A = vector.broadcast %div3A_24 : vector<4x512x1xf32> to vector<4x512x128xf32>
    %sub3A_25 = arith.subf %add3A, %sub3A : vector<4x512x128xf32>
    %integer_pow3A = arith.mulf %sub3A_25, %sub3A_25 : vector<4x512x128xf32>
    %reduce_sum3A_26 = arith.constant dense<0.000000e+00> : vector<4x512xf32>
    %reduce_sum3A_27 = vector.multi_reduction <add>, %integer_pow3A, %reduce_sum3A_26 [2] : vector<4x512x128xf32> to vector<4x512xf32>
    %broadcast_in_dim3A_28 = vector.shape_cast %reduce_sum3A_27 : vector<4x512xf32> to vector<4x512x1xf32>
    %div3A_29 = arith.constant 1.280000e+02 : f32
    %div3A_30 = vector.broadcast %div3A_29 : f32 to vector<4x512x1xf32>
    %div3A_31 = arith.divf %broadcast_in_dim3A_28, %div3A_30 : vector<4x512x1xf32>
    %sub3A_32 = vector.broadcast %div3A_24 : vector<4x512x1xf32> to vector<4x512x128xf32>
    %sub3A_33 = arith.subf %add3A, %sub3A_32 : vector<4x512x128xf32>
    %broadcast_in_dim3A_34 = vector.shape_cast %get3A_16 : vector<1x128xf32> to vector<1x1x128xf32>
    %mul3A = vector.broadcast %broadcast_in_dim3A_34 : vector<1x1x128xf32> to vector<4x512x128xf32>
    %mul3A_35 = arith.mulf %mul3A, %sub3A_33 : vector<4x512x128xf32>
    %add3A_36 = arith.constant 9.99999974E-6 : f32
    %add3A_37 = vector.broadcast %add3A_36 : f32 to vector<4x512x1xf32>
    %add3A_38 = arith.addf %div3A_31, %add3A_37 : vector<4x512x1xf32>
    %rsqrt3A = math.rsqrt %add3A_38 : vector<4x512x1xf32>
    %mul3A_39 = vector.broadcast %rsqrt3A : vector<4x512x1xf32> to vector<4x512x128xf32>
    %mul3A_40 = arith.mulf %mul3A_35, %mul3A_39 : vector<4x512x128xf32>
    %broadcast_in_dim3A_41 = vector.shape_cast %get3A_19 : vector<1x128xf32> to vector<1x1x128xf32>
    %add3A_42 = vector.broadcast %broadcast_in_dim3A_41 : vector<1x1x128xf32> to vector<4x512x128xf32>
    %add3A_43 = arith.addf %mul3A_40, %add3A_42 : vector<4x512x128xf32>
    %get3A_44 = arith.constant 0 : index
    %get3A_45 = arith.constant 0 : index
    %get3A_46 = vector.load %arg7[%get3A_44, %get3A_45] : memref<5x128xf32, #tpu.memory_space<vmem>>, vector<5x128xf32>
    %get3A_47 = arith.constant 0 : index
    %get3A_48 = arith.constant 0 : index
    %get3A_49 = vector.load %arg8[%get3A_47, %get3A_48] : memref<1x128xf32, #tpu.memory_space<vmem>>, vector<1x128xf32>
    %broadcast_in_dim3A_50 = vector.shape_cast %get3A_49 : vector<1x128xf32> to vector<1x128xf32>
    %broadcast_in_dim3A_51 = vector.broadcast %broadcast_in_dim3A_50 : vector<1x128xf32> to vector<512x128xf32>
    %slice3A = vector.extract_strided_slice %get3A_46 {offsets = [4, 0], sizes = [1, 128], strides = [1, 1]} : vector<5x128xf32> to vector<1x128xf32>
    %squeeze3A_52 = vector.shape_cast %slice3A : vector<1x128xf32> to vector<128xf32>
    %broadcast_in_dim3A_53 = vector.shape_cast %squeeze3A_52 : vector<128xf32> to vector<1x128xf32>
    %slice3A_54 = vector.extract_strided_slice %add3A_43 {offsets = [0, 0, 0], sizes = [1, 512, 128], strides = [1, 1, 1]} : vector<4x512x128xf32> to vector<1x512x128xf32>
    %squeeze3A_55 = vector.shape_cast %slice3A_54 : vector<1x512x128xf32> to vector<512x128xf32>
    %mul3A_56 = vector.broadcast %broadcast_in_dim3A_53 : vector<1x128xf32> to vector<512x128xf32>
    %mul3A_57 = arith.mulf %mul3A_56, %squeeze3A_55 : vector<512x128xf32>
    %add3A_58 = arith.addf %broadcast_in_dim3A_51, %mul3A_57 : vector<512x128xf32>
    %slice3A_59 = vector.extract_strided_slice %add3A_43 {offsets = [0, 0, 0], sizes = [1, 512, 128], strides = [1, 1, 1]} : vector<4x512x128xf32> to vector<1x512x128xf32>
    %squeeze3A_60 = vector.shape_cast %slice3A_59 : vector<1x512x128xf32> to vector<512x128xf32>
    %add3A_61 = arith.addf %squeeze3A_60, %add3A_58 : vector<512x128xf32>
    %get3A_62 = arith.constant 0 : index
    %get3A_63 = arith.constant 0 : index
    %get3A_64 = vector.load %arg9[%get3A_62, %get3A_63] : memref<1x128xf32, #tpu.memory_space<vmem>>, vector<1x128xf32>
    %get3A_65 = arith.constant 0 : index
    %get3A_66 = arith.constant 0 : index
    %get3A_67 = vector.load %arg10[%get3A_65, %get3A_66] : memref<1x128xf32, #tpu.memory_space<vmem>>, vector<1x128xf32>
    %reduce_sum3A_68 = arith.constant dense<0.000000e+00> : vector<512xf32>
    %reduce_sum3A_69 = vector.multi_reduction <add>, %add3A_61, %reduce_sum3A_68 [1] : vector<512x128xf32> to vector<512xf32>
    %broadcast_in_dim3A_70 = vector.shape_cast %reduce_sum3A_69 : vector<512xf32> to vector<512x1xf32>
    %div3A_71 = arith.constant 1.280000e+02 : f32
    %div3A_72 = vector.broadcast %div3A_71 : f32 to vector<512x1xf32>
    %div3A_73 = arith.divf %broadcast_in_dim3A_70, %div3A_72 : vector<512x1xf32>
    %sub3A_74 = vector.broadcast %div3A_73 : vector<512x1xf32> to vector<512x128xf32>
    %sub3A_75 = arith.subf %add3A_61, %sub3A_74 : vector<512x128xf32>
    %integer_pow3A_76 = arith.mulf %sub3A_75, %sub3A_75 : vector<512x128xf32>
    %reduce_sum3A_77 = arith.constant dense<0.000000e+00> : vector<512xf32>
    %reduce_sum3A_78 = vector.multi_reduction <add>, %integer_pow3A_76, %reduce_sum3A_77 [1] : vector<512x128xf32> to vector<512xf32>
    %broadcast_in_dim3A_79 = vector.shape_cast %reduce_sum3A_78 : vector<512xf32> to vector<512x1xf32>
    %div3A_80 = arith.constant 1.280000e+02 : f32
    %div3A_81 = vector.broadcast %div3A_80 : f32 to vector<512x1xf32>
    %div3A_82 = arith.divf %broadcast_in_dim3A_79, %div3A_81 : vector<512x1xf32>
    %sub3A_83 = vector.broadcast %div3A_73 : vector<512x1xf32> to vector<512x128xf32>
    %sub3A_84 = arith.subf %add3A_61, %sub3A_83 : vector<512x128xf32>
    %mul3A_85 = vector.broadcast %get3A_64 : vector<1x128xf32> to vector<512x128xf32>
    %mul3A_86 = arith.mulf %mul3A_85, %sub3A_84 : vector<512x128xf32>
    %add3A_87 = arith.constant 9.99999974E-6 : f32
    %add3A_88 = vector.broadcast %add3A_87 : f32 to vector<512x1xf32>
    %add3A_89 = arith.addf %div3A_82, %add3A_88 : vector<512x1xf32>
    %rsqrt3A_90 = math.rsqrt %add3A_89 : vector<512x1xf32>
    %mul3A_91 = vector.broadcast %rsqrt3A_90 : vector<512x1xf32> to vector<512x128xf32>
    %mul3A_92 = arith.mulf %mul3A_86, %mul3A_91 : vector<512x128xf32>
    %add3A_93 = vector.broadcast %get3A_67 : vector<1x128xf32> to vector<512x128xf32>
    %add3A_94 = arith.addf %mul3A_92, %add3A_93 : vector<512x128xf32>
    %broadcast_in_dim3A_95 = vector.shape_cast %get3A_49 : vector<1x128xf32> to vector<1x128xf32>
    %broadcast_in_dim3A_96 = vector.broadcast %broadcast_in_dim3A_95 : vector<1x128xf32> to vector<512x128xf32>
    %slice3A_97 = vector.extract_strided_slice %get3A_46 {offsets = [3, 0], sizes = [1, 128], strides = [1, 1]} : vector<5x128xf32> to vector<1x128xf32>
    %squeeze3A_98 = vector.shape_cast %slice3A_97 : vector<1x128xf32> to vector<128xf32>
    %broadcast_in_dim3A_99 = vector.shape_cast %squeeze3A_98 : vector<128xf32> to vector<1x128xf32>
    %slice3A_100 = vector.extract_strided_slice %add3A_43 {offsets = [0, 0, 0], sizes = [1, 512, 128], strides = [1, 1, 1]} : vector<4x512x128xf32> to vector<1x512x128xf32>
    %squeeze3A_101 = vector.shape_cast %slice3A_100 : vector<1x512x128xf32> to vector<512x128xf32>
    %mul3A_102 = vector.broadcast %broadcast_in_dim3A_99 : vector<1x128xf32> to vector<512x128xf32>
    %mul3A_103 = arith.mulf %mul3A_102, %squeeze3A_101 : vector<512x128xf32>
    %add3A_104 = arith.addf %broadcast_in_dim3A_96, %mul3A_103 : vector<512x128xf32>
    %slice3A_105 = vector.extract_strided_slice %get3A_46 {offsets = [4, 0], sizes = [1, 128], strides = [1, 1]} : vector<5x128xf32> to vector<1x128xf32>
    %squeeze3A_106 = vector.shape_cast %slice3A_105 : vector<1x128xf32> to vector<128xf32>
    %broadcast_in_dim3A_107 = vector.shape_cast %squeeze3A_106 : vector<128xf32> to vector<1x128xf32>
    %slice3A_108 = vector.extract_strided_slice %add3A_43 {offsets = [1, 0, 0], sizes = [1, 512, 128], strides = [1, 1, 1]} : vector<4x512x128xf32> to vector<1x512x128xf32>
    %squeeze3A_109 = vector.shape_cast %slice3A_108 : vector<1x512x128xf32> to vector<512x128xf32>
    %mul3A_110 = vector.broadcast %broadcast_in_dim3A_107 : vector<1x128xf32> to vector<512x128xf32>
    %mul3A_111 = arith.mulf %mul3A_110, %squeeze3A_109 : vector<512x128xf32>
    %add3A_112 = arith.addf %add3A_104, %mul3A_111 : vector<512x128xf32>
    %slice3A_113 = vector.extract_strided_slice %add3A_43 {offsets = [1, 0, 0], sizes = [1, 512, 128], strides = [1, 1, 1]} : vector<4x512x128xf32> to vector<1x512x128xf32>
    %squeeze3A_114 = vector.shape_cast %slice3A_113 : vector<1x512x128xf32> to vector<512x128xf32>
    %add3A_115 = arith.addf %squeeze3A_114, %add3A_112 : vector<512x128xf32>
    %get3A_116 = arith.constant 0 : index
    %get3A_117 = arith.constant 0 : index
    %get3A_118 = vector.load %arg9[%get3A_116, %get3A_117] : memref<1x128xf32, #tpu.memory_space<vmem>>, vector<1x128xf32>
    %get3A_119 = arith.constant 0 : index
    %get3A_120 = arith.constant 0 : index
    %get3A_121 = vector.load %arg10[%get3A_119, %get3A_120] : memref<1x128xf32, #tpu.memory_space<vmem>>, vector<1x128xf32>
    %reduce_sum3A_122 = arith.constant dense<0.000000e+00> : vector<512xf32>
    %reduce_sum3A_123 = vector.multi_reduction <add>, %add3A_115, %reduce_sum3A_122 [1] : vector<512x128xf32> to vector<512xf32>
    %broadcast_in_dim3A_124 = vector.shape_cast %reduce_sum3A_123 : vector<512xf32> to vector<512x1xf32>
    %div3A_125 = arith.constant 1.280000e+02 : f32
    %div3A_126 = vector.broadcast %div3A_125 : f32 to vector<512x1xf32>
    %div3A_127 = arith.divf %broadcast_in_dim3A_124, %div3A_126 : vector<512x1xf32>
    %sub3A_128 = vector.broadcast %div3A_127 : vector<512x1xf32> to vector<512x128xf32>
    %sub3A_129 = arith.subf %add3A_115, %sub3A_128 : vector<512x128xf32>
    %integer_pow3A_130 = arith.mulf %sub3A_129, %sub3A_129 : vector<512x128xf32>
    %reduce_sum3A_131 = arith.constant dense<0.000000e+00> : vector<512xf32>
    %reduce_sum3A_132 = vector.multi_reduction <add>, %integer_pow3A_130, %reduce_sum3A_131 [1] : vector<512x128xf32> to vector<512xf32>
    %broadcast_in_dim3A_133 = vector.shape_cast %reduce_sum3A_132 : vector<512xf32> to vector<512x1xf32>
    %div3A_134 = arith.constant 1.280000e+02 : f32
    %div3A_135 = vector.broadcast %div3A_134 : f32 to vector<512x1xf32>
    %div3A_136 = arith.divf %broadcast_in_dim3A_133, %div3A_135 : vector<512x1xf32>
    %sub3A_137 = vector.broadcast %div3A_127 : vector<512x1xf32> to vector<512x128xf32>
    %sub3A_138 = arith.subf %add3A_115, %sub3A_137 : vector<512x128xf32>
    %mul3A_139 = vector.broadcast %get3A_118 : vector<1x128xf32> to vector<512x128xf32>
    %mul3A_140 = arith.mulf %mul3A_139, %sub3A_138 : vector<512x128xf32>
    %add3A_141 = arith.constant 9.99999974E-6 : f32
    %add3A_142 = vector.broadcast %add3A_141 : f32 to vector<512x1xf32>
    %add3A_143 = arith.addf %div3A_136, %add3A_142 : vector<512x1xf32>
    %rsqrt3A_144 = math.rsqrt %add3A_143 : vector<512x1xf32>
    %mul3A_145 = vector.broadcast %rsqrt3A_144 : vector<512x1xf32> to vector<512x128xf32>
    %mul3A_146 = arith.mulf %mul3A_140, %mul3A_145 : vector<512x128xf32>
    %add3A_147 = vector.broadcast %get3A_121 : vector<1x128xf32> to vector<512x128xf32>
    %add3A_148 = arith.addf %mul3A_146, %add3A_147 : vector<512x128xf32>
    %broadcast_in_dim3A_149 = vector.shape_cast %get3A_49 : vector<1x128xf32> to vector<1x128xf32>
    %broadcast_in_dim3A_150 = vector.broadcast %broadcast_in_dim3A_149 : vector<1x128xf32> to vector<512x128xf32>
    %slice3A_151 = vector.extract_strided_slice %get3A_46 {offsets = [2, 0], sizes = [1, 128], strides = [1, 1]} : vector<5x128xf32> to vector<1x128xf32>
    %squeeze3A_152 = vector.shape_cast %slice3A_151 : vector<1x128xf32> to vector<128xf32>
    %broadcast_in_dim3A_153 = vector.shape_cast %squeeze3A_152 : vector<128xf32> to vector<1x128xf32>
    %slice3A_154 = vector.extract_strided_slice %add3A_43 {offsets = [0, 0, 0], sizes = [1, 512, 128], strides = [1, 1, 1]} : vector<4x512x128xf32> to vector<1x512x128xf32>
    %squeeze3A_155 = vector.shape_cast %slice3A_154 : vector<1x512x128xf32> to vector<512x128xf32>
    %mul3A_156 = vector.broadcast %broadcast_in_dim3A_153 : vector<1x128xf32> to vector<512x128xf32>
    %mul3A_157 = arith.mulf %mul3A_156, %squeeze3A_155 : vector<512x128xf32>
    %add3A_158 = arith.addf %broadcast_in_dim3A_150, %mul3A_157 : vector<512x128xf32>
    %slice3A_159 = vector.extract_strided_slice %get3A_46 {offsets = [3, 0], sizes = [1, 128], strides = [1, 1]} : vector<5x128xf32> to vector<1x128xf32>
    %squeeze3A_160 = vector.shape_cast %slice3A_159 : vector<1x128xf32> to vector<128xf32>
    %broadcast_in_dim3A_161 = vector.shape_cast %squeeze3A_160 : vector<128xf32> to vector<1x128xf32>
    %slice3A_162 = vector.extract_strided_slice %add3A_43 {offsets = [1, 0, 0], sizes = [1, 512, 128], strides = [1, 1, 1]} : vector<4x512x128xf32> to vector<1x512x128xf32>
    %squeeze3A_163 = vector.shape_cast %slice3A_162 : vector<1x512x128xf32> to vector<512x128xf32>
    %mul3A_164 = vector.broadcast %broadcast_in_dim3A_161 : vector<1x128xf32> to vector<512x128xf32>
    %mul3A_165 = arith.mulf %mul3A_164, %squeeze3A_163 : vector<512x128xf32>
    %add3A_166 = arith.addf %add3A_158, %mul3A_165 : vector<512x128xf32>
    %slice3A_167 = vector.extract_strided_slice %get3A_46 {offsets = [4, 0], sizes = [1, 128], strides = [1, 1]} : vector<5x128xf32> to vector<1x128xf32>
    %squeeze3A_168 = vector.shape_cast %slice3A_167 : vector<1x128xf32> to vector<128xf32>
    %broadcast_in_dim3A_169 = vector.shape_cast %squeeze3A_168 : vector<128xf32> to vector<1x128xf32>
    %slice3A_170 = vector.extract_strided_slice %add3A_43 {offsets = [2, 0, 0], sizes = [1, 512, 128], strides = [1, 1, 1]} : vector<4x512x128xf32> to vector<1x512x128xf32>
    %squeeze3A_171 = vector.shape_cast %slice3A_170 : vector<1x512x128xf32> to vector<512x128xf32>
    %mul3A_172 = vector.broadcast %broadcast_in_dim3A_169 : vector<1x128xf32> to vector<512x128xf32>
    %mul3A_173 = arith.mulf %mul3A_172, %squeeze3A_171 : vector<512x128xf32>
    %add3A_174 = arith.addf %add3A_166, %mul3A_173 : vector<512x128xf32>
    %slice3A_175 = vector.extract_strided_slice %add3A_43 {offsets = [2, 0, 0], sizes = [1, 512, 128], strides = [1, 1, 1]} : vector<4x512x128xf32> to vector<1x512x128xf32>
    %squeeze3A_176 = vector.shape_cast %slice3A_175 : vector<1x512x128xf32> to vector<512x128xf32>
    %add3A_177 = arith.addf %squeeze3A_176, %add3A_174 : vector<512x128xf32>
    %get3A_178 = arith.constant 0 : index
    %get3A_179 = arith.constant 0 : index
    %get3A_180 = vector.load %arg9[%get3A_178, %get3A_179] : memref<1x128xf32, #tpu.memory_space<vmem>>, vector<1x128xf32>
    %get3A_181 = arith.constant 0 : index
    %get3A_182 = arith.constant 0 : index
    %get3A_183 = vector.load %arg10[%get3A_181, %get3A_182] : memref<1x128xf32, #tpu.memory_space<vmem>>, vector<1x128xf32>
    %reduce_sum3A_184 = arith.constant dense<0.000000e+00> : vector<512xf32>
    %reduce_sum3A_185 = vector.multi_reduction <add>, %add3A_177, %reduce_sum3A_184 [1] : vector<512x128xf32> to vector<512xf32>
    %broadcast_in_dim3A_186 = vector.shape_cast %reduce_sum3A_185 : vector<512xf32> to vector<512x1xf32>
    %div3A_187 = arith.constant 1.280000e+02 : f32
    %div3A_188 = vector.broadcast %div3A_187 : f32 to vector<512x1xf32>
    %div3A_189 = arith.divf %broadcast_in_dim3A_186, %div3A_188 : vector<512x1xf32>
    %sub3A_190 = vector.broadcast %div3A_189 : vector<512x1xf32> to vector<512x128xf32>
    %sub3A_191 = arith.subf %add3A_177, %sub3A_190 : vector<512x128xf32>
    %integer_pow3A_192 = arith.mulf %sub3A_191, %sub3A_191 : vector<512x128xf32>
    %reduce_sum3A_193 = arith.constant dense<0.000000e+00> : vector<512xf32>
    %reduce_sum3A_194 = vector.multi_reduction <add>, %integer_pow3A_192, %reduce_sum3A_193 [1] : vector<512x128xf32> to vector<512xf32>
    %broadcast_in_dim3A_195 = vector.shape_cast %reduce_sum3A_194 : vector<512xf32> to vector<512x1xf32>
    %div3A_196 = arith.constant 1.280000e+02 : f32
    %div3A_197 = vector.broadcast %div3A_196 : f32 to vector<512x1xf32>
    %div3A_198 = arith.divf %broadcast_in_dim3A_195, %div3A_197 : vector<512x1xf32>
    %sub3A_199 = vector.broadcast %div3A_189 : vector<512x1xf32> to vector<512x128xf32>
    %sub3A_200 = arith.subf %add3A_177, %sub3A_199 : vector<512x128xf32>
    %mul3A_201 = vector.broadcast %get3A_180 : vector<1x128xf32> to vector<512x128xf32>
    %mul3A_202 = arith.mulf %mul3A_201, %sub3A_200 : vector<512x128xf32>
    %add3A_203 = arith.constant 9.99999974E-6 : f32
    %add3A_204 = vector.broadcast %add3A_203 : f32 to vector<512x1xf32>
    %add3A_205 = arith.addf %div3A_198, %add3A_204 : vector<512x1xf32>
    %rsqrt3A_206 = math.rsqrt %add3A_205 : vector<512x1xf32>
    %mul3A_207 = vector.broadcast %rsqrt3A_206 : vector<512x1xf32> to vector<512x128xf32>
    %mul3A_208 = arith.mulf %mul3A_202, %mul3A_207 : vector<512x128xf32>
    %add3A_209 = vector.broadcast %get3A_183 : vector<1x128xf32> to vector<512x128xf32>
    %add3A_210 = arith.addf %mul3A_208, %add3A_209 : vector<512x128xf32>
    %broadcast_in_dim3A_211 = vector.shape_cast %get3A_49 : vector<1x128xf32> to vector<1x128xf32>
    %broadcast_in_dim3A_212 = vector.broadcast %broadcast_in_dim3A_211 : vector<1x128xf32> to vector<512x128xf32>
    %slice3A_213 = vector.extract_strided_slice %get3A_46 {offsets = [1, 0], sizes = [1, 128], strides = [1, 1]} : vector<5x128xf32> to vector<1x128xf32>
    %squeeze3A_214 = vector.shape_cast %slice3A_213 : vector<1x128xf32> to vector<128xf32>
    %broadcast_in_dim3A_215 = vector.shape_cast %squeeze3A_214 : vector<128xf32> to vector<1x128xf32>
    %slice3A_216 = vector.extract_strided_slice %add3A_43 {offsets = [0, 0, 0], sizes = [1, 512, 128], strides = [1, 1, 1]} : vector<4x512x128xf32> to vector<1x512x128xf32>
    %squeeze3A_217 = vector.shape_cast %slice3A_216 : vector<1x512x128xf32> to vector<512x128xf32>
    %mul3A_218 = vector.broadcast %broadcast_in_dim3A_215 : vector<1x128xf32> to vector<512x128xf32>
    %mul3A_219 = arith.mulf %mul3A_218, %squeeze3A_217 : vector<512x128xf32>
    %add3A_220 = arith.addf %broadcast_in_dim3A_212, %mul3A_219 : vector<512x128xf32>
    %slice3A_221 = vector.extract_strided_slice %get3A_46 {offsets = [2, 0], sizes = [1, 128], strides = [1, 1]} : vector<5x128xf32> to vector<1x128xf32>
    %squeeze3A_222 = vector.shape_cast %slice3A_221 : vector<1x128xf32> to vector<128xf32>
    %broadcast_in_dim3A_223 = vector.shape_cast %squeeze3A_222 : vector<128xf32> to vector<1x128xf32>
    %slice3A_224 = vector.extract_strided_slice %add3A_43 {offsets = [1, 0, 0], sizes = [1, 512, 128], strides = [1, 1, 1]} : vector<4x512x128xf32> to vector<1x512x128xf32>
    %squeeze3A_225 = vector.shape_cast %slice3A_224 : vector<1x512x128xf32> to vector<512x128xf32>
    %mul3A_226 = vector.broadcast %broadcast_in_dim3A_223 : vector<1x128xf32> to vector<512x128xf32>
    %mul3A_227 = arith.mulf %mul3A_226, %squeeze3A_225 : vector<512x128xf32>
    %add3A_228 = arith.addf %add3A_220, %mul3A_227 : vector<512x128xf32>
    %slice3A_229 = vector.extract_strided_slice %get3A_46 {offsets = [3, 0], sizes = [1, 128], strides = [1, 1]} : vector<5x128xf32> to vector<1x128xf32>
    %squeeze3A_230 = vector.shape_cast %slice3A_229 : vector<1x128xf32> to vector<128xf32>
    %broadcast_in_dim3A_231 = vector.shape_cast %squeeze3A_230 : vector<128xf32> to vector<1x128xf32>
    %slice3A_232 = vector.extract_strided_slice %add3A_43 {offsets = [2, 0, 0], sizes = [1, 512, 128], strides = [1, 1, 1]} : vector<4x512x128xf32> to vector<1x512x128xf32>
    %squeeze3A_233 = vector.shape_cast %slice3A_232 : vector<1x512x128xf32> to vector<512x128xf32>
    %mul3A_234 = vector.broadcast %broadcast_in_dim3A_231 : vector<1x128xf32> to vector<512x128xf32>
    %mul3A_235 = arith.mulf %mul3A_234, %squeeze3A_233 : vector<512x128xf32>
    %add3A_236 = arith.addf %add3A_228, %mul3A_235 : vector<512x128xf32>
    %slice3A_237 = vector.extract_strided_slice %get3A_46 {offsets = [4, 0], sizes = [1, 128], strides = [1, 1]} : vector<5x128xf32> to vector<1x128xf32>
    %squeeze3A_238 = vector.shape_cast %slice3A_237 : vector<1x128xf32> to vector<128xf32>
    %broadcast_in_dim3A_239 = vector.shape_cast %squeeze3A_238 : vector<128xf32> to vector<1x128xf32>
    %slice3A_240 = vector.extract_strided_slice %add3A_43 {offsets = [3, 0, 0], sizes = [1, 512, 128], strides = [1, 1, 1]} : vector<4x512x128xf32> to vector<1x512x128xf32>
    %squeeze3A_241 = vector.shape_cast %slice3A_240 : vector<1x512x128xf32> to vector<512x128xf32>
    %mul3A_242 = vector.broadcast %broadcast_in_dim3A_239 : vector<1x128xf32> to vector<512x128xf32>
    %mul3A_243 = arith.mulf %mul3A_242, %squeeze3A_241 : vector<512x128xf32>
    %add3A_244 = arith.addf %add3A_236, %mul3A_243 : vector<512x128xf32>
    %slice3A_245 = vector.extract_strided_slice %add3A_43 {offsets = [3, 0, 0], sizes = [1, 512, 128], strides = [1, 1, 1]} : vector<4x512x128xf32> to vector<1x512x128xf32>
    %squeeze3A_246 = vector.shape_cast %slice3A_245 : vector<1x512x128xf32> to vector<512x128xf32>
    %add3A_247 = arith.addf %squeeze3A_246, %add3A_244 : vector<512x128xf32>
    %get3A_248 = arith.constant 0 : index
    %get3A_249 = arith.constant 0 : index
    %get3A_250 = vector.load %arg9[%get3A_248, %get3A_249] : memref<1x128xf32, #tpu.memory_space<vmem>>, vector<1x128xf32>
    %get3A_251 = arith.constant 0 : index
    %get3A_252 = arith.constant 0 : index
    %get3A_253 = vector.load %arg10[%get3A_251, %get3A_252] : memref<1x128xf32, #tpu.memory_space<vmem>>, vector<1x128xf32>
    %reduce_sum3A_254 = arith.constant dense<0.000000e+00> : vector<512xf32>
    %reduce_sum3A_255 = vector.multi_reduction <add>, %add3A_247, %reduce_sum3A_254 [1] : vector<512x128xf32> to vector<512xf32>
    %broadcast_in_dim3A_256 = vector.shape_cast %reduce_sum3A_255 : vector<512xf32> to vector<512x1xf32>
    %div3A_257 = arith.constant 1.280000e+02 : f32
    %div3A_258 = vector.broadcast %div3A_257 : f32 to vector<512x1xf32>
    %div3A_259 = arith.divf %broadcast_in_dim3A_256, %div3A_258 : vector<512x1xf32>
    %sub3A_260 = vector.broadcast %div3A_259 : vector<512x1xf32> to vector<512x128xf32>
    %sub3A_261 = arith.subf %add3A_247, %sub3A_260 : vector<512x128xf32>
    %integer_pow3A_262 = arith.mulf %sub3A_261, %sub3A_261 : vector<512x128xf32>
    %reduce_sum3A_263 = arith.constant dense<0.000000e+00> : vector<512xf32>
    %reduce_sum3A_264 = vector.multi_reduction <add>, %integer_pow3A_262, %reduce_sum3A_263 [1] : vector<512x128xf32> to vector<512xf32>
    %broadcast_in_dim3A_265 = vector.shape_cast %reduce_sum3A_264 : vector<512xf32> to vector<512x1xf32>
    %div3A_266 = arith.constant 1.280000e+02 : f32
    %div3A_267 = vector.broadcast %div3A_266 : f32 to vector<512x1xf32>
    %div3A_268 = arith.divf %broadcast_in_dim3A_265, %div3A_267 : vector<512x1xf32>
    %sub3A_269 = vector.broadcast %div3A_259 : vector<512x1xf32> to vector<512x128xf32>
    %sub3A_270 = arith.subf %add3A_247, %sub3A_269 : vector<512x128xf32>
    %mul3A_271 = vector.broadcast %get3A_250 : vector<1x128xf32> to vector<512x128xf32>
    %mul3A_272 = arith.mulf %mul3A_271, %sub3A_270 : vector<512x128xf32>
    %add3A_273 = arith.constant 9.99999974E-6 : f32
    %add3A_274 = vector.broadcast %add3A_273 : f32 to vector<512x1xf32>
    %add3A_275 = arith.addf %div3A_268, %add3A_274 : vector<512x1xf32>
    %rsqrt3A_276 = math.rsqrt %add3A_275 : vector<512x1xf32>
    %mul3A_277 = vector.broadcast %rsqrt3A_276 : vector<512x1xf32> to vector<512x128xf32>
    %mul3A_278 = arith.mulf %mul3A_272, %mul3A_277 : vector<512x128xf32>
    %add3A_279 = vector.broadcast %get3A_253 : vector<1x128xf32> to vector<512x128xf32>
    %add3A_280 = arith.addf %mul3A_278, %add3A_279 : vector<512x128xf32>
    %stack3A = vector.shape_cast %add3A_94 : vector<512x128xf32> to vector<1x512x128xf32>
    %stack3A_281 = vector.shape_cast %add3A_148 : vector<512x128xf32> to vector<1x512x128xf32>
    %stack3A_282 = vector.shape_cast %add3A_210 : vector<512x128xf32> to vector<1x512x128xf32>
    %stack3A_283 = vector.shape_cast %add3A_280 : vector<512x128xf32> to vector<1x512x128xf32>
    %stack3A_284 = tpu.concatenate %stack3A, %stack3A_281, %stack3A_282, %stack3A_283 in 0 : vector<1x512x128xf32>, vector<1x512x128xf32>, vector<1x512x128xf32>, vector<1x512x128xf32> -> vector<4x512x128xf32>
    %swap3A = arith.constant 0 : index
    %swap3A_285 = arith.constant 0 : index
    %swap3A_286 = arith.constant 0 : index
    %swap3A_287 = vector.load %arg14[%swap3A, %swap3A_285, %swap3A_286] : memref<4x512x128xf32, #tpu.memory_space<vmem>>, vector<4x512x128xf32>
    tpu.vector_store %arg14[%swap3A, %swap3A_285, %swap3A_286], %stack3A_284 {strides = array<i32>} : memref<4x512x128xf32, #tpu.memory_space<vmem>>, vector<4x512x128xf32>,
    %reshape3A = vector.shape_cast %stack3A_284 : vector<4x512x128xf32> to vector<2048x128xf32>
    %get3A_288 = arith.constant 0 : index
    %get3A_289 = arith.constant 0 : index
    %get3A_290 = vector.load %arg11[%get3A_288, %get3A_289] : memref<128x128xf32, #tpu.memory_space<vmem>>, vector<128x128xf32>
    %dot_general3A = arith.constant dense<0.000000e+00> : vector<2048x128xf32>
    %dot_general3A_291 = tpu.matmul %reshape3A, %get3A_290, %dot_general3A {dimension_numbers = #tpu.dot_dimension_numbers<[1], [0], [0], [1], [0, 0, 1, 1], [], []>, transpose_lhs_hint = false} : vector<2048x128xf32>, vector<128x128xf32>, vector<2048x128xf32> -> vector<2048x128xf32>
    %mul3A_292 = arith.constant 0.176776692 : f32
    %mul3A_293 = vector.broadcast %mul3A_292 : f32 to vector<2048x128xf32>
    %mul3A_294 = arith.mulf %dot_general3A_291, %mul3A_293 : vector<2048x128xf32>
    %reshape3A_295 = vector.shape_cast %mul3A_294 : vector<2048x128xf32> to vector<4x512x128xf32>
    %swap3A_296 = arith.constant 0 : index
    %swap3A_297 = arith.constant 0 : index
    %swap3A_298 = arith.constant 0 : index
    %swap3A_299 = vector.load %arg15[%swap3A_296, %swap3A_297, %swap3A_298] : memref<4x512x128xf32, #tpu.memory_space<vmem>>, vector<4x512x128xf32>
    tpu.vector_store %arg15[%swap3A_296, %swap3A_297, %swap3A_298], %reshape3A_295 {strides = array<i32>} : memref<4x512x128xf32, #tpu.memory_space<vmem>>, vector<4x512x128xf32>,
    %get3A_300 = arith.constant 0 : index
    %get3A_301 = arith.constant 0 : index
    %get3A_302 = vector.load %arg12[%get3A_300, %get3A_301] : memref<128x128xf32, #tpu.memory_space<vmem>>, vector<128x128xf32>
    %dot_general3A_303 = arith.constant dense<0.000000e+00> : vector<2048x128xf32>
    %dot_general3A_304 = tpu.matmul %reshape3A, %get3A_302, %dot_general3A_303 {dimension_numbers = #tpu.dot_dimension_numbers<[1], [0], [0], [1], [0, 0, 1, 1], [], []>, transpose_lhs_hint = false} : vector<2048x128xf32>, vector<128x128xf32>, vector<2048x128xf32> -> vector<2048x128xf32>
    %reshape3A_305 = vector.shape_cast %dot_general3A_304 : vector<2048x128xf32> to vector<4x512x128xf32>
    %swap3A_306 = arith.constant 0 : index
    %swap3A_307 = arith.constant 0 : index
    %swap3A_308 = arith.constant 0 : index
    %swap3A_309 = vector.load %arg16[%swap3A_306, %swap3A_307, %swap3A_308] : memref<4x512x128xf32, #tpu.memory_space<vmem>>, vector<4x512x128xf32>
    tpu.vector_store %arg16[%swap3A_306, %swap3A_307, %swap3A_308], %reshape3A_305 {strides = array<i32>} : memref<4x512x128xf32, #tpu.memory_space<vmem>>, vector<4x512x128xf32>,
    %get3A_310 = arith.constant 0 : index
    %get3A_311 = arith.constant 0 : index
    %get3A_312 = vector.load %arg13[%get3A_310, %get3A_311] : memref<128x128xf32, #tpu.memory_space<vmem>>, vector<128x128xf32>
    %dot_general3A_313 = arith.constant dense<0.000000e+00> : vector<2048x128xf32>
    %dot_general3A_314 = tpu.matmul %reshape3A, %get3A_312, %dot_general3A_313 {dimension_numbers = #tpu.dot_dimension_numbers<[1], [0], [0], [1], [0, 0, 1, 1], [], []>, transpose_lhs_hint = false} : vector<2048x128xf32>, vector<128x128xf32>, vector<2048x128xf32> -> vector<2048x128xf32>
    %reshape3A_315 = vector.shape_cast %dot_general3A_314 : vector<2048x128xf32> to vector<4x512x128xf32>
    %get3A_316 = arith.constant 0 : index
    %get3A_317 = arith.constant 0 : index
    %get3A_318 = vector.load %arg4[%get3A_316, %get3A_317] : memref<4x512xf32, #tpu.memory_space<vmem>>, vector<4x512xf32>
    %broadcast_in_dim3A_319 = vector.shape_cast %get3A_318 : vector<4x512xf32> to vector<4x512x1xf32>
    %mul3A_320 = vector.broadcast %broadcast_in_dim3A_319 : vector<4x512x1xf32> to vector<4x512x128xf32>
    %mul3A_321 = arith.mulf %reshape3A_315, %mul3A_320 : vector<4x512x128xf32>
    %swap3A_322 = arith.constant 0 : index
    %swap3A_323 = arith.constant 0 : index
    %swap3A_324 = arith.constant 0 : index
    %swap3A_325 = vector.load %arg17[%swap3A_322, %swap3A_323, %swap3A_324] : memref<4x512x128xf32, #tpu.memory_space<vmem>>, vector<4x512x128xf32>
    tpu.vector_store %arg17[%swap3A_322, %swap3A_323, %swap3A_324], %mul3A_321 {strides = array<i32>} : memref<4x512x128xf32, #tpu.memory_space<vmem>>, vector<4x512x128xf32>,
    return
  }
  func.func @transform_0(%arg0: i32) -> (i32, i32, i32) {
    %c0_i32 = arith.constant 0 : i32
    %c0_i32_0 = arith.constant 0 : i32
    %c0_i32_1 = arith.constant 0 : i32
    return %c0_i32, %arg0, %c0_i32_0 : i32, i32, i32
  }
  func.func @transform_1(%arg0: i32) -> (i32, i32, i32) {
    %c0_i32 = arith.constant 0 : i32
    %c0_i32_0 = arith.constant 0 : i32
    %c0_i32_1 = arith.constant 0 : i32
    return %c0_i32, %arg0, %c0_i32_0 : i32, i32, i32
  }
  func.func @transform_2(%arg0: i32) -> (i32, i32, i32) {
    %c0_i32 = arith.constant 0 : i32
    %c0_i32_0 = arith.constant 0 : i32
    %c0_i32_1 = arith.constant 0 : i32
    return %arg0, %c0_i32, %c0_i32_0 : i32, i32, i32
  }
  func.func @transform_3(%arg0: i32) -> (i32, i32) {
    %c0_i32 = arith.constant 0 : i32
    %c0_i32_0 = arith.constant 0 : i32
    return %c0_i32, %arg0 : i32, i32
  }
  func.func @transform_4(%arg0: i32) -> (i32, i32) {
    %c0_i32 = arith.constant 0 : i32
    %c0_i32_0 = arith.constant 0 : i32
    %c0_i32_1 = arith.constant 0 : i32
    return %c0_i32, %c0_i32_0 : i32, i32
  }
  func.func @transform_5(%arg0: i32) -> (i32, i32) {
    %c0_i32 = arith.constant 0 : i32
    %c0_i32_0 = arith.constant 0 : i32
    %c0_i32_1 = arith.constant 0 : i32
    return %c0_i32, %c0_i32_0 : i32, i32
  }
  func.func @transform_6(%arg0: i32) -> (i32, i32) {
    %c0_i32 = arith.constant 0 : i32
    %c0_i32_0 = arith.constant 0 : i32
    %c0_i32_1 = arith.constant 0 : i32
    return %c0_i32, %c0_i32_0 : i32, i32
  }
  func.func @transform_7(%arg0: i32) -> (i32, i32) {
    %c0_i32 = arith.constant 0 : i32
    %c0_i32_0 = arith.constant 0 : i32
    %c0_i32_1 = arith.constant 0 : i32
    return %c0_i32, %c0_i32_0 : i32, i32
  }
  func.func @transform_8(%arg0: i32) -> (i32, i32) {
    %c0_i32 = arith.constant 0 : i32
    %c0_i32_0 = arith.constant 0 : i32
    %c0_i32_1 = arith.constant 0 : i32
    return %c0_i32, %c0_i32_0 : i32, i32
  }
  func.func @transform_9(%arg0: i32) -> (i32, i32) {
    %c0_i32 = arith.constant 0 : i32
    %c0_i32_0 = arith.constant 0 : i32
    %c0_i32_1 = arith.constant 0 : i32
    return %c0_i32, %c0_i32_0 : i32, i32
  }
  func.func @transform_10(%arg0: i32) -> (i32, i32) {
    %c0_i32 = arith.constant 0 : i32
    %c0_i32_0 = arith.constant 0 : i32
    %c0_i32_1 = arith.constant 0 : i32
    return %c0_i32, %c0_i32_0 : i32, i32
  }
  func.func @transform_11(%arg0: i32) -> (i32, i32) {
    %c0_i32 = arith.constant 0 : i32
    %c0_i32_0 = arith.constant 0 : i32
    %c0_i32_1 = arith.constant 0 : i32
    return %c0_i32, %c0_i32_0 : i32, i32
  }
  func.func @transform_12(%arg0: i32) -> (i32, i32) {
    %c0_i32 = arith.constant 0 : i32
    %c0_i32_0 = arith.constant 0 : i32
    %c0_i32_1 = arith.constant 0 : i32
    return %c0_i32, %c0_i32_0 : i32, i32
  }
  func.func @transform_13(%arg0: i32) -> (i32, i32, i32) {
    %c0_i32 = arith.constant 0 : i32
    %c0_i32_0 = arith.constant 0 : i32
    %c0_i32_1 = arith.constant 0 : i32
    return %c0_i32, %arg0, %c0_i32_0 : i32, i32, i32
  }
  func.func @transform_14(%arg0: i32) -> (i32, i32, i32) {
    %c0_i32 = arith.constant 0 : i32
    %c0_i32_0 = arith.constant 0 : i32
    %c0_i32_1 = arith.constant 0 : i32
    return %c0_i32, %arg0, %c0_i32_0 : i32, i32, i32
  }
  func.func @transform_15(%arg0: i32) -> (i32, i32, i32) {
    %c0_i32 = arith.constant 0 : i32
    %c0_i32_0 = arith.constant 0 : i32
    %c0_i32_1 = arith.constant 0 : i32
    return %c0_i32, %arg0, %c0_i32_0 : i32, i32, i32
  }
  func.func @transform_16(%arg0: i32) -> (i32, i32, i32) {
    %c0_i32 = arith.constant 0 : i32
    %c0_i32_0 = arith.constant 0 : i32
    %c0_i32_1 = arith.constant 0 : i32
    return %c0_i32, %arg0, %c0_i32_0 : i32, i32, i32
  }
}

module attributes {stable_mosaic.version = 14 : i64} {
  func.func @body(%arg0: i32, %arg1: memref<2048x128xf32, #tpu.memory_space<vmem>>, %arg2: memref<2048x128xf32, #tpu.memory_space<vmem>>) attributes {dimension_semantics = [#tpu.dimension_semantics<arbitrary>], iteration_bounds = array<i64: 10>, scalar_prefetch = 0 : i64, scratch_operands = 0 : i64, tpu.core_type = #tpu.core_type<tc>, window_params = [{transform_indices = @transform_0, window_bounds = array<i64: 2048, 128>}, {transform_indices = @transform_1, window_bounds = array<i64: 2048, 128>}]} {
    %get3A = arith.constant 0 : index
    %get3A_0 = arith.constant 0 : index
    %get3A_1 = vector.load %arg1[%get3A, %get3A_0] : memref<2048x128xf32, #tpu.memory_space<vmem>>, vector<2048x128xf32>
    %exp3A = math.exp %get3A_1 : vector<2048x128xf32>
    %swap3A = arith.constant 0 : index
    %swap3A_2 = arith.constant 0 : index
    %swap3A_3 = vector.load %arg2[%swap3A, %swap3A_2] : memref<2048x128xf32, #tpu.memory_space<vmem>>, vector<2048x128xf32>
    tpu.vector_store %arg2[%swap3A, %swap3A_2], %exp3A {strides = array<i32>} : memref<2048x128xf32, #tpu.memory_space<vmem>>, vector<2048x128xf32>,
    return
  }
  func.func @transform_0(%arg0: i32) -> (i32, i32) {
    %c0_i32 = arith.constant 0 : i32
    %c0_i32_0 = arith.constant 0 : i32
    return %arg0, %c0_i32 : i32, i32
  }
  func.func @transform_1(%arg0: i32) -> (i32, i32) {
    %c0_i32 = arith.constant 0 : i32
    %c0_i32_0 = arith.constant 0 : i32
    return %arg0, %c0_i32 : i32, i32
  }
}

module attributes {stable_mosaic.version = 14 : i64} {
  func.func @body(%arg0: i32, %arg1: memref<4x512x128xf32, #tpu.memory_space<vmem>>, %arg2: memref<4x512x128xf32, #tpu.memory_space<vmem>>, %arg3: memref<4x512x128xf32, #tpu.memory_space<vmem>>, %arg4: memref<8x128xf32, #tpu.memory_space<vmem>>, %arg5: memref<128x128xf32, #tpu.memory_space<vmem>>, %arg6: memref<1x128xf32, #tpu.memory_space<vmem>>, %arg7: memref<128x512xf32, #tpu.memory_space<vmem>>, %arg8: memref<1x512xf32, #tpu.memory_space<vmem>>, %arg9: memref<512x128xf32, #tpu.memory_space<vmem>>, %arg10: memref<1x128xf32, #tpu.memory_space<vmem>>, %arg11: memref<1x128xf32, #tpu.memory_space<vmem>>, %arg12: memref<1x128xf32, #tpu.memory_space<vmem>>, %arg13: memref<4x512x128xf32, #tpu.memory_space<vmem>>, %arg14: memref<4x512xf32, #tpu.memory_space<vmem>>) attributes {dimension_semantics = [#tpu.dimension_semantics<arbitrary>], iteration_bounds = array<i64: 20>, scalar_prefetch = 0 : i64, scratch_operands = 0 : i64, tpu.core_type = #tpu.core_type<tc>, window_params = [{transform_indices = @transform_0, window_bounds = array<i64: 4, 512, 128>}, {transform_indices = @transform_1, window_bounds = array<i64: 4, 512, 128>}, {transform_indices = @transform_2, window_bounds = array<i64: 4, 512, 128>}, {pipeline_mode = #tpu.pipeline_mode<synchronous>, transform_indices = @transform_3, window_bounds = array<i64: 8, 128>}, {pipeline_mode = #tpu.pipeline_mode<synchronous>, transform_indices = @transform_4, window_bounds = array<i64: 128, 128>}, {pipeline_mode = #tpu.pipeline_mode<synchronous>, transform_indices = @transform_5, window_bounds = array<i64: 1, 128>}, {pipeline_mode = #tpu.pipeline_mode<synchronous>, transform_indices = @transform_6, window_bounds = array<i64: 128, 512>}, {pipeline_mode = #tpu.pipeline_mode<synchronous>, transform_indices = @transform_7, window_bounds = array<i64: 1, 512>}, {pipeline_mode = #tpu.pipeline_mode<synchronous>, transform_indices = @transform_8, window_bounds = array<i64: 512, 128>}, {pipeline_mode = #tpu.pipeline_mode<synchronous>, transform_indices = @transform_9, window_bounds = array<i64: 1, 128>}, {pipeline_mode = #tpu.pipeline_mode<synchronous>, transform_indices = @transform_10, window_bounds = array<i64: 1, 128>}, {pipeline_mode = #tpu.pipeline_mode<synchronous>, transform_indices = @transform_11, window_bounds = array<i64: 1, 128>}, {transform_indices = @transform_12, window_bounds = array<i64: 4, 512, 128>}, {transform_indices = @transform_13, window_bounds = array<i64: 4, 512>}]} {
    %get3A = arith.constant 0 : index
    %get3A_0 = arith.constant 0 : index
    %get3A_1 = arith.constant 0 : index
    %get3A_2 = vector.load %arg2[%get3A, %get3A_0, %get3A_1] : memref<4x512x128xf32, #tpu.memory_space<vmem>>, vector<4x512x128xf32>
    %slice3A = vector.extract_strided_slice %get3A_2 {offsets = [0, 0, 0], sizes = [4, 512, 4], strides = [1, 1, 1]} : vector<4x512x128xf32> to vector<4x512x4xf32>
    %add3A = arith.constant 9.99999971E-10 : f32
    %add3A_3 = vector.broadcast %add3A : f32 to vector<4x512x4xf32>
    %add3A_4 = arith.addf %slice3A, %add3A_3 : vector<4x512x4xf32>
    %div3A = arith.constant 1.000000e+00 : f32
    %div3A_5 = vector.broadcast %div3A : f32 to vector<4x512x4xf32>
    %div3A_6 = arith.divf %div3A_5, %add3A_4 : vector<4x512x4xf32>
    %broadcast_in_dim3A = vector.shape_cast %div3A_6 : vector<4x512x4xf32> to vector<4x512x4x1xf32>
    %broadcast_in_dim3A_7 = vector.broadcast %broadcast_in_dim3A : vector<4x512x4x1xf32> to vector<4x512x4x32xf32>
    %reshape3A = vector.shape_cast %broadcast_in_dim3A_7 : vector<4x512x4x32xf32> to vector<4x512x128xf32>
    %get3A_8 = arith.constant 0 : index
    %get3A_9 = arith.constant 0 : index
    %get3A_10 = arith.constant 0 : index
    %get3A_11 = vector.load %arg1[%get3A_8, %get3A_9, %get3A_10] : memref<4x512x128xf32, #tpu.memory_space<vmem>>, vector<4x512x128xf32>
    %mul3A = arith.mulf %get3A_11, %reshape3A : vector<4x512x128xf32>
    %get3A_12 = arith.constant 0 : index
    %get3A_13 = arith.constant 0 : index
    %get3A_14 = vector.load %arg4[%get3A_12, %get3A_13] : memref<8x128xf32, #tpu.memory_space<vmem>>, vector<8x128xf32>
    %slice3A_15 = vector.extract_strided_slice %get3A_14 {offsets = [0, 0], sizes = [1, 1], strides = [1, 1]} : vector<8x128xf32> to vector<1x1xf32>
    %squeeze3A = vector.extract %slice3A_15[0, 0] : f32 from vector<1x1xf32>
    %slice3A_16 = vector.extract_strided_slice %mul3A {offsets = [0, 0, 0], sizes = [1, 512, 128], strides = [1, 1, 1]} : vector<4x512x128xf32> to vector<1x512x128xf32>
    %squeeze3A_17 = vector.shape_cast %slice3A_16 : vector<1x512x128xf32> to vector<512x128xf32>
    %mul3A_18 = vector.broadcast %squeeze3A : f32 to vector<512x128xf32>
    %mul3A_19 = arith.mulf %mul3A_18, %squeeze3A_17 : vector<512x128xf32>
    %slice3A_20 = vector.extract_strided_slice %get3A_14 {offsets = [1, 0], sizes = [1, 1], strides = [1, 1]} : vector<8x128xf32> to vector<1x1xf32>
    %squeeze3A_21 = vector.extract %slice3A_20[0, 0] : f32 from vector<1x1xf32>
    %slice3A_22 = vector.extract_strided_slice %mul3A {offsets = [1, 0, 0], sizes = [1, 512, 128], strides = [1, 1, 1]} : vector<4x512x128xf32> to vector<1x512x128xf32>
    %squeeze3A_23 = vector.shape_cast %slice3A_22 : vector<1x512x128xf32> to vector<512x128xf32>
    %mul3A_24 = vector.broadcast %squeeze3A_21 : f32 to vector<512x128xf32>
    %mul3A_25 = arith.mulf %mul3A_24, %squeeze3A_23 : vector<512x128xf32>
    %slice3A_26 = vector.extract_strided_slice %get3A_14 {offsets = [1, 1], sizes = [1, 1], strides = [1, 1]} : vector<8x128xf32> to vector<1x1xf32>
    %squeeze3A_27 = vector.extract %slice3A_26[0, 0] : f32 from vector<1x1xf32>
    %slice3A_28 = vector.extract_strided_slice %mul3A {offsets = [0, 0, 0], sizes = [1, 512, 128], strides = [1, 1, 1]} : vector<4x512x128xf32> to vector<1x512x128xf32>
    %squeeze3A_29 = vector.shape_cast %slice3A_28 : vector<1x512x128xf32> to vector<512x128xf32>
    %mul3A_30 = vector.broadcast %squeeze3A_27 : f32 to vector<512x128xf32>
    %mul3A_31 = arith.mulf %mul3A_30, %squeeze3A_29 : vector<512x128xf32>
    %add3A_32 = arith.addf %mul3A_25, %mul3A_31 : vector<512x128xf32>
    %slice3A_33 = vector.extract_strided_slice %get3A_14 {offsets = [2, 0], sizes = [1, 1], strides = [1, 1]} : vector<8x128xf32> to vector<1x1xf32>
    %squeeze3A_34 = vector.extract %slice3A_33[0, 0] : f32 from vector<1x1xf32>
    %slice3A_35 = vector.extract_strided_slice %mul3A {offsets = [2, 0, 0], sizes = [1, 512, 128], strides = [1, 1, 1]} : vector<4x512x128xf32> to vector<1x512x128xf32>
    %squeeze3A_36 = vector.shape_cast %slice3A_35 : vector<1x512x128xf32> to vector<512x128xf32>
    %mul3A_37 = vector.broadcast %squeeze3A_34 : f32 to vector<512x128xf32>
    %mul3A_38 = arith.mulf %mul3A_37, %squeeze3A_36 : vector<512x128xf32>
    %slice3A_39 = vector.extract_strided_slice %get3A_14 {offsets = [2, 1], sizes = [1, 1], strides = [1, 1]} : vector<8x128xf32> to vector<1x1xf32>
    %squeeze3A_40 = vector.extract %slice3A_39[0, 0] : f32 from vector<1x1xf32>
    %slice3A_41 = vector.extract_strided_slice %mul3A {offsets = [1, 0, 0], sizes = [1, 512, 128], strides = [1, 1, 1]} : vector<4x512x128xf32> to vector<1x512x128xf32>
    %squeeze3A_42 = vector.shape_cast %slice3A_41 : vector<1x512x128xf32> to vector<512x128xf32>
    %mul3A_43 = vector.broadcast %squeeze3A_40 : f32 to vector<512x128xf32>
    %mul3A_44 = arith.mulf %mul3A_43, %squeeze3A_42 : vector<512x128xf32>
    %add3A_45 = arith.addf %mul3A_38, %mul3A_44 : vector<512x128xf32>
    %slice3A_46 = vector.extract_strided_slice %get3A_14 {offsets = [2, 2], sizes = [1, 1], strides = [1, 1]} : vector<8x128xf32> to vector<1x1xf32>
    %squeeze3A_47 = vector.extract %slice3A_46[0, 0] : f32 from vector<1x1xf32>
    %slice3A_48 = vector.extract_strided_slice %mul3A {offsets = [0, 0, 0], sizes = [1, 512, 128], strides = [1, 1, 1]} : vector<4x512x128xf32> to vector<1x512x128xf32>
    %squeeze3A_49 = vector.shape_cast %slice3A_48 : vector<1x512x128xf32> to vector<512x128xf32>
    %mul3A_50 = vector.broadcast %squeeze3A_47 : f32 to vector<512x128xf32>
    %mul3A_51 = arith.mulf %mul3A_50, %squeeze3A_49 : vector<512x128xf32>
    %add3A_52 = arith.addf %add3A_45, %mul3A_51 : vector<512x128xf32>
    %slice3A_53 = vector.extract_strided_slice %get3A_14 {offsets = [3, 0], sizes = [1, 1], strides = [1, 1]} : vector<8x128xf32> to vector<1x1xf32>
    %squeeze3A_54 = vector.extract %slice3A_53[0, 0] : f32 from vector<1x1xf32>
    %slice3A_55 = vector.extract_strided_slice %mul3A {offsets = [3, 0, 0], sizes = [1, 512, 128], strides = [1, 1, 1]} : vector<4x512x128xf32> to vector<1x512x128xf32>
    %squeeze3A_56 = vector.shape_cast %slice3A_55 : vector<1x512x128xf32> to vector<512x128xf32>
    %mul3A_57 = vector.broadcast %squeeze3A_54 : f32 to vector<512x128xf32>
    %mul3A_58 = arith.mulf %mul3A_57, %squeeze3A_56 : vector<512x128xf32>
    %slice3A_59 = vector.extract_strided_slice %get3A_14 {offsets = [3, 1], sizes = [1, 1], strides = [1, 1]} : vector<8x128xf32> to vector<1x1xf32>
    %squeeze3A_60 = vector.extract %slice3A_59[0, 0] : f32 from vector<1x1xf32>
    %slice3A_61 = vector.extract_strided_slice %mul3A {offsets = [2, 0, 0], sizes = [1, 512, 128], strides = [1, 1, 1]} : vector<4x512x128xf32> to vector<1x512x128xf32>
    %squeeze3A_62 = vector.shape_cast %slice3A_61 : vector<1x512x128xf32> to vector<512x128xf32>
    %mul3A_63 = vector.broadcast %squeeze3A_60 : f32 to vector<512x128xf32>
    %mul3A_64 = arith.mulf %mul3A_63, %squeeze3A_62 : vector<512x128xf32>
    %add3A_65 = arith.addf %mul3A_58, %mul3A_64 : vector<512x128xf32>
    %slice3A_66 = vector.extract_strided_slice %get3A_14 {offsets = [3, 2], sizes = [1, 1], strides = [1, 1]} : vector<8x128xf32> to vector<1x1xf32>
    %squeeze3A_67 = vector.extract %slice3A_66[0, 0] : f32 from vector<1x1xf32>
    %slice3A_68 = vector.extract_strided_slice %mul3A {offsets = [1, 0, 0], sizes = [1, 512, 128], strides = [1, 1, 1]} : vector<4x512x128xf32> to vector<1x512x128xf32>
    %squeeze3A_69 = vector.shape_cast %slice3A_68 : vector<1x512x128xf32> to vector<512x128xf32>
    %mul3A_70 = vector.broadcast %squeeze3A_67 : f32 to vector<512x128xf32>
    %mul3A_71 = arith.mulf %mul3A_70, %squeeze3A_69 : vector<512x128xf32>
    %add3A_72 = arith.addf %add3A_65, %mul3A_71 : vector<512x128xf32>
    %slice3A_73 = vector.extract_strided_slice %get3A_14 {offsets = [3, 3], sizes = [1, 1], strides = [1, 1]} : vector<8x128xf32> to vector<1x1xf32>
    %squeeze3A_74 = vector.extract %slice3A_73[0, 0] : f32 from vector<1x1xf32>
    %slice3A_75 = vector.extract_strided_slice %mul3A {offsets = [0, 0, 0], sizes = [1, 512, 128], strides = [1, 1, 1]} : vector<4x512x128xf32> to vector<1x512x128xf32>
    %squeeze3A_76 = vector.shape_cast %slice3A_75 : vector<1x512x128xf32> to vector<512x128xf32>
    %mul3A_77 = vector.broadcast %squeeze3A_74 : f32 to vector<512x128xf32>
    %mul3A_78 = arith.mulf %mul3A_77, %squeeze3A_76 : vector<512x128xf32>
    %add3A_79 = arith.addf %add3A_72, %mul3A_78 : vector<512x128xf32>
    %stack3A = vector.shape_cast %mul3A_19 : vector<512x128xf32> to vector<1x512x128xf32>
    %stack3A_80 = vector.shape_cast %add3A_32 : vector<512x128xf32> to vector<1x512x128xf32>
    %stack3A_81 = vector.shape_cast %add3A_52 : vector<512x128xf32> to vector<1x512x128xf32>
    %stack3A_82 = vector.shape_cast %add3A_79 : vector<512x128xf32> to vector<1x512x128xf32>
    %stack3A_83 = tpu.concatenate %stack3A, %stack3A_80, %stack3A_81, %stack3A_82 in 0 : vector<1x512x128xf32>, vector<1x512x128xf32>, vector<1x512x128xf32>, vector<1x512x128xf32> -> vector<4x512x128xf32>
    %reshape3A_84 = vector.shape_cast %stack3A_83 : vector<4x512x128xf32> to vector<2048x128xf32>
    %get3A_85 = arith.constant 0 : index
    %get3A_86 = arith.constant 0 : index
    %get3A_87 = vector.load %arg5[%get3A_85, %get3A_86] : memref<128x128xf32, #tpu.memory_space<vmem>>, vector<128x128xf32>
    %dot_general3A = arith.constant dense<0.000000e+00> : vector<2048x128xf32>
    %dot_general3A_88 = tpu.matmul %reshape3A_84, %get3A_87, %dot_general3A {dimension_numbers = #tpu.dot_dimension_numbers<[1], [0], [0], [1], [0, 0, 1, 1], [], []>, transpose_lhs_hint = false} : vector<2048x128xf32>, vector<128x128xf32>, vector<2048x128xf32> -> vector<2048x128xf32>
    %get3A_89 = arith.constant 0 : index
    %get3A_90 = arith.constant 0 : index
    %get3A_91 = vector.load %arg6[%get3A_89, %get3A_90] : memref<1x128xf32, #tpu.memory_space<vmem>>, vector<1x128xf32>
    %add3A_92 = vector.broadcast %get3A_91 : vector<1x128xf32> to vector<2048x128xf32>
    %add3A_93 = arith.addf %dot_general3A_88, %add3A_92 : vector<2048x128xf32>
    %reshape3A_94 = vector.shape_cast %add3A_93 : vector<2048x128xf32> to vector<4x512x128xf32>
    %broadcast_in_dim3A_95 = arith.constant 0.000000e+00 : f32
    %broadcast_in_dim3A_96 = vector.broadcast %broadcast_in_dim3A_95 : f32 to vector<512x128xf32>
    %mul3A_97 = arith.constant 0.949999988 : f32
    %mul3A_98 = vector.broadcast %mul3A_97 : f32 to vector<512x128xf32>
    %mul3A_99 = arith.mulf %mul3A_98, %broadcast_in_dim3A_96 : vector<512x128xf32>
    %slice3A_100 = vector.extract_strided_slice %reshape3A_94 {offsets = [0, 0, 0], sizes = [1, 512, 128], strides = [1, 1, 1]} : vector<4x512x128xf32> to vector<1x512x128xf32>
    %squeeze3A_101 = vector.shape_cast %slice3A_100 : vector<1x512x128xf32> to vector<512x128xf32>
    %add3A_102 = arith.addf %mul3A_99, %squeeze3A_101 : vector<512x128xf32>
    %sub3A = arith.constant 1.000000e+00 : f32
    %sub3A_103 = vector.broadcast %sub3A : f32 to vector<512x128xf32>
    %sub3A_104 = arith.subf %add3A_102, %sub3A_103 : vector<512x128xf32>
    %logistic3A = arith.negf %sub3A_104 : vector<512x128xf32>
    %logistic3A_105 = math.exp %logistic3A : vector<512x128xf32>
    %logistic3A_106 = arith.constant 1.000000e+00 : f32
    %logistic3A_107 = vector.broadcast %logistic3A_106 : f32 to vector<512x128xf32>
    %logistic3A_108 = arith.addf %logistic3A_107, %logistic3A_105 : vector<512x128xf32>
    %logistic3A_109 = arith.divf %logistic3A_107, %logistic3A_108 : vector<512x128xf32>
    %sub3A_110 = arith.subf %add3A_102, %logistic3A_109 : vector<512x128xf32>
    %mul3A_111 = arith.constant 0.949999988 : f32
    %mul3A_112 = vector.broadcast %mul3A_111 : f32 to vector<512x128xf32>
    %mul3A_113 = arith.mulf %mul3A_112, %sub3A_110 : vector<512x128xf32>
    %slice3A_114 = vector.extract_strided_slice %reshape3A_94 {offsets = [1, 0, 0], sizes = [1, 512, 128], strides = [1, 1, 1]} : vector<4x512x128xf32> to vector<1x512x128xf32>
    %squeeze3A_115 = vector.shape_cast %slice3A_114 : vector<1x512x128xf32> to vector<512x128xf32>
    %add3A_116 = arith.addf %mul3A_113, %squeeze3A_115 : vector<512x128xf32>
    %sub3A_117 = arith.constant 1.000000e+00 : f32
    %sub3A_118 = vector.broadcast %sub3A_117 : f32 to vector<512x128xf32>
    %sub3A_119 = arith.subf %add3A_116, %sub3A_118 : vector<512x128xf32>
    %logistic3A_120 = arith.negf %sub3A_119 : vector<512x128xf32>
    %logistic3A_121 = math.exp %logistic3A_120 : vector<512x128xf32>
    %logistic3A_122 = arith.constant 1.000000e+00 : f32
    %logistic3A_123 = vector.broadcast %logistic3A_122 : f32 to vector<512x128xf32>
    %logistic3A_124 = arith.addf %logistic3A_123, %logistic3A_121 : vector<512x128xf32>
    %logistic3A_125 = arith.divf %logistic3A_123, %logistic3A_124 : vector<512x128xf32>
    %sub3A_126 = arith.subf %add3A_116, %logistic3A_125 : vector<512x128xf32>
    %mul3A_127 = arith.constant 0.949999988 : f32
    %mul3A_128 = vector.broadcast %mul3A_127 : f32 to vector<512x128xf32>
    %mul3A_129 = arith.mulf %mul3A_128, %sub3A_126 : vector<512x128xf32>
    %slice3A_130 = vector.extract_strided_slice %reshape3A_94 {offsets = [2, 0, 0], sizes = [1, 512, 128], strides = [1, 1, 1]} : vector<4x512x128xf32> to vector<1x512x128xf32>
    %squeeze3A_131 = vector.shape_cast %slice3A_130 : vector<1x512x128xf32> to vector<512x128xf32>
    %add3A_132 = arith.addf %mul3A_129, %squeeze3A_131 : vector<512x128xf32>
    %sub3A_133 = arith.constant 1.000000e+00 : f32
    %sub3A_134 = vector.broadcast %sub3A_133 : f32 to vector<512x128xf32>
    %sub3A_135 = arith.subf %add3A_132, %sub3A_134 : vector<512x128xf32>
    %logistic3A_136 = arith.negf %sub3A_135 : vector<512x128xf32>
    %logistic3A_137 = math.exp %logistic3A_136 : vector<512x128xf32>
    %logistic3A_138 = arith.constant 1.000000e+00 : f32
    %logistic3A_139 = vector.broadcast %logistic3A_138 : f32 to vector<512x128xf32>
    %logistic3A_140 = arith.addf %logistic3A_139, %logistic3A_137 : vector<512x128xf32>
    %logistic3A_141 = arith.divf %logistic3A_139, %logistic3A_140 : vector<512x128xf32>
    %sub3A_142 = arith.subf %add3A_132, %logistic3A_141 : vector<512x128xf32>
    %mul3A_143 = arith.constant 0.949999988 : f32
    %mul3A_144 = vector.broadcast %mul3A_143 : f32 to vector<512x128xf32>
    %mul3A_145 = arith.mulf %mul3A_144, %sub3A_142 : vector<512x128xf32>
    %slice3A_146 = vector.extract_strided_slice %reshape3A_94 {offsets = [3, 0, 0], sizes = [1, 512, 128], strides = [1, 1, 1]} : vector<4x512x128xf32> to vector<1x512x128xf32>
    %squeeze3A_147 = vector.shape_cast %slice3A_146 : vector<1x512x128xf32> to vector<512x128xf32>
    %add3A_148 = arith.addf %mul3A_145, %squeeze3A_147 : vector<512x128xf32>
    %sub3A_149 = arith.constant 1.000000e+00 : f32
    %sub3A_150 = vector.broadcast %sub3A_149 : f32 to vector<512x128xf32>
    %sub3A_151 = arith.subf %add3A_148, %sub3A_150 : vector<512x128xf32>
    %logistic3A_152 = arith.negf %sub3A_151 : vector<512x128xf32>
    %logistic3A_153 = math.exp %logistic3A_152 : vector<512x128xf32>
    %logistic3A_154 = arith.constant 1.000000e+00 : f32
    %logistic3A_155 = vector.broadcast %logistic3A_154 : f32 to vector<512x128xf32>
    %logistic3A_156 = arith.addf %logistic3A_155, %logistic3A_153 : vector<512x128xf32>
    %logistic3A_157 = arith.divf %logistic3A_155, %logistic3A_156 : vector<512x128xf32>
    %stack3A_158 = vector.shape_cast %logistic3A_109 : vector<512x128xf32> to vector<1x512x128xf32>
    %stack3A_159 = vector.shape_cast %logistic3A_125 : vector<512x128xf32> to vector<1x512x128xf32>
    %stack3A_160 = vector.shape_cast %logistic3A_141 : vector<512x128xf32> to vector<1x512x128xf32>
    %stack3A_161 = vector.shape_cast %logistic3A_157 : vector<512x128xf32> to vector<1x512x128xf32>
    %stack3A_162 = tpu.concatenate %stack3A_158, %stack3A_159, %stack3A_160, %stack3A_161 in 0 : vector<1x512x128xf32>, vector<1x512x128xf32>, vector<1x512x128xf32>, vector<1x512x128xf32> -> vector<4x512x128xf32>
    %mul3A_163 = arith.mulf %reshape3A_94, %stack3A_162 : vector<4x512x128xf32>
    %reshape3A_164 = vector.shape_cast %mul3A_163 : vector<4x512x128xf32> to vector<2048x128xf32>
    %get3A_165 = arith.constant 0 : index
    %get3A_166 = arith.constant 0 : index
    %get3A_167 = vector.load %arg7[%get3A_165, %get3A_166] : memref<128x512xf32, #tpu.memory_space<vmem>>, vector<128x512xf32>
    %dot_general3A_168 = arith.constant dense<0.000000e+00> : vector<2048x512xf32>
    %dot_general3A_169 = tpu.matmul %reshape3A_164, %get3A_167, %dot_general3A_168 {dimension_numbers = #tpu.dot_dimension_numbers<[1], [0], [0], [1], [0, 0, 1, 1], [], []>, transpose_lhs_hint = false} : vector<2048x128xf32>, vector<128x512xf32>, vector<2048x512xf32> -> vector<2048x512xf32>
    %get3A_170 = arith.constant 0 : index
    %get3A_171 = arith.constant 0 : index
    %get3A_172 = vector.load %arg8[%get3A_170, %get3A_171] : memref<1x512xf32, #tpu.memory_space<vmem>>, vector<1x512xf32>
    %add3A_173 = vector.broadcast %get3A_172 : vector<1x512xf32> to vector<2048x512xf32>
    %add3A_174 = arith.addf %dot_general3A_169, %add3A_173 : vector<2048x512xf32>
    %integer_pow3A = arith.mulf %add3A_174, %add3A_174 : vector<2048x512xf32>
    %integer_pow3A_175 = arith.mulf %add3A_174, %integer_pow3A : vector<2048x512xf32>
    %mul3A_176 = arith.constant 4.471500e-02 : f32
    %mul3A_177 = vector.broadcast %mul3A_176 : f32 to vector<2048x512xf32>
    %mul3A_178 = arith.mulf %mul3A_177, %integer_pow3A_175 : vector<2048x512xf32>
    %add3A_179 = arith.addf %add3A_174, %mul3A_178 : vector<2048x512xf32>
    %mul3A_180 = arith.constant 0.797884583 : f32
    %mul3A_181 = vector.broadcast %mul3A_180 : f32 to vector<2048x512xf32>
    %mul3A_182 = arith.mulf %mul3A_181, %add3A_179 : vector<2048x512xf32>
    %tanh3A = math.tanh %mul3A_182 : vector<2048x512xf32>
    %add3A_183 = arith.constant 1.000000e+00 : f32
    %add3A_184 = vector.broadcast %add3A_183 : f32 to vector<2048x512xf32>
    %add3A_185 = arith.addf %add3A_184, %tanh3A : vector<2048x512xf32>
    %mul3A_186 = arith.constant 5.000000e-01 : f32
    %mul3A_187 = vector.broadcast %mul3A_186 : f32 to vector<2048x512xf32>
    %mul3A_188 = arith.mulf %mul3A_187, %add3A_185 : vector<2048x512xf32>
    %mul3A_189 = arith.mulf %add3A_174, %mul3A_188 : vector<2048x512xf32>
    %get3A_190 = arith.constant 0 : index
    %get3A_191 = arith.constant 0 : index
    %get3A_192 = vector.load %arg9[%get3A_190, %get3A_191] : memref<512x128xf32, #tpu.memory_space<vmem>>, vector<512x128xf32>
    %dot_general3A_193 = arith.constant dense<0.000000e+00> : vector<2048x128xf32>
    %dot_general3A_194 = tpu.matmul %mul3A_189, %get3A_192, %dot_general3A_193 {dimension_numbers = #tpu.dot_dimension_numbers<[1], [0], [0], [1], [0, 0, 1, 1], [], []>, transpose_lhs_hint = false} : vector<2048x512xf32>, vector<512x128xf32>, vector<2048x128xf32> -> vector<2048x128xf32>
    %get3A_195 = arith.constant 0 : index
    %get3A_196 = arith.constant 0 : index
    %get3A_197 = vector.load %arg10[%get3A_195, %get3A_196] : memref<1x128xf32, #tpu.memory_space<vmem>>, vector<1x128xf32>
    %add3A_198 = vector.broadcast %get3A_197 : vector<1x128xf32> to vector<2048x128xf32>
    %add3A_199 = arith.addf %dot_general3A_194, %add3A_198 : vector<2048x128xf32>
    %reshape3A_200 = vector.shape_cast %add3A_199 : vector<2048x128xf32> to vector<4x512x128xf32>
    %get3A_201 = arith.constant 0 : index
    %get3A_202 = arith.constant 0 : index
    %get3A_203 = arith.constant 0 : index
    %get3A_204 = vector.load %arg3[%get3A_201, %get3A_202, %get3A_203] : memref<4x512x128xf32, #tpu.memory_space<vmem>>, vector<4x512x128xf32>
    %add3A_205 = arith.addf %get3A_204, %reshape3A_200 : vector<4x512x128xf32>
    %get3A_206 = arith.constant 0 : index
    %get3A_207 = arith.constant 0 : index
    %get3A_208 = vector.load %arg11[%get3A_206, %get3A_207] : memref<1x128xf32, #tpu.memory_space<vmem>>, vector<1x128xf32>
    %get3A_209 = arith.constant 0 : index
    %get3A_210 = arith.constant 0 : index
    %get3A_211 = vector.load %arg12[%get3A_209, %get3A_210] : memref<1x128xf32, #tpu.memory_space<vmem>>, vector<1x128xf32>
    %reduce_sum3A = arith.constant dense<0.000000e+00> : vector<4x512xf32>
    %reduce_sum3A_212 = vector.multi_reduction <add>, %add3A_205, %reduce_sum3A [2] : vector<4x512x128xf32> to vector<4x512xf32>
    %broadcast_in_dim3A_213 = vector.shape_cast %reduce_sum3A_212 : vector<4x512xf32> to vector<4x512x1xf32>
    %div3A_214 = arith.constant 1.280000e+02 : f32
    %div3A_215 = vector.broadcast %div3A_214 : f32 to vector<4x512x1xf32>
    %div3A_216 = arith.divf %broadcast_in_dim3A_213, %div3A_215 : vector<4x512x1xf32>
    %sub3A_217 = vector.broadcast %div3A_216 : vector<4x512x1xf32> to vector<4x512x128xf32>
    %sub3A_218 = arith.subf %add3A_205, %sub3A_217 : vector<4x512x128xf32>
    %integer_pow3A_219 = arith.mulf %sub3A_218, %sub3A_218 : vector<4x512x128xf32>
    %reduce_sum3A_220 = arith.constant dense<0.000000e+00> : vector<4x512xf32>
    %reduce_sum3A_221 = vector.multi_reduction <add>, %integer_pow3A_219, %reduce_sum3A_220 [2] : vector<4x512x128xf32> to vector<4x512xf32>
    %broadcast_in_dim3A_222 = vector.shape_cast %reduce_sum3A_221 : vector<4x512xf32> to vector<4x512x1xf32>
    %div3A_223 = arith.constant 1.280000e+02 : f32
    %div3A_224 = vector.broadcast %div3A_223 : f32 to vector<4x512x1xf32>
    %div3A_225 = arith.divf %broadcast_in_dim3A_222, %div3A_224 : vector<4x512x1xf32>
    %sub3A_226 = vector.broadcast %div3A_216 : vector<4x512x1xf32> to vector<4x512x128xf32>
    %sub3A_227 = arith.subf %add3A_205, %sub3A_226 : vector<4x512x128xf32>
    %broadcast_in_dim3A_228 = vector.shape_cast %get3A_208 : vector<1x128xf32> to vector<1x1x128xf32>
    %mul3A_229 = vector.broadcast %broadcast_in_dim3A_228 : vector<1x1x128xf32> to vector<4x512x128xf32>
    %mul3A_230 = arith.mulf %mul3A_229, %sub3A_227 : vector<4x512x128xf32>
    %add3A_231 = arith.constant 9.99999974E-6 : f32
    %add3A_232 = vector.broadcast %add3A_231 : f32 to vector<4x512x1xf32>
    %add3A_233 = arith.addf %div3A_225, %add3A_232 : vector<4x512x1xf32>
    %rsqrt3A = math.rsqrt %add3A_233 : vector<4x512x1xf32>
    %mul3A_234 = vector.broadcast %rsqrt3A : vector<4x512x1xf32> to vector<4x512x128xf32>
    %mul3A_235 = arith.mulf %mul3A_230, %mul3A_234 : vector<4x512x128xf32>
    %broadcast_in_dim3A_236 = vector.shape_cast %get3A_211 : vector<1x128xf32> to vector<1x1x128xf32>
    %add3A_237 = vector.broadcast %broadcast_in_dim3A_236 : vector<1x1x128xf32> to vector<4x512x128xf32>
    %add3A_238 = arith.addf %mul3A_235, %add3A_237 : vector<4x512x128xf32>
    %swap3A = arith.constant 0 : index
    %swap3A_239 = arith.constant 0 : index
    %swap3A_240 = arith.constant 0 : index
    %swap3A_241 = vector.load %arg13[%swap3A, %swap3A_239, %swap3A_240] : memref<4x512x128xf32, #tpu.memory_space<vmem>>, vector<4x512x128xf32>
    tpu.vector_store %arg13[%swap3A, %swap3A_239, %swap3A_240], %add3A_238 {strides = array<i32>} : memref<4x512x128xf32, #tpu.memory_space<vmem>>, vector<4x512x128xf32>,
    %reduce_sum3A_242 = arith.constant dense<0.000000e+00> : vector<4x512xf32>
    %reduce_sum3A_243 = vector.multi_reduction <add>, %stack3A_162, %reduce_sum3A_242 [2] : vector<4x512x128xf32> to vector<4x512xf32>
    %div3A_244 = arith.constant 1.280000e+02 : f32
    %div3A_245 = vector.broadcast %div3A_244 : f32 to vector<4x512xf32>
    %div3A_246 = arith.divf %reduce_sum3A_243, %div3A_245 : vector<4x512xf32>
    %swap3A_247 = arith.constant 0 : index
    %swap3A_248 = arith.constant 0 : index
    %swap3A_249 = vector.load %arg14[%swap3A_247, %swap3A_248] : memref<4x512xf32, #tpu.memory_space<vmem>>, vector<4x512xf32>
    tpu.vector_store %arg14[%swap3A_247, %swap3A_248], %div3A_246 {strides = array<i32>} : memref<4x512xf32, #tpu.memory_space<vmem>>, vector<4x512xf32>,
    return
  }
  func.func @transform_0(%arg0: i32) -> (i32, i32, i32) {
    %c0_i32 = arith.constant 0 : i32
    %c0_i32_0 = arith.constant 0 : i32
    %c0_i32_1 = arith.constant 0 : i32
    return %c0_i32, %arg0, %c0_i32_0 : i32, i32, i32
  }
  func.func @transform_1(%arg0: i32) -> (i32, i32, i32) {
    %c0_i32 = arith.constant 0 : i32
    %c0_i32_0 = arith.constant 0 : i32
    %c0_i32_1 = arith.constant 0 : i32
    return %c0_i32, %arg0, %c0_i32_0 : i32, i32, i32
  }
  func.func @transform_2(%arg0: i32) -> (i32, i32, i32) {
    %c0_i32 = arith.constant 0 : i32
    %c0_i32_0 = arith.constant 0 : i32
    %c0_i32_1 = arith.constant 0 : i32
    return %c0_i32, %arg0, %c0_i32_0 : i32, i32, i32
  }
  func.func @transform_3(%arg0: i32) -> (i32, i32) {
    %c0_i32 = arith.constant 0 : i32
    %c0_i32_0 = arith.constant 0 : i32
    %c0_i32_1 = arith.constant 0 : i32
    return %c0_i32, %c0_i32_0 : i32, i32
  }
  func.func @transform_4(%arg0: i32) -> (i32, i32) {
    %c0_i32 = arith.constant 0 : i32
    %c0_i32_0 = arith.constant 0 : i32
    %c0_i32_1 = arith.constant 0 : i32
    return %c0_i32, %c0_i32_0 : i32, i32
  }
  func.func @transform_5(%arg0: i32) -> (i32, i32) {
    %c0_i32 = arith.constant 0 : i32
    %c0_i32_0 = arith.constant 0 : i32
    %c0_i32_1 = arith.constant 0 : i32
    return %c0_i32, %c0_i32_0 : i32, i32
  }
  func.func @transform_6(%arg0: i32) -> (i32, i32) {
    %c0_i32 = arith.constant 0 : i32
    %c0_i32_0 = arith.constant 0 : i32
    %c0_i32_1 = arith.constant 0 : i32
    return %c0_i32, %c0_i32_0 : i32, i32
  }
  func.func @transform_7(%arg0: i32) -> (i32, i32) {
    %c0_i32 = arith.constant 0 : i32
    %c0_i32_0 = arith.constant 0 : i32
    %c0_i32_1 = arith.constant 0 : i32
    return %c0_i32, %c0_i32_0 : i32, i32
  }
  func.func @transform_8(%arg0: i32) -> (i32, i32) {
    %c0_i32 = arith.constant 0 : i32
    %c0_i32_0 = arith.constant 0 : i32
    %c0_i32_1 = arith.constant 0 : i32
    return %c0_i32, %c0_i32_0 : i32, i32
  }
  func.func @transform_9(%arg0: i32) -> (i32, i32) {
    %c0_i32 = arith.constant 0 : i32
    %c0_i32_0 = arith.constant 0 : i32
    %c0_i32_1 = arith.constant 0 : i32
    return %c0_i32, %c0_i32_0 : i32, i32
  }
  func.func @transform_10(%arg0: i32) -> (i32, i32) {
    %c0_i32 = arith.constant 0 : i32
    %c0_i32_0 = arith.constant 0 : i32
    %c0_i32_1 = arith.constant 0 : i32
    return %c0_i32, %c0_i32_0 : i32, i32
  }
  func.func @transform_11(%arg0: i32) -> (i32, i32) {
    %c0_i32 = arith.constant 0 : i32
    %c0_i32_0 = arith.constant 0 : i32
    %c0_i32_1 = arith.constant 0 : i32
    return %c0_i32, %c0_i32_0 : i32, i32
  }
  func.func @transform_12(%arg0: i32) -> (i32, i32, i32) {
    %c0_i32 = arith.constant 0 : i32
    %c0_i32_0 = arith.constant 0 : i32
    %c0_i32_1 = arith.constant 0 : i32
    return %c0_i32, %arg0, %c0_i32_0 : i32, i32, i32
  }
  func.func @transform_13(%arg0: i32) -> (i32, i32) {
    %c0_i32 = arith.constant 0 : i32
    %c0_i32_0 = arith.constant 0 : i32
    return %c0_i32, %arg0 : i32, i32
  }
}

</mosaic_0001>

<sc_bundles>
// kernel: kernel.10.cloned.1.call-start
scs
__scs_entry_jumppad:
0x0: {  	(pc) =	sbr.rel $0x88, $3  }
0x1: {  	(tag) =	ssettag $0x0;
	lr =	simm.s32 $0x1  }
0x2: {  	[smem:$0x3F89] =	sst lr;
	_ =	strace $0xD0000000  }
0x3: {  	_ = 	snop  }
0x4: {  	_ = 	snop  }
0x5: {  	_ = 	snop  }
0x6: {  	_ = 	snop  }
0x7: {  	_ = 	snop  }
__scs_overlays_trampoline_lowered:
0x8: {  	[smem:$0x3F98] =	sst s0  }
0x9: {  	[smem:$0x3F99] =	sst s1  }
0xa: {  	[smem:$0x3F9A] =	sst s2  }
0xb: {  	[smem:$0x3F9B] =	sst s3  }
0xc: {  	[smem:$0x3F9C] =	sst s4  }
0xd: {  	[smem:$0x3F9D] =	sst s5  }
0xe: {  	[smem:$0x3F9E] =	sst s6  }
0xf: {  	[smem:$0x3F9F] =	sst s7  }
0x10: {  	[smem:$0x3FA0] =	sst s8  }
0x11: {  	[smem:$0x3FA1] =	sst s9;
	s0 =	simm.s32 @!p0 $0x0  }
0x12: {  	s1 =	sld [smem:$0x3F87];
	s0 =	simm.s32 @p0 $0x1  }
0x13: {  	[smem:$0x3FA2] =	sst s0;
	s0 =	simm.s32 @!p1 $0x0  }
0x14: {  	s2 =	sld [smem:$0x3F86];
	s0 =	simm.s32 @p1 $0x1  }
0x15: {  	[smem:$0x3FA3] =	sst s0;
	s0 =	simm.s32 @!p2 $0x0  }
0x16: {  	s3 =	sld [smem:$0x3FDB];
	s0 =	simm.s32 @p2 $0x1  }
0x17: {  	s4 =	simm.s32 $0x1BF5;
	[smem:$0x3FA5] =	sst s0  }
0x18: {  	s0 =	sld [smem:$0x3F88];
	_ =	swait.ge [sflag:s4], $0x0  }
0x19: {  	s7 =	sld [smem:$0x3F89]  }
0x1a: {  	s8 =	sadd.s32 $0xFFFFE003, lr  }
0x1b: {  	s9 =	sadd.s32 $0xFFFFFEF7, lr;
	s5 =	simm.s32 $0xFFFFFFFF;
	p2 =	slt.u32 s8, $0xFFFFF086  }
0x1c: {  	p1 =	slt.u32 s9, $0xF7A;
	s5 =	simm.s32 @!p2 $0x0  }
0x1d: {  	s5 =	simm.s32 @p1 $0x1;
	p0 =	seq.s32 s7, s2  }
0x1e: {  	s7 =	smul.u32 @!p0 $0xF7A, s2;
	p2 =	seq.s32 @!p0 s5, $0x0  }
0x1f: {  	s9 =	smul.u32 $0xF7A, s1;
	s8 =	simm.s32 @!p0 $0x1BF5;
	p2 =	por !p2, p0  }
0x20: {  	[sflag:s8] =	ssyncset.s32 @!p0 $0xFFFFF086;
	s6 =	sadd.s32 @!p0 s3, s7;
	s7 =	simm.s32 @!p0 $0x108  }
0x21: {  	s3 =	sadd.s32 s3, s9;
	s6 =	sadd.s32 @!p0 $0x88, s6;
	s7 =	simm.s32 @p2 $0x1082  }
0x22: {  	[simem:s7], [sflag:s8] =	dma.local @!p0 [hbm:s6], $0xF7A  }
0x23: {  	s9 =	sor.u32 $0xD0000000, s2;
	s6 =	simm.s32 $0x108;
	_ =	swait.ge @!p0 [sflag:s8], $0x0  }
0x24: {  	s3 =	sadd.s32 $0x88, s3;
	s6 =	simm.s32 @!p1 $0x1082;
	[sflag:s4] =	ssyncset.s32 $0xFFFFF086  }
0x25: {  	[simem:s6], [sflag:s4] =	dma.local [hbm:s3], $0xF7A  }
0x26: {  	[smem:$0x3F89] =	sst s1;
	(tag) =	ssettag s2;
	_ =	strace s9  }
0x27: {  	s1 =	sld [smem:$0x3F99]  }
0x28: {  	s2 =	sld [smem:$0x3F9A]  }
0x29: {  	s4 =	sld [smem:$0x3F9C]  }
0x2a: {  	p0 =	seq.s32 s5, $0x0;
	s5 =	sld [smem:$0x3F9D]  }
0x2b: {  	s6 =	sld [smem:$0x3F9E]  }
0x2c: {  	s7 =	sld [smem:$0x3F9F]  }
0x2d: {  	s3 =	simm.s32 $0x108;
	s8 =	sld [smem:$0x3FA0]  }
0x2e: {  	s3 =	simm.s32 @!p0 $0x1082;
	s9 =	sld [smem:$0x3FA1]  }
0x2f: {  	lr =	sadd.s32 s0, s3;
	s0 =	sld [smem:$0x3F98]  }
0x30: {  	s3 =	sld [smem:$0x3F9B]  }
0x31: {  	[smem:$0x3FA4] =	sst s10  }
0x32: {  	s10 =	sld [smem:$0x3FA2];
	_ =	sdelay $0x3  }
0x33: {  	p0 =	seq.s32 s10, $0x1;
	s10 =	sld [smem:$0x3FA4];
	_ =	sdelay $0x3  }
0x34: {  	[smem:$0x3FA4] =	sst s10  }
0x35: {  	s10 =	sld [smem:$0x3FA3];
	_ =	sdelay $0x3  }
0x36: {  	p1 =	seq.s32 s10, $0x1;
	s10 =	sld [smem:$0x3FA4];
	_ =	sdelay $0x3  }
0x37: {  	[smem:$0x3FA4] =	sst s10  }
0x38: {  	s10 =	sld [smem:$0x3FA5]  }
0x39: {  	_ = 	snop;
	(pc) =	sbr.ind lr, $3  }
0x3a: {  	_ = 	snop  }
0x3b: {  	_ = 	snop  }
0x3c: {  	p2 =	seq.s32 s10, $0x1;
	s10 =	sld [smem:$0x3FA4]  }
0x3d: {  	_ =	shalt  }
0x3e: {  	_ =	shalt  }
0x3f: {  	_ =	shalt  }
0x40: {  	_ =	shalt  }
0x41: {  	_ =	shalt  }
0x42: {  	_ =	shalt  }
0x43: {  	_ =	shalt  }
0x44: {  	_ =	shalt  }
0x45: {  	_ =	shalt  }
0x46: {  	_ =	shalt  }
0x47: {  	_ =	shalt  }
0x48: {  	_ =	shalt  }
0x49: {  	_ =	shalt  }
0x4a: {  	_ =	shalt  }
0x4b: {  	_ =	shalt  }
0x4c: {  	_ =	shalt  }
0x4d: {  	_ =	shalt  }
0x4e: {  	_ =	shalt  }
0x4f: {  	_ =	shalt  }
0x50: {  	_ =	shalt  }
0x51: {  	_ =	shalt  }
0x52: {  	_ =	shalt  }
0x53: {  	_ =	shalt  }
0x54: {  	_ =	shalt  }
0x55: {  	_ =	shalt  }
0x56: {  	_ =	shalt  }
0x57: {  	_ =	shalt  }
0x58: {  	_ =	shalt  }
0x59: {  	_ =	shalt  }
0x5a: {  	_ =	shalt  }
0x5b: {  	_ =	shalt  }
0x5c: {  	_ =	shalt  }
0x5d: {  	_ =	shalt  }
0x5e: {  	_ =	shalt  }
0x5f: {  	_ =	shalt  }
0x60: {  	_ =	shalt  }
0x61: {  	_ =	shalt  }
0x62: {  	_ =	shalt  }
0x63: {  	_ =	shalt  }
0x64: {  	_ =	shalt  }
0x65: {  	_ =	shalt  }
0x66: {  	_ =	shalt  }
0x67: {  	_ =	shalt  }
0x68: {  	_ =	shalt  }
0x69: {  	_ =	shalt  }
0x6a: {  	_ =	shalt  }
0x6b: {  	_ =	shalt  }
0x6c: {  	_ =	shalt  }
0x6d: {  	_ =	shalt  }
0x6e: {  	_ =	shalt  }
0x6f: {  	_ =	shalt  }
0x70: {  	_ =	shalt  }
0x71: {  	_ =	shalt  }
0x72: {  	_ =	shalt  }
0x73: {  	_ =	shalt  }
0x74: {  	_ =	shalt  }
0x75: {  	_ =	shalt  }
0x76: {  	_ =	shalt  }
0x77: {  	_ =	shalt  }
0x78: {  	_ =	shalt  }
0x79: {  	_ =	shalt  }
0x7a: {  	_ =	shalt  }
0x7b: {  	_ =	shalt  }
0x7c: {  	_ =	shalt  }
0x7d: {  	_ =	shalt  }
0x7e: {  	_ =	shalt  }
0x7f: {  	_ =	shalt  }
0x80: {  	_ =	shalt  }
0x81: {  	_ =	shalt  }
0x82: {  	_ =	shalt  }
0x83: {  	_ =	shalt  }
0x84: {  	_ =	shalt  }
0x85: {  	_ =	shalt  }
0x86: {  	_ =	shalt  }
0x87: {  	_ =	shalt  }
.Lfunc_end0:
.L_simem_size_0:
called_computation_lowered:
.L_overlay_start_0:
0x88: {  	s2 =	sld [smem:$0x3FD9]  }
0x89: {  	s3 =	sld [smem:$0x3FFE];
	_ =	sdelay $0x1  }
0x8a: {  	s1 =	srdreg.scid  }
0x8b: {  	s0 =	sand.u32 $0x1, s1  }
0x8c: {  	s14 =	sshll.u32 s0, $0xA;
	s2 =	sadd.s32 s3, s2  }
0x8d: {  	s2 =	sadd.s32 s2, s14  }
0x8e: {  	[smem:$0x3FB0] =	sst s2  }
0x8f: {  	_ = 	snop  }
0x90: {  	s2 =	sld [smem:$0x3FD0];
	_ =	sdelay $0x2  }
0x91: {  	s15 =	simm.s32 $0xB;
	s4 =	simm.s32 $0x10  }
0x92: {  	[smem:s4], [sflag:s15] =	dma.local [hbm:s2], $0x1  }
0x93: {  	_ =	swait.eq [sflag:s15], $0x1  }
0x94: {  	[sflag:s15] =	ssyncset.done $0x0  }
0x95: {  	[sflag:s15] =	ssyncadd.s32 $0xFFFFFFFF  }
0x96: {  	s16 =	sld [smem:$0x11];
	(tm) =	ssettm $0x1  }
0x97: {  	s17 =	sld [smem:$0x3FFB];
	_ =	sdelay $0x3  }
0x98: {  	_ =	strace s17  }
0x99: {  	s3 =	sld [smem:$0x3FFC];
	_ =	sdelay $0x3  }
0x9a: {  	_ =	strace s3  }
0x9b: {  	s3 =	sld [smem:$0x3FFD];
	_ =	sdelay $0x3  }
0x9c: {  	_ =	strace s3  }
0x9d: {  	_ =	strace $0x8FFFFFFF  }
0x9e: {  	s18 =	sld [smem:$0x3FDB];
	_ =	sdelay $0x1  }
0x9f: {  	s19 =	simm.s32 $_scs_section_size  }
0xa0: {  	s5 =	simm.s32 $_size__tile_overlayer_lowered;
	s6 =	simm.s32 $_tile_overlayer_lowered  }
0xa1: {  	s22 =	simm.s32 $0x1BFF;
	s21 =	sshll.u32 s6, $0x1;
	s3 =	sadd.s32 s19, s18  }
0xa2: {  	s7 =	simm.s32 $0x0;
	s20 =	sshll.u32 s5, $0x1;
	s5 =	sadd.s32 s21, s3  }
0xa3: {  	[timem:s7], [sflag:s22] =	dma.local [hbm:s5], s20  }
0xa4: {  	_ =	swait.ge [sflag:s22], s20  }
0xa5: {  	s4 =	ssub.s32 $0x0, s20;
	[sflag:s22] =	ssyncset.done $0x0  }
0xa6: {  	[sflag:s22] =	ssyncadd.s32 s4;
	_ =	sdelay $0x1  }
0xa7: {  	s23 =	simm.s32 $0x1B8B  }
0xa8: {  	_ =	swait.ge [sflag:s23], $0x1  }
0xa9: {  	[sflag:s23] =	ssyncset.done $0x0  }
0xaa: {  	s25 =	simm.s32 $0x1B8E;
	s24 =	sld [smem:$0x3FFE];
	[sflag:s23] =	ssyncadd.s32 $0xFFFFFFFF  }
0xab: {  	s26 =	simm.s32 $execute0_lowered;
	[smem:$0x3FD2] =	sst s25  }
0xac: {  	s5 =	sshll.u32 s26, $0x1;
	_ =	strace $0x80000046;
	[dreg:$0x1] =	wrdreg $0xFFFFFFFF  }
0xad: {  	s28 =	simm.s32 $_size_execute0_lowered;
	s3 =	sadd.s32 s3, s5;
	[dreg:$0x0] =	wrdreg $0x0  }
0xae: {  	s5 =	sshll.u32 s28, $0x1;
	[dreg:$0x2] =	wrdreg s3  }
0xaf: {  	[dreg:$0x3] =	wrdreg s5  }
0xb0: {  	[dreg:$0x4] =	wrdreg $0xC0  }
0xb1: {  	_ =	task [dreg:s7], $0x5FFFF  }
0xb2: {  	[dreg:$0x1] =	wrdreg $0xFFFFFFFF  }
0xb3: {  	[dreg:$0x0] =	wrdreg $0x60  }
0xb4: {  	[dreg:$0x2] =	wrdreg s24  }
0xb5: {  	[dreg:$0x3] =	wrdreg s16  }
0xb6: {  	[dreg:$0x4] =	wrdreg $0x0  }
0xb7: {  	[dreg:$0x5] =	wrdreg $0x140000  }
0xb8: {  	[dreg:$0x6] =	wrdreg $0x9  }
0xb9: {  	_ =	task.clear_ibuf [dreg:s7], $0x7FFFF;
	_ =	strace $0x90000046  }
0xba: {  	s29 =	simm.s32 $0x9;
	_ =	strace $0x80000048  }
0xbb: {  	_ =	swait.ge [sflag:s29], $0x1  }
0xbc: {  	[sflag:s29] =	ssyncadd.s32 $0xFFFFFFFF  }
0xbd: {  	_ =	strace $0x90000048  }
0xbe: {  	_ =	sfence  }
0xbf: {  	s30 =	sld [smem:$0x0];
	_ =	sdelay $0x2  }
0xc0: {  	s31 =	sshll.u32 s1, $0xD;
	s1 =	sshrl.u32 s1, $0x2  }
0xc1: {  	s3 =	sand.u32 $0x4000, s31;
	s1 =	sadd.s32 s1, s30  }
0xc2: {  	s0 =	sor.u32 s3, s0;
	s1 =	sshll.u32 s1, $0x11  }
0xc3: {  	s0 =	sor.u32 s1, s0  }
0xc4: {  	s0 =	sadd.s32 $0x8F2B, s0  }
0xc5: {  	[sflag:s0] =	ssyncadd.remote.s32 $0x1  }
0xc6: {  	_ =	sfence.sel $0xFFFF  }
0xc7: {  	[dreg:$0x0] =	wrdreg $0xFFFFFFFF;
	(pc) =	sbr.abs _section_cstart, $3  }
0xc8: {  	[dreg:$0x1] =	wrdreg $0xFFFFFFFF  }
0xc9: {  	_ =	task.clear_ibuf [dreg:s7], $0x2FFFF;
	_ =	strace $0x9FFFFFFF  }
0xca: {  	(tm) =	ssettm $0x7FFFFFFF  }
0xcb: {  	_ =	shalt  }
tec
execute0_lowered:
.L_overlay_start_1:
0x0: {  	(tag) =	ssettag $0x1  }
0x1: {  	s0 =	rddreg [dreg:$0x0]  }
0x2: {  	s2 =	rddreg [dreg:$0x1]  }
0x3: {  	s1 =	rddreg [dreg:$0x2];
	s13 =	stileid.u32  }
0x4: {  	s3 =	rddreg [dreg:$0x3];
	s4 =	simm.s32 $0x0;
	s5 =	smul.u32 $0x500, s13  }
0x5: {  	s6 =	srdreg.scid;
	s28 =	simm.s32 $0x14280;
	s7 =	smul.u32 $0xA00, s13  }
0x6: {  	s29 =	simm.s32 $0x14380;
	s30 =	simm.s32 $0x1;
	s11 =	smul.u32 $0x50000, s13  }
0x7: {  	s31 =	simm.s32 $0x2;
	[smem:$0x7FF] =	sst s4;
	s16 =	smul.u32 $0x280, s13  }
0x8: {  	s8 =	sadd.s32 $0xA3800, s0;
	s10 =	sand.u32 $0x1, s6;
	s22 =	smul.u32 $0x2800, s13  }
0x9: {  	_ =	strace $0x80000047;
	s6 =	ssub.s32 $0x2, s10;
	s14 =	smul.u32 $0x50000, s10  }
0xa: {  	p0 =	sne.s32 s10, $0x0;
	s5 =	sadd.s32 s5, s0;
	s0 =	sadd.s32 $0x14D800, s0  }
0xb: {  	s9 =	sshrl.u32 s6, $0x1;
	s15 =	sshrl.u32 s11, $0x2;
	s17 =	sshrl.u32 s16, $0x3  }
0xc: {  	s12 =	ssub.s32 s6, s9;
	s9 =	sshrl.u32 s7, $0x2;
	s7 =	sadd.s32 s8, s14  }
0xd: {  	s23 =	sadd.s32 s0, s14;
	s14 =	sadd.s32 $0x28000, s14;
	s2 =	sadd.s32 s2, s17  }
0xe: {  	s6 =	sadd.s32 s9, s3;
	[dreg:$0x6] =	wrdreg s2;
	s2 =	sadd.s32 s16, s3  }
0xf: {  	s9 =	sadd.s32 s8, s14;
	s18 =	smax.u32 s12, $0x1;
	[dreg:$0x5] =	wrdreg s6  }
0x10: {  	s0 =	sadd.s32 s0, s14;
	s26 =	sadd.s32 s22, s23;
	[dreg:$0x7] =	wrdreg s18  }
0x11: {  	s8 =	simm.s32 $0x0;
	s6 =	sadd.s32 s15, s1;
	[dreg:$0xc] =	wrdreg s26  }
0x12: {  	s0 =	sadd.s32 s22, s0;
	s26 =	simm.s32 $0x3;
	s25 =	sadd.s32 $0x2000, s6  }
0x13: {  	s19 =	sadd.s32 $0x4000, s6;
	s20 =	sadd.s32 $0x6000, s6;
	[dreg:$0xd] =	wrdreg s0  }
0x14: {  	s21 =	sadd.s32 $0x8000, s6;
	s24 =	sadd.s32 $0xA000, s6;
	[dreg:$0x8] =	wrdreg s19  }
0x15: {  	s16 =	sadd.s32 $0xC000, s6;
	s17 =	sadd.s32 $0xE000, s6;
	[dreg:$0x9] =	wrdreg s20  }
0x16: {  	s18 =	sadd.s32 $0x10000, s6;
	s0 =	sshrl.u32 @!p0 s2, $0x3;
	[dreg:$0xa] =	wrdreg s21  }
0x17: {  	s2 =	simm.s32 $0x14480;
	[dreg:$0xb] =	wrdreg s24;
	s20 =	sadd.s32 $0x148800, s5  }
0x18: {  	s19 =	sadd.s32 $0x12000, s6;
	s21 =	sadd.s32 $0x143800, s5;
	s24 =	simm.s32 $0x1C480  }
0x19: {  	v0 =	vimm.f32 $0.0e+00;
	v1 =	vimm.f32 $1.000000000e+00;
	[dreg:$0xe] =	wrdreg s0;
	s0 =	simm.s32 $0x100;
	s5 =	simm.s32 $0x4  }
.LBB2_1:
0x1a: {  	s10 =	simm.s32 $0x0;
	s11 =	simm.s32 $0x200  }
.LBB2_2:
0x1b: {  	p1 =	sne.s32 s11, $0x7E00;
	[tilespmem:s10+$0x1C4F0] =	vst v0  }
0x1c: {  	[tilespmem:s10+$0x1C480] =	vst v0  }
0x1d: {  	[tilespmem:s10+$0x1C490] =	vst v0  }
.Ltmp0:
0x1e: {  	[tilespmem:s10+$0x1C4A0] =	vst v0;
	(pc) =	sbr.rel @p1 .LBB2_2-.Ltmp0, $4  }
0x1f: {  	[tilespmem:s10+$0x1C4B0] =	vst v0  }
0x20: {  	[tilespmem:s10+$0x1C4C0] =	vst v0  }
0x21: {  	[tilespmem:s10+$0x1C4D0] =	vst v0  }
0x22: {  	[tilespmem:s10+$0x1C4E0] =	vst v0;
	s10 =	sshra.s32 s11, $0x2;
	s11 =	sadd.s32 $0x200, s11  }
0x23: {  	[tilespmem:s10+$0x1C4F0] =	vst v0  }
0x24: {  	[tilespmem:s10+$0x1C480] =	vst v0  }
0x25: {  	[tilespmem:s10+$0x1C490] =	vst v0  }
0x26: {  	[tilespmem:s10+$0x1C4A0] =	vst v0  }
0x27: {  	[tilespmem:s10+$0x1C4B0] =	vst v0  }
0x28: {  	[tilespmem:s10+$0x1C4C0] =	vst v0  }
0x29: {  	[tilespmem:s10+$0x1C4D0] =	vst v0  }
0x2a: {  	[tilespmem:s10+$0x1C4E0] =	vst v0  }
0x2b: {  	[tilespmem:$0x1E480] =	vst v0  }
0x2c: {  	[tilespmem:$0x1E490] =	vst v0  }
0x2d: {  	[tilespmem:$0x1E4A0] =	vst v0  }
0x2e: {  	[tilespmem:$0x1E4B0] =	vst v0  }
0x2f: {  	[tilespmem:$0x1E4C0] =	vst v0  }
0x30: {  	[tilespmem:$0x1E4D0] =	vst v0  }
0x31: {  	[tilespmem:$0x1E4E0] =	vst v0  }
0x32: {  	[tilespmem:$0x1E4F0] =	vst v0  }
0x33: {  	[tilespmem:$0x1E500] =	vst v0  }
0x34: {  	[tilespmem:$0x1E510] =	vst v0  }
0x35: {  	[tilespmem:$0x1E520] =	vst v0  }
0x36: {  	[tilespmem:$0x1E530] =	vst v0  }
0x37: {  	[tilespmem:$0x1E540] =	vst v0  }
0x38: {  	[tilespmem:$0x1E550] =	vst v0  }
0x39: {  	[tilespmem:$0x1E560] =	vst v0  }
0x3a: {  	[tilespmem:$0x1E570] =	vst v0  }
0x3b: {  	[tilespmem:$0x1E580] =	vst v0  }
0x3c: {  	[tilespmem:$0x1E590] =	vst v0  }
0x3d: {  	[tilespmem:$0x1E5A0] =	vst v0  }
0x3e: {  	[tilespmem:$0x1E5B0] =	vst v0  }
0x3f: {  	[tilespmem:$0x1E5C0] =	vst v0  }
0x40: {  	[tilespmem:$0x1E5D0] =	vst v0  }
0x41: {  	[tilespmem:$0x1E5E0] =	vst v0  }
0x42: {  	[tilespmem:$0x1E5F0] =	vst v0  }
0x43: {  	[tilespmem:$0x1E600] =	vst v0  }
0x44: {  	[tilespmem:$0x1E610] =	vst v0  }
0x45: {  	[tilespmem:$0x1E620] =	vst v0  }
0x46: {  	[tilespmem:$0x1E630] =	vst v0  }
0x47: {  	[tilespmem:$0x1E640] =	vst v0  }
0x48: {  	[tilespmem:$0x1E650] =	vst v0  }
0x49: {  	[tilespmem:$0x1E660] =	vst v0  }
0x4a: {  	[tilespmem:$0x1E670] =	vst v0  }
0x4b: {  	[tilespmem:$0x1E680] =	vst v0  }
0x4c: {  	[tilespmem:$0x1E690] =	vst v0  }
0x4d: {  	[tilespmem:$0x1E6A0] =	vst v0  }
0x4e: {  	[tilespmem:$0x1E6B0] =	vst v0  }
0x4f: {  	[tilespmem:$0x1E6C0] =	vst v0  }
0x50: {  	[tilespmem:$0x1E6D0] =	vst v0  }
0x51: {  	[tilespmem:$0x1E6E0] =	vst v0  }
0x52: {  	s10 =	simm.s32 @!p0 $0x1E480;
	s11 =	rddreg [dreg:$0x5];
	[tilespmem:$0x1E6F0] =	vst v0  }
0x53: {  	[spmem:s11] =	stream.linear.scatter @!p0 [tilespmem:s10], [sflag:$0x3], $0x280, $0x38;
	[tilespmem:$0x1E800] =	vst v63  }
0x54: {  	s10 =	simm.s32 @!p0 $0x3  }
0x55: {  	_ =	swait.ge @!p0 [sflag:s10], $0x280  }
0x56: {  	[sflag:s10] =	ssyncset.done @!p0 $0x0  }
0x57: {  	[sflag:s10] =	ssyncadd.s32 @!p0 $0xFFFFFD80  }
0x58: {  	[tilespmem:$0x1E700] =	vst v1  }
0x59: {  	[tilespmem:$0x1E710] =	vst v1  }
0x5a: {  	[tilespmem:$0x1E720] =	vst v1  }
0x5b: {  	[tilespmem:$0x1E730] =	vst v1  }
0x5c: {  	[tilespmem:$0x1E740] =	vst v1  }
0x5d: {  	[tilespmem:$0x1E750] =	vst v1  }
0x5e: {  	[tilespmem:$0x1E760] =	vst v1  }
0x5f: {  	[tilespmem:$0x1E770] =	vst v1  }
0x60: {  	[tilespmem:$0x1E780] =	vst v1  }
0x61: {  	[tilespmem:$0x1E790] =	vst v1  }
0x62: {  	[tilespmem:$0x1E7A0] =	vst v1  }
0x63: {  	[tilespmem:$0x1E7B0] =	vst v1  }
0x64: {  	[tilespmem:$0x1E7C0] =	vst v1  }
0x65: {  	[tilespmem:$0x1E7D0] =	vst v1  }
0x66: {  	[tilespmem:$0x1E7E0] =	vst v1  }
0x67: {  	[tilespmem:$0x1E7F0] =	vst v1  }
0x68: {  	[spmem:s6] =	stream.linear.scatter [tilespmem:s24], [sflag:$0x3], $0x2000, $0x38;
	[tilespmem:$0x1E800] =	vst v63  }
0x69: {  	_ =	swait.ge [sflag:s26], $0x2000  }
0x6a: {  	[sflag:s26] =	ssyncset.done $0x0  }
0x6b: {  	[sflag:s26] =	ssyncadd.s32 $0xFFFFE000  }
0x6c: {  	[spmem:s25] =	stream.linear.scatter [tilespmem:s24], [sflag:$0x3], $0x2000, $0x38;
	[tilespmem:$0x1E800] =	vst v63  }
0x6d: {  	_ =	swait.ge [sflag:s26], $0x2000  }
0x6e: {  	[sflag:s26] =	ssyncset.done $0x0  }
0x6f: {  	s12 =	rddreg [dreg:$0x8];
	[sflag:s26] =	ssyncadd.s32 $0xFFFFE000  }
0x70: {  	[spmem:s12] =	stream.linear.scatter [tilespmem:s24], [sflag:$0x3], $0x2000, $0x38;
	[tilespmem:$0x1E800] =	vst v63  }
0x71: {  	_ =	swait.ge [sflag:s26], $0x2000  }
0x72: {  	[sflag:s26] =	ssyncset.done $0x0  }
0x73: {  	s13 =	rddreg [dreg:$0x9];
	[sflag:s26] =	ssyncadd.s32 $0xFFFFE000  }
0x74: {  	[spmem:s13] =	stream.linear.scatter [tilespmem:s24], [sflag:$0x3], $0x2000, $0x38;
	[tilespmem:$0x1E800] =	vst v63  }
0x75: {  	_ =	swait.ge [sflag:s26], $0x2000  }
0x76: {  	[sflag:s26] =	ssyncset.done $0x0  }
0x77: {  	s14 =	rddreg [dreg:$0xa];
	[sflag:s26] =	ssyncadd.s32 $0xFFFFE000  }
0x78: {  	[spmem:s14] =	stream.linear.scatter [tilespmem:s24], [sflag:$0x3], $0x2000, $0x38;
	[tilespmem:$0x1E800] =	vst v63  }
0x79: {  	_ =	swait.ge [sflag:s26], $0x2000  }
0x7a: {  	[sflag:s26] =	ssyncset.done $0x0  }
0x7b: {  	s22 =	rddreg [dreg:$0xb];
	[sflag:s26] =	ssyncadd.s32 $0xFFFFE000  }
0x7c: {  	[spmem:s22] =	stream.linear.scatter [tilespmem:s24], [sflag:$0x3], $0x2000, $0x38;
	[tilespmem:$0x1E800] =	vst v63  }
0x7d: {  	_ =	swait.ge [sflag:s26], $0x2000  }
0x7e: {  	[sflag:s26] =	ssyncset.done $0x0  }
0x7f: {  	[sflag:s26] =	ssyncadd.s32 $0xFFFFE000  }
0x80: {  	[spmem:s16] =	stream.linear.scatter [tilespmem:s24], [sflag:$0x3], $0x2000, $0x38;
	[tilespmem:$0x1E800] =	vst v63  }
0x81: {  	_ =	swait.ge [sflag:s26], $0x2000  }
0x82: {  	[sflag:s26] =	ssyncset.done $0x0  }
0x83: {  	[sflag:s26] =	ssyncadd.s32 $0xFFFFE000  }
0x84: {  	[spmem:s17] =	stream.linear.scatter [tilespmem:s24], [sflag:$0x3], $0x2000, $0x38;
	[tilespmem:$0x1E800] =	vst v63  }
0x85: {  	_ =	swait.ge [sflag:s26], $0x2000  }
0x86: {  	[sflag:s26] =	ssyncset.done $0x0  }
0x87: {  	[sflag:s26] =	ssyncadd.s32 $0xFFFFE000  }
0x88: {  	[spmem:s18] =	stream.linear.scatter [tilespmem:s24], [sflag:$0x3], $0x2000, $0x38;
	[tilespmem:$0x1E800] =	vst v63  }
0x89: {  	_ =	swait.ge [sflag:s26], $0x2000  }
0x8a: {  	[sflag:s26] =	ssyncset.done $0x0  }
0x8b: {  	[sflag:s26] =	ssyncadd.s32 $0xFFFFE000  }
0x8c: {  	[spmem:s19] =	stream.linear.scatter [tilespmem:s24], [sflag:$0x3], $0x2000, $0x38;
	[tilespmem:$0x1E800] =	vst v63  }
0x8d: {  	_ =	swait.ge [sflag:s26], $0x2000  }
0x8e: {  	[sflag:s26] =	ssyncset.done $0x0  }
0x8f: {  	[sflag:s26] =	ssyncadd.s32 $0xFFFFE000  }
0x90: {  	s23 =	sadd.s32 $0x0, s21;
	[bflag:$0x0] =	sbarrier.arrive $0xFFFF  }
0x91: {  	[tilespmem:s28], [sflag:$0x1] =	stream.linear.gather [hbm4b:s23+s4], $0x100, $0x38;
	[tilespmem:$0x1E800] =	vst v63  }
0x92: {  	s15 =	smov.u32 s25;
	s25 =	sadd.s32 $0x0, s20  }
0x93: {  	[tilespmem:s29], [sflag:$0x2] =	stream.linear.gather [hbm4b:s25+s4], $0x100, $0x38;
	[tilespmem:$0x1E800] =	vst v63  }
0x94: {  	_ =	swait.ge [sflag:s30], $0x100  }
0x95: {  	[sflag:s30] =	ssyncset.done $0x0  }
0x96: {  	[sflag:s30] =	ssyncadd.s32 $0xFFFFFF00  }
0x97: {  	_ =	swait.ge [sflag:s31], $0x100  }
0x98: {  	[sflag:s31] =	ssyncset.done $0x0  }
0x99: {  	[sflag:s31] =	ssyncadd.s32 $0xFFFFFF00  }
0x9a: {  	[tilespmem:s2], [sflag:$0x4] =	stream.indirect.gather [hbm4b:s7+s0], $0x80, s28, s0, $0xb8;
	[tilespmem:$0x1E800] =	vst v63  }
0x9b: {  	_ =	swait.ge [sflag:s5], $0x8000  }
0x9c: {  	[sflag:s5] =	ssyncset.done $0x0  }
0x9d: {  	[sflag:s5] =	ssyncadd.s32 $0xFFFF8000  }
0x9e: {  	[spmem:s1] =	stream.indirect.scatter.add.f32 [tilespmem:s2], [sflag:$0x4], $0x80, s29, s0, $0xb8;
	[tilespmem:$0x1E800] =	vst v63  }
0x9f: {  	_ =	swait.ge [sflag:s5], $0x8000  }
0xa0: {  	s11 =	simm.s32 @!p0 $0x14380;
	[sflag:s5] =	ssyncset.done $0x0  }
0xa1: {  	s22 =	simm.s32 @!p0 $0x1E700;
	s23 =	simm.s32 @!p0 $0x100;
	[sflag:s5] =	ssyncadd.s32 $0xFFFF8000  }
0xa2: {  	[spmem:s3] =	stream.indirect.scatter.add.f32 @!p0 [tilespmem:s22], [sflag:$0x3], $0x1, s11, s23, $0xb8;
	[tilespmem:$0x1E800] =	vst v63  }
0xa3: {  	_ =	swait.ge @!p0 [sflag:s10], $0x100  }
0xa4: {  	s12 =	simm.s32 $0x40;
	s25 =	simm.s32 $0x20;
	[sflag:s10] =	ssyncset.done @!p0 $0x0  }
.LBB2_4:
0xa5: {  	s13 =	sadd.s32 s25, s21  }
0xa6: {  	[sflag:s10] =	ssyncadd.s32 @!p0 $0xFFFFFF00;
	s14 =	smov.u32 s12;
	s12 =	sadd.s32 $0x20, s12  }
0xa7: {  	[tilespmem:s28], [sflag:$0x1] =	stream.linear.gather [hbm4b:s13+s4], $0x100, $0x38;
	[tilespmem:$0x1E800] =	vst v63  }
0xa8: {  	p1 =	sne.s32 s12, $0x500;
	s13 =	sadd.s32 s25, s20;
	s25 =	smov.u32 s14  }
0xa9: {  	[tilespmem:s29], [sflag:$0x2] =	stream.linear.gather [hbm4b:s13+s4], $0x100, $0x38;
	[tilespmem:$0x1E800] =	vst v63  }
0xaa: {  	_ =	swait.ge [sflag:s30], $0x100  }
0xab: {  	[sflag:s30] =	ssyncset.done $0x0  }
0xac: {  	[sflag:s30] =	ssyncadd.s32 $0xFFFFFF00  }
0xad: {  	_ =	swait.ge [sflag:s31], $0x100  }
0xae: {  	[sflag:s31] =	ssyncset.done $0x0  }
0xaf: {  	[sflag:s31] =	ssyncadd.s32 $0xFFFFFF00  }
0xb0: {  	[tilespmem:s2], [sflag:$0x4] =	stream.indirect.gather [hbm4b:s7+s0], $0x80, s28, s0, $0xb8;
	[tilespmem:$0x1E800] =	vst v63  }
0xb1: {  	_ =	swait.ge [sflag:s5], $0x8000  }
0xb2: {  	[sflag:s5] =	ssyncset.done $0x0  }
0xb3: {  	[sflag:s5] =	ssyncadd.s32 $0xFFFF8000  }
0xb4: {  	[spmem:s1] =	stream.indirect.scatter.add.f32 [tilespmem:s2], [sflag:$0x4], $0x80, s29, s0, $0xb8;
	[tilespmem:$0x1E800] =	vst v63  }
0xb5: {  	_ =	swait.ge [sflag:s5], $0x8000  }
.Ltmp1:
0xb6: {  	[sflag:s5] =	ssyncset.done $0x0;
	(pc) =	sbr.rel @p1 .LBB2_4-.Ltmp1, $4  }
0xb7: {  	[sflag:s5] =	ssyncadd.s32 $0xFFFF8000  }
0xb8: {  	[spmem:s3] =	stream.indirect.scatter.add.f32 @!p0 [tilespmem:s22], [sflag:$0x3], $0x1, s11, s23, $0xb8;
	[tilespmem:$0x1E800] =	vst v63  }
0xb9: {  	_ =	swait.ge @!p0 [sflag:s10], $0x100  }
0xba: {  	[sflag:s10] =	ssyncset.done @!p0 $0x0  }
0xbb: {  	s11 =	sadd.s32 s25, s21;
	[sflag:s10] =	ssyncadd.s32 @!p0 $0xFFFFFF00  }
0xbc: {  	[tilespmem:s28], [sflag:$0x1] =	stream.linear.gather [hbm4b:s11+s4], $0x100, $0x38;
	[tilespmem:$0x1E800] =	vst v63  }
0xbd: {  	s12 =	sadd.s32 s25, s20  }
0xbe: {  	[tilespmem:s29], [sflag:$0x2] =	stream.linear.gather [hbm4b:s12+s4], $0x100, $0x38;
	[tilespmem:$0x1E800] =	vst v63  }
0xbf: {  	_ =	swait.ge [sflag:s30], $0x100  }
0xc0: {  	[sflag:s30] =	ssyncset.done $0x0  }
0xc1: {  	[sflag:s30] =	ssyncadd.s32 $0xFFFFFF00  }
0xc2: {  	_ =	swait.ge [sflag:s31], $0x100  }
0xc3: {  	[sflag:s31] =	ssyncset.done $0x0  }
0xc4: {  	[sflag:s31] =	ssyncadd.s32 $0xFFFFFF00  }
0xc5: {  	[tilespmem:s2], [sflag:$0x4] =	stream.indirect.gather [hbm4b:s7+s0], $0x80, s28, s0, $0xb8;
	[tilespmem:$0x1E800] =	vst v63  }
0xc6: {  	_ =	swait.ge [sflag:s5], $0x8000  }
0xc7: {  	[sflag:s5] =	ssyncset.done $0x0  }
0xc8: {  	[sflag:s5] =	ssyncadd.s32 $0xFFFF8000  }
0xc9: {  	[spmem:s1] =	stream.indirect.scatter.add.f32 [tilespmem:s2], [sflag:$0x4], $0x80, s29, s0, $0xb8;
	[tilespmem:$0x1E800] =	vst v63  }
0xca: {  	_ =	swait.ge [sflag:s5], $0x8000  }
0xcb: {  	s13 =	simm.s32 @!p0 $0x14380;
	[sflag:s5] =	ssyncset.done $0x0  }
0xcc: {  	s11 =	simm.s32 @!p0 $0x1E700;
	s12 =	simm.s32 @!p0 $0x100;
	[sflag:s5] =	ssyncadd.s32 $0xFFFF8000  }
0xcd: {  	[spmem:s3] =	stream.indirect.scatter.add.f32 @!p0 [tilespmem:s11], [sflag:$0x3], $0x1, s13, s12, $0xb8;
	[tilespmem:$0x1E800] =	vst v63  }
0xce: {  	_ =	swait.ge @!p0 [sflag:s10], $0x100  }
0xcf: {  	[sflag:s10] =	ssyncset.done @!p0 $0x0  }
0xd0: {  	s13 =	stileid.u32;
	[sflag:s10] =	ssyncadd.s32 @!p0 $0xFFFFFF00  }
0xd1: {  	s10 =	sshll.u32 s13, $0x6;
	[bflag:$0x0] =	sbarrier.arrive $0xFFFF  }
0xd2: {  	s22 =	sshrl.u32 s6, $0x3;
	s10 =	sor.u32 $0x1C03, s10;
	s14 =	rddreg [dreg:$0xc]  }
0xd3: {  	[hbm:s14], [sflag:s10] =	dma.local [spmem:s22], $0x2800  }
0xd4: {  	_ =	swait.ge [sflag:s26], $0x2800  }
0xd5: {  	[sflag:s26] =	ssyncset.done $0x0;
	s11 =	rddreg [dreg:$0x6]  }
0xd6: {  	s12 =	rddreg [dreg:$0xe];
	[sflag:s26] =	ssyncadd.s32 $0xFFFFD800  }
0xd7: {  	[hbm:s11], [sflag:s10] =	dma.local @!p0 [spmem:s12], $0x50  }
0xd8: {  	s11 =	simm.s32 @!p0 $0x3  }
0xd9: {  	_ =	swait.ge @!p0 [sflag:s11], $0x50  }
0xda: {  	[sflag:s11] =	ssyncset.done @!p0 $0x0  }
0xdb: {  	[sflag:s11] =	ssyncadd.s32 @!p0 $0xFFFFFFB0  }
0xdc: {  	[bflag:$0x0] =	sbarrier.arrive $0xFFFF  }
0xdd: {  	[spmem:s6] =	stream.linear.scatter [tilespmem:s24], [sflag:$0x3], $0x2000, $0x38;
	[tilespmem:$0x1E800] =	vst v63  }
0xde: {  	_ =	swait.ge [sflag:s26], $0x2000  }
0xdf: {  	[sflag:s26] =	ssyncset.done $0x0  }
0xe0: {  	[sflag:s26] =	ssyncadd.s32 $0xFFFFE000  }
0xe1: {  	[spmem:s15] =	stream.linear.scatter [tilespmem:s24], [sflag:$0x3], $0x2000, $0x38;
	[tilespmem:$0x1E800] =	vst v63  }
0xe2: {  	_ =	swait.ge [sflag:s26], $0x2000  }
0xe3: {  	[sflag:s26] =	ssyncset.done $0x0  }
0xe4: {  	s23 =	rddreg [dreg:$0x8];
	[sflag:s26] =	ssyncadd.s32 $0xFFFFE000  }
0xe5: {  	[spmem:s23] =	stream.linear.scatter [tilespmem:s24], [sflag:$0x3], $0x2000, $0x38;
	[tilespmem:$0x1E800] =	vst v63  }
0xe6: {  	_ =	swait.ge [sflag:s26], $0x2000  }
0xe7: {  	[sflag:s26] =	ssyncset.done $0x0  }
0xe8: {  	s12 =	rddreg [dreg:$0x9];
	[sflag:s26] =	ssyncadd.s32 $0xFFFFE000  }
0xe9: {  	[spmem:s12] =	stream.linear.scatter [tilespmem:s24], [sflag:$0x3], $0x2000, $0x38;
	[tilespmem:$0x1E800] =	vst v63  }
0xea: {  	_ =	swait.ge [sflag:s26], $0x2000  }
0xeb: {  	[sflag:s26] =	ssyncset.done $0x0  }
0xec: {  	s13 =	rddreg [dreg:$0xa];
	[sflag:s26] =	ssyncadd.s32 $0xFFFFE000  }
0xed: {  	[spmem:s13] =	stream.linear.scatter [tilespmem:s24], [sflag:$0x3], $0x2000, $0x38;
	[tilespmem:$0x1E800] =	vst v63  }
0xee: {  	_ =	swait.ge [sflag:s26], $0x2000  }
0xef: {  	[sflag:s26] =	ssyncset.done $0x0  }
0xf0: {  	s14 =	rddreg [dreg:$0xb];
	[sflag:s26] =	ssyncadd.s32 $0xFFFFE000  }
0xf1: {  	[spmem:s14] =	stream.linear.scatter [tilespmem:s24], [sflag:$0x3], $0x2000, $0x38;
	[tilespmem:$0x1E800] =	vst v63  }
0xf2: {  	_ =	swait.ge [sflag:s26], $0x2000  }
0xf3: {  	[sflag:s26] =	ssyncset.done $0x0  }
0xf4: {  	[sflag:s26] =	ssyncadd.s32 $0xFFFFE000  }
0xf5: {  	[spmem:s16] =	stream.linear.scatter [tilespmem:s24], [sflag:$0x3], $0x2000, $0x38;
	[tilespmem:$0x1E800] =	vst v63  }
0xf6: {  	_ =	swait.ge [sflag:s26], $0x2000  }
0xf7: {  	[sflag:s26] =	ssyncset.done $0x0  }
0xf8: {  	[sflag:s26] =	ssyncadd.s32 $0xFFFFE000  }
0xf9: {  	[spmem:s17] =	stream.linear.scatter [tilespmem:s24], [sflag:$0x3], $0x2000, $0x38;
	[tilespmem:$0x1E800] =	vst v63  }
0xfa: {  	_ =	swait.ge [sflag:s26], $0x2000  }
0xfb: {  	[sflag:s26] =	ssyncset.done $0x0  }
0xfc: {  	[sflag:s26] =	ssyncadd.s32 $0xFFFFE000  }
0xfd: {  	[spmem:s18] =	stream.linear.scatter [tilespmem:s24], [sflag:$0x3], $0x2000, $0x38;
	[tilespmem:$0x1E800] =	vst v63  }
0xfe: {  	_ =	swait.ge [sflag:s26], $0x2000  }
0xff: {  	[sflag:s26] =	ssyncset.done $0x0  }
0x100: {  	[sflag:s26] =	ssyncadd.s32 $0xFFFFE000  }
0x101: {  	[spmem:s19] =	stream.linear.scatter [tilespmem:s24], [sflag:$0x3], $0x2000, $0x38;
	[tilespmem:$0x1E800] =	vst v63  }
0x102: {  	_ =	swait.ge [sflag:s26], $0x2000  }
0x103: {  	[sflag:s26] =	ssyncset.done $0x0  }
0x104: {  	[sflag:s26] =	ssyncadd.s32 $0xFFFFE000  }
0x105: {  	s25 =	smov.u32 s15;
	s15 =	sadd.s32 $0x0, s21;
	[bflag:$0x0] =	sbarrier.arrive $0xFFFF  }
0x106: {  	[tilespmem:s28], [sflag:$0x1] =	stream.linear.gather [hbm4b:s15+s4], $0x100, $0x38;
	[tilespmem:$0x1E800] =	vst v63  }
0x107: {  	s23 =	sadd.s32 $0x0, s20  }
0x108: {  	[tilespmem:s29], [sflag:$0x2] =	stream.linear.gather [hbm4b:s23+s4], $0x100, $0x38;
	[tilespmem:$0x1E800] =	vst v63  }
0x109: {  	_ =	swait.ge [sflag:s30], $0x100  }
0x10a: {  	[sflag:s30] =	ssyncset.done $0x0  }
0x10b: {  	[sflag:s30] =	ssyncadd.s32 $0xFFFFFF00  }
0x10c: {  	_ =	swait.ge [sflag:s31], $0x100  }
0x10d: {  	[sflag:s31] =	ssyncset.done $0x0  }
0x10e: {  	[sflag:s31] =	ssyncadd.s32 $0xFFFFFF00  }
0x10f: {  	[tilespmem:s2], [sflag:$0x3] =	stream.indirect.gather [hbm4b:s9+s0], $0x80, s28, s0, $0xb8;
	[tilespmem:$0x1E800] =	vst v63  }
0x110: {  	_ =	swait.ge [sflag:s26], $0x8000  }
0x111: {  	[sflag:s26] =	ssyncset.done $0x0  }
0x112: {  	[sflag:s26] =	ssyncadd.s32 $0xFFFF8000  }
0x113: {  	[spmem:s1] =	stream.indirect.scatter.add.f32 [tilespmem:s2], [sflag:$0x3], $0x80, s29, s0, $0xb8;
	[tilespmem:$0x1E800] =	vst v63  }
0x114: {  	_ =	swait.ge [sflag:s26], $0x8000  }
0x115: {  	s11 =	simm.s32 $0x20;
	s12 =	simm.s32 $0x40;
	[sflag:s26] =	ssyncset.done $0x0  }
.LBB2_6:
0x116: {  	s13 =	sadd.s32 s11, s21  }
0x117: {  	[sflag:s26] =	ssyncadd.s32 $0xFFFF8000;
	s14 =	smov.u32 s12;
	s23 =	sadd.s32 $0x20, s12  }
0x118: {  	[tilespmem:s28], [sflag:$0x1] =	stream.linear.gather [hbm4b:s13+s4], $0x100, $0x38;
	[tilespmem:$0x1E800] =	vst v63  }
0x119: {  	p1 =	sne.s32 s12, $0x4E0;
	s12 =	sadd.s32 s11, s20;
	s11 =	smov.u32 s14  }
0x11a: {  	[tilespmem:s29], [sflag:$0x2] =	stream.linear.gather [hbm4b:s12+s4], $0x100, $0x38;
	[tilespmem:$0x1E800] =	vst v63  }
0x11b: {  	_ =	swait.ge [sflag:s30], $0x100  }
0x11c: {  	[sflag:s30] =	ssyncset.done $0x0  }
0x11d: {  	[sflag:s30] =	ssyncadd.s32 $0xFFFFFF00  }
0x11e: {  	_ =	swait.ge [sflag:s31], $0x100  }
0x11f: {  	[sflag:s31] =	ssyncset.done $0x0  }
0x120: {  	[sflag:s31] =	ssyncadd.s32 $0xFFFFFF00  }
0x121: {  	[tilespmem:s2], [sflag:$0x3] =	stream.indirect.gather [hbm4b:s9+s0], $0x80, s28, s0, $0xb8;
	[tilespmem:$0x1E800] =	vst v63  }
0x122: {  	_ =	swait.ge [sflag:s26], $0x8000  }
.Ltmp2:
0x123: {  	[sflag:s26] =	ssyncset.done $0x0;
	(pc) =	sbr.rel @p1 .LBB2_6-.Ltmp2, $4  }
0x124: {  	[sflag:s26] =	ssyncadd.s32 $0xFFFF8000  }
0x125: {  	[spmem:s1] =	stream.indirect.scatter.add.f32 [tilespmem:s2], [sflag:$0x3], $0x80, s29, s0, $0xb8;
	[tilespmem:$0x1E800] =	vst v63  }
0x126: {  	_ =	swait.ge [sflag:s26], $0x8000  }
0x127: {  	s12 =	smov.u32 s23;
	[sflag:s26] =	ssyncset.done $0x0  }
0x128: {  	s12 =	sadd.s32 s11, s21;
	[sflag:s26] =	ssyncadd.s32 $0xFFFF8000  }
0x129: {  	[tilespmem:s28], [sflag:$0x1] =	stream.linear.gather [hbm4b:s12+s4], $0x100, $0x38;
	[tilespmem:$0x1E800] =	vst v63  }
0x12a: {  	s14 =	sadd.s32 s11, s20  }
0x12b: {  	[tilespmem:s29], [sflag:$0x2] =	stream.linear.gather [hbm4b:s14+s4], $0x100, $0x38;
	[tilespmem:$0x1E800] =	vst v63  }
0x12c: {  	_ =	swait.ge [sflag:s30], $0x100  }
0x12d: {  	[sflag:s30] =	ssyncset.done $0x0  }
0x12e: {  	[sflag:s30] =	ssyncadd.s32 $0xFFFFFF00  }
0x12f: {  	_ =	swait.ge [sflag:s31], $0x100  }
0x130: {  	[sflag:s31] =	ssyncset.done $0x0  }
0x131: {  	[sflag:s31] =	ssyncadd.s32 $0xFFFFFF00  }
0x132: {  	[tilespmem:s2], [sflag:$0x3] =	stream.indirect.gather [hbm4b:s9+s0], $0x80, s28, s0, $0xb8;
	[tilespmem:$0x1E800] =	vst v63  }
0x133: {  	_ =	swait.ge [sflag:s26], $0x8000  }
0x134: {  	[sflag:s26] =	ssyncset.done $0x0  }
0x135: {  	[sflag:s26] =	ssyncadd.s32 $0xFFFF8000  }
0x136: {  	[spmem:s1] =	stream.indirect.scatter.add.f32 [tilespmem:s2], [sflag:$0x3], $0x80, s29, s0, $0xb8;
	[tilespmem:$0x1E800] =	vst v63  }
0x137: {  	_ =	swait.ge [sflag:s26], $0x8000  }
0x138: {  	[sflag:s26] =	ssyncset.done $0x0  }
0x139: {  	[sflag:s26] =	ssyncadd.s32 $0xFFFF8000  }
0x13a: {  	[bflag:$0x0] =	sbarrier.arrive $0xFFFF  }
0x13b: {  	s15 =	rddreg [dreg:$0xd]  }
0x13c: {  	[hbm:s15], [sflag:s10] =	dma.local [spmem:s22], $0x2800  }
0x13d: {  	_ =	swait.ge [sflag:s26], $0x2800  }
0x13e: {  	s8 =	sadd.s32 $0x1, s8;
	s23 =	rddreg [dreg:$0x7]  }
0x13f: {  	p1 =	sne.s32 s8, s23  }
.Ltmp3:
0x140: {  	_ = 	snop;
	(pc) =	sbr.rel @p1 .LBB2_1-.Ltmp3, $3  }
0x141: {  	[sflag:s26] =	ssyncset.done $0x0  }
0x142: {  	[sflag:s26] =	ssyncadd.s32 $0xFFFFD800  }
0x143: {  	[bflag:$0x0] =	sbarrier.arrive $0xFFFF;
	_ =	sdelay $0x1  }
0x144: {  	_ =	sfence.sel $0x180000  }
0x145: {  	[bflag:$0x0] =	sbarrier.arrive $0xFFFF  }
0x146: {  	_ =	strace $0x90000047  }
0x147: {  	s0 =	stileid.u32;
	[bflag:$0x2] =	sbarrier.arrive $0xFFFF  }
0x148: {  	p0 =	sne.s32 s0, $0x0;
	s0 =	rddreg [dreg:$0x4]  }
0x149: {  	s0 =	sadd.s32 @!p0 $0x100000, s0  }
0x14a: {  	[sflag:s0] =	ssyncadd.tile.s32 @!p0 $0x1;
	_ =	shalt  }
.Lfunc_end2:
_tile_overlayer_lowered:
.L_overlay_start_2:
0x14b: {  	(tag) =	ssettag $0x2  }
0x14c: {  	s0 =	rddreg [dreg:$0x0];
	s2 =	stileid.u32  }
0x14d: {  	s1 =	rddreg [dreg:$0x1];
	p0 =	sne.s32 s2, $0x0  }
0x14e: {  	s3 =	rddreg [dreg:$0x2];
	[bflag:$0x3] =	sbarrier.arrive $0xFFFF;
	s2 =	simm.s32 @!p0 $0x1C03  }
0x14f: {  	[timem:s3], [sflag:s2] =	dma.local @!p0 [hbm:s0], s1  }
0x150: {  	s0 =	simm.s32 @!p0 $0x3  }
0x151: {  	_ =	swait.ge @!p0 [sflag:s0], s1  }
0x152: {  	s1 =	ssub.s32 @!p0 $0x0, s1;
	[sflag:s0] =	ssyncset.done @!p0 $0x0  }
0x153: {  	[sflag:s0] =	ssyncadd.s32 @!p0 s1  }
0x154: {  	[bflag:$0x3] =	sbarrier.arrive $0xFFFF  }
0x155: {  	_ =	shalt  }

// kernel: kernel.13.cloned.1.call-start
scs
__scs_entry_jumppad:
0x0: {  	(pc) =	sbr.rel $0x88, $3  }
0x1: {  	(tag) =	ssettag $0x0;
	lr =	simm.s32 $0x1  }
0x2: {  	[smem:$0x3F89] =	sst lr;
	_ =	strace $0xD0000000  }
0x3: {  	_ = 	snop  }
0x4: {  	_ = 	snop  }
0x5: {  	_ = 	snop  }
0x6: {  	_ = 	snop  }
0x7: {  	_ = 	snop  }
__scs_overlays_trampoline_lowered:
0x8: {  	[smem:$0x3F98] =	sst s0  }
0x9: {  	[smem:$0x3F99] =	sst s1  }
0xa: {  	[smem:$0x3F9A] =	sst s2  }
0xb: {  	[smem:$0x3F9B] =	sst s3  }
0xc: {  	[smem:$0x3F9C] =	sst s4  }
0xd: {  	[smem:$0x3F9D] =	sst s5  }
0xe: {  	[smem:$0x3F9E] =	sst s6  }
0xf: {  	[smem:$0x3F9F] =	sst s7  }
0x10: {  	[smem:$0x3FA0] =	sst s8  }
0x11: {  	[smem:$0x3FA1] =	sst s9;
	s0 =	simm.s32 @!p0 $0x0  }
0x12: {  	s1 =	sld [smem:$0x3F87];
	s0 =	simm.s32 @p0 $0x1  }
0x13: {  	[smem:$0x3FA2] =	sst s0;
	s0 =	simm.s32 @!p1 $0x0  }
0x14: {  	s2 =	sld [smem:$0x3F86];
	s0 =	simm.s32 @p1 $0x1  }
0x15: {  	[smem:$0x3FA3] =	sst s0;
	s0 =	simm.s32 @!p2 $0x0  }
0x16: {  	s3 =	sld [smem:$0x3FDB];
	s0 =	simm.s32 @p2 $0x1  }
0x17: {  	s4 =	simm.s32 $0x1BF5;
	[smem:$0x3FA5] =	sst s0  }
0x18: {  	s0 =	sld [smem:$0x3F88];
	_ =	swait.ge [sflag:s4], $0x0  }
0x19: {  	s7 =	sld [smem:$0x3F89]  }
0x1a: {  	s8 =	sadd.s32 $0xFFFFE003, lr  }
0x1b: {  	s9 =	sadd.s32 $0xFFFFFEF7, lr;
	s5 =	simm.s32 $0xFFFFFFFF;
	p2 =	slt.u32 s8, $0xFFFFF086  }
0x1c: {  	p1 =	slt.u32 s9, $0xF7A;
	s5 =	simm.s32 @!p2 $0x0  }
0x1d: {  	s5 =	simm.s32 @p1 $0x1;
	p0 =	seq.s32 s7, s2  }
0x1e: {  	s7 =	smul.u32 @!p0 $0xF7A, s2;
	p2 =	seq.s32 @!p0 s5, $0x0  }
0x1f: {  	s9 =	smul.u32 $0xF7A, s1;
	s8 =	simm.s32 @!p0 $0x1BF5;
	p2 =	por !p2, p0  }
0x20: {  	[sflag:s8] =	ssyncset.s32 @!p0 $0xFFFFF086;
	s6 =	sadd.s32 @!p0 s3, s7;
	s7 =	simm.s32 @!p0 $0x108  }
0x21: {  	s3 =	sadd.s32 s3, s9;
	s6 =	sadd.s32 @!p0 $0x88, s6;
	s7 =	simm.s32 @p2 $0x1082  }
0x22: {  	[simem:s7], [sflag:s8] =	dma.local @!p0 [hbm:s6], $0xF7A  }
0x23: {  	s9 =	sor.u32 $0xD0000000, s2;
	s6 =	simm.s32 $0x108;
	_ =	swait.ge @!p0 [sflag:s8], $0x0  }
0x24: {  	s3 =	sadd.s32 $0x88, s3;
	s6 =	simm.s32 @!p1 $0x1082;
	[sflag:s4] =	ssyncset.s32 $0xFFFFF086  }
0x25: {  	[simem:s6], [sflag:s4] =	dma.local [hbm:s3], $0xF7A  }
0x26: {  	[smem:$0x3F89] =	sst s1;
	(tag) =	ssettag s2;
	_ =	strace s9  }
0x27: {  	s1 =	sld [smem:$0x3F99]  }
0x28: {  	s2 =	sld [smem:$0x3F9A]  }
0x29: {  	s4 =	sld [smem:$0x3F9C]  }
0x2a: {  	p0 =	seq.s32 s5, $0x0;
	s5 =	sld [smem:$0x3F9D]  }
0x2b: {  	s6 =	sld [smem:$0x3F9E]  }
0x2c: {  	s7 =	sld [smem:$0x3F9F]  }
0x2d: {  	s3 =	simm.s32 $0x108;
	s8 =	sld [smem:$0x3FA0]  }
0x2e: {  	s3 =	simm.s32 @!p0 $0x1082;
	s9 =	sld [smem:$0x3FA1]  }
0x2f: {  	lr =	sadd.s32 s0, s3;
	s0 =	sld [smem:$0x3F98]  }
0x30: {  	s3 =	sld [smem:$0x3F9B]  }
0x31: {  	[smem:$0x3FA4] =	sst s10  }
0x32: {  	s10 =	sld [smem:$0x3FA2];
	_ =	sdelay $0x3  }
0x33: {  	p0 =	seq.s32 s10, $0x1;
	s10 =	sld [smem:$0x3FA4];
	_ =	sdelay $0x3  }
0x34: {  	[smem:$0x3FA4] =	sst s10  }
0x35: {  	s10 =	sld [smem:$0x3FA3];
	_ =	sdelay $0x3  }
0x36: {  	p1 =	seq.s32 s10, $0x1;
	s10 =	sld [smem:$0x3FA4];
	_ =	sdelay $0x3  }
0x37: {  	[smem:$0x3FA4] =	sst s10  }
0x38: {  	s10 =	sld [smem:$0x3FA5]  }
0x39: {  	_ = 	snop;
	(pc) =	sbr.ind lr, $3  }
0x3a: {  	_ = 	snop  }
0x3b: {  	_ = 	snop  }
0x3c: {  	p2 =	seq.s32 s10, $0x1;
	s10 =	sld [smem:$0x3FA4]  }
0x3d: {  	_ =	shalt  }
0x3e: {  	_ =	shalt  }
0x3f: {  	_ =	shalt  }
0x40: {  	_ =	shalt  }
0x41: {  	_ =	shalt  }
0x42: {  	_ =	shalt  }
0x43: {  	_ =	shalt  }
0x44: {  	_ =	shalt  }
0x45: {  	_ =	shalt  }
0x46: {  	_ =	shalt  }
0x47: {  	_ =	shalt  }
0x48: {  	_ =	shalt  }
0x49: {  	_ =	shalt  }
0x4a: {  	_ =	shalt  }
0x4b: {  	_ =	shalt  }
0x4c: {  	_ =	shalt  }
0x4d: {  	_ =	shalt  }
0x4e: {  	_ =	shalt  }
0x4f: {  	_ =	shalt  }
0x50: {  	_ =	shalt  }
0x51: {  	_ =	shalt  }
0x52: {  	_ =	shalt  }
0x53: {  	_ =	shalt  }
0x54: {  	_ =	shalt  }
0x55: {  	_ =	shalt  }
0x56: {  	_ =	shalt  }
0x57: {  	_ =	shalt  }
0x58: {  	_ =	shalt  }
0x59: {  	_ =	shalt  }
0x5a: {  	_ =	shalt  }
0x5b: {  	_ =	shalt  }
0x5c: {  	_ =	shalt  }
0x5d: {  	_ =	shalt  }
0x5e: {  	_ =	shalt  }
0x5f: {  	_ =	shalt  }
0x60: {  	_ =	shalt  }
0x61: {  	_ =	shalt  }
0x62: {  	_ =	shalt  }
0x63: {  	_ =	shalt  }
0x64: {  	_ =	shalt  }
0x65: {  	_ =	shalt  }
0x66: {  	_ =	shalt  }
0x67: {  	_ =	shalt  }
0x68: {  	_ =	shalt  }
0x69: {  	_ =	shalt  }
0x6a: {  	_ =	shalt  }
0x6b: {  	_ =	shalt  }
0x6c: {  	_ =	shalt  }
0x6d: {  	_ =	shalt  }
0x6e: {  	_ =	shalt  }
0x6f: {  	_ =	shalt  }
0x70: {  	_ =	shalt  }
0x71: {  	_ =	shalt  }
0x72: {  	_ =	shalt  }
0x73: {  	_ =	shalt  }
0x74: {  	_ =	shalt  }
0x75: {  	_ =	shalt  }
0x76: {  	_ =	shalt  }
0x77: {  	_ =	shalt  }
0x78: {  	_ =	shalt  }
0x79: {  	_ =	shalt  }
0x7a: {  	_ =	shalt  }
0x7b: {  	_ =	shalt  }
0x7c: {  	_ =	shalt  }
0x7d: {  	_ =	shalt  }
0x7e: {  	_ =	shalt  }
0x7f: {  	_ =	shalt  }
0x80: {  	_ =	shalt  }
0x81: {  	_ =	shalt  }
0x82: {  	_ =	shalt  }
0x83: {  	_ =	shalt  }
0x84: {  	_ =	shalt  }
0x85: {  	_ =	shalt  }
0x86: {  	_ =	shalt  }
0x87: {  	_ =	shalt  }
.Lfunc_end0:
.L_simem_size_0:
called_computation.1_lowered:
.L_overlay_start_0:
0x88: {  	s2 =	sld [smem:$0x3FD9]  }
0x89: {  	s3 =	sld [smem:$0x3FFE];
	_ =	sdelay $0x1  }
0x8a: {  	s1 =	srdreg.scid  }
0x8b: {  	s0 =	sand.u32 $0x1, s1  }
0x8c: {  	s14 =	sshll.u32 s0, $0xA;
	s2 =	sadd.s32 s3, s2  }
0x8d: {  	s2 =	sadd.s32 s2, s14  }
0x8e: {  	[smem:$0x3FB0] =	sst s2  }
0x8f: {  	_ = 	snop  }
0x90: {  	s2 =	sld [smem:$0x3FD0];
	_ =	sdelay $0x2  }
0x91: {  	s15 =	simm.s32 $0xB;
	s4 =	simm.s32 $0x10  }
0x92: {  	[smem:s4], [sflag:s15] =	dma.local [hbm:s2], $0x1  }
0x93: {  	_ =	swait.eq [sflag:s15], $0x1  }
0x94: {  	[sflag:s15] =	ssyncset.done $0x0  }
0x95: {  	[sflag:s15] =	ssyncadd.s32 $0xFFFFFFFF  }
0x96: {  	s16 =	sld [smem:$0x10];
	(tm) =	ssettm $0x1  }
0x97: {  	s17 =	sld [smem:$0x3FFB];
	_ =	sdelay $0x3  }
0x98: {  	_ =	strace s17  }
0x99: {  	s3 =	sld [smem:$0x3FFC];
	_ =	sdelay $0x3  }
0x9a: {  	_ =	strace s3  }
0x9b: {  	s3 =	sld [smem:$0x3FFD];
	_ =	sdelay $0x3  }
0x9c: {  	_ =	strace s3  }
0x9d: {  	_ =	strace $0x8FFFFFFF  }
0x9e: {  	s18 =	sld [smem:$0x3FDB];
	_ =	sdelay $0x1  }
0x9f: {  	s19 =	simm.s32 $_scs_section_size  }
0xa0: {  	s5 =	simm.s32 $_size__tile_overlayer_lowered;
	s6 =	simm.s32 $_tile_overlayer_lowered  }
0xa1: {  	s22 =	simm.s32 $0x1BFF;
	s21 =	sshll.u32 s6, $0x1;
	s3 =	sadd.s32 s19, s18  }
0xa2: {  	s7 =	simm.s32 $0x0;
	s20 =	sshll.u32 s5, $0x1;
	s5 =	sadd.s32 s21, s3  }
0xa3: {  	[timem:s7], [sflag:s22] =	dma.local [hbm:s5], s20  }
0xa4: {  	_ =	swait.ge [sflag:s22], s20  }
0xa5: {  	s4 =	ssub.s32 $0x0, s20;
	[sflag:s22] =	ssyncset.done $0x0  }
0xa6: {  	[sflag:s22] =	ssyncadd.s32 s4;
	_ =	sdelay $0x1  }
0xa7: {  	s23 =	simm.s32 $0x1B8B  }
0xa8: {  	_ =	swait.ge [sflag:s23], $0x1  }
0xa9: {  	[sflag:s23] =	ssyncset.done $0x0  }
0xaa: {  	s25 =	simm.s32 $0x1B8E;
	s24 =	sld [smem:$0x3FFE];
	[sflag:s23] =	ssyncadd.s32 $0xFFFFFFFF  }
0xab: {  	s26 =	simm.s32 $execute0_lowered;
	[smem:$0x3FD2] =	sst s25  }
0xac: {  	s5 =	sshll.u32 s26, $0x1;
	_ =	strace $0x80000049;
	[dreg:$0x1] =	wrdreg $0xFFFFFFFF  }
0xad: {  	s28 =	simm.s32 $_size_execute0_lowered;
	s3 =	sadd.s32 s3, s5;
	[dreg:$0x0] =	wrdreg $0x0  }
0xae: {  	s5 =	sshll.u32 s28, $0x1;
	[dreg:$0x2] =	wrdreg s3  }
0xaf: {  	[dreg:$0x3] =	wrdreg s5  }
0xb0: {  	[dreg:$0x4] =	wrdreg $0xC0  }
0xb1: {  	_ =	task [dreg:s7], $0x5FFFF  }
0xb2: {  	[dreg:$0x1] =	wrdreg $0xFFFFFFFF  }
0xb3: {  	[dreg:$0x0] =	wrdreg $0x60  }
0xb4: {  	[dreg:$0x2] =	wrdreg s24  }
0xb5: {  	[dreg:$0x3] =	wrdreg s16  }
0xb6: {  	[dreg:$0x4] =	wrdreg $0x9  }
0xb7: {  	_ =	task.clear_ibuf [dreg:s7], $0x5FFFF;
	_ =	strace $0x90000049  }
0xb8: {  	s29 =	simm.s32 $0x9;
	_ =	strace $0x8000004B  }
0xb9: {  	_ =	swait.ge [sflag:s29], $0x1  }
0xba: {  	[sflag:s29] =	ssyncadd.s32 $0xFFFFFFFF  }
0xbb: {  	_ =	strace $0x9000004B  }
0xbc: {  	_ =	sfence  }
0xbd: {  	s30 =	sld [smem:$0x0];
	_ =	sdelay $0x2  }
0xbe: {  	s31 =	sshll.u32 s1, $0xD;
	s1 =	sshrl.u32 s1, $0x2  }
0xbf: {  	s3 =	sand.u32 $0x4000, s31;
	s1 =	sadd.s32 s1, s30  }
0xc0: {  	s0 =	sor.u32 s3, s0;
	s1 =	sshll.u32 s1, $0x11  }
0xc1: {  	s0 =	sor.u32 s1, s0  }
0xc2: {  	s0 =	sadd.s32 $0x8F2B, s0  }
0xc3: {  	[sflag:s0] =	ssyncadd.remote.s32 $0x1  }
0xc4: {  	_ =	sfence.sel $0xFFFF  }
0xc5: {  	[dreg:$0x0] =	wrdreg $0xFFFFFFFF;
	(pc) =	sbr.abs _section_cstart, $3  }
0xc6: {  	[dreg:$0x1] =	wrdreg $0xFFFFFFFF  }
0xc7: {  	_ =	task.clear_ibuf [dreg:s7], $0x2FFFF;
	_ =	strace $0x9FFFFFFF  }
0xc8: {  	(tm) =	ssettm $0x7FFFFFFF  }
0xc9: {  	_ =	shalt  }
tec
execute0_lowered:
.L_overlay_start_1:
0x0: {  	(tag) =	ssettag $0x1  }
0x1: {  	s0 =	rddreg [dreg:$0x0]  }
0x2: {  	s1 =	rddreg [dreg:$0x1];
	s2 =	simm.s32 $0x0;
	s3 =	srdreg.scid  }
0x3: {  	s7 =	stileid.u32;
	s19 =	simm.s32 $0x100;
	s20 =	simm.s32 $0x1  }
0x4: {  	s21 =	simm.s32 $0x2;
	s22 =	simm.s32 $0x200;
	s23 =	simm.s32 $0x8200  }
0x5: {  	s24 =	simm.s32 $0x10200;
	s25 =	simm.s32 $0x80;
	s26 =	simm.s32 $0x3  }
0x6: {  	[smem:$0x7FF] =	sst s2;
	s4 =	sadd.s32 $0xA3800, s0;
	s5 =	sadd.s32 $0x1ED800, s0  }
0x7: {  	s3 =	sand.u32 $0x1, s3;
	s6 =	sadd.s32 $0x143800, s0;
	s10 =	sadd.s32 $0x215800, s0  }
0x8: {  	s11 =	sadd.s32 $0x10, s1;
	s12 =	sadd.s32 $0xF3800, s0;
	s13 =	sadd.s32 $0x23D800, s0  }
0x9: {  	s14 =	sadd.s32 $0x20, s1;
	s15 =	sadd.s32 $0x11B800, s0;
	s8 =	ssub.s32 $0x2, s3  }
0xa: {  	s16 =	sadd.s32 $0x265800, s0;
	s17 =	sadd.s32 $0x30, s1;
	s9 =	sshrl.u32 s8, $0x1  }
0xb: {  	_ =	strace $0x8000004A;
	s3 =	sshll.u32 s3, $0x4;
	s18 =	ssub.s32 s8, s9  }
0xc: {  	s3 =	sor.u32 s7, s3;
	s7 =	sadd.s32 $0x148800, s0;
	s31 =	smax.u32 s18, $0x1  }
0xd: {  	s8 =	smul.u32 $0x1400, s3;
	s9 =	sadd.s32 $0xCB800, s0;
	[dreg:$0x4] =	wrdreg s31  }
.LBB2_1:
0xe: {  	[dreg:$0x3] =	wrdreg s2;
	s29 =	simm.s32 $0x0  }
.LBB2_2:
0xf: {  	s0 =	sshll.u32 s29, $0x8  }
0x10: {  	s28 =	sadd.s32 s8, s0  }
0x11: {  	s0 =	sshrl.u32 s28, $0x3  }
0x12: {  	s30 =	simm.s32 $0x0;
	s3 =	sadd.s32 s7, s0  }
0x13: {  	[tilespmem:s19], [sflag:$0x1] =	stream.linear.gather [hbm4b:s3+s30], $0x100, $0x38;
	[tilespmem:$0x10600] =	vst v63  }
0x14: {  	s0 =	sadd.s32 s6, s0  }
0x15: {  	[tilespmem:s30], [sflag:$0x2] =	stream.linear.gather [hbm4b:s0+s30], $0x100, $0x38;
	[tilespmem:$0x10600] =	vst v63  }
0x16: {  	_ =	swait.ge [sflag:s20], $0x100  }
0x17: {  	[sflag:s20] =	ssyncset.done $0x0  }
0x18: {  	[sflag:s20] =	ssyncadd.s32 $0xFFFFFF00  }
0x19: {  	_ =	swait.ge [sflag:s21], $0x100  }
0x1a: {  	[sflag:s21] =	ssyncset.done $0x0  }
0x1b: {  	[sflag:s21] =	ssyncadd.s32 $0xFFFFFF00  }
0x1c: {  	[tilespmem:s22], [sflag:$0x1] =	stream.indirect.gather [hbm4b:s4+s19], $0x80, s19, s19, $0xb8;
	[tilespmem:$0x10600] =	vst v63  }
0x1d: {  	_ = 	snop  }
0x1e: {  	[tilespmem:s23], [sflag:$0x2] =	stream.indirect.gather [hbm4b:s5+s19], $0x80, s30, s19, $0xb8;
	[tilespmem:$0x10600] =	vst v63  }
0x1f: {  	_ =	swait.ge [sflag:s20], $0x8000  }
0x20: {  	[sflag:s20] =	ssyncset.done $0x0  }
0x21: {  	[sflag:s20] =	ssyncadd.s32 $0xFFFF8000  }
0x22: {  	_ =	swait.ge [sflag:s21], $0x8000  }
0x23: {  	[sflag:s21] =	ssyncset.done $0x0  }
0x24: {  	s31 =	simm.s32 $0x240;
	[sflag:s21] =	ssyncadd.s32 $0xFFFF8000  }
0x25: {  	s0 =	simm.s32 $0x8240;
	v0 =	vld [tilespmem:s31+$0xFFFFFFC0]  }
0x26: {  	v1 =	vld [tilespmem:s0+$0xFFFFFFD0]  }
0x27: {  	v2 =	vld [tilespmem:s31+$0xFFFFFFD0]  }
0x28: {  	v3 =	vld [tilespmem:s0+$0xFFFFFFC0];
	_ =	sdelay $0x4  }
0x29: {  	v1 =	vmul.f32 v1, v2;
	v0 =	vmul.f32 v3, v0;
	_ =	sdelay $0x1  }
0x2a: {  	v0 =	vadd.f32 v1, v0;
	_ =	sdelay $0x1  }
0x2b: {  	(xrf2) =	vadd.scan.msk.f32 $0xffff, v0;
	_ =	sdelay $0x4  }
0x2c: {  	v51 =	vmov s30  }
0x2d: {  	v0 =	vand.u32 $0xFFFFFFFC, v51  }
0x2e: {  	v0 =	vbroadcast v0, $0x0;
	_ =	sdelay $0x2  }
0x2f: {  	v52, _, _ =	vpop (xrf2)  }
0x30: {  	v1 =	vbroadcast v52, $0xF;
	_ =	sdelay $0x1  }
0x31: {  	[tilespmem:v0+s24+$0x0] =	vst.idx.msk $0x1, v1  }
0x32: {  	v0 =	vld [tilespmem:s0+$0xFFFFFFF0]  }
0x33: {  	v1 =	vld [tilespmem:s31+$0xFFFFFFE0]  }
0x34: {  	v53 =	vld [tilespmem:s31+$0xFFFFFFF0]  }
0x35: {  	v54 =	vld [tilespmem:s0+$0xFFFFFFE0];
	_ =	sdelay $0x4  }
0x36: {  	v0 =	vmul.f32 v0, v53;
	v1 =	vmul.f32 v54, v1;
	_ =	sdelay $0x1  }
0x37: {  	v0 =	vadd.f32 v0, v1;
	_ =	sdelay $0x1  }
0x38: {  	(xrf2) =	vadd.scan.msk.f32 $0xffff, v0;
	_ =	sdelay $0x3  }
0x39: {  	s2 =	simm.s32 $0x1  }
0x3a: {  	v55 =	vmov s2  }
0x3b: {  	v0 =	vand.u32 $0xFFFFFFFD, v55  }
0x3c: {  	v0 =	vbroadcast v0, $0x0;
	_ =	sdelay $0x2  }
0x3d: {  	v56, _, _ =	vpop (xrf2)  }
0x3e: {  	v1 =	vbroadcast v56, $0xF;
	_ =	sdelay $0x1  }
0x3f: {  	[tilespmem:v0+s24+$0x0] =	vst.idx.msk $0x1, v1  }
0x40: {  	v0 =	vld [tilespmem:s31+$0x0]  }
0x41: {  	v1 =	vld [tilespmem:s0+$0x0]  }
0x42: {  	v57 =	vld [tilespmem:s0+$0x10]  }
0x43: {  	v58 =	vld [tilespmem:s31+$0x10];
	_ =	sdelay $0x4  }
0x44: {  	v0 =	vmul.f32 v1, v0;
	v59 =	vmul.f32 v57, v58;
	_ =	sdelay $0x1  }
0x45: {  	v0 =	vadd.f32 v59, v0;
	_ =	sdelay $0x1  }
0x46: {  	(xrf2) =	vadd.scan.msk.f32 $0xffff, v0;
	_ =	sdelay $0x3  }
0x47: {  	s18 =	simm.s32 $0x2  }
0x48: {  	v60 =	vmov s18  }
0x49: {  	v0 =	vand.u32 $0xFFFFFFFE, v60  }
0x4a: {  	v0 =	vbroadcast v0, $0x0;
	_ =	sdelay $0x2  }
0x4b: {  	v61, _, _ =	vpop (xrf2)  }
0x4c: {  	v1 =	vbroadcast v61, $0xF;
	_ =	sdelay $0x1  }
0x4d: {  	[tilespmem:v0+s24+$0x0] =	vst.idx.msk $0x1, v1  }
0x4e: {  	v0 =	vld [tilespmem:s31+$0x20]  }
0x4f: {  	v1 =	vld [tilespmem:s0+$0x30]  }
0x50: {  	v62 =	vld [tilespmem:s0+$0x20]  }
0x51: {  	v63 =	vld [tilespmem:s31+$0x30];
	_ =	sdelay $0x4  }
0x52: {  	v0 =	vmul.f32 v62, v0;
	v1 =	vmul.f32 v1, v63;
	_ =	sdelay $0x1  }
0x53: {  	v0 =	vadd.f32 v1, v0;
	_ =	sdelay $0x1  }
0x54: {  	s3 =	simm.s32 $0x4;
	(xrf2) =	vadd.scan.msk.f32 $0xffff, v0  }
.LBB2_3:
0x55: {  	_ =	sdelay $0x2  }
0x56: {  	p0 =	sne.s32 s3, $0x3FC;
	s31 =	sadd.s32 $0x80, s31;
	s0 =	sadd.s32 $0x80, s0  }
0x57: {  	s18 =	smov.u32 s3;
	s3 =	sadd.s32 $0x4, s3  }
0x58: {  	s2 =	sadd.s32 $0x3, s30;
	s30 =	smov.u32 s18  }
0x59: {  	v0 =	vmov s2;
	_ =	sdelay $0x2  }
0x5a: {  	v1, _, _ =	vpop (xrf2)  }
0x5b: {  	v1 =	vbroadcast v1, $0xF;
	_ =	sdelay $0x1  }
0x5c: {  	[tilespmem:v0+s24+$0x0] =	vst.idx.msk $0x1, v1  }
0x5d: {  	v0 =	vld [tilespmem:s31+$0xFFFFFFC0]  }
0x5e: {  	v1 =	vld [tilespmem:s0+$0xFFFFFFD0]  }
0x5f: {  	v2 =	vld [tilespmem:s31+$0xFFFFFFD0]  }
0x60: {  	v3 =	vld [tilespmem:s0+$0xFFFFFFC0];
	_ =	sdelay $0x3  }
0x61: {  	v1 =	vmul.f32 v1, v2  }
0x62: {  	v0 =	vmul.f32 v3, v0;
	_ =	sdelay $0x1  }
0x63: {  	v0 =	vadd.f32 v1, v0;
	_ =	sdelay $0x1  }
0x64: {  	(xrf2) =	vadd.scan.msk.f32 $0xffff, v0;
	_ =	sdelay $0x4  }
0x65: {  	v0 =	vmov s30  }
0x66: {  	v0 =	vand.u32 $0xFFFFFFFC, v0  }
0x67: {  	v0 =	vbroadcast v0, $0x0;
	_ =	sdelay $0x2  }
0x68: {  	v1, _, _ =	vpop (xrf2)  }
0x69: {  	v1 =	vbroadcast v1, $0xF;
	_ =	sdelay $0x1  }
0x6a: {  	[tilespmem:v0+s24+$0x0] =	vst.idx.msk $0x1, v1  }
0x6b: {  	v0 =	vld [tilespmem:s0+$0xFFFFFFF0]  }
0x6c: {  	v1 =	vld [tilespmem:s31+$0xFFFFFFE0]  }
0x6d: {  	v2 =	vld [tilespmem:s31+$0xFFFFFFF0]  }
0x6e: {  	v3 =	vld [tilespmem:s0+$0xFFFFFFE0];
	_ =	sdelay $0x3  }
0x6f: {  	v0 =	vmul.f32 v0, v2  }
0x70: {  	v1 =	vmul.f32 v3, v1;
	_ =	sdelay $0x1  }
0x71: {  	v0 =	vadd.f32 v0, v1;
	_ =	sdelay $0x1  }
0x72: {  	(xrf2) =	vadd.scan.msk.f32 $0xffff, v0;
	_ =	sdelay $0x3  }
0x73: {  	s2 =	sadd.s32 $0x1, s30  }
0x74: {  	v0 =	vmov s2  }
0x75: {  	v0 =	vand.u32 $0xFFFFFFFD, v0  }
0x76: {  	v0 =	vbroadcast v0, $0x0;
	_ =	sdelay $0x2  }
0x77: {  	v1, _, _ =	vpop (xrf2)  }
0x78: {  	v1 =	vbroadcast v1, $0xF;
	_ =	sdelay $0x1  }
0x79: {  	[tilespmem:v0+s24+$0x0] =	vst.idx.msk $0x1, v1  }
0x7a: {  	v0 =	vld [tilespmem:s31+$0x0]  }
0x7b: {  	v1 =	vld [tilespmem:s0+$0x0]  }
0x7c: {  	v2 =	vld [tilespmem:s0+$0x10]  }
0x7d: {  	v3 =	vld [tilespmem:s31+$0x10];
	_ =	sdelay $0x2  }
0x7e: {  	v0 =	vmul.f32 v1, v0;
	_ =	sdelay $0x1  }
0x7f: {  	v1 =	vmul.f32 v2, v3;
	_ =	sdelay $0x1  }
0x80: {  	v0 =	vadd.f32 v1, v0;
	_ =	sdelay $0x1  }
0x81: {  	(xrf2) =	vadd.scan.msk.f32 $0xffff, v0;
	_ =	sdelay $0x3  }
0x82: {  	s2 =	sadd.s32 $0x2, s30  }
0x83: {  	v0 =	vmov s2  }
0x84: {  	v0 =	vand.u32 $0xFFFFFFFE, v0  }
0x85: {  	v0 =	vbroadcast v0, $0x0;
	_ =	sdelay $0x2  }
0x86: {  	v1, _, _ =	vpop (xrf2)  }
0x87: {  	v1 =	vbroadcast v1, $0xF;
	_ =	sdelay $0x1  }
0x88: {  	[tilespmem:v0+s24+$0x0] =	vst.idx.msk $0x1, v1  }
0x89: {  	v0 =	vld [tilespmem:s31+$0x20]  }
0x8a: {  	v1 =	vld [tilespmem:s0+$0x30]  }
0x8b: {  	v2 =	vld [tilespmem:s0+$0x20]  }
0x8c: {  	v3 =	vld [tilespmem:s31+$0x30];
	_ =	sdelay $0x3  }
0x8d: {  	v0 =	vmul.f32 v2, v0  }
.Ltmp0:
0x8e: {  	v1 =	vmul.f32 v1, v3;
	(pc) =	sbr.rel @p0 .LBB2_3-.Ltmp0, $3  }
0x8f: {  	_ = 	snop  }
0x90: {  	v0 =	vadd.f32 v1, v0;
	_ =	sdelay $0x1  }
0x91: {  	(xrf2) =	vadd.scan.msk.f32 $0xffff, v0  }
0x92: {  	_ =	sdelay $0x5  }
0x93: {  	s0 =	sadd.s32 $0x3, s30  }
0x94: {  	v0 =	vmov s0;
	_ =	sdelay $0x1  }
0x95: {  	v1, _, _ =	vpop (xrf2)  }
0x96: {  	s29 =	sadd.s32 $0x1, s29;
	v1 =	vbroadcast v1, $0xF  }
0x97: {  	s31 =	sshll.u32 s28, $0x1;
	p0 =	sne.s32 s29, $0x14  }
.Ltmp1:
0x98: {  	s0 =	sadd.s32 s1, s31;
	[tilespmem:v0+s24+$0x0] =	vst.idx.msk $0x1, v1;
	(pc) =	sbr.rel @p0 .LBB2_2-.Ltmp1, $4  }
0x99: {  	[hbm4b:s0+s25] =	stream.strided.scatter [tilespmem:s24], [sflag:$0x3], $0x400, s22, s25, $0x38;
	[tilespmem:$0x10600] =	vst v63  }
0x9a: {  	_ =	swait.ge [sflag:s26], $0x400  }
0x9b: {  	[sflag:s26] =	ssyncset.done $0x0  }
0x9c: {  	s28 =	simm.s32 $0x0;
	[sflag:s26] =	ssyncadd.s32 $0xFFFFFC00  }
0x9d: {  	s30 =	simm.s32 $0x0  }
.LBB2_6:
0x9e: {  	s0 =	sshll.u32 s30, $0x8  }
0x9f: {  	s29 =	sadd.s32 s8, s0  }
0xa0: {  	s0 =	sshrl.u32 s29, $0x3  }
0xa1: {  	s2 =	sadd.s32 s7, s0  }
0xa2: {  	[tilespmem:s19], [sflag:$0x1] =	stream.linear.gather [hbm4b:s2+s28], $0x100, $0x38;
	[tilespmem:$0x10600] =	vst v63  }
0xa3: {  	s0 =	sadd.s32 s6, s0  }
0xa4: {  	[tilespmem:s28], [sflag:$0x2] =	stream.linear.gather [hbm4b:s0+s28], $0x100, $0x38;
	[tilespmem:$0x10600] =	vst v63  }
0xa5: {  	_ =	swait.ge [sflag:s20], $0x100  }
0xa6: {  	[sflag:s20] =	ssyncset.done $0x0  }
0xa7: {  	[sflag:s20] =	ssyncadd.s32 $0xFFFFFF00  }
0xa8: {  	_ =	swait.ge [sflag:s21], $0x100  }
0xa9: {  	[sflag:s21] =	ssyncset.done $0x0  }
0xaa: {  	[sflag:s21] =	ssyncadd.s32 $0xFFFFFF00  }
0xab: {  	[tilespmem:s22], [sflag:$0x1] =	stream.indirect.gather [hbm4b:s9+s19], $0x80, s19, s19, $0xb8;
	[tilespmem:$0x10600] =	vst v63  }
0xac: {  	_ = 	snop  }
0xad: {  	[tilespmem:s23], [sflag:$0x2] =	stream.indirect.gather [hbm4b:s10+s19], $0x80, s28, s19, $0xb8;
	[tilespmem:$0x10600] =	vst v63  }
0xae: {  	_ =	swait.ge [sflag:s20], $0x8000  }
0xaf: {  	[sflag:s20] =	ssyncset.done $0x0  }
0xb0: {  	[sflag:s20] =	ssyncadd.s32 $0xFFFF8000  }
0xb1: {  	_ =	swait.ge [sflag:s21], $0x8000  }
0xb2: {  	[sflag:s21] =	ssyncset.done $0x0  }
0xb3: {  	s31 =	simm.s32 $0x240;
	[sflag:s21] =	ssyncadd.s32 $0xFFFF8000  }
0xb4: {  	s0 =	simm.s32 $0x8240;
	v0 =	vld [tilespmem:s31+$0xFFFFFFC0]  }
0xb5: {  	v1 =	vld [tilespmem:s0+$0xFFFFFFD0]  }
0xb6: {  	v2 =	vld [tilespmem:s31+$0xFFFFFFD0]  }
0xb7: {  	v3 =	vld [tilespmem:s0+$0xFFFFFFC0];
	_ =	sdelay $0x4  }
0xb8: {  	v1 =	vmul.f32 v1, v2;
	v0 =	vmul.f32 v3, v0;
	_ =	sdelay $0x1  }
0xb9: {  	v0 =	vadd.f32 v1, v0;
	_ =	sdelay $0x1  }
0xba: {  	(xrf2) =	vadd.scan.msk.f32 $0xffff, v0;
	_ =	sdelay $0x4  }
0xbb: {  	v51 =	vmov s28  }
0xbc: {  	v0 =	vand.u32 $0xFFFFFFFC, v51  }
0xbd: {  	v0 =	vbroadcast v0, $0x0;
	_ =	sdelay $0x2  }
0xbe: {  	v52, _, _ =	vpop (xrf2)  }
0xbf: {  	v1 =	vbroadcast v52, $0xF;
	_ =	sdelay $0x1  }
0xc0: {  	[tilespmem:v0+s24+$0x0] =	vst.idx.msk $0x1, v1  }
0xc1: {  	v0 =	vld [tilespmem:s0+$0xFFFFFFF0]  }
0xc2: {  	v1 =	vld [tilespmem:s31+$0xFFFFFFE0]  }
0xc3: {  	v53 =	vld [tilespmem:s31+$0xFFFFFFF0]  }
0xc4: {  	v54 =	vld [tilespmem:s0+$0xFFFFFFE0];
	_ =	sdelay $0x4  }
0xc5: {  	v0 =	vmul.f32 v0, v53;
	v1 =	vmul.f32 v54, v1;
	_ =	sdelay $0x1  }
0xc6: {  	v0 =	vadd.f32 v0, v1;
	_ =	sdelay $0x1  }
0xc7: {  	(xrf2) =	vadd.scan.msk.f32 $0xffff, v0;
	_ =	sdelay $0x3  }
0xc8: {  	s3 =	simm.s32 $0x1  }
0xc9: {  	v55 =	vmov s3  }
0xca: {  	v0 =	vand.u32 $0xFFFFFFFD, v55  }
0xcb: {  	v0 =	vbroadcast v0, $0x0;
	_ =	sdelay $0x2  }
0xcc: {  	v56, _, _ =	vpop (xrf2)  }
0xcd: {  	v1 =	vbroadcast v56, $0xF;
	_ =	sdelay $0x1  }
0xce: {  	[tilespmem:v0+s24+$0x0] =	vst.idx.msk $0x1, v1  }
0xcf: {  	v0 =	vld [tilespmem:s31+$0x0]  }
0xd0: {  	v1 =	vld [tilespmem:s0+$0x0]  }
0xd1: {  	v57 =	vld [tilespmem:s0+$0x10]  }
0xd2: {  	v58 =	vld [tilespmem:s31+$0x10];
	_ =	sdelay $0x4  }
0xd3: {  	v0 =	vmul.f32 v1, v0;
	v59 =	vmul.f32 v57, v58;
	_ =	sdelay $0x1  }
0xd4: {  	v0 =	vadd.f32 v59, v0;
	_ =	sdelay $0x1  }
0xd5: {  	(xrf2) =	vadd.scan.msk.f32 $0xffff, v0;
	_ =	sdelay $0x3  }
0xd6: {  	s18 =	simm.s32 $0x2  }
0xd7: {  	v60 =	vmov s18  }
0xd8: {  	v0 =	vand.u32 $0xFFFFFFFE, v60  }
0xd9: {  	v0 =	vbroadcast v0, $0x0;
	_ =	sdelay $0x2  }
0xda: {  	v61, _, _ =	vpop (xrf2)  }
0xdb: {  	v1 =	vbroadcast v61, $0xF;
	_ =	sdelay $0x1  }
0xdc: {  	[tilespmem:v0+s24+$0x0] =	vst.idx.msk $0x1, v1  }
0xdd: {  	v0 =	vld [tilespmem:s31+$0x20]  }
0xde: {  	v1 =	vld [tilespmem:s0+$0x30]  }
0xdf: {  	v62 =	vld [tilespmem:s0+$0x20]  }
0xe0: {  	v63 =	vld [tilespmem:s31+$0x30];
	_ =	sdelay $0x4  }
0xe1: {  	v0 =	vmul.f32 v62, v0;
	v1 =	vmul.f32 v1, v63;
	_ =	sdelay $0x1  }
0xe2: {  	v0 =	vadd.f32 v1, v0;
	_ =	sdelay $0x1  }
0xe3: {  	s3 =	simm.s32 $0x4;
	s18 =	simm.s32 $0x0;
	(xrf2) =	vadd.scan.msk.f32 $0xffff, v0  }
.LBB2_7:
0xe4: {  	_ =	sdelay $0x2  }
0xe5: {  	p0 =	sne.s32 s3, $0x3FC;
	s31 =	sadd.s32 $0x80, s31;
	s0 =	sadd.s32 $0x80, s0  }
0xe6: {  	s2 =	smov.u32 s3;
	s3 =	sadd.s32 $0x4, s3  }
0xe7: {  	s1 =	sadd.s32 $0x3, s18;
	s18 =	smov.u32 s2  }
0xe8: {  	v0 =	vmov s1;
	_ =	sdelay $0x2  }
0xe9: {  	v1, _, _ =	vpop (xrf2)  }
0xea: {  	v1 =	vbroadcast v1, $0xF;
	_ =	sdelay $0x1  }
0xeb: {  	[tilespmem:v0+s24+$0x0] =	vst.idx.msk $0x1, v1  }
0xec: {  	v0 =	vld [tilespmem:s31+$0xFFFFFFC0]  }
0xed: {  	v1 =	vld [tilespmem:s0+$0xFFFFFFD0]  }
0xee: {  	v2 =	vld [tilespmem:s31+$0xFFFFFFD0]  }
0xef: {  	v3 =	vld [tilespmem:s0+$0xFFFFFFC0];
	_ =	sdelay $0x3  }
0xf0: {  	v1 =	vmul.f32 v1, v2  }
0xf1: {  	v0 =	vmul.f32 v3, v0;
	_ =	sdelay $0x1  }
0xf2: {  	v0 =	vadd.f32 v1, v0;
	_ =	sdelay $0x1  }
0xf3: {  	(xrf2) =	vadd.scan.msk.f32 $0xffff, v0;
	_ =	sdelay $0x4  }
0xf4: {  	v0 =	vmov s18  }
0xf5: {  	v0 =	vand.u32 $0xFFFFFFFC, v0  }
0xf6: {  	v0 =	vbroadcast v0, $0x0;
	_ =	sdelay $0x2  }
0xf7: {  	v1, _, _ =	vpop (xrf2)  }
0xf8: {  	v1 =	vbroadcast v1, $0xF;
	_ =	sdelay $0x1  }
0xf9: {  	[tilespmem:v0+s24+$0x0] =	vst.idx.msk $0x1, v1  }
0xfa: {  	v0 =	vld [tilespmem:s0+$0xFFFFFFF0]  }
0xfb: {  	v1 =	vld [tilespmem:s31+$0xFFFFFFE0]  }
0xfc: {  	v2 =	vld [tilespmem:s31+$0xFFFFFFF0]  }
0xfd: {  	v3 =	vld [tilespmem:s0+$0xFFFFFFE0];
	_ =	sdelay $0x3  }
0xfe: {  	v0 =	vmul.f32 v0, v2  }
0xff: {  	v1 =	vmul.f32 v3, v1;
	_ =	sdelay $0x1  }
0x100: {  	v0 =	vadd.f32 v0, v1;
	_ =	sdelay $0x1  }
0x101: {  	(xrf2) =	vadd.scan.msk.f32 $0xffff, v0;
	_ =	sdelay $0x3  }
0x102: {  	s1 =	sadd.s32 $0x1, s18  }
0x103: {  	v0 =	vmov s1  }
0x104: {  	v0 =	vand.u32 $0xFFFFFFFD, v0  }
0x105: {  	v0 =	vbroadcast v0, $0x0;
	_ =	sdelay $0x2  }
0x106: {  	v1, _, _ =	vpop (xrf2)  }
0x107: {  	v1 =	vbroadcast v1, $0xF;
	_ =	sdelay $0x1  }
0x108: {  	[tilespmem:v0+s24+$0x0] =	vst.idx.msk $0x1, v1  }
0x109: {  	v0 =	vld [tilespmem:s31+$0x0]  }
0x10a: {  	v1 =	vld [tilespmem:s0+$0x0]  }
0x10b: {  	v2 =	vld [tilespmem:s0+$0x10]  }
0x10c: {  	v3 =	vld [tilespmem:s31+$0x10];
	_ =	sdelay $0x2  }
0x10d: {  	v0 =	vmul.f32 v1, v0;
	_ =	sdelay $0x1  }
0x10e: {  	v1 =	vmul.f32 v2, v3;
	_ =	sdelay $0x1  }
0x10f: {  	v0 =	vadd.f32 v1, v0;
	_ =	sdelay $0x1  }
0x110: {  	(xrf2) =	vadd.scan.msk.f32 $0xffff, v0;
	_ =	sdelay $0x3  }
0x111: {  	s1 =	sadd.s32 $0x2, s18  }
0x112: {  	v0 =	vmov s1  }
0x113: {  	v0 =	vand.u32 $0xFFFFFFFE, v0  }
0x114: {  	v0 =	vbroadcast v0, $0x0;
	_ =	sdelay $0x2  }
0x115: {  	v1, _, _ =	vpop (xrf2)  }
0x116: {  	v1 =	vbroadcast v1, $0xF;
	_ =	sdelay $0x1  }
0x117: {  	[tilespmem:v0+s24+$0x0] =	vst.idx.msk $0x1, v1  }
0x118: {  	v0 =	vld [tilespmem:s31+$0x20]  }
0x119: {  	v1 =	vld [tilespmem:s0+$0x30]  }
0x11a: {  	v2 =	vld [tilespmem:s0+$0x20]  }
0x11b: {  	v3 =	vld [tilespmem:s31+$0x30];
	_ =	sdelay $0x3  }
0x11c: {  	v0 =	vmul.f32 v2, v0  }
.Ltmp2:
0x11d: {  	v1 =	vmul.f32 v1, v3;
	(pc) =	sbr.rel @p0 .LBB2_7-.Ltmp2, $3  }
0x11e: {  	_ = 	snop  }
0x11f: {  	v0 =	vadd.f32 v1, v0;
	_ =	sdelay $0x1  }
0x120: {  	(xrf2) =	vadd.scan.msk.f32 $0xffff, v0  }
0x121: {  	_ =	sdelay $0x5  }
0x122: {  	s0 =	sadd.s32 $0x3, s18  }
0x123: {  	v0 =	vmov s0;
	_ =	sdelay $0x1  }
0x124: {  	v1, _, _ =	vpop (xrf2)  }
0x125: {  	s30 =	sadd.s32 $0x1, s30;
	v1 =	vbroadcast v1, $0xF  }
0x126: {  	s31 =	sshll.u32 s29, $0x1;
	p0 =	sne.s32 s30, $0x14  }
.Ltmp3:
0x127: {  	s0 =	sadd.s32 s31, s11;
	[tilespmem:v0+s24+$0x0] =	vst.idx.msk $0x1, v1;
	(pc) =	sbr.rel @p0 .LBB2_6-.Ltmp3, $4  }
0x128: {  	[hbm4b:s0+s25] =	stream.strided.scatter [tilespmem:s24], [sflag:$0x3], $0x400, s22, s25, $0x38;
	[tilespmem:$0x10600] =	vst v63  }
0x129: {  	_ =	swait.ge [sflag:s26], $0x400  }
0x12a: {  	[sflag:s26] =	ssyncset.done $0x0  }
0x12b: {  	s29 =	simm.s32 $0x0;
	[sflag:s26] =	ssyncadd.s32 $0xFFFFFC00  }
0x12c: {  	s30 =	simm.s32 $0x0  }
.LBB2_10:
0x12d: {  	s0 =	sshll.u32 s30, $0x8  }
0x12e: {  	s28 =	sadd.s32 s8, s0  }
0x12f: {  	s0 =	sshrl.u32 s28, $0x3  }
0x130: {  	s1 =	sadd.s32 s7, s0  }
0x131: {  	[tilespmem:s19], [sflag:$0x1] =	stream.linear.gather [hbm4b:s1+s29], $0x100, $0x38;
	[tilespmem:$0x10600] =	vst v63  }
0x132: {  	s0 =	sadd.s32 s6, s0  }
0x133: {  	[tilespmem:s29], [sflag:$0x2] =	stream.linear.gather [hbm4b:s0+s29], $0x100, $0x38;
	[tilespmem:$0x10600] =	vst v63  }
0x134: {  	_ =	swait.ge [sflag:s20], $0x100  }
0x135: {  	[sflag:s20] =	ssyncset.done $0x0  }
0x136: {  	[sflag:s20] =	ssyncadd.s32 $0xFFFFFF00  }
0x137: {  	_ =	swait.ge [sflag:s21], $0x100  }
0x138: {  	[sflag:s21] =	ssyncset.done $0x0  }
0x139: {  	[sflag:s21] =	ssyncadd.s32 $0xFFFFFF00  }
0x13a: {  	[tilespmem:s22], [sflag:$0x1] =	stream.indirect.gather [hbm4b:s12+s19], $0x80, s19, s19, $0xb8;
	[tilespmem:$0x10600] =	vst v63  }
0x13b: {  	_ = 	snop  }
0x13c: {  	[tilespmem:s23], [sflag:$0x2] =	stream.indirect.gather [hbm4b:s13+s19], $0x80, s29, s19, $0xb8;
	[tilespmem:$0x10600] =	vst v63  }
0x13d: {  	_ =	swait.ge [sflag:s20], $0x8000  }
0x13e: {  	[sflag:s20] =	ssyncset.done $0x0  }
0x13f: {  	[sflag:s20] =	ssyncadd.s32 $0xFFFF8000  }
0x140: {  	_ =	swait.ge [sflag:s21], $0x8000  }
0x141: {  	[sflag:s21] =	ssyncset.done $0x0  }
0x142: {  	s31 =	simm.s32 $0x240;
	[sflag:s21] =	ssyncadd.s32 $0xFFFF8000  }
0x143: {  	s0 =	simm.s32 $0x8240;
	v0 =	vld [tilespmem:s31+$0xFFFFFFC0]  }
0x144: {  	v1 =	vld [tilespmem:s0+$0xFFFFFFD0]  }
0x145: {  	v2 =	vld [tilespmem:s31+$0xFFFFFFD0]  }
0x146: {  	v3 =	vld [tilespmem:s0+$0xFFFFFFC0];
	_ =	sdelay $0x4  }
0x147: {  	v1 =	vmul.f32 v1, v2;
	v0 =	vmul.f32 v3, v0;
	_ =	sdelay $0x1  }
0x148: {  	v0 =	vadd.f32 v1, v0;
	_ =	sdelay $0x1  }
0x149: {  	(xrf2) =	vadd.scan.msk.f32 $0xffff, v0;
	_ =	sdelay $0x4  }
0x14a: {  	v51 =	vmov s29  }
0x14b: {  	v0 =	vand.u32 $0xFFFFFFFC, v51  }
0x14c: {  	v0 =	vbroadcast v0, $0x0;
	_ =	sdelay $0x2  }
0x14d: {  	v52, _, _ =	vpop (xrf2)  }
0x14e: {  	v1 =	vbroadcast v52, $0xF;
	_ =	sdelay $0x1  }
0x14f: {  	[tilespmem:v0+s24+$0x0] =	vst.idx.msk $0x1, v1  }
0x150: {  	v0 =	vld [tilespmem:s0+$0xFFFFFFF0]  }
0x151: {  	v1 =	vld [tilespmem:s31+$0xFFFFFFE0]  }
0x152: {  	v53 =	vld [tilespmem:s31+$0xFFFFFFF0]  }
0x153: {  	v54 =	vld [tilespmem:s0+$0xFFFFFFE0];
	_ =	sdelay $0x4  }
0x154: {  	v0 =	vmul.f32 v0, v53;
	v1 =	vmul.f32 v54, v1;
	_ =	sdelay $0x1  }
0x155: {  	v0 =	vadd.f32 v0, v1;
	_ =	sdelay $0x1  }
0x156: {  	(xrf2) =	vadd.scan.msk.f32 $0xffff, v0;
	_ =	sdelay $0x3  }
0x157: {  	s3 =	simm.s32 $0x1  }
0x158: {  	v55 =	vmov s3  }
0x159: {  	v0 =	vand.u32 $0xFFFFFFFD, v55  }
0x15a: {  	v0 =	vbroadcast v0, $0x0;
	_ =	sdelay $0x2  }
0x15b: {  	v56, _, _ =	vpop (xrf2)  }
0x15c: {  	v1 =	vbroadcast v56, $0xF;
	_ =	sdelay $0x1  }
0x15d: {  	[tilespmem:v0+s24+$0x0] =	vst.idx.msk $0x1, v1  }
0x15e: {  	v0 =	vld [tilespmem:s31+$0x0]  }
0x15f: {  	v1 =	vld [tilespmem:s0+$0x0]  }
0x160: {  	v57 =	vld [tilespmem:s0+$0x10]  }
0x161: {  	v58 =	vld [tilespmem:s31+$0x10];
	_ =	sdelay $0x4  }
0x162: {  	v0 =	vmul.f32 v1, v0;
	v59 =	vmul.f32 v57, v58;
	_ =	sdelay $0x1  }
0x163: {  	v0 =	vadd.f32 v59, v0;
	_ =	sdelay $0x1  }
0x164: {  	(xrf2) =	vadd.scan.msk.f32 $0xffff, v0;
	_ =	sdelay $0x3  }
0x165: {  	s18 =	simm.s32 $0x2  }
0x166: {  	v60 =	vmov s18  }
0x167: {  	v0 =	vand.u32 $0xFFFFFFFE, v60  }
0x168: {  	v0 =	vbroadcast v0, $0x0;
	_ =	sdelay $0x2  }
0x169: {  	v61, _, _ =	vpop (xrf2)  }
0x16a: {  	v1 =	vbroadcast v61, $0xF;
	_ =	sdelay $0x1  }
0x16b: {  	[tilespmem:v0+s24+$0x0] =	vst.idx.msk $0x1, v1  }
0x16c: {  	v0 =	vld [tilespmem:s31+$0x20]  }
0x16d: {  	v1 =	vld [tilespmem:s0+$0x30]  }
0x16e: {  	v62 =	vld [tilespmem:s0+$0x20]  }
0x16f: {  	v63 =	vld [tilespmem:s31+$0x30];
	_ =	sdelay $0x4  }
0x170: {  	v0 =	vmul.f32 v62, v0;
	v1 =	vmul.f32 v1, v63;
	_ =	sdelay $0x1  }
0x171: {  	v0 =	vadd.f32 v1, v0;
	_ =	sdelay $0x1  }
0x172: {  	s3 =	simm.s32 $0x4;
	s18 =	simm.s32 $0x0;
	(xrf2) =	vadd.scan.msk.f32 $0xffff, v0  }
.LBB2_11:
0x173: {  	_ =	sdelay $0x2  }
0x174: {  	p0 =	sne.s32 s3, $0x3FC;
	s31 =	sadd.s32 $0x80, s31;
	s0 =	sadd.s32 $0x80, s0  }
0x175: {  	s1 =	smov.u32 s3;
	s3 =	sadd.s32 $0x4, s3  }
0x176: {  	s2 =	sadd.s32 $0x3, s18;
	s18 =	smov.u32 s1  }
0x177: {  	v0 =	vmov s2;
	_ =	sdelay $0x2  }
0x178: {  	v1, _, _ =	vpop (xrf2)  }
0x179: {  	v1 =	vbroadcast v1, $0xF;
	_ =	sdelay $0x1  }
0x17a: {  	[tilespmem:v0+s24+$0x0] =	vst.idx.msk $0x1, v1  }
0x17b: {  	v0 =	vld [tilespmem:s31+$0xFFFFFFC0]  }
0x17c: {  	v1 =	vld [tilespmem:s0+$0xFFFFFFD0]  }
0x17d: {  	v2 =	vld [tilespmem:s31+$0xFFFFFFD0]  }
0x17e: {  	v3 =	vld [tilespmem:s0+$0xFFFFFFC0];
	_ =	sdelay $0x3  }
0x17f: {  	v1 =	vmul.f32 v1, v2  }
0x180: {  	v0 =	vmul.f32 v3, v0;
	_ =	sdelay $0x1  }
0x181: {  	v0 =	vadd.f32 v1, v0;
	_ =	sdelay $0x1  }
0x182: {  	(xrf2) =	vadd.scan.msk.f32 $0xffff, v0;
	_ =	sdelay $0x4  }
0x183: {  	v0 =	vmov s18  }
0x184: {  	v0 =	vand.u32 $0xFFFFFFFC, v0  }
0x185: {  	v0 =	vbroadcast v0, $0x0;
	_ =	sdelay $0x2  }
0x186: {  	v1, _, _ =	vpop (xrf2)  }
0x187: {  	v1 =	vbroadcast v1, $0xF;
	_ =	sdelay $0x1  }
0x188: {  	[tilespmem:v0+s24+$0x0] =	vst.idx.msk $0x1, v1  }
0x189: {  	v0 =	vld [tilespmem:s0+$0xFFFFFFF0]  }
0x18a: {  	v1 =	vld [tilespmem:s31+$0xFFFFFFE0]  }
0x18b: {  	v2 =	vld [tilespmem:s31+$0xFFFFFFF0]  }
0x18c: {  	v3 =	vld [tilespmem:s0+$0xFFFFFFE0];
	_ =	sdelay $0x3  }
0x18d: {  	v0 =	vmul.f32 v0, v2  }
0x18e: {  	v1 =	vmul.f32 v3, v1;
	_ =	sdelay $0x1  }
0x18f: {  	v0 =	vadd.f32 v0, v1;
	_ =	sdelay $0x1  }
0x190: {  	(xrf2) =	vadd.scan.msk.f32 $0xffff, v0;
	_ =	sdelay $0x3  }
0x191: {  	s1 =	sadd.s32 $0x1, s18  }
0x192: {  	v0 =	vmov s1  }
0x193: {  	v0 =	vand.u32 $0xFFFFFFFD, v0  }
0x194: {  	v0 =	vbroadcast v0, $0x0;
	_ =	sdelay $0x2  }
0x195: {  	v1, _, _ =	vpop (xrf2)  }
0x196: {  	v1 =	vbroadcast v1, $0xF;
	_ =	sdelay $0x1  }
0x197: {  	[tilespmem:v0+s24+$0x0] =	vst.idx.msk $0x1, v1  }
0x198: {  	v0 =	vld [tilespmem:s31+$0x0]  }
0x199: {  	v1 =	vld [tilespmem:s0+$0x0]  }
0x19a: {  	v2 =	vld [tilespmem:s0+$0x10]  }
0x19b: {  	v3 =	vld [tilespmem:s31+$0x10];
	_ =	sdelay $0x2  }
0x19c: {  	v0 =	vmul.f32 v1, v0;
	_ =	sdelay $0x1  }
0x19d: {  	v1 =	vmul.f32 v2, v3;
	_ =	sdelay $0x1  }
0x19e: {  	v0 =	vadd.f32 v1, v0;
	_ =	sdelay $0x1  }
0x19f: {  	(xrf2) =	vadd.scan.msk.f32 $0xffff, v0;
	_ =	sdelay $0x3  }
0x1a0: {  	s1 =	sadd.s32 $0x2, s18  }
0x1a1: {  	v0 =	vmov s1  }
0x1a2: {  	v0 =	vand.u32 $0xFFFFFFFE, v0  }
0x1a3: {  	v0 =	vbroadcast v0, $0x0;
	_ =	sdelay $0x2  }
0x1a4: {  	v1, _, _ =	vpop (xrf2)  }
0x1a5: {  	v1 =	vbroadcast v1, $0xF;
	_ =	sdelay $0x1  }
0x1a6: {  	[tilespmem:v0+s24+$0x0] =	vst.idx.msk $0x1, v1  }
0x1a7: {  	v0 =	vld [tilespmem:s31+$0x20]  }
0x1a8: {  	v1 =	vld [tilespmem:s0+$0x30]  }
0x1a9: {  	v2 =	vld [tilespmem:s0+$0x20]  }
0x1aa: {  	v3 =	vld [tilespmem:s31+$0x30];
	_ =	sdelay $0x3  }
0x1ab: {  	v0 =	vmul.f32 v2, v0  }
.Ltmp4:
0x1ac: {  	v1 =	vmul.f32 v1, v3;
	(pc) =	sbr.rel @p0 .LBB2_11-.Ltmp4, $3  }
0x1ad: {  	_ = 	snop  }
0x1ae: {  	v0 =	vadd.f32 v1, v0;
	_ =	sdelay $0x1  }
0x1af: {  	(xrf2) =	vadd.scan.msk.f32 $0xffff, v0  }
0x1b0: {  	_ =	sdelay $0x5  }
0x1b1: {  	s0 =	sadd.s32 $0x3, s18  }
0x1b2: {  	v0 =	vmov s0;
	_ =	sdelay $0x1  }
0x1b3: {  	v1, _, _ =	vpop (xrf2)  }
0x1b4: {  	s30 =	sadd.s32 $0x1, s30;
	v1 =	vbroadcast v1, $0xF  }
0x1b5: {  	s31 =	sshll.u32 s28, $0x1;
	p0 =	sne.s32 s30, $0x14  }
.Ltmp5:
0x1b6: {  	s0 =	sadd.s32 s31, s14;
	[tilespmem:v0+s24+$0x0] =	vst.idx.msk $0x1, v1;
	(pc) =	sbr.rel @p0 .LBB2_10-.Ltmp5, $4  }
0x1b7: {  	[hbm4b:s0+s25] =	stream.strided.scatter [tilespmem:s24], [sflag:$0x3], $0x400, s22, s25, $0x38;
	[tilespmem:$0x10600] =	vst v63  }
0x1b8: {  	_ =	swait.ge [sflag:s26], $0x400  }
0x1b9: {  	[sflag:s26] =	ssyncset.done $0x0  }
0x1ba: {  	s28 =	simm.s32 $0x0;
	[sflag:s26] =	ssyncadd.s32 $0xFFFFFC00  }
0x1bb: {  	s29 =	simm.s32 $0x0  }
.LBB2_14:
0x1bc: {  	s0 =	sshll.u32 s29, $0x8  }
0x1bd: {  	s30 =	sadd.s32 s8, s0  }
0x1be: {  	s0 =	sshrl.u32 s30, $0x3  }
0x1bf: {  	s1 =	sadd.s32 s7, s0  }
0x1c0: {  	[tilespmem:s19], [sflag:$0x1] =	stream.linear.gather [hbm4b:s1+s28], $0x100, $0x38;
	[tilespmem:$0x10600] =	vst v63  }
0x1c1: {  	s0 =	sadd.s32 s6, s0  }
0x1c2: {  	[tilespmem:s28], [sflag:$0x2] =	stream.linear.gather [hbm4b:s0+s28], $0x100, $0x38;
	[tilespmem:$0x10600] =	vst v63  }
0x1c3: {  	_ =	swait.ge [sflag:s20], $0x100  }
0x1c4: {  	[sflag:s20] =	ssyncset.done $0x0  }
0x1c5: {  	[sflag:s20] =	ssyncadd.s32 $0xFFFFFF00  }
0x1c6: {  	_ =	swait.ge [sflag:s21], $0x100  }
0x1c7: {  	[sflag:s21] =	ssyncset.done $0x0  }
0x1c8: {  	[sflag:s21] =	ssyncadd.s32 $0xFFFFFF00  }
0x1c9: {  	[tilespmem:s22], [sflag:$0x1] =	stream.indirect.gather [hbm4b:s15+s19], $0x80, s19, s19, $0xb8;
	[tilespmem:$0x10600] =	vst v63  }
0x1ca: {  	_ = 	snop  }
0x1cb: {  	[tilespmem:s23], [sflag:$0x2] =	stream.indirect.gather [hbm4b:s16+s19], $0x80, s28, s19, $0xb8;
	[tilespmem:$0x10600] =	vst v63  }
0x1cc: {  	_ =	swait.ge [sflag:s20], $0x8000  }
0x1cd: {  	[sflag:s20] =	ssyncset.done $0x0  }
0x1ce: {  	[sflag:s20] =	ssyncadd.s32 $0xFFFF8000  }
0x1cf: {  	_ =	swait.ge [sflag:s21], $0x8000  }
0x1d0: {  	[sflag:s21] =	ssyncset.done $0x0  }
0x1d1: {  	s31 =	simm.s32 $0x240;
	[sflag:s21] =	ssyncadd.s32 $0xFFFF8000  }
0x1d2: {  	s0 =	simm.s32 $0x8240;
	v0 =	vld [tilespmem:s31+$0xFFFFFFC0]  }
0x1d3: {  	v1 =	vld [tilespmem:s0+$0xFFFFFFD0]  }
0x1d4: {  	v2 =	vld [tilespmem:s31+$0xFFFFFFD0]  }
0x1d5: {  	v3 =	vld [tilespmem:s0+$0xFFFFFFC0];
	_ =	sdelay $0x4  }
0x1d6: {  	v1 =	vmul.f32 v1, v2;
	v0 =	vmul.f32 v3, v0;
	_ =	sdelay $0x1  }
0x1d7: {  	v0 =	vadd.f32 v1, v0;
	_ =	sdelay $0x1  }
0x1d8: {  	(xrf2) =	vadd.scan.msk.f32 $0xffff, v0;
	_ =	sdelay $0x4  }
0x1d9: {  	v51 =	vmov s28  }
0x1da: {  	v0 =	vand.u32 $0xFFFFFFFC, v51  }
0x1db: {  	v0 =	vbroadcast v0, $0x0;
	_ =	sdelay $0x2  }
0x1dc: {  	v52, _, _ =	vpop (xrf2)  }
0x1dd: {  	v1 =	vbroadcast v52, $0xF;
	_ =	sdelay $0x1  }
0x1de: {  	[tilespmem:v0+s24+$0x0] =	vst.idx.msk $0x1, v1  }
0x1df: {  	v0 =	vld [tilespmem:s0+$0xFFFFFFF0]  }
0x1e0: {  	v1 =	vld [tilespmem:s31+$0xFFFFFFE0]  }
0x1e1: {  	v53 =	vld [tilespmem:s31+$0xFFFFFFF0]  }
0x1e2: {  	v54 =	vld [tilespmem:s0+$0xFFFFFFE0];
	_ =	sdelay $0x4  }
0x1e3: {  	v0 =	vmul.f32 v0, v53;
	v1 =	vmul.f32 v54, v1;
	_ =	sdelay $0x1  }
0x1e4: {  	v0 =	vadd.f32 v0, v1;
	_ =	sdelay $0x1  }
0x1e5: {  	(xrf2) =	vadd.scan.msk.f32 $0xffff, v0;
	_ =	sdelay $0x3  }
0x1e6: {  	s3 =	simm.s32 $0x1  }
0x1e7: {  	v55 =	vmov s3  }
0x1e8: {  	v0 =	vand.u32 $0xFFFFFFFD, v55  }
0x1e9: {  	v0 =	vbroadcast v0, $0x0;
	_ =	sdelay $0x2  }
0x1ea: {  	v56, _, _ =	vpop (xrf2)  }
0x1eb: {  	v1 =	vbroadcast v56, $0xF;
	_ =	sdelay $0x1  }
0x1ec: {  	[tilespmem:v0+s24+$0x0] =	vst.idx.msk $0x1, v1  }
0x1ed: {  	v0 =	vld [tilespmem:s31+$0x0]  }
0x1ee: {  	v1 =	vld [tilespmem:s0+$0x0]  }
0x1ef: {  	v57 =	vld [tilespmem:s0+$0x10]  }
0x1f0: {  	v58 =	vld [tilespmem:s31+$0x10];
	_ =	sdelay $0x4  }
0x1f1: {  	v0 =	vmul.f32 v1, v0;
	v59 =	vmul.f32 v57, v58;
	_ =	sdelay $0x1  }
0x1f2: {  	v0 =	vadd.f32 v59, v0;
	_ =	sdelay $0x1  }
0x1f3: {  	(xrf2) =	vadd.scan.msk.f32 $0xffff, v0;
	_ =	sdelay $0x3  }
0x1f4: {  	s18 =	simm.s32 $0x2  }
0x1f5: {  	v60 =	vmov s18  }
0x1f6: {  	v0 =	vand.u32 $0xFFFFFFFE, v60  }
0x1f7: {  	v0 =	vbroadcast v0, $0x0;
	_ =	sdelay $0x2  }
0x1f8: {  	v61, _, _ =	vpop (xrf2)  }
0x1f9: {  	v1 =	vbroadcast v61, $0xF;
	_ =	sdelay $0x1  }
0x1fa: {  	[tilespmem:v0+s24+$0x0] =	vst.idx.msk $0x1, v1  }
0x1fb: {  	v0 =	vld [tilespmem:s31+$0x20]  }
0x1fc: {  	v1 =	vld [tilespmem:s0+$0x30]  }
0x1fd: {  	v62 =	vld [tilespmem:s0+$0x20]  }
0x1fe: {  	v63 =	vld [tilespmem:s31+$0x30];
	_ =	sdelay $0x4  }
0x1ff: {  	v0 =	vmul.f32 v62, v0;
	v1 =	vmul.f32 v1, v63;
	_ =	sdelay $0x1  }
0x200: {  	v0 =	vadd.f32 v1, v0;
	_ =	sdelay $0x1  }
0x201: {  	s3 =	simm.s32 $0x4;
	s18 =	simm.s32 $0x0;
	(xrf2) =	vadd.scan.msk.f32 $0xffff, v0  }
.LBB2_15:
0x202: {  	_ =	sdelay $0x2  }
0x203: {  	p0 =	sne.s32 s3, $0x3FC;
	s31 =	sadd.s32 $0x80, s31;
	s0 =	sadd.s32 $0x80, s0  }
0x204: {  	s1 =	smov.u32 s3;
	s3 =	sadd.s32 $0x4, s3  }
0x205: {  	s2 =	sadd.s32 $0x3, s18;
	s18 =	smov.u32 s1  }
0x206: {  	v0 =	vmov s2;
	_ =	sdelay $0x2  }
0x207: {  	v1, _, _ =	vpop (xrf2)  }
0x208: {  	v1 =	vbroadcast v1, $0xF;
	_ =	sdelay $0x1  }
0x209: {  	[tilespmem:v0+s24+$0x0] =	vst.idx.msk $0x1, v1  }
0x20a: {  	v0 =	vld [tilespmem:s31+$0xFFFFFFC0]  }
0x20b: {  	v1 =	vld [tilespmem:s0+$0xFFFFFFD0]  }
0x20c: {  	v2 =	vld [tilespmem:s31+$0xFFFFFFD0]  }
0x20d: {  	v3 =	vld [tilespmem:s0+$0xFFFFFFC0];
	_ =	sdelay $0x3  }
0x20e: {  	v1 =	vmul.f32 v1, v2  }
0x20f: {  	v0 =	vmul.f32 v3, v0;
	_ =	sdelay $0x1  }
0x210: {  	v0 =	vadd.f32 v1, v0;
	_ =	sdelay $0x1  }
0x211: {  	(xrf2) =	vadd.scan.msk.f32 $0xffff, v0;
	_ =	sdelay $0x4  }
0x212: {  	v0 =	vmov s18  }
0x213: {  	v0 =	vand.u32 $0xFFFFFFFC, v0  }
0x214: {  	v0 =	vbroadcast v0, $0x0;
	_ =	sdelay $0x2  }
0x215: {  	v1, _, _ =	vpop (xrf2)  }
0x216: {  	v1 =	vbroadcast v1, $0xF;
	_ =	sdelay $0x1  }
0x217: {  	[tilespmem:v0+s24+$0x0] =	vst.idx.msk $0x1, v1  }
0x218: {  	v0 =	vld [tilespmem:s0+$0xFFFFFFF0]  }
0x219: {  	v1 =	vld [tilespmem:s31+$0xFFFFFFE0]  }
0x21a: {  	v2 =	vld [tilespmem:s31+$0xFFFFFFF0]  }
0x21b: {  	v3 =	vld [tilespmem:s0+$0xFFFFFFE0];
	_ =	sdelay $0x3  }
0x21c: {  	v0 =	vmul.f32 v0, v2  }
0x21d: {  	v1 =	vmul.f32 v3, v1;
	_ =	sdelay $0x1  }
0x21e: {  	v0 =	vadd.f32 v0, v1;
	_ =	sdelay $0x1  }
0x21f: {  	(xrf2) =	vadd.scan.msk.f32 $0xffff, v0;
	_ =	sdelay $0x3  }
0x220: {  	s1 =	sadd.s32 $0x1, s18  }
0x221: {  	v0 =	vmov s1  }
0x222: {  	v0 =	vand.u32 $0xFFFFFFFD, v0  }
0x223: {  	v0 =	vbroadcast v0, $0x0;
	_ =	sdelay $0x2  }
0x224: {  	v1, _, _ =	vpop (xrf2)  }
0x225: {  	v1 =	vbroadcast v1, $0xF;
	_ =	sdelay $0x1  }
0x226: {  	[tilespmem:v0+s24+$0x0] =	vst.idx.msk $0x1, v1  }
0x227: {  	v0 =	vld [tilespmem:s31+$0x0]  }
0x228: {  	v1 =	vld [tilespmem:s0+$0x0]  }
0x229: {  	v2 =	vld [tilespmem:s0+$0x10]  }
0x22a: {  	v3 =	vld [tilespmem:s31+$0x10];
	_ =	sdelay $0x2  }
0x22b: {  	v0 =	vmul.f32 v1, v0;
	_ =	sdelay $0x1  }
0x22c: {  	v1 =	vmul.f32 v2, v3;
	_ =	sdelay $0x1  }
0x22d: {  	v0 =	vadd.f32 v1, v0;
	_ =	sdelay $0x1  }
0x22e: {  	(xrf2) =	vadd.scan.msk.f32 $0xffff, v0;
	_ =	sdelay $0x3  }
0x22f: {  	s1 =	sadd.s32 $0x2, s18  }
0x230: {  	v0 =	vmov s1  }
0x231: {  	v0 =	vand.u32 $0xFFFFFFFE, v0  }
0x232: {  	v0 =	vbroadcast v0, $0x0;
	_ =	sdelay $0x2  }
0x233: {  	v1, _, _ =	vpop (xrf2)  }
0x234: {  	v1 =	vbroadcast v1, $0xF;
	_ =	sdelay $0x1  }
0x235: {  	[tilespmem:v0+s24+$0x0] =	vst.idx.msk $0x1, v1  }
0x236: {  	v0 =	vld [tilespmem:s31+$0x20]  }
0x237: {  	v1 =	vld [tilespmem:s0+$0x30]  }
0x238: {  	v2 =	vld [tilespmem:s0+$0x20]  }
0x239: {  	v3 =	vld [tilespmem:s31+$0x30];
	_ =	sdelay $0x3  }
0x23a: {  	v0 =	vmul.f32 v2, v0  }
.Ltmp6:
0x23b: {  	v1 =	vmul.f32 v1, v3;
	(pc) =	sbr.rel @p0 .LBB2_15-.Ltmp6, $3  }
0x23c: {  	_ = 	snop  }
0x23d: {  	v0 =	vadd.f32 v1, v0;
	_ =	sdelay $0x1  }
0x23e: {  	(xrf2) =	vadd.scan.msk.f32 $0xffff, v0  }
0x23f: {  	_ =	sdelay $0x5  }
0x240: {  	s0 =	sadd.s32 $0x3, s18  }
0x241: {  	v0 =	vmov s0;
	_ =	sdelay $0x1  }
0x242: {  	v1, _, _ =	vpop (xrf2)  }
0x243: {  	s29 =	sadd.s32 $0x1, s29;
	v1 =	vbroadcast v1, $0xF  }
0x244: {  	s31 =	sshll.u32 s30, $0x1;
	p0 =	sne.s32 s29, $0x14  }
.Ltmp7:
0x245: {  	s0 =	sadd.s32 s31, s17;
	[tilespmem:v0+s24+$0x0] =	vst.idx.msk $0x1, v1;
	(pc) =	sbr.rel @p0 .LBB2_14-.Ltmp7, $4  }
0x246: {  	[hbm4b:s0+s25] =	stream.strided.scatter [tilespmem:s24], [sflag:$0x3], $0x400, s22, s25, $0x38;
	[tilespmem:$0x10600] =	vst v63  }
0x247: {  	_ =	swait.ge [sflag:s26], $0x400  }
0x248: {  	[sflag:s26] =	ssyncset.done $0x0  }
0x249: {  	[sflag:s26] =	ssyncadd.s32 $0xFFFFFC00  }
0x24a: {  	s2 =	rddreg [dreg:$0x3]  }
0x24b: {  	s0 =	rddreg [dreg:$0x4];
	s2 =	sadd.s32 $0x1, s2  }
0x24c: {  	p0 =	sne.s32 s2, s0  }
.Ltmp8:
0x24d: {  	_ = 	snop;
	(pc) =	sbr.rel @p0 .LBB2_1-.Ltmp8, $2  }
0x24e: {  	_ =	sdelay $0x2  }
0x24f: {  	s1 =	rddreg [dreg:$0x1]  }
0x250: {  	_ =	sfence.sel $0x180000  }
0x251: {  	[bflag:$0x0] =	sbarrier.arrive $0xFFFF  }
0x252: {  	_ =	strace $0x9000004A  }
0x253: {  	s0 =	stileid.u32;
	[bflag:$0x2] =	sbarrier.arrive $0xFFFF  }
0x254: {  	p0 =	sne.s32 s0, $0x0;
	s0 =	rddreg [dreg:$0x2]  }
0x255: {  	s0 =	sadd.s32 @!p0 $0x100000, s0  }
0x256: {  	[sflag:s0] =	ssyncadd.tile.s32 @!p0 $0x1;
	_ =	shalt  }
.Lfunc_end2:
_tile_overlayer_lowered:
.L_overlay_start_2:
0x257: {  	(tag) =	ssettag $0x2  }
0x258: {  	s0 =	rddreg [dreg:$0x0];
	s2 =	stileid.u32  }
0x259: {  	s1 =	rddreg [dreg:$0x1];
	p0 =	sne.s32 s2, $0x0  }
0x25a: {  	s3 =	rddreg [dreg:$0x2];
	[bflag:$0x3] =	sbarrier.arrive $0xFFFF;
	s2 =	simm.s32 @!p0 $0x1C03  }
0x25b: {  	[timem:s3], [sflag:s2] =	dma.local @!p0 [hbm:s0], s1  }
0x25c: {  	s0 =	simm.s32 @!p0 $0x3  }
0x25d: {  	_ =	swait.ge @!p0 [sflag:s0], s1  }
0x25e: {  	s1 =	ssub.s32 @!p0 $0x0, s1;
	[sflag:s0] =	ssyncset.done @!p0 $0x0  }
0x25f: {  	[sflag:s0] =	ssyncadd.s32 @!p0 s1  }
0x260: {  	[bflag:$0x3] =	sbarrier.arrive $0xFFFF  }
0x261: {  	_ =	shalt  }

// kernel: kernel.16.cloned.1.call-start
scs
__scs_entry_jumppad:
0x0: {  	(pc) =	sbr.rel $0x88, $3  }
0x1: {  	(tag) =	ssettag $0x0;
	lr =	simm.s32 $0x1  }
0x2: {  	[smem:$0x3F89] =	sst lr;
	_ =	strace $0xD0000000  }
0x3: {  	_ = 	snop  }
0x4: {  	_ = 	snop  }
0x5: {  	_ = 	snop  }
0x6: {  	_ = 	snop  }
0x7: {  	_ = 	snop  }
__scs_overlays_trampoline_lowered:
0x8: {  	[smem:$0x3F98] =	sst s0  }
0x9: {  	[smem:$0x3F99] =	sst s1  }
0xa: {  	[smem:$0x3F9A] =	sst s2  }
0xb: {  	[smem:$0x3F9B] =	sst s3  }
0xc: {  	[smem:$0x3F9C] =	sst s4  }
0xd: {  	[smem:$0x3F9D] =	sst s5  }
0xe: {  	[smem:$0x3F9E] =	sst s6  }
0xf: {  	[smem:$0x3F9F] =	sst s7  }
0x10: {  	[smem:$0x3FA0] =	sst s8  }
0x11: {  	[smem:$0x3FA1] =	sst s9;
	s0 =	simm.s32 @!p0 $0x0  }
0x12: {  	s1 =	sld [smem:$0x3F87];
	s0 =	simm.s32 @p0 $0x1  }
0x13: {  	[smem:$0x3FA2] =	sst s0;
	s0 =	simm.s32 @!p1 $0x0  }
0x14: {  	s2 =	sld [smem:$0x3F86];
	s0 =	simm.s32 @p1 $0x1  }
0x15: {  	[smem:$0x3FA3] =	sst s0;
	s0 =	simm.s32 @!p2 $0x0  }
0x16: {  	s3 =	sld [smem:$0x3FDB];
	s0 =	simm.s32 @p2 $0x1  }
0x17: {  	s4 =	simm.s32 $0x1BF5;
	[smem:$0x3FA5] =	sst s0  }
0x18: {  	s0 =	sld [smem:$0x3F88];
	_ =	swait.ge [sflag:s4], $0x0  }
0x19: {  	s7 =	sld [smem:$0x3F89]  }
0x1a: {  	s8 =	sadd.s32 $0xFFFFE003, lr  }
0x1b: {  	s9 =	sadd.s32 $0xFFFFFEF7, lr;
	s5 =	simm.s32 $0xFFFFFFFF;
	p2 =	slt.u32 s8, $0xFFFFF086  }
0x1c: {  	p1 =	slt.u32 s9, $0xF7A;
	s5 =	simm.s32 @!p2 $0x0  }
0x1d: {  	s5 =	simm.s32 @p1 $0x1;
	p0 =	seq.s32 s7, s2  }
0x1e: {  	s7 =	smul.u32 @!p0 $0xF7A, s2;
	p2 =	seq.s32 @!p0 s5, $0x0  }
0x1f: {  	s9 =	smul.u32 $0xF7A, s1;
	s8 =	simm.s32 @!p0 $0x1BF5;
	p2 =	por !p2, p0  }
0x20: {  	[sflag:s8] =	ssyncset.s32 @!p0 $0xFFFFF086;
	s6 =	sadd.s32 @!p0 s3, s7;
	s7 =	simm.s32 @!p0 $0x108  }
0x21: {  	s3 =	sadd.s32 s3, s9;
	s6 =	sadd.s32 @!p0 $0x88, s6;
	s7 =	simm.s32 @p2 $0x1082  }
0x22: {  	[simem:s7], [sflag:s8] =	dma.local @!p0 [hbm:s6], $0xF7A  }
0x23: {  	s9 =	sor.u32 $0xD0000000, s2;
	s6 =	simm.s32 $0x108;
	_ =	swait.ge @!p0 [sflag:s8], $0x0  }
0x24: {  	s3 =	sadd.s32 $0x88, s3;
	s6 =	simm.s32 @!p1 $0x1082;
	[sflag:s4] =	ssyncset.s32 $0xFFFFF086  }
0x25: {  	[simem:s6], [sflag:s4] =	dma.local [hbm:s3], $0xF7A  }
0x26: {  	[smem:$0x3F89] =	sst s1;
	(tag) =	ssettag s2;
	_ =	strace s9  }
0x27: {  	s1 =	sld [smem:$0x3F99]  }
0x28: {  	s2 =	sld [smem:$0x3F9A]  }
0x29: {  	s4 =	sld [smem:$0x3F9C]  }
0x2a: {  	p0 =	seq.s32 s5, $0x0;
	s5 =	sld [smem:$0x3F9D]  }
0x2b: {  	s6 =	sld [smem:$0x3F9E]  }
0x2c: {  	s7 =	sld [smem:$0x3F9F]  }
0x2d: {  	s3 =	simm.s32 $0x108;
	s8 =	sld [smem:$0x3FA0]  }
0x2e: {  	s3 =	simm.s32 @!p0 $0x1082;
	s9 =	sld [smem:$0x3FA1]  }
0x2f: {  	lr =	sadd.s32 s0, s3;
	s0 =	sld [smem:$0x3F98]  }
0x30: {  	s3 =	sld [smem:$0x3F9B]  }
0x31: {  	[smem:$0x3FA4] =	sst s10  }
0x32: {  	s10 =	sld [smem:$0x3FA2];
	_ =	sdelay $0x3  }
0x33: {  	p0 =	seq.s32 s10, $0x1;
	s10 =	sld [smem:$0x3FA4];
	_ =	sdelay $0x3  }
0x34: {  	[smem:$0x3FA4] =	sst s10  }
0x35: {  	s10 =	sld [smem:$0x3FA3];
	_ =	sdelay $0x3  }
0x36: {  	p1 =	seq.s32 s10, $0x1;
	s10 =	sld [smem:$0x3FA4];
	_ =	sdelay $0x3  }
0x37: {  	[smem:$0x3FA4] =	sst s10  }
0x38: {  	s10 =	sld [smem:$0x3FA5]  }
0x39: {  	_ = 	snop;
	(pc) =	sbr.ind lr, $3  }
0x3a: {  	_ = 	snop  }
0x3b: {  	_ = 	snop  }
0x3c: {  	p2 =	seq.s32 s10, $0x1;
	s10 =	sld [smem:$0x3FA4]  }
0x3d: {  	_ =	shalt  }
0x3e: {  	_ =	shalt  }
0x3f: {  	_ =	shalt  }
0x40: {  	_ =	shalt  }
0x41: {  	_ =	shalt  }
0x42: {  	_ =	shalt  }
0x43: {  	_ =	shalt  }
0x44: {  	_ =	shalt  }
0x45: {  	_ =	shalt  }
0x46: {  	_ =	shalt  }
0x47: {  	_ =	shalt  }
0x48: {  	_ =	shalt  }
0x49: {  	_ =	shalt  }
0x4a: {  	_ =	shalt  }
0x4b: {  	_ =	shalt  }
0x4c: {  	_ =	shalt  }
0x4d: {  	_ =	shalt  }
0x4e: {  	_ =	shalt  }
0x4f: {  	_ =	shalt  }
0x50: {  	_ =	shalt  }
0x51: {  	_ =	shalt  }
0x52: {  	_ =	shalt  }
0x53: {  	_ =	shalt  }
0x54: {  	_ =	shalt  }
0x55: {  	_ =	shalt  }
0x56: {  	_ =	shalt  }
0x57: {  	_ =	shalt  }
0x58: {  	_ =	shalt  }
0x59: {  	_ =	shalt  }
0x5a: {  	_ =	shalt  }
0x5b: {  	_ =	shalt  }
0x5c: {  	_ =	shalt  }
0x5d: {  	_ =	shalt  }
0x5e: {  	_ =	shalt  }
0x5f: {  	_ =	shalt  }
0x60: {  	_ =	shalt  }
0x61: {  	_ =	shalt  }
0x62: {  	_ =	shalt  }
0x63: {  	_ =	shalt  }
0x64: {  	_ =	shalt  }
0x65: {  	_ =	shalt  }
0x66: {  	_ =	shalt  }
0x67: {  	_ =	shalt  }
0x68: {  	_ =	shalt  }
0x69: {  	_ =	shalt  }
0x6a: {  	_ =	shalt  }
0x6b: {  	_ =	shalt  }
0x6c: {  	_ =	shalt  }
0x6d: {  	_ =	shalt  }
0x6e: {  	_ =	shalt  }
0x6f: {  	_ =	shalt  }
0x70: {  	_ =	shalt  }
0x71: {  	_ =	shalt  }
0x72: {  	_ =	shalt  }
0x73: {  	_ =	shalt  }
0x74: {  	_ =	shalt  }
0x75: {  	_ =	shalt  }
0x76: {  	_ =	shalt  }
0x77: {  	_ =	shalt  }
0x78: {  	_ =	shalt  }
0x79: {  	_ =	shalt  }
0x7a: {  	_ =	shalt  }
0x7b: {  	_ =	shalt  }
0x7c: {  	_ =	shalt  }
0x7d: {  	_ =	shalt  }
0x7e: {  	_ =	shalt  }
0x7f: {  	_ =	shalt  }
0x80: {  	_ =	shalt  }
0x81: {  	_ =	shalt  }
0x82: {  	_ =	shalt  }
0x83: {  	_ =	shalt  }
0x84: {  	_ =	shalt  }
0x85: {  	_ =	shalt  }
0x86: {  	_ =	shalt  }
0x87: {  	_ =	shalt  }
.Lfunc_end0:
.L_simem_size_0:
called_computation.2_lowered:
.L_overlay_start_0:
0x88: {  	s2 =	sld [smem:$0x3FD9]  }
0x89: {  	s3 =	sld [smem:$0x3FFE];
	_ =	sdelay $0x1  }
0x8a: {  	s1 =	srdreg.scid  }
0x8b: {  	s0 =	sand.u32 $0x1, s1  }
0x8c: {  	s15 =	sshll.u32 s0, $0xA;
	s2 =	sadd.s32 s3, s2  }
0x8d: {  	s2 =	sadd.s32 s2, s15  }
0x8e: {  	[smem:$0x3FB0] =	sst s2  }
0x8f: {  	_ = 	snop  }
0x90: {  	s2 =	sld [smem:$0x3FD0];
	_ =	sdelay $0x2  }
0x91: {  	s16 =	simm.s32 $0xB;
	s4 =	simm.s32 $0x10  }
0x92: {  	[smem:s4], [sflag:s16] =	dma.local [hbm:s2], $0x1  }
0x93: {  	_ =	swait.eq [sflag:s16], $0x1  }
0x94: {  	[sflag:s16] =	ssyncset.done $0x0  }
0x95: {  	[sflag:s16] =	ssyncadd.s32 $0xFFFFFFFF  }
0x96: {  	s17 =	sld [smem:$0x10];
	(tm) =	ssettm $0x1  }
0x97: {  	s18 =	sld [smem:$0x3FFB];
	_ =	sdelay $0x3  }
0x98: {  	_ =	strace s18  }
0x99: {  	s2 =	sld [smem:$0x3FFC];
	_ =	sdelay $0x3  }
0x9a: {  	_ =	strace s2  }
0x9b: {  	s2 =	sld [smem:$0x3FFD];
	_ =	sdelay $0x3  }
0x9c: {  	_ =	strace s2  }
0x9d: {  	_ =	strace $0x8FFFFFFF  }
0x9e: {  	s19 =	sld [smem:$0x3FDB];
	_ =	sdelay $0x1  }
0x9f: {  	s20 =	simm.s32 $_scs_section_size  }
0xa0: {  	s5 =	simm.s32 $_size__tile_overlayer_lowered;
	s6 =	simm.s32 $_tile_overlayer_lowered  }
0xa1: {  	s7 =	simm.s32 $0x1BFF;
	s21 =	sshll.u32 s6, $0x1;
	s4 =	sadd.s32 s20, s19  }
0xa2: {  	s22 =	simm.s32 $0x0;
	s5 =	sshll.u32 s5, $0x1;
	s6 =	sadd.s32 s21, s4  }
0xa3: {  	[timem:s22], [sflag:s7] =	dma.local [hbm:s6], s5  }
0xa4: {  	_ =	swait.ge [sflag:s7], s5  }
0xa5: {  	s5 =	ssub.s32 $0x0, s5;
	[sflag:s7] =	ssyncset.done $0x0  }
0xa6: {  	[sflag:s7] =	ssyncadd.s32 s5;
	_ =	sdelay $0x1  }
0xa7: {  	s23 =	simm.s32 $0x1B8B  }
0xa8: {  	_ =	swait.ge [sflag:s23], $0x1  }
0xa9: {  	[sflag:s23] =	ssyncset.done $0x0  }
0xaa: {  	[sflag:s23] =	ssyncadd.s32 $0xFFFFFFFF  }
0xab: {  	s5 =	sld [smem:$0x0]  }
0xac: {  	s6 =	sand.u32 $0xFFFFFFFE, s1  }
0xad: {  	p0 =	sne.s32 s1, s6  }
0xae: {  	s6 =	sshll.u32 @p0 s6, $0xE  }
0xaf: {  	s6 =	sadd.s32 @p0 $0x11B8D, s6;
	s7 =	sshll.u32 @p0 s5, $0x11  }
0xb0: {  	s6 =	sor.u32 @p0 s7, s6  }
0xb1: {  	[sflag:s6] =	ssyncadd.remote.s32 @p0 $0x1;
	_ =	sdelay $0x1  }
0xb2: {  	s6 =	simm.s32 @p0 $0x1B8D  }
0xb3: {  	_ =	swait.eq @p0 [sflag:s6], $0x1  }
0xb4: {  	[sflag:s6] =	ssyncadd.s32 @p0 $0xFFFFFFFF  }
0xb5: {  	s7 =	sshll.u32 @!p0 s1, $0xE  }
0xb6: {  	s7 =	sor.u32 @!p0 $0x4000, s7;
	s6 =	simm.s32 @!p0 $0x1B8D  }
0xb7: {  	s5 =	sshll.u32 @!p0 s5, $0x11;
	s7 =	sadd.s32 @!p0 $0x11B8D, s7;
	_ =	swait.eq @!p0 [sflag:s6], $0x1  }
0xb8: {  	s5 =	sor.u32 @!p0 s5, s7;
	[sflag:s6] =	ssyncadd.s32 @!p0 $0xFFFFFFFF  }
0xb9: {  	s25 =	simm.s32 $0x1B8E;
	s24 =	sld [smem:$0x3FFE];
	[sflag:s5] =	ssyncadd.remote.s32 @!p0 $0x1  }
0xba: {  	s26 =	simm.s32 $execute0_lowered;
	[smem:$0x3FD2] =	sst s25  }
0xbb: {  	s6 =	sshll.u32 s26, $0x1;
	_ =	strace $0x8000004F;
	[dreg:$0x1] =	wrdreg $0xFFFFFFFF  }
0xbc: {  	s28 =	simm.s32 $_size_execute0_lowered;
	s4 =	sadd.s32 s4, s6;
	[dreg:$0x0] =	wrdreg $0x0  }
0xbd: {  	s6 =	sshll.u32 s28, $0x1;
	[dreg:$0x2] =	wrdreg s4  }
0xbe: {  	[dreg:$0x3] =	wrdreg s6  }
0xbf: {  	[dreg:$0x4] =	wrdreg $0xC0  }
0xc0: {  	_ =	task [dreg:s22], $0x5FFFF  }
0xc1: {  	[dreg:$0x1] =	wrdreg $0xFFFFFFFF  }
0xc2: {  	[dreg:$0x0] =	wrdreg $0x60  }
0xc3: {  	[dreg:$0x2] =	wrdreg s17  }
0xc4: {  	[dreg:$0x3] =	wrdreg s24  }
0xc5: {  	[dreg:$0x4] =	wrdreg $0x0  }
0xc6: {  	[dreg:$0x5] =	wrdreg $0x9  }
0xc7: {  	_ =	task.clear_ibuf [dreg:s22], $0x6FFFF;
	_ =	strace $0x9000004F  }
0xc8: {  	s29 =	simm.s32 $0x9;
	_ =	strace $0x80000051  }
0xc9: {  	_ =	swait.ge [sflag:s29], $0x1  }
0xca: {  	[sflag:s29] =	ssyncadd.s32 $0xFFFFFFFF  }
0xcb: {  	_ =	strace $0x90000051  }
0xcc: {  	_ =	sfence  }
0xcd: {  	s30 =	sld [smem:$0x0];
	_ =	sdelay $0x2  }
0xce: {  	s31 =	sshll.u32 s1, $0xD;
	s1 =	sshrl.u32 s1, $0x2  }
0xcf: {  	s4 =	sand.u32 $0x4000, s31;
	s1 =	sadd.s32 s1, s30  }
0xd0: {  	s0 =	sor.u32 s4, s0;
	s1 =	sshll.u32 s1, $0x11  }
0xd1: {  	s0 =	sor.u32 s1, s0  }
0xd2: {  	s0 =	sadd.s32 $0x8F2B, s0  }
0xd3: {  	[sflag:s0] =	ssyncadd.remote.s32 $0x1  }
0xd4: {  	_ =	sfence.sel $0xFFFF  }
0xd5: {  	[dreg:$0x0] =	wrdreg $0xFFFFFFFF;
	(pc) =	sbr.abs _section_cstart, $3  }
0xd6: {  	[dreg:$0x1] =	wrdreg $0xFFFFFFFF  }
0xd7: {  	_ =	task.clear_ibuf [dreg:s22], $0x2FFFF;
	_ =	strace $0x9FFFFFFF  }
0xd8: {  	(tm) =	ssettm $0x7FFFFFFF  }
0xd9: {  	_ =	shalt  }
tec
execute0_lowered:
.L_overlay_start_1:
0x0: {  	(tag) =	ssettag $0x1  }
0x1: {  	s0 =	rddreg [dreg:$0x0]  }
0x2: {  	s2 =	rddreg [dreg:$0x1]  }
0x3: {  	s1 =	rddreg [dreg:$0x2];
	s4 =	srdreg.scid  }
0x4: {  	s3 =	simm.s32 $0x0;
	s12 =	stileid.u32;
	s19 =	simm.s32 $0x1C500  }
0x5: {  	s20 =	simm.s32 $0x3;
	s21 =	simm.s32 $0x14000;
	s22 =	simm.s32 $0x80  }
0x6: {  	s23 =	simm.s32 $0x200;
	s28 =	simm.s32 $0x2;
	s29 =	simm.s32 $0x14500  }
0x7: {  	s30 =	simm.s32 $0x100;
	[smem:$0x7FF] =	sst s3;
	s8 =	smul.u32 $0x50000, s12  }
0x8: {  	s6 =	sand.u32 $0x1, s4;
	s4 =	sadd.s32 $0x148800, s2;
	s2 =	sadd.s32 $0x14D800, s2  }
0x9: {  	s5 =	ssub.s32 $0x2, s6;
	_ =	strace $0x80000050;
	s26 =	smul.u32 $0x50000, s6  }
0xa: {  	s10 =	sshllo.u32 s6, $0x1;
	s31 =	sshll.u32 s6, $0x5;
	s6 =	smul.u32 $0x2800, s12  }
0xb: {  	s7 =	sshrl.u32 s5, $0x1;
	s25 =	sshrl.u32 s8, $0x2;
	s11 =	smul.u32 $0x28000, s10  }
0xc: {  	s10 =	sshll.u32 s10, $0x4;
	s9 =	ssub.s32 s5, s7;
	s5 =	sadd.s32 s25, s1  }
0xd: {  	s7 =	sadd.s32 s0, s31;
	s24 =	sadd.s32 s2, s26;
	s8 =	sadd.s32 s0, s10  }
0xe: {  	s11 =	sadd.s32 s2, s11;
	s25 =	smax.u32 s9, $0x1;
	s10 =	sadd.s32 $0x2000, s5  }
0xf: {  	s26 =	sadd.s32 $0x4000, s5;
	s12 =	sadd.s32 $0x6000, s5;
	s13 =	sadd.s32 $0x8000, s5  }
0x10: {  	vm0 =	vcmask $0x1F14;
	vm1 =	vcmask $0xF04;
	s14 =	sadd.s32 $0xA000, s5;
	s15 =	sadd.s32 $0xC000, s5;
	[dreg:$0x4] =	wrdreg s25  }
0x11: {  	v0 =	vimm.f32 $0.0e+00;
	vm0 =	vmor vm1, vm0;
	vm1 =	vcmask $0x2F24;
	s16 =	sadd.s32 $0xE000, s5;
	s31 =	sadd.s32 s6, s24;
	[dreg:$0x5] =	wrdreg s26  }
0x12: {  	v1 =	vlaneseq.u32;
	vm0 =	vmor vm0, vm1;
	vm1 =	vcmask $0x3F34;
	s17 =	sadd.s32 $0x10000, s5;
	[dreg:$0x6] =	wrdreg s31;
	s0 =	sadd.s32 s6, s11  }
0x13: {  	v2 =	vimm.s32 $0x0;
	v3 =	vand.u32 $0x3, v1;
	vm0 =	vmor vm0, vm1;
	s18 =	sadd.s32 $0x12000, s5;
	s26 =	simm.s32 $0x1;
	[dreg:$0x7] =	wrdreg s0  }
.LBB2_1:
0x14: {  	s0 =	simm.s32 $0x0;
	s2 =	simm.s32 $0x200  }
.LBB2_2:
0x15: {  	p0 =	sne.s32 s2, $0x7E00;
	[tilespmem:s0+$0x1C570] =	vst v0  }
0x16: {  	[tilespmem:s0+$0x1C500] =	vst v0  }
0x17: {  	[tilespmem:s0+$0x1C510] =	vst v0  }
.Ltmp0:
0x18: {  	[tilespmem:s0+$0x1C520] =	vst v0;
	(pc) =	sbr.rel @p0 .LBB2_2-.Ltmp0, $4  }
0x19: {  	[tilespmem:s0+$0x1C530] =	vst v0  }
0x1a: {  	[tilespmem:s0+$0x1C540] =	vst v0  }
0x1b: {  	[tilespmem:s0+$0x1C550] =	vst v0  }
0x1c: {  	[tilespmem:s0+$0x1C560] =	vst v0;
	s0 =	sshra.s32 s2, $0x2;
	s2 =	sadd.s32 $0x200, s2  }
0x1d: {  	[tilespmem:s0+$0x1C570] =	vst v0  }
0x1e: {  	[tilespmem:s0+$0x1C500] =	vst v0  }
0x1f: {  	[tilespmem:s0+$0x1C510] =	vst v0  }
0x20: {  	[tilespmem:s0+$0x1C520] =	vst v0  }
0x21: {  	[tilespmem:s0+$0x1C530] =	vst v0  }
0x22: {  	[tilespmem:s0+$0x1C540] =	vst v0  }
0x23: {  	[tilespmem:s0+$0x1C550] =	vst v0  }
0x24: {  	[tilespmem:s0+$0x1C560] =	vst v0;
	s0 =	simm.s32 $0x0;
	s2 =	simm.s32 $0x200  }
.LBB2_4:
0x25: {  	p0 =	sne.s32 s2, $0x1FE00;
	[tilespmem:s0+$0x14570] =	vst v0  }
0x26: {  	[tilespmem:s0+$0x14500] =	vst v0  }
0x27: {  	[tilespmem:s0+$0x14510] =	vst v0  }
.Ltmp1:
0x28: {  	[tilespmem:s0+$0x14520] =	vst v0;
	(pc) =	sbr.rel @p0 .LBB2_4-.Ltmp1, $4  }
0x29: {  	[tilespmem:s0+$0x14530] =	vst v0  }
0x2a: {  	[tilespmem:s0+$0x14540] =	vst v0  }
0x2b: {  	[tilespmem:s0+$0x14550] =	vst v0  }
0x2c: {  	[tilespmem:s0+$0x14560] =	vst v0;
	s0 =	sshra.s32 s2, $0x2;
	s2 =	sadd.s32 $0x200, s2  }
0x2d: {  	[tilespmem:s0+$0x14570] =	vst v0  }
0x2e: {  	[tilespmem:s0+$0x14500] =	vst v0  }
0x2f: {  	[tilespmem:s0+$0x14510] =	vst v0  }
0x30: {  	[tilespmem:s0+$0x14520] =	vst v0  }
0x31: {  	[tilespmem:s0+$0x14530] =	vst v0  }
0x32: {  	[tilespmem:s0+$0x14540] =	vst v0  }
0x33: {  	[tilespmem:s0+$0x14550] =	vst v0  }
0x34: {  	[tilespmem:s0+$0x14560] =	vst v0  }
0x35: {  	[spmem:s5] =	stream.linear.scatter [tilespmem:s19], [sflag:$0x3], $0x2000, $0x38;
	[tilespmem:$0x1E500] =	vst v63  }
0x36: {  	_ =	swait.ge [sflag:s20], $0x2000  }
0x37: {  	[sflag:s20] =	ssyncset.done $0x0  }
0x38: {  	[sflag:s20] =	ssyncadd.s32 $0xFFFFE000  }
0x39: {  	[spmem:s10] =	stream.linear.scatter [tilespmem:s19], [sflag:$0x3], $0x2000, $0x38;
	[tilespmem:$0x1E500] =	vst v63  }
0x3a: {  	_ =	swait.ge [sflag:s20], $0x2000  }
0x3b: {  	[sflag:s20] =	ssyncset.done $0x0  }
0x3c: {  	s31 =	rddreg [dreg:$0x5];
	[sflag:s20] =	ssyncadd.s32 $0xFFFFE000  }
0x3d: {  	[spmem:s31] =	stream.linear.scatter [tilespmem:s19], [sflag:$0x3], $0x2000, $0x38;
	[tilespmem:$0x1E500] =	vst v63  }
0x3e: {  	_ =	swait.ge [sflag:s20], $0x2000  }
0x3f: {  	[sflag:s20] =	ssyncset.done $0x0  }
0x40: {  	[sflag:s20] =	ssyncadd.s32 $0xFFFFE000  }
0x41: {  	[spmem:s12] =	stream.linear.scatter [tilespmem:s19], [sflag:$0x3], $0x2000, $0x38;
	[tilespmem:$0x1E500] =	vst v63  }
0x42: {  	_ =	swait.ge [sflag:s20], $0x2000  }
0x43: {  	[sflag:s20] =	ssyncset.done $0x0  }
0x44: {  	[sflag:s20] =	ssyncadd.s32 $0xFFFFE000  }
0x45: {  	[spmem:s13] =	stream.linear.scatter [tilespmem:s19], [sflag:$0x3], $0x2000, $0x38;
	[tilespmem:$0x1E500] =	vst v63  }
0x46: {  	_ =	swait.ge [sflag:s20], $0x2000  }
0x47: {  	[sflag:s20] =	ssyncset.done $0x0  }
0x48: {  	[sflag:s20] =	ssyncadd.s32 $0xFFFFE000  }
0x49: {  	[spmem:s14] =	stream.linear.scatter [tilespmem:s19], [sflag:$0x3], $0x2000, $0x38;
	[tilespmem:$0x1E500] =	vst v63  }
0x4a: {  	_ =	swait.ge [sflag:s20], $0x2000  }
0x4b: {  	[sflag:s20] =	ssyncset.done $0x0  }
0x4c: {  	[sflag:s20] =	ssyncadd.s32 $0xFFFFE000  }
0x4d: {  	[spmem:s15] =	stream.linear.scatter [tilespmem:s19], [sflag:$0x3], $0x2000, $0x38;
	[tilespmem:$0x1E500] =	vst v63  }
0x4e: {  	_ =	swait.ge [sflag:s20], $0x2000  }
0x4f: {  	[sflag:s20] =	ssyncset.done $0x0  }
0x50: {  	[sflag:s20] =	ssyncadd.s32 $0xFFFFE000  }
0x51: {  	[spmem:s16] =	stream.linear.scatter [tilespmem:s19], [sflag:$0x3], $0x2000, $0x38;
	[tilespmem:$0x1E500] =	vst v63  }
0x52: {  	_ =	swait.ge [sflag:s20], $0x2000  }
0x53: {  	[sflag:s20] =	ssyncset.done $0x0  }
0x54: {  	[sflag:s20] =	ssyncadd.s32 $0xFFFFE000  }
0x55: {  	[spmem:s17] =	stream.linear.scatter [tilespmem:s19], [sflag:$0x3], $0x2000, $0x38;
	[tilespmem:$0x1E500] =	vst v63  }
0x56: {  	_ =	swait.ge [sflag:s20], $0x2000  }
0x57: {  	[sflag:s20] =	ssyncset.done $0x0  }
0x58: {  	[sflag:s20] =	ssyncadd.s32 $0xFFFFE000  }
0x59: {  	[spmem:s18] =	stream.linear.scatter [tilespmem:s19], [sflag:$0x3], $0x2000, $0x38;
	[tilespmem:$0x1E500] =	vst v63  }
0x5a: {  	_ =	swait.ge [sflag:s20], $0x2000  }
0x5b: {  	[sflag:s20] =	ssyncset.done $0x0  }
0x5c: {  	[sflag:s20] =	ssyncadd.s32 $0xFFFFE000  }
0x5d: {  	s0 =	simm.s32 $0x0;
	s2 =	simm.s32 $0x0;
	[bflag:$0x0] =	sbarrier.arrive $0xFFFF  }
.LBB2_6:
0x5e: {  	s9 =	sshll.u32 s2, $0x8  }
0x5f: {  	s9 =	sadd.s32 s6, s9  }
0x60: {  	s24 =	sshrl.u32 s9, $0x3  }
0x61: {  	s9 =	sshll.u32 s9, $0x1;
	s24 =	sadd.s32 s4, s24  }
0x62: {  	[tilespmem:s21], [sflag:$0x1] =	stream.linear.gather [hbm4b:s24+s0], $0x100, $0x38;
	[tilespmem:$0x1E500] =	vst v63  }
0x63: {  	s31 =	sadd.s32 s9, s7;
	s9 =	simm.s32 $0x14100  }
0x64: {  	[tilespmem:s9], [sflag:$0x2] =	stream.strided.gather [hbm4b:s31+s22], $0x400, s23, s22, $0x38;
	[tilespmem:$0x1E500] =	vst v63  }
0x65: {  	v4 =	vmov s0;
	_ =	swait.ge [sflag:s26], $0x100  }
0x66: {  	vm1 =	veq.s32 v4, v1;
	[sflag:s26] =	ssyncset.done $0x0  }
0x67: {  	v4 =	vor.u32 s0, v1;
	vm1 =	vmand vm1, vm0;
	[sflag:s26] =	ssyncadd.s32 $0xFFFFFF00  }
0x68: {  	v4 =	vshrl.u32 v4, $0x2;
	v5 =	vsel vm1, $0xFFFFFFFF, v2;
	_ =	swait.ge [sflag:s28], $0x400  }
0x69: {  	v4 =	vadd.s32 v5, v4;
	[sflag:s28] =	ssyncset.done $0x0  }
0x6a: {  	s24 =	simm.s32 $0x10;
	v4 =	vshll.u32 v4, $0x7;
	[sflag:s28] =	ssyncadd.s32 $0xFFFFFC00  }
.LBB2_7:
0x6b: {  	v5 =	vmov s24;
	p0 =	sne.s32 s24, $0x3F0;
	v6 =	vld [tilespmem:s9+$0x0];
	v7 =	vor.u32 v3, v4;
	s25 =	smov.u32 s24;
	s24 =	sadd.s32 $0x10, s24  }
.Ltmp2:
0x6c: {  	vm1 =	veq.s32 v5, v1;
	(pc) =	sbr.rel @p0 .LBB2_7-.Ltmp2, $4  }
0x6d: {  	v4 =	vor.u32 s25, v1;
	vm1 =	vmand vm1, vm0  }
0x6e: {  	v4 =	vshrl.u32 v4, $0x2;
	v5 =	vsel vm1, $0xFFFFFFFF, v2  }
0x6f: {  	v4 =	vadd.s32 v5, v4  }
0x70: {  	s9 =	sadd.s32 $0x10, s9;
	v4 =	vshll.u32 v4, $0x7;
	[tilespmem:v7+s29+$0x0] =	vst.idx.msk $0xffff, v6  }
0x71: {  	v5 =	vld [tilespmem:s9+$0x0];
	v4 =	vor.u32 v3, v4;
	_ =	sdelay $0x2  }
0x72: {  	s2 =	sadd.s32 $0x1, s2  }
0x73: {  	p0 =	sne.s32 s2, $0x28  }
.Ltmp3:
0x74: {  	[tilespmem:v4+s29+$0x0] =	vst.idx.msk $0xffff, v5;
	(pc) =	sbr.rel @p0 .LBB2_6-.Ltmp3, $4  }
0x75: {  	[spmem:s1] =	stream.indirect.scatter.add.f32 [tilespmem:s29], [sflag:$0x3], $0x80, s21, s30, $0xb8;
	[tilespmem:$0x1E500] =	vst v63  }
0x76: {  	_ =	swait.ge [sflag:s20], $0x8000  }
0x77: {  	[sflag:s20] =	ssyncset.done $0x0  }
0x78: {  	[sflag:s20] =	ssyncadd.s32 $0xFFFF8000  }
0x79: {  	s0 =	stileid.u32  }
0x7a: {  	[bflag:$0x0] =	sbarrier.arrive $0xFFFF;
	s0 =	sshll.u32 s0, $0x6  }
0x7b: {  	s2 =	rddreg [dreg:$0x6];
	s31 =	sor.u32 $0x1C03, s0;
	s0 =	sshrl.u32 s5, $0x3  }
0x7c: {  	[hbm:s2], [sflag:s31] =	dma.local [spmem:s0], $0x2800  }
0x7d: {  	_ =	swait.ge [sflag:s20], $0x2800  }
0x7e: {  	[sflag:s20] =	ssyncset.done $0x0  }
0x7f: {  	[sflag:s20] =	ssyncadd.s32 $0xFFFFD800  }
0x80: {  	[bflag:$0x0] =	sbarrier.arrive $0xFFFF  }
0x81: {  	[spmem:s5] =	stream.linear.scatter [tilespmem:s19], [sflag:$0x3], $0x2000, $0x38;
	[tilespmem:$0x1E500] =	vst v63  }
0x82: {  	_ =	swait.ge [sflag:s20], $0x2000  }
0x83: {  	[sflag:s20] =	ssyncset.done $0x0  }
0x84: {  	[sflag:s20] =	ssyncadd.s32 $0xFFFFE000  }
0x85: {  	[spmem:s10] =	stream.linear.scatter [tilespmem:s19], [sflag:$0x3], $0x2000, $0x38;
	[tilespmem:$0x1E500] =	vst v63  }
0x86: {  	_ =	swait.ge [sflag:s20], $0x2000  }
0x87: {  	[sflag:s20] =	ssyncset.done $0x0  }
0x88: {  	s25 =	rddreg [dreg:$0x5];
	[sflag:s20] =	ssyncadd.s32 $0xFFFFE000  }
0x89: {  	[spmem:s25] =	stream.linear.scatter [tilespmem:s19], [sflag:$0x3], $0x2000, $0x38;
	[tilespmem:$0x1E500] =	vst v63  }
0x8a: {  	_ =	swait.ge [sflag:s20], $0x2000  }
0x8b: {  	[sflag:s20] =	ssyncset.done $0x0  }
0x8c: {  	[sflag:s20] =	ssyncadd.s32 $0xFFFFE000  }
0x8d: {  	[spmem:s12] =	stream.linear.scatter [tilespmem:s19], [sflag:$0x3], $0x2000, $0x38;
	[tilespmem:$0x1E500] =	vst v63  }
0x8e: {  	_ =	swait.ge [sflag:s20], $0x2000  }
0x8f: {  	[sflag:s20] =	ssyncset.done $0x0  }
0x90: {  	[sflag:s20] =	ssyncadd.s32 $0xFFFFE000  }
0x91: {  	[spmem:s13] =	stream.linear.scatter [tilespmem:s19], [sflag:$0x3], $0x2000, $0x38;
	[tilespmem:$0x1E500] =	vst v63  }
0x92: {  	_ =	swait.ge [sflag:s20], $0x2000  }
0x93: {  	[sflag:s20] =	ssyncset.done $0x0  }
0x94: {  	[sflag:s20] =	ssyncadd.s32 $0xFFFFE000  }
0x95: {  	[spmem:s14] =	stream.linear.scatter [tilespmem:s19], [sflag:$0x3], $0x2000, $0x38;
	[tilespmem:$0x1E500] =	vst v63  }
0x96: {  	_ =	swait.ge [sflag:s20], $0x2000  }
0x97: {  	[sflag:s20] =	ssyncset.done $0x0  }
0x98: {  	[sflag:s20] =	ssyncadd.s32 $0xFFFFE000  }
0x99: {  	[spmem:s15] =	stream.linear.scatter [tilespmem:s19], [sflag:$0x3], $0x2000, $0x38;
	[tilespmem:$0x1E500] =	vst v63  }
0x9a: {  	_ =	swait.ge [sflag:s20], $0x2000  }
0x9b: {  	[sflag:s20] =	ssyncset.done $0x0  }
0x9c: {  	[sflag:s20] =	ssyncadd.s32 $0xFFFFE000  }
0x9d: {  	[spmem:s16] =	stream.linear.scatter [tilespmem:s19], [sflag:$0x3], $0x2000, $0x38;
	[tilespmem:$0x1E500] =	vst v63  }
0x9e: {  	_ =	swait.ge [sflag:s20], $0x2000  }
0x9f: {  	[sflag:s20] =	ssyncset.done $0x0  }
0xa0: {  	[sflag:s20] =	ssyncadd.s32 $0xFFFFE000  }
0xa1: {  	[spmem:s17] =	stream.linear.scatter [tilespmem:s19], [sflag:$0x3], $0x2000, $0x38;
	[tilespmem:$0x1E500] =	vst v63  }
0xa2: {  	_ =	swait.ge [sflag:s20], $0x2000  }
0xa3: {  	[sflag:s20] =	ssyncset.done $0x0  }
0xa4: {  	[sflag:s20] =	ssyncadd.s32 $0xFFFFE000  }
0xa5: {  	[spmem:s18] =	stream.linear.scatter [tilespmem:s19], [sflag:$0x3], $0x2000, $0x38;
	[tilespmem:$0x1E500] =	vst v63  }
0xa6: {  	_ =	swait.ge [sflag:s20], $0x2000  }
0xa7: {  	[sflag:s20] =	ssyncset.done $0x0  }
0xa8: {  	s11 =	smov.u32 s10;
	[sflag:s20] =	ssyncadd.s32 $0xFFFFE000  }
0xa9: {  	s9 =	simm.s32 $0x0;
	s2 =	simm.s32 $0x0;
	[bflag:$0x0] =	sbarrier.arrive $0xFFFF  }
.LBB2_10:
0xaa: {  	s24 =	sshll.u32 s9, $0x8  }
0xab: {  	s24 =	sadd.s32 s6, s24  }
0xac: {  	s25 =	sshrl.u32 s24, $0x3  }
0xad: {  	s24 =	sshll.u32 s24, $0x1;
	s25 =	sadd.s32 s4, s25  }
0xae: {  	[tilespmem:s21], [sflag:$0x1] =	stream.linear.gather [hbm4b:s25+s2], $0x100, $0x38;
	[tilespmem:$0x1E500] =	vst v63  }
0xaf: {  	s10 =	sadd.s32 s24, s8;
	s24 =	simm.s32 $0x14100  }
0xb0: {  	[tilespmem:s24], [sflag:$0x2] =	stream.strided.gather [hbm4b:s10+s22], $0x400, s23, s22, $0x38;
	[tilespmem:$0x1E500] =	vst v63  }
0xb1: {  	v4 =	vmov s2;
	_ =	swait.ge [sflag:s26], $0x100  }
0xb2: {  	vm1 =	veq.s32 v4, v1;
	[sflag:s26] =	ssyncset.done $0x0  }
0xb3: {  	v4 =	vor.u32 s2, v1;
	vm1 =	vmand vm1, vm0;
	[sflag:s26] =	ssyncadd.s32 $0xFFFFFF00  }
0xb4: {  	v4 =	vshrl.u32 v4, $0x2;
	v5 =	vsel vm1, $0xFFFFFFFF, v2;
	_ =	swait.ge [sflag:s28], $0x400  }
0xb5: {  	v4 =	vadd.s32 v5, v4;
	[sflag:s28] =	ssyncset.done $0x0  }
0xb6: {  	s25 =	simm.s32 $0x10;
	v4 =	vshll.u32 v4, $0x7;
	[sflag:s28] =	ssyncadd.s32 $0xFFFFFC00  }
.LBB2_11:
0xb7: {  	v5 =	vmov s25;
	p0 =	sne.s32 s25, $0x3F0;
	v6 =	vld [tilespmem:s24+$0x0];
	v7 =	vor.u32 v3, v4;
	s10 =	smov.u32 s25;
	s25 =	sadd.s32 $0x10, s25  }
.Ltmp4:
0xb8: {  	vm1 =	veq.s32 v5, v1;
	(pc) =	sbr.rel @p0 .LBB2_11-.Ltmp4, $4  }
0xb9: {  	v4 =	vor.u32 s10, v1;
	vm1 =	vmand vm1, vm0  }
0xba: {  	v4 =	vshrl.u32 v4, $0x2;
	v5 =	vsel vm1, $0xFFFFFFFF, v2  }
0xbb: {  	v4 =	vadd.s32 v5, v4  }
0xbc: {  	s24 =	sadd.s32 $0x10, s24;
	v4 =	vshll.u32 v4, $0x7;
	[tilespmem:v7+s29+$0x0] =	vst.idx.msk $0xffff, v6  }
0xbd: {  	v5 =	vld [tilespmem:s24+$0x0];
	v4 =	vor.u32 v3, v4;
	_ =	sdelay $0x2  }
0xbe: {  	s9 =	sadd.s32 $0x1, s9  }
0xbf: {  	p0 =	sne.s32 s9, $0x28  }
.Ltmp5:
0xc0: {  	[tilespmem:v4+s29+$0x0] =	vst.idx.msk $0xffff, v5;
	(pc) =	sbr.rel @p0 .LBB2_10-.Ltmp5, $4  }
0xc1: {  	[spmem:s1] =	stream.indirect.scatter.add.f32 [tilespmem:s29], [sflag:$0x3], $0x80, s21, s30, $0xb8;
	[tilespmem:$0x1E500] =	vst v63  }
0xc2: {  	_ =	swait.ge [sflag:s20], $0x8000  }
0xc3: {  	[sflag:s20] =	ssyncset.done $0x0  }
0xc4: {  	[sflag:s20] =	ssyncadd.s32 $0xFFFF8000  }
0xc5: {  	[bflag:$0x0] =	sbarrier.arrive $0xFFFF  }
0xc6: {  	s2 =	rddreg [dreg:$0x7]  }
0xc7: {  	[hbm:s2], [sflag:s31] =	dma.local [spmem:s0], $0x2800  }
0xc8: {  	_ =	swait.ge [sflag:s20], $0x2800  }
0xc9: {  	s3 =	sadd.s32 $0x1, s3;
	s31 =	rddreg [dreg:$0x4]  }
0xca: {  	p0 =	sne.s32 s3, s31  }
.Ltmp6:
0xcb: {  	_ = 	snop;
	(pc) =	sbr.rel @p0 .LBB2_1-.Ltmp6, $4  }
0xcc: {  	[sflag:s20] =	ssyncset.done $0x0  }
0xcd: {  	[sflag:s20] =	ssyncadd.s32 $0xFFFFD800  }
0xce: {  	[bflag:$0x0] =	sbarrier.arrive $0xFFFF  }
0xcf: {  	s10 =	smov.u32 s11  }
0xd0: {  	_ =	sfence.sel $0x180000  }
0xd1: {  	[bflag:$0x0] =	sbarrier.arrive $0xFFFF  }
0xd2: {  	_ =	strace $0x90000050  }
0xd3: {  	s0 =	stileid.u32;
	[bflag:$0x2] =	sbarrier.arrive $0xFFFF  }
0xd4: {  	p0 =	sne.s32 s0, $0x0;
	s0 =	rddreg [dreg:$0x3]  }
0xd5: {  	s0 =	sadd.s32 @!p0 $0x100000, s0  }
0xd6: {  	[sflag:s0] =	ssyncadd.tile.s32 @!p0 $0x1;
	_ =	shalt  }
.Lfunc_end2:
_tile_overlayer_lowered:
.L_overlay_start_2:
0xd7: {  	(tag) =	ssettag $0x2  }
0xd8: {  	s0 =	rddreg [dreg:$0x0];
	s2 =	stileid.u32  }
0xd9: {  	s1 =	rddreg [dreg:$0x1];
	p0 =	sne.s32 s2, $0x0  }
0xda: {  	s3 =	rddreg [dreg:$0x2];
	[bflag:$0x3] =	sbarrier.arrive $0xFFFF;
	s2 =	simm.s32 @!p0 $0x1C03  }
0xdb: {  	[timem:s3], [sflag:s2] =	dma.local @!p0 [hbm:s0], s1  }
0xdc: {  	s0 =	simm.s32 @!p0 $0x3  }
0xdd: {  	_ =	swait.ge @!p0 [sflag:s0], s1  }
0xde: {  	s1 =	ssub.s32 @!p0 $0x0, s1;
	[sflag:s0] =	ssyncset.done @!p0 $0x0  }
0xdf: {  	[sflag:s0] =	ssyncadd.s32 @!p0 s1  }
0xe0: {  	[bflag:$0x3] =	sbarrier.arrive $0xFFFF  }
0xe1: {  	_ =	shalt  }

// kernel: kernel.19.cloned.1.call-start
scs
__scs_entry_jumppad:
0x0: {  	(pc) =	sbr.rel $0x88, $3  }
0x1: {  	(tag) =	ssettag $0x0;
	lr =	simm.s32 $0x1  }
0x2: {  	[smem:$0x3F89] =	sst lr;
	_ =	strace $0xD0000000  }
0x3: {  	_ = 	snop  }
0x4: {  	_ = 	snop  }
0x5: {  	_ = 	snop  }
0x6: {  	_ = 	snop  }
0x7: {  	_ = 	snop  }
__scs_overlays_trampoline_lowered:
0x8: {  	[smem:$0x3F98] =	sst s0  }
0x9: {  	[smem:$0x3F99] =	sst s1  }
0xa: {  	[smem:$0x3F9A] =	sst s2  }
0xb: {  	[smem:$0x3F9B] =	sst s3  }
0xc: {  	[smem:$0x3F9C] =	sst s4  }
0xd: {  	[smem:$0x3F9D] =	sst s5  }
0xe: {  	[smem:$0x3F9E] =	sst s6  }
0xf: {  	[smem:$0x3F9F] =	sst s7  }
0x10: {  	[smem:$0x3FA0] =	sst s8  }
0x11: {  	[smem:$0x3FA1] =	sst s9;
	s0 =	simm.s32 @!p0 $0x0  }
0x12: {  	s1 =	sld [smem:$0x3F87];
	s0 =	simm.s32 @p0 $0x1  }
0x13: {  	[smem:$0x3FA2] =	sst s0;
	s0 =	simm.s32 @!p1 $0x0  }
0x14: {  	s2 =	sld [smem:$0x3F86];
	s0 =	simm.s32 @p1 $0x1  }
0x15: {  	[smem:$0x3FA3] =	sst s0;
	s0 =	simm.s32 @!p2 $0x0  }
0x16: {  	s3 =	sld [smem:$0x3FDB];
	s0 =	simm.s32 @p2 $0x1  }
0x17: {  	s4 =	simm.s32 $0x1BF5;
	[smem:$0x3FA5] =	sst s0  }
0x18: {  	s0 =	sld [smem:$0x3F88];
	_ =	swait.ge [sflag:s4], $0x0  }
0x19: {  	s7 =	sld [smem:$0x3F89]  }
0x1a: {  	s8 =	sadd.s32 $0xFFFFE003, lr  }
0x1b: {  	s9 =	sadd.s32 $0xFFFFFEF7, lr;
	s5 =	simm.s32 $0xFFFFFFFF;
	p2 =	slt.u32 s8, $0xFFFFF086  }
0x1c: {  	p1 =	slt.u32 s9, $0xF7A;
	s5 =	simm.s32 @!p2 $0x0  }
0x1d: {  	s5 =	simm.s32 @p1 $0x1;
	p0 =	seq.s32 s7, s2  }
0x1e: {  	s7 =	smul.u32 @!p0 $0xF7A, s2;
	p2 =	seq.s32 @!p0 s5, $0x0  }
0x1f: {  	s9 =	smul.u32 $0xF7A, s1;
	s8 =	simm.s32 @!p0 $0x1BF5;
	p2 =	por !p2, p0  }
0x20: {  	[sflag:s8] =	ssyncset.s32 @!p0 $0xFFFFF086;
	s6 =	sadd.s32 @!p0 s3, s7;
	s7 =	simm.s32 @!p0 $0x108  }
0x21: {  	s3 =	sadd.s32 s3, s9;
	s6 =	sadd.s32 @!p0 $0x88, s6;
	s7 =	simm.s32 @p2 $0x1082  }
0x22: {  	[simem:s7], [sflag:s8] =	dma.local @!p0 [hbm:s6], $0xF7A  }
0x23: {  	s9 =	sor.u32 $0xD0000000, s2;
	s6 =	simm.s32 $0x108;
	_ =	swait.ge @!p0 [sflag:s8], $0x0  }
0x24: {  	s3 =	sadd.s32 $0x88, s3;
	s6 =	simm.s32 @!p1 $0x1082;
	[sflag:s4] =	ssyncset.s32 $0xFFFFF086  }
0x25: {  	[simem:s6], [sflag:s4] =	dma.local [hbm:s3], $0xF7A  }
0x26: {  	[smem:$0x3F89] =	sst s1;
	(tag) =	ssettag s2;
	_ =	strace s9  }
0x27: {  	s1 =	sld [smem:$0x3F99]  }
0x28: {  	s2 =	sld [smem:$0x3F9A]  }
0x29: {  	s4 =	sld [smem:$0x3F9C]  }
0x2a: {  	p0 =	seq.s32 s5, $0x0;
	s5 =	sld [smem:$0x3F9D]  }
0x2b: {  	s6 =	sld [smem:$0x3F9E]  }
0x2c: {  	s7 =	sld [smem:$0x3F9F]  }
0x2d: {  	s3 =	simm.s32 $0x108;
	s8 =	sld [smem:$0x3FA0]  }
0x2e: {  	s3 =	simm.s32 @!p0 $0x1082;
	s9 =	sld [smem:$0x3FA1]  }
0x2f: {  	lr =	sadd.s32 s0, s3;
	s0 =	sld [smem:$0x3F98]  }
0x30: {  	s3 =	sld [smem:$0x3F9B]  }
0x31: {  	[smem:$0x3FA4] =	sst s10  }
0x32: {  	s10 =	sld [smem:$0x3FA2];
	_ =	sdelay $0x3  }
0x33: {  	p0 =	seq.s32 s10, $0x1;
	s10 =	sld [smem:$0x3FA4];
	_ =	sdelay $0x3  }
0x34: {  	[smem:$0x3FA4] =	sst s10  }
0x35: {  	s10 =	sld [smem:$0x3FA3];
	_ =	sdelay $0x3  }
0x36: {  	p1 =	seq.s32 s10, $0x1;
	s10 =	sld [smem:$0x3FA4];
	_ =	sdelay $0x3  }
0x37: {  	[smem:$0x3FA4] =	sst s10  }
0x38: {  	s10 =	sld [smem:$0x3FA5]  }
0x39: {  	_ = 	snop;
	(pc) =	sbr.ind lr, $3  }
0x3a: {  	_ = 	snop  }
0x3b: {  	_ = 	snop  }
0x3c: {  	p2 =	seq.s32 s10, $0x1;
	s10 =	sld [smem:$0x3FA4]  }
0x3d: {  	_ =	shalt  }
0x3e: {  	_ =	shalt  }
0x3f: {  	_ =	shalt  }
0x40: {  	_ =	shalt  }
0x41: {  	_ =	shalt  }
0x42: {  	_ =	shalt  }
0x43: {  	_ =	shalt  }
0x44: {  	_ =	shalt  }
0x45: {  	_ =	shalt  }
0x46: {  	_ =	shalt  }
0x47: {  	_ =	shalt  }
0x48: {  	_ =	shalt  }
0x49: {  	_ =	shalt  }
0x4a: {  	_ =	shalt  }
0x4b: {  	_ =	shalt  }
0x4c: {  	_ =	shalt  }
0x4d: {  	_ =	shalt  }
0x4e: {  	_ =	shalt  }
0x4f: {  	_ =	shalt  }
0x50: {  	_ =	shalt  }
0x51: {  	_ =	shalt  }
0x52: {  	_ =	shalt  }
0x53: {  	_ =	shalt  }
0x54: {  	_ =	shalt  }
0x55: {  	_ =	shalt  }
0x56: {  	_ =	shalt  }
0x57: {  	_ =	shalt  }
0x58: {  	_ =	shalt  }
0x59: {  	_ =	shalt  }
0x5a: {  	_ =	shalt  }
0x5b: {  	_ =	shalt  }
0x5c: {  	_ =	shalt  }
0x5d: {  	_ =	shalt  }
0x5e: {  	_ =	shalt  }
0x5f: {  	_ =	shalt  }
0x60: {  	_ =	shalt  }
0x61: {  	_ =	shalt  }
0x62: {  	_ =	shalt  }
0x63: {  	_ =	shalt  }
0x64: {  	_ =	shalt  }
0x65: {  	_ =	shalt  }
0x66: {  	_ =	shalt  }
0x67: {  	_ =	shalt  }
0x68: {  	_ =	shalt  }
0x69: {  	_ =	shalt  }
0x6a: {  	_ =	shalt  }
0x6b: {  	_ =	shalt  }
0x6c: {  	_ =	shalt  }
0x6d: {  	_ =	shalt  }
0x6e: {  	_ =	shalt  }
0x6f: {  	_ =	shalt  }
0x70: {  	_ =	shalt  }
0x71: {  	_ =	shalt  }
0x72: {  	_ =	shalt  }
0x73: {  	_ =	shalt  }
0x74: {  	_ =	shalt  }
0x75: {  	_ =	shalt  }
0x76: {  	_ =	shalt  }
0x77: {  	_ =	shalt  }
0x78: {  	_ =	shalt  }
0x79: {  	_ =	shalt  }
0x7a: {  	_ =	shalt  }
0x7b: {  	_ =	shalt  }
0x7c: {  	_ =	shalt  }
0x7d: {  	_ =	shalt  }
0x7e: {  	_ =	shalt  }
0x7f: {  	_ =	shalt  }
0x80: {  	_ =	shalt  }
0x81: {  	_ =	shalt  }
0x82: {  	_ =	shalt  }
0x83: {  	_ =	shalt  }
0x84: {  	_ =	shalt  }
0x85: {  	_ =	shalt  }
0x86: {  	_ =	shalt  }
0x87: {  	_ =	shalt  }
.Lfunc_end0:
.L_simem_size_0:
called_computation.3_lowered:
.L_overlay_start_0:
0x88: {  	s2 =	sld [smem:$0x3FD9]  }
0x89: {  	s3 =	sld [smem:$0x3FFE];
	_ =	sdelay $0x1  }
0x8a: {  	s1 =	srdreg.scid  }
0x8b: {  	s0 =	sand.u32 $0x1, s1  }
0x8c: {  	s14 =	sshll.u32 s0, $0xA;
	s2 =	sadd.s32 s3, s2  }
0x8d: {  	s2 =	sadd.s32 s2, s14  }
0x8e: {  	[smem:$0x3FB0] =	sst s2  }
0x8f: {  	_ = 	snop  }
0x90: {  	s2 =	sld [smem:$0x3FD0];
	_ =	sdelay $0x2  }
0x91: {  	s15 =	simm.s32 $0xB;
	s4 =	simm.s32 $0x10  }
0x92: {  	[smem:s4], [sflag:s15] =	dma.local [hbm:s2], $0x1  }
0x93: {  	_ =	swait.eq [sflag:s15], $0x1  }
0x94: {  	[sflag:s15] =	ssyncset.done $0x0  }
0x95: {  	[sflag:s15] =	ssyncadd.s32 $0xFFFFFFFF  }
0x96: {  	s16 =	sld [smem:$0x10];
	(tm) =	ssettm $0x1  }
0x97: {  	s17 =	sld [smem:$0x3FFB];
	_ =	sdelay $0x3  }
0x98: {  	_ =	strace s17  }
0x99: {  	s3 =	sld [smem:$0x3FFC];
	_ =	sdelay $0x3  }
0x9a: {  	_ =	strace s3  }
0x9b: {  	s3 =	sld [smem:$0x3FFD];
	_ =	sdelay $0x3  }
0x9c: {  	_ =	strace s3  }
0x9d: {  	_ =	strace $0x8FFFFFFF  }
0x9e: {  	s18 =	sld [smem:$0x3FDB];
	_ =	sdelay $0x1  }
0x9f: {  	s19 =	simm.s32 $_scs_section_size  }
0xa0: {  	s5 =	simm.s32 $_size__tile_overlayer_lowered;
	s6 =	simm.s32 $_tile_overlayer_lowered  }
0xa1: {  	s22 =	simm.s32 $0x1BFF;
	s21 =	sshll.u32 s6, $0x1;
	s3 =	sadd.s32 s19, s18  }
0xa2: {  	s7 =	simm.s32 $0x0;
	s20 =	sshll.u32 s5, $0x1;
	s5 =	sadd.s32 s21, s3  }
0xa3: {  	[timem:s7], [sflag:s22] =	dma.local [hbm:s5], s20  }
0xa4: {  	_ =	swait.ge [sflag:s22], s20  }
0xa5: {  	s4 =	ssub.s32 $0x0, s20;
	[sflag:s22] =	ssyncset.done $0x0  }
0xa6: {  	[sflag:s22] =	ssyncadd.s32 s4;
	_ =	sdelay $0x1  }
0xa7: {  	s23 =	simm.s32 $0x1B8B  }
0xa8: {  	_ =	swait.ge [sflag:s23], $0x1  }
0xa9: {  	[sflag:s23] =	ssyncset.done $0x0  }
0xaa: {  	s25 =	simm.s32 $0x1B8E;
	s24 =	sld [smem:$0x3FFE];
	[sflag:s23] =	ssyncadd.s32 $0xFFFFFFFF  }
0xab: {  	s26 =	simm.s32 $execute0_lowered;
	[smem:$0x3FD2] =	sst s25  }
0xac: {  	s5 =	sshll.u32 s26, $0x1;
	_ =	strace $0x8000004C;
	[dreg:$0x1] =	wrdreg $0xFFFFFFFF  }
0xad: {  	s28 =	simm.s32 $_size_execute0_lowered;
	s3 =	sadd.s32 s3, s5;
	[dreg:$0x0] =	wrdreg $0x0  }
0xae: {  	s5 =	sshll.u32 s28, $0x1;
	[dreg:$0x2] =	wrdreg s3  }
0xaf: {  	[dreg:$0x3] =	wrdreg s5  }
0xb0: {  	[dreg:$0x4] =	wrdreg $0xC0  }
0xb1: {  	_ =	task [dreg:s7], $0x5FFFF  }
0xb2: {  	[dreg:$0x1] =	wrdreg $0xFFFFFFFF  }
0xb3: {  	[dreg:$0x0] =	wrdreg $0x60  }
0xb4: {  	[dreg:$0x2] =	wrdreg s24  }
0xb5: {  	[dreg:$0x3] =	wrdreg s16  }
0xb6: {  	[dreg:$0x4] =	wrdreg $0x0  }
0xb7: {  	[dreg:$0x5] =	wrdreg $0xA  }
0xb8: {  	_ =	task.clear_ibuf [dreg:s7], $0x6FFFF;
	_ =	strace $0x9000004C  }
0xb9: {  	s29 =	simm.s32 $0xA;
	_ =	strace $0x8000004E  }
0xba: {  	_ =	swait.ge [sflag:s29], $0x1  }
0xbb: {  	[sflag:s29] =	ssyncadd.s32 $0xFFFFFFFF  }
0xbc: {  	_ =	strace $0x9000004E  }
0xbd: {  	_ =	sfence  }
0xbe: {  	s30 =	sld [smem:$0x0];
	_ =	sdelay $0x2  }
0xbf: {  	s31 =	sshll.u32 s1, $0xD;
	s1 =	sshrl.u32 s1, $0x2  }
0xc0: {  	s3 =	sand.u32 $0x4000, s31;
	s1 =	sadd.s32 s1, s30  }
0xc1: {  	s0 =	sor.u32 s3, s0;
	s1 =	sshll.u32 s1, $0x11  }
0xc2: {  	s0 =	sor.u32 s1, s0  }
0xc3: {  	s0 =	sadd.s32 $0x8F2B, s0  }
0xc4: {  	[sflag:s0] =	ssyncadd.remote.s32 $0x1  }
0xc5: {  	_ =	sfence.sel $0xFFFF  }
0xc6: {  	[dreg:$0x0] =	wrdreg $0xFFFFFFFF;
	(pc) =	sbr.abs _section_cstart, $3  }
0xc7: {  	[dreg:$0x1] =	wrdreg $0xFFFFFFFF  }
0xc8: {  	_ =	task.clear_ibuf [dreg:s7], $0x2FFFF;
	_ =	strace $0x9FFFFFFF  }
0xc9: {  	(tm) =	ssettm $0x7FFFFFFF  }
tec
execute0_lowered:
.L_overlay_start_1:
0x0: {  	(tag) =	ssettag $0x1  }
0x1: {  	s0 =	rddreg [dreg:$0x0]  }
0x2: {  	s3 =	rddreg [dreg:$0x1]  }
0x3: {  	s1 =	rddreg [dreg:$0x2];
	s2 =	simm.s32 $0x0  }
0x4: {  	s4 =	srdreg.scid;
	s11 =	stileid.u32;
	s28 =	simm.s32 $0x14100  }
0x5: {  	s29 =	simm.s32 $0x1;
	s30 =	simm.s32 $0x2;
	s31 =	simm.s32 $0x100  }
0x6: {  	s10 =	sadd.s32 $0x28D800, s0;
	s8 =	sand.u32 $0x1, s4;
	s4 =	sadd.s32 $0x143800, s0  }
0x7: {  	[smem:$0x7FF] =	sst s2;
	s5 =	sadd.s32 $0x148800, s0;
	s9 =	smul.u32 $0x50000, s11  }
0x8: {  	s0 =	sadd.s32 $0xA3800, s0;
	_ =	strace $0x8000004D;
	s6 =	ssub.s32 $0x2, s8  }
0x9: {  	s15 =	smul.u32 $0x50000, s8;
	s13 =	sshllo.u32 s8, $0x1;
	s16 =	sshll.u32 s8, $0x5  }
0xa: {  	s7 =	sshrl.u32 s6, $0x1;
	s14 =	sshrl.u32 s9, $0x2;
	s9 =	sadd.s32 s3, s16  }
0xb: {  	s12 =	ssub.s32 s6, s7;
	s6 =	smul.u32 $0x2800, s11;
	s7 =	sadd.s32 s14, s1  }
0xc: {  	s14 =	smul.u32 $0x28000, s13;
	s8 =	sadd.s32 s10, s15;
	s17 =	smax.u32 s12, $0x1  }
0xd: {  	s13 =	sshll.u32 s13, $0x4;
	s18 =	sadd.s32 $0x4000, s7;
	[dreg:$0x4] =	wrdreg s17  }
0xe: {  	s15 =	sadd.s32 s0, s15;
	s20 =	sadd.s32 $0x6000, s7;
	[dreg:$0x5] =	wrdreg s18  }
0xf: {  	s11 =	sadd.s32 s3, s13;
	s21 =	sadd.s32 $0x8000, s7;
	[dreg:$0x6] =	wrdreg s20  }
0x10: {  	s19 =	sadd.s32 $0x2000, s7;
	s22 =	sadd.s32 $0xA000, s7;
	[dreg:$0x7] =	wrdreg s21  }
0x11: {  	s23 =	sadd.s32 $0xC000, s7;
	s24 =	sadd.s32 $0xE000, s7;
	[dreg:$0x8] =	wrdreg s22  }
0x12: {  	s25 =	sadd.s32 $0x10000, s7;
	s3 =	simm.s32 $0x80;
	[dreg:$0x9] =	wrdreg s23  }
0x13: {  	s12 =	simm.s32 $0x200;
	s10 =	sadd.s32 s10, s14;
	[dreg:$0xa] =	wrdreg s24  }
0x14: {  	s0 =	sadd.s32 s0, s14;
	[dreg:$0xb] =	wrdreg s25;
	s21 =	sadd.s32 $0x12000, s7  }
0x15: {  	s22 =	simm.s32 $0x1C600;
	s23 =	simm.s32 $0x3;
	s26 =	sadd.s32 s6, s15  }
0x16: {  	s24 =	simm.s32 $0x1C200;
	[dreg:$0xc] =	wrdreg s26;
	s0 =	sadd.s32 s6, s0  }
0x17: {  	v0 =	vimm.f32 $0.0e+00;
	s26 =	simm.s32 $0x14000;
	[dreg:$0xd] =	wrdreg s0;
	s0 =	simm.s32 $0x14200  }
.LBB2_1:
0x18: {  	s13 =	simm.s32 $0x0;
	s14 =	simm.s32 $0x200  }
.LBB2_2:
0x19: {  	p0 =	sne.s32 s14, $0x7E00;
	[tilespmem:s13+$0x1C670] =	vst v0  }
0x1a: {  	[tilespmem:s13+$0x1C600] =	vst v0  }
0x1b: {  	[tilespmem:s13+$0x1C610] =	vst v0  }
.Ltmp0:
0x1c: {  	[tilespmem:s13+$0x1C620] =	vst v0;
	(pc) =	sbr.rel @p0 .LBB2_2-.Ltmp0, $4  }
0x1d: {  	[tilespmem:s13+$0x1C630] =	vst v0  }
0x1e: {  	[tilespmem:s13+$0x1C640] =	vst v0  }
0x1f: {  	[tilespmem:s13+$0x1C650] =	vst v0  }
0x20: {  	[tilespmem:s13+$0x1C660] =	vst v0;
	s13 =	sshra.s32 s14, $0x2;
	s14 =	sadd.s32 $0x200, s14  }
0x21: {  	[tilespmem:s13+$0x1C670] =	vst v0  }
0x22: {  	[tilespmem:s13+$0x1C600] =	vst v0  }
0x23: {  	[tilespmem:s13+$0x1C610] =	vst v0  }
0x24: {  	[tilespmem:s13+$0x1C620] =	vst v0  }
0x25: {  	[tilespmem:s13+$0x1C630] =	vst v0  }
0x26: {  	[tilespmem:s13+$0x1C640] =	vst v0  }
0x27: {  	[tilespmem:s13+$0x1C650] =	vst v0  }
0x28: {  	[tilespmem:s13+$0x1C660] =	vst v0  }
0x29: {  	[spmem:s7] =	stream.linear.scatter [tilespmem:s22], [sflag:$0x3], $0x2000, $0x38;
	[tilespmem:$0x1E600] =	vst v63  }
0x2a: {  	_ =	swait.ge [sflag:s23], $0x2000  }
0x2b: {  	[sflag:s23] =	ssyncset.done $0x0  }
0x2c: {  	[sflag:s23] =	ssyncadd.s32 $0xFFFFE000  }
0x2d: {  	[spmem:s19] =	stream.linear.scatter [tilespmem:s22], [sflag:$0x3], $0x2000, $0x38;
	[tilespmem:$0x1E600] =	vst v63  }
0x2e: {  	_ =	swait.ge [sflag:s23], $0x2000  }
0x2f: {  	[sflag:s23] =	ssyncset.done $0x0  }
0x30: {  	s14 =	rddreg [dreg:$0x5];
	[sflag:s23] =	ssyncadd.s32 $0xFFFFE000  }
0x31: {  	[spmem:s14] =	stream.linear.scatter [tilespmem:s22], [sflag:$0x3], $0x2000, $0x38;
	[tilespmem:$0x1E600] =	vst v63  }
0x32: {  	_ =	swait.ge [sflag:s23], $0x2000  }
0x33: {  	[sflag:s23] =	ssyncset.done $0x0  }
0x34: {  	s15 =	rddreg [dreg:$0x6];
	[sflag:s23] =	ssyncadd.s32 $0xFFFFE000  }
0x35: {  	[spmem:s15] =	stream.linear.scatter [tilespmem:s22], [sflag:$0x3], $0x2000, $0x38;
	[tilespmem:$0x1E600] =	vst v63  }
0x36: {  	_ =	swait.ge [sflag:s23], $0x2000  }
0x37: {  	[sflag:s23] =	ssyncset.done $0x0  }
0x38: {  	s16 =	rddreg [dreg:$0x7];
	[sflag:s23] =	ssyncadd.s32 $0xFFFFE000  }
0x39: {  	[spmem:s16] =	stream.linear.scatter [tilespmem:s22], [sflag:$0x3], $0x2000, $0x38;
	[tilespmem:$0x1E600] =	vst v63  }
0x3a: {  	_ =	swait.ge [sflag:s23], $0x2000  }
0x3b: {  	[sflag:s23] =	ssyncset.done $0x0  }
0x3c: {  	s17 =	rddreg [dreg:$0x8];
	[sflag:s23] =	ssyncadd.s32 $0xFFFFE000  }
0x3d: {  	[spmem:s17] =	stream.linear.scatter [tilespmem:s22], [sflag:$0x3], $0x2000, $0x38;
	[tilespmem:$0x1E600] =	vst v63  }
0x3e: {  	_ =	swait.ge [sflag:s23], $0x2000  }
0x3f: {  	[sflag:s23] =	ssyncset.done $0x0  }
0x40: {  	s18 =	rddreg [dreg:$0x9];
	[sflag:s23] =	ssyncadd.s32 $0xFFFFE000  }
0x41: {  	[spmem:s18] =	stream.linear.scatter [tilespmem:s22], [sflag:$0x3], $0x2000, $0x38;
	[tilespmem:$0x1E600] =	vst v63  }
0x42: {  	_ =	swait.ge [sflag:s23], $0x2000  }
0x43: {  	[sflag:s23] =	ssyncset.done $0x0  }
0x44: {  	s20 =	rddreg [dreg:$0xa];
	[sflag:s23] =	ssyncadd.s32 $0xFFFFE000  }
0x45: {  	[spmem:s20] =	stream.linear.scatter [tilespmem:s22], [sflag:$0x3], $0x2000, $0x38;
	[tilespmem:$0x1E600] =	vst v63  }
0x46: {  	_ =	swait.ge [sflag:s23], $0x2000  }
0x47: {  	[sflag:s23] =	ssyncset.done $0x0  }
0x48: {  	s25 =	rddreg [dreg:$0xb];
	[sflag:s23] =	ssyncadd.s32 $0xFFFFE000  }
0x49: {  	[spmem:s25] =	stream.linear.scatter [tilespmem:s22], [sflag:$0x3], $0x2000, $0x38;
	[tilespmem:$0x1E600] =	vst v63  }
0x4a: {  	_ =	swait.ge [sflag:s23], $0x2000  }
0x4b: {  	[sflag:s23] =	ssyncset.done $0x0  }
0x4c: {  	[sflag:s23] =	ssyncadd.s32 $0xFFFFE000  }
0x4d: {  	[spmem:s21] =	stream.linear.scatter [tilespmem:s22], [sflag:$0x3], $0x2000, $0x38;
	[tilespmem:$0x1E600] =	vst v63  }
0x4e: {  	_ =	swait.ge [sflag:s23], $0x2000  }
0x4f: {  	[sflag:s23] =	ssyncset.done $0x0  }
0x50: {  	[sflag:s23] =	ssyncadd.s32 $0xFFFFE000  }
0x51: {  	s13 =	simm.s32 $0x0;
	s14 =	simm.s32 $0x0;
	[bflag:$0x0] =	sbarrier.arrive $0xFFFF  }
.LBB2_4:
0x52: {  	s15 =	sshll.u32 s14, $0x8  }
0x53: {  	s15 =	sadd.s32 s6, s15  }
0x54: {  	s16 =	sshrl.u32 s15, $0x3  }
0x55: {  	s17 =	sadd.s32 s4, s16  }
0x56: {  	[tilespmem:s26], [sflag:$0x1] =	stream.linear.gather [hbm4b:s17+s13], $0x100, $0x38;
	[tilespmem:$0x1E600] =	vst v63  }
0x57: {  	s16 =	sadd.s32 s5, s16  }
0x58: {  	[tilespmem:s28], [sflag:$0x2] =	stream.linear.gather [hbm4b:s16+s13], $0x100, $0x38;
	[tilespmem:$0x1E600] =	vst v63  }
0x59: {  	_ =	swait.ge [sflag:s29], $0x100  }
0x5a: {  	[sflag:s29] =	ssyncset.done $0x0  }
0x5b: {  	[sflag:s29] =	ssyncadd.s32 $0xFFFFFF00  }
0x5c: {  	_ =	swait.ge [sflag:s30], $0x100  }
0x5d: {  	[sflag:s30] =	ssyncset.done $0x0  }
0x5e: {  	s15 =	sshll.u32 s15, $0x1;
	[sflag:s30] =	ssyncadd.s32 $0xFFFFFF00  }
0x5f: {  	[tilespmem:s0], [sflag:$0x1] =	stream.indirect.gather [hbm4b:s8+s31], $0x80, s26, s31, $0xb8;
	[tilespmem:$0x1E600] =	vst v63  }
0x60: {  	v1 =	vmov s13;
	s15 =	sadd.s32 s15, s9  }
0x61: {  	v1 =	vand.u32 $0xFFFFFFFC, v1;
	[tilespmem:s24], [sflag:$0x2] =	stream.strided.gather [hbm4b:s15+s3], $0x400, s12, s3, $0x38;
	[tilespmem:$0x1E600] =	vst v63  }
0x62: {  	v1 =	vbroadcast v1, $0x0;
	_ =	swait.ge [sflag:s29], $0x8000  }
0x63: {  	[sflag:s29] =	ssyncset.done $0x0  }
0x64: {  	[sflag:s29] =	ssyncadd.s32 $0xFFFF8000  }
0x65: {  	_ =	swait.ge [sflag:s30], $0x400  }
0x66: {  	[sflag:s30] =	ssyncset.done $0x0  }
0x67: {  	[sflag:s30] =	ssyncadd.s32 $0xFFFFFC00  }
0x68: {  	s15 =	simm.s32 $0x14240;
	v1 =	vld.idx.msk [tilespmem:v1+s24+$0x0], $0xffff  }
0x69: {  	s18 =	simm.s32 $0x1;
	v2 =	vld [tilespmem:s15+$0xFFFFFFC0]  }
0x6a: {  	v4 =	vmov s18;
	v3 =	vld [tilespmem:s15+$0xFFFFFFD0]  }
0x6b: {  	v4 =	vand.u32 $0xFFFFFFFD, v4  }
0x6c: {  	v4 =	vbroadcast v4, $0x0;
	_ =	sdelay $0x1  }
0x6d: {  	v2 =	vmul.f32 v2, v1  }
0x6e: {  	v1 =	vmul.f32 v3, v1  }
0x6f: {  	[tilespmem:s15+$0xFFFFFFC0] =	vst v2  }
0x70: {  	[tilespmem:s15+$0xFFFFFFD0] =	vst v1;
	v2 =	vld [tilespmem:s15+$0xFFFFFFE0]  }
0x71: {  	s20 =	simm.s32 $0x2;
	v1 =	vld.idx.msk [tilespmem:v4+s24+$0x0], $0xffff  }
0x72: {  	v3 =	vld [tilespmem:s15+$0xFFFFFFF0];
	v4 =	vmov s20  }
0x73: {  	v4 =	vand.u32 $0xFFFFFFFE, v4  }
0x74: {  	v4 =	vbroadcast v4, $0x0;
	_ =	sdelay $0x1  }
0x75: {  	v2 =	vmul.f32 v2, v1  }
0x76: {  	v1 =	vmul.f32 v3, v1  }
0x77: {  	[tilespmem:s15+$0xFFFFFFE0] =	vst v2  }
0x78: {  	[tilespmem:s15+$0xFFFFFFF0] =	vst v1;
	v1 =	vld [tilespmem:s15+$0x10]  }
0x79: {  	v2 =	vld.idx.msk [tilespmem:v4+s24+$0x0], $0xffff  }
0x7a: {  	v3 =	vld [tilespmem:s15+$0x0];
	_ =	sdelay $0x1  }
0x7b: {  	s25 =	simm.s32 $0x3  }
0x7c: {  	v4 =	vmov s25  }
0x7d: {  	v1 =	vmul.f32 v1, v2  }
0x7e: {  	v2 =	vmul.f32 v3, v2  }
0x7f: {  	[tilespmem:s15+$0x10] =	vst v1  }
0x80: {  	[tilespmem:s15+$0x0] =	vst v2;
	v1 =	vld [tilespmem:s15+$0x30]  }
0x81: {  	v2 =	vld.idx.msk [tilespmem:v4+s24+$0x0], $0xffff  }
0x82: {  	s16 =	simm.s32 $0x4;
	v4 =	vld [tilespmem:s15+$0x20]  }
0x83: {  	v3 =	vmov s16  }
0x84: {  	v3 =	vand.u32 $0xFFFFFFFC, v3  }
0x85: {  	s17 =	simm.s32 $0x8;
	v3 =	vbroadcast v3, $0x0  }
.LBB2_5:
0x86: {  	p0 =	sne.s32 s17, $0x3FC  }
0x87: {  	v1 =	vmul.f32 v1, v2;
	v4 =	vmul.f32 v4, v2;
	_ =	sdelay $0x1  }
0x88: {  	[tilespmem:s15+$0x20] =	vst v4  }
0x89: {  	[tilespmem:s15+$0x30] =	vst v1  }
0x8a: {  	s15 =	sadd.s32 $0x80, s15;
	v1 =	vld.idx.msk [tilespmem:v3+s24+$0x0], $0xffff  }
0x8b: {  	s18 =	sadd.s32 $0x1, s16;
	v2 =	vld [tilespmem:s15+$0xFFFFFFC0]  }
0x8c: {  	v4 =	vmov s18;
	v3 =	vld [tilespmem:s15+$0xFFFFFFD0]  }
0x8d: {  	v4 =	vand.u32 $0xFFFFFFFD, v4  }
0x8e: {  	v4 =	vbroadcast v4, $0x0;
	_ =	sdelay $0x1  }
0x8f: {  	v2 =	vmul.f32 v2, v1  }
0x90: {  	v1 =	vmul.f32 v3, v1  }
0x91: {  	[tilespmem:s15+$0xFFFFFFC0] =	vst v2  }
0x92: {  	[tilespmem:s15+$0xFFFFFFD0] =	vst v1  }
0x93: {  	v1 =	vld.idx.msk [tilespmem:v4+s24+$0x0], $0xffff  }
0x94: {  	s18 =	sadd.s32 $0x2, s16;
	v2 =	vld [tilespmem:s15+$0xFFFFFFE0]  }
0x95: {  	v4 =	vmov s18;
	v3 =	vld [tilespmem:s15+$0xFFFFFFF0]  }
0x96: {  	v4 =	vand.u32 $0xFFFFFFFE, v4  }
0x97: {  	v4 =	vbroadcast v4, $0x0;
	_ =	sdelay $0x1  }
0x98: {  	v2 =	vmul.f32 v2, v1  }
0x99: {  	v1 =	vmul.f32 v3, v1  }
0x9a: {  	[tilespmem:s15+$0xFFFFFFE0] =	vst v2  }
0x9b: {  	[tilespmem:s15+$0xFFFFFFF0] =	vst v1;
	v1 =	vld [tilespmem:s15+$0x10]  }
0x9c: {  	v2 =	vld.idx.msk [tilespmem:v4+s24+$0x0], $0xffff  }
0x9d: {  	v3 =	vld [tilespmem:s15+$0x0];
	_ =	sdelay $0x2  }
0x9e: {  	s18 =	sadd.s32 $0x3, s16;
	s16 =	smov.u32 s17  }
0x9f: {  	v4 =	vmov s18  }
0xa0: {  	v1 =	vmul.f32 v1, v2;
	v3 =	vmul.f32 v3, v2;
	_ =	sdelay $0x1  }
0xa1: {  	[tilespmem:s15+$0x10] =	vst v1  }
0xa2: {  	[tilespmem:s15+$0x0] =	vst v3;
	v1 =	vld [tilespmem:s15+$0x30]  }
.Ltmp1:
0xa3: {  	v2 =	vld.idx.msk [tilespmem:v4+s24+$0x0], $0xffff;
	(pc) =	sbr.rel @p0 .LBB2_5-.Ltmp1, $4  }
0xa4: {  	v4 =	vld [tilespmem:s15+$0x20]  }
0xa5: {  	v3 =	vmov s17  }
0xa6: {  	v3 =	vand.u32 $0xFFFFFFFC, v3  }
0xa7: {  	s17 =	sadd.s32 $0x4, s17;
	v3 =	vbroadcast v3, $0x0  }
0xa8: {  	_ = 	snop  }
0xa9: {  	v1 =	vmul.f32 v1, v2  }
0xaa: {  	v4 =	vmul.f32 v4, v2  }
0xab: {  	s18 =	sadd.s32 $0x80, s15;
	[tilespmem:s15+$0x30] =	vst v1  }
0xac: {  	v2 =	vld [tilespmem:s18+$0xFFFFFFC0];
	[tilespmem:s15+$0x20] =	vst v4  }
0xad: {  	s17 =	sadd.s32 $0x1, s16;
	v1 =	vld.idx.msk [tilespmem:v3+s24+$0x0], $0xffff  }
0xae: {  	v61 =	vmov s17;
	v3 =	vld [tilespmem:s18+$0xFFFFFFD0]  }
0xaf: {  	v4 =	vand.u32 $0xFFFFFFFD, v61  }
0xb0: {  	v4 =	vbroadcast v4, $0x0;
	_ =	sdelay $0x1  }
0xb1: {  	v2 =	vmul.f32 v2, v1  }
0xb2: {  	v1 =	vmul.f32 v3, v1  }
0xb3: {  	[tilespmem:s18+$0xFFFFFFC0] =	vst v2  }
0xb4: {  	[tilespmem:s18+$0xFFFFFFD0] =	vst v1;
	v2 =	vld [tilespmem:s18+$0xFFFFFFE0]  }
0xb5: {  	s20 =	sadd.s32 $0x2, s16;
	v1 =	vld.idx.msk [tilespmem:v4+s24+$0x0], $0xffff  }
0xb6: {  	v62 =	vmov s20;
	v3 =	vld [tilespmem:s18+$0xFFFFFFF0]  }
0xb7: {  	v4 =	vand.u32 $0xFFFFFFFE, v62  }
0xb8: {  	v4 =	vbroadcast v4, $0x0;
	_ =	sdelay $0x1  }
0xb9: {  	v2 =	vmul.f32 v2, v1  }
0xba: {  	v1 =	vmul.f32 v3, v1  }
0xbb: {  	[tilespmem:s18+$0xFFFFFFE0] =	vst v2  }
0xbc: {  	[tilespmem:s18+$0xFFFFFFF0] =	vst v1;
	v1 =	vld [tilespmem:s18+$0x10]  }
0xbd: {  	v2 =	vld.idx.msk [tilespmem:v4+s24+$0x0], $0xffff  }
0xbe: {  	v3 =	vld [tilespmem:s18+$0x0];
	_ =	sdelay $0x1  }
0xbf: {  	s25 =	sadd.s32 $0x3, s16  }
0xc0: {  	v63 =	vmov s25  }
0xc1: {  	v1 =	vmul.f32 v1, v2  }
0xc2: {  	v2 =	vmul.f32 v3, v2  }
0xc3: {  	[tilespmem:s18+$0x10] =	vst v1  }
0xc4: {  	[tilespmem:s18+$0x0] =	vst v2;
	v2 =	vld [tilespmem:s18+$0x20]  }
0xc5: {  	v1 =	vld.idx.msk [tilespmem:v63+s24+$0x0], $0xffff  }
0xc6: {  	v3 =	vld [tilespmem:s18+$0x30];
	_ =	sdelay $0x3  }
0xc7: {  	v2 =	vmul.f32 v2, v1  }
0xc8: {  	s14 =	sadd.s32 $0x1, s14;
	v1 =	vmul.f32 v3, v1  }
0xc9: {  	p0 =	sne.s32 s14, $0x28;
	[tilespmem:s18+$0x20] =	vst v2  }
.Ltmp2:
0xca: {  	[tilespmem:s18+$0x30] =	vst v1;
	(pc) =	sbr.rel @p0 .LBB2_4-.Ltmp2, $4  }
0xcb: {  	[spmem:s1] =	stream.indirect.scatter.add.f32 [tilespmem:s0], [sflag:$0x3], $0x80, s28, s31, $0xb8;
	[tilespmem:$0x1E600] =	vst v63  }
0xcc: {  	_ =	swait.ge [sflag:s23], $0x8000  }
0xcd: {  	[sflag:s23] =	ssyncset.done $0x0  }
0xce: {  	[sflag:s23] =	ssyncadd.s32 $0xFFFF8000  }
0xcf: {  	s13 =	stileid.u32  }
0xd0: {  	[bflag:$0x0] =	sbarrier.arrive $0xFFFF;
	s13 =	sshll.u32 s13, $0x6  }
0xd1: {  	s14 =	rddreg [dreg:$0xc];
	s25 =	sor.u32 $0x1C03, s13;
	s13 =	sshrl.u32 s7, $0x3  }
0xd2: {  	[hbm:s14], [sflag:s25] =	dma.local [spmem:s13], $0x2800  }
0xd3: {  	_ =	swait.ge [sflag:s23], $0x2800  }
0xd4: {  	[sflag:s23] =	ssyncset.done $0x0  }
0xd5: {  	[sflag:s23] =	ssyncadd.s32 $0xFFFFD800  }
0xd6: {  	[bflag:$0x0] =	sbarrier.arrive $0xFFFF  }
0xd7: {  	[spmem:s7] =	stream.linear.scatter [tilespmem:s22], [sflag:$0x3], $0x2000, $0x38;
	[tilespmem:$0x1E600] =	vst v63  }
0xd8: {  	_ =	swait.ge [sflag:s23], $0x2000  }
0xd9: {  	[sflag:s23] =	ssyncset.done $0x0  }
0xda: {  	[sflag:s23] =	ssyncadd.s32 $0xFFFFE000  }
0xdb: {  	[spmem:s19] =	stream.linear.scatter [tilespmem:s22], [sflag:$0x3], $0x2000, $0x38;
	[tilespmem:$0x1E600] =	vst v63  }
0xdc: {  	_ =	swait.ge [sflag:s23], $0x2000  }
0xdd: {  	[sflag:s23] =	ssyncset.done $0x0  }
0xde: {  	s18 =	rddreg [dreg:$0x5];
	[sflag:s23] =	ssyncadd.s32 $0xFFFFE000  }
0xdf: {  	[spmem:s18] =	stream.linear.scatter [tilespmem:s22], [sflag:$0x3], $0x2000, $0x38;
	[tilespmem:$0x1E600] =	vst v63  }
0xe0: {  	_ =	swait.ge [sflag:s23], $0x2000  }
0xe1: {  	[sflag:s23] =	ssyncset.done $0x0  }
0xe2: {  	s20 =	smov.u32 s19;
	s19 =	rddreg [dreg:$0x6];
	[sflag:s23] =	ssyncadd.s32 $0xFFFFE000  }
0xe3: {  	[spmem:s19] =	stream.linear.scatter [tilespmem:s22], [sflag:$0x3], $0x2000, $0x38;
	[tilespmem:$0x1E600] =	vst v63  }
0xe4: {  	_ =	swait.ge [sflag:s23], $0x2000  }
0xe5: {  	[sflag:s23] =	ssyncset.done $0x0  }
0xe6: {  	s15 =	rddreg [dreg:$0x7];
	[sflag:s23] =	ssyncadd.s32 $0xFFFFE000  }
0xe7: {  	[spmem:s15] =	stream.linear.scatter [tilespmem:s22], [sflag:$0x3], $0x2000, $0x38;
	[tilespmem:$0x1E600] =	vst v63  }
0xe8: {  	_ =	swait.ge [sflag:s23], $0x2000  }
0xe9: {  	[sflag:s23] =	ssyncset.done $0x0  }
0xea: {  	s16 =	rddreg [dreg:$0x8];
	[sflag:s23] =	ssyncadd.s32 $0xFFFFE000  }
0xeb: {  	[spmem:s16] =	stream.linear.scatter [tilespmem:s22], [sflag:$0x3], $0x2000, $0x38;
	[tilespmem:$0x1E600] =	vst v63  }
0xec: {  	_ =	swait.ge [sflag:s23], $0x2000  }
0xed: {  	[sflag:s23] =	ssyncset.done $0x0  }
0xee: {  	s17 =	rddreg [dreg:$0x9];
	[sflag:s23] =	ssyncadd.s32 $0xFFFFE000  }
0xef: {  	[spmem:s17] =	stream.linear.scatter [tilespmem:s22], [sflag:$0x3], $0x2000, $0x38;
	[tilespmem:$0x1E600] =	vst v63  }
0xf0: {  	_ =	swait.ge [sflag:s23], $0x2000  }
0xf1: {  	[sflag:s23] =	ssyncset.done $0x0  }
0xf2: {  	s18 =	rddreg [dreg:$0xa];
	[sflag:s23] =	ssyncadd.s32 $0xFFFFE000  }
0xf3: {  	[spmem:s18] =	stream.linear.scatter [tilespmem:s22], [sflag:$0x3], $0x2000, $0x38;
	[tilespmem:$0x1E600] =	vst v63  }
0xf4: {  	_ =	swait.ge [sflag:s23], $0x2000  }
0xf5: {  	[sflag:s23] =	ssyncset.done $0x0  }
0xf6: {  	s19 =	rddreg [dreg:$0xb];
	[sflag:s23] =	ssyncadd.s32 $0xFFFFE000  }
0xf7: {  	[spmem:s19] =	stream.linear.scatter [tilespmem:s22], [sflag:$0x3], $0x2000, $0x38;
	[tilespmem:$0x1E600] =	vst v63  }
0xf8: {  	_ =	swait.ge [sflag:s23], $0x2000  }
0xf9: {  	[sflag:s23] =	ssyncset.done $0x0  }
0xfa: {  	[sflag:s23] =	ssyncadd.s32 $0xFFFFE000  }
0xfb: {  	[spmem:s21] =	stream.linear.scatter [tilespmem:s22], [sflag:$0x3], $0x2000, $0x38;
	[tilespmem:$0x1E600] =	vst v63  }
0xfc: {  	_ =	swait.ge [sflag:s23], $0x2000  }
0xfd: {  	[sflag:s23] =	ssyncset.done $0x0  }
0xfe: {  	[sflag:s23] =	ssyncadd.s32 $0xFFFFE000  }
0xff: {  	s14 =	simm.s32 $0x0;
	s15 =	simm.s32 $0x0;
	[bflag:$0x0] =	sbarrier.arrive $0xFFFF  }
.LBB2_8:
0x100: {  	s16 =	sshll.u32 s15, $0x8  }
0x101: {  	s16 =	sadd.s32 s6, s16  }
0x102: {  	s17 =	sshrl.u32 s16, $0x3  }
0x103: {  	s18 =	sadd.s32 s4, s17  }
0x104: {  	[tilespmem:s26], [sflag:$0x1] =	stream.linear.gather [hbm4b:s18+s14], $0x100, $0x38;
	[tilespmem:$0x1E600] =	vst v63  }
0x105: {  	s17 =	sadd.s32 s5, s17  }
0x106: {  	[tilespmem:s28], [sflag:$0x2] =	stream.linear.gather [hbm4b:s17+s14], $0x100, $0x38;
	[tilespmem:$0x1E600] =	vst v63  }
0x107: {  	_ =	swait.ge [sflag:s29], $0x100  }
0x108: {  	[sflag:s29] =	ssyncset.done $0x0  }
0x109: {  	[sflag:s29] =	ssyncadd.s32 $0xFFFFFF00  }
0x10a: {  	_ =	swait.ge [sflag:s30], $0x100  }
0x10b: {  	[sflag:s30] =	ssyncset.done $0x0  }
0x10c: {  	s16 =	sshll.u32 s16, $0x1;
	[sflag:s30] =	ssyncadd.s32 $0xFFFFFF00  }
0x10d: {  	[tilespmem:s0], [sflag:$0x1] =	stream.indirect.gather [hbm4b:s10+s31], $0x80, s26, s31, $0xb8;
	[tilespmem:$0x1E600] =	vst v63  }
0x10e: {  	v1 =	vmov s14;
	s16 =	sadd.s32 s16, s11  }
0x10f: {  	v1 =	vand.u32 $0xFFFFFFFC, v1;
	[tilespmem:s24], [sflag:$0x2] =	stream.strided.gather [hbm4b:s16+s3], $0x400, s12, s3, $0x38;
	[tilespmem:$0x1E600] =	vst v63  }
0x110: {  	v1 =	vbroadcast v1, $0x0;
	_ =	swait.ge [sflag:s29], $0x8000  }
0x111: {  	[sflag:s29] =	ssyncset.done $0x0  }
0x112: {  	[sflag:s29] =	ssyncadd.s32 $0xFFFF8000  }
0x113: {  	_ =	swait.ge [sflag:s30], $0x400  }
0x114: {  	[sflag:s30] =	ssyncset.done $0x0  }
0x115: {  	[sflag:s30] =	ssyncadd.s32 $0xFFFFFC00  }
0x116: {  	s16 =	simm.s32 $0x14240;
	v1 =	vld.idx.msk [tilespmem:v1+s24+$0x0], $0xffff  }
0x117: {  	s19 =	simm.s32 $0x1;
	v2 =	vld [tilespmem:s16+$0xFFFFFFC0]  }
0x118: {  	v4 =	vmov s19;
	v3 =	vld [tilespmem:s16+$0xFFFFFFD0]  }
0x119: {  	v4 =	vand.u32 $0xFFFFFFFD, v4  }
0x11a: {  	v4 =	vbroadcast v4, $0x0;
	_ =	sdelay $0x1  }
0x11b: {  	v2 =	vmul.f32 v2, v1  }
0x11c: {  	v1 =	vmul.f32 v3, v1  }
0x11d: {  	[tilespmem:s16+$0xFFFFFFC0] =	vst v2  }
0x11e: {  	[tilespmem:s16+$0xFFFFFFD0] =	vst v1;
	v2 =	vld [tilespmem:s16+$0xFFFFFFE0]  }
0x11f: {  	s18 =	simm.s32 $0x2;
	v1 =	vld.idx.msk [tilespmem:v4+s24+$0x0], $0xffff  }
0x120: {  	v3 =	vld [tilespmem:s16+$0xFFFFFFF0];
	v4 =	vmov s18  }
0x121: {  	v4 =	vand.u32 $0xFFFFFFFE, v4  }
0x122: {  	v4 =	vbroadcast v4, $0x0;
	_ =	sdelay $0x1  }
0x123: {  	v2 =	vmul.f32 v2, v1  }
0x124: {  	v1 =	vmul.f32 v3, v1  }
0x125: {  	[tilespmem:s16+$0xFFFFFFE0] =	vst v2  }
0x126: {  	[tilespmem:s16+$0xFFFFFFF0] =	vst v1;
	v1 =	vld [tilespmem:s16+$0x10]  }
0x127: {  	v2 =	vld.idx.msk [tilespmem:v4+s24+$0x0], $0xffff  }
0x128: {  	v3 =	vld [tilespmem:s16+$0x0];
	_ =	sdelay $0x1  }
0x129: {  	s19 =	simm.s32 $0x3  }
0x12a: {  	v4 =	vmov s19  }
0x12b: {  	v1 =	vmul.f32 v1, v2  }
0x12c: {  	v2 =	vmul.f32 v3, v2  }
0x12d: {  	[tilespmem:s16+$0x10] =	vst v1  }
0x12e: {  	[tilespmem:s16+$0x0] =	vst v2;
	v1 =	vld [tilespmem:s16+$0x30]  }
0x12f: {  	v2 =	vld.idx.msk [tilespmem:v4+s24+$0x0], $0xffff  }
0x130: {  	s17 =	simm.s32 $0x4;
	v4 =	vld [tilespmem:s16+$0x20]  }
0x131: {  	v3 =	vmov s17  }
0x132: {  	v3 =	vand.u32 $0xFFFFFFFC, v3  }
0x133: {  	s18 =	simm.s32 $0x8;
	v3 =	vbroadcast v3, $0x0  }
.LBB2_9:
0x134: {  	p0 =	sne.s32 s18, $0x3FC  }
0x135: {  	v1 =	vmul.f32 v1, v2;
	v4 =	vmul.f32 v4, v2;
	_ =	sdelay $0x1  }
0x136: {  	[tilespmem:s16+$0x20] =	vst v4  }
0x137: {  	[tilespmem:s16+$0x30] =	vst v1  }
0x138: {  	s16 =	sadd.s32 $0x80, s16;
	v1 =	vld.idx.msk [tilespmem:v3+s24+$0x0], $0xffff  }
0x139: {  	s19 =	sadd.s32 $0x1, s17;
	v2 =	vld [tilespmem:s16+$0xFFFFFFC0]  }
0x13a: {  	v4 =	vmov s19;
	v3 =	vld [tilespmem:s16+$0xFFFFFFD0]  }
0x13b: {  	v4 =	vand.u32 $0xFFFFFFFD, v4  }
0x13c: {  	v4 =	vbroadcast v4, $0x0;
	_ =	sdelay $0x1  }
0x13d: {  	v2 =	vmul.f32 v2, v1  }
0x13e: {  	v1 =	vmul.f32 v3, v1  }
0x13f: {  	[tilespmem:s16+$0xFFFFFFC0] =	vst v2  }
0x140: {  	[tilespmem:s16+$0xFFFFFFD0] =	vst v1  }
0x141: {  	v1 =	vld.idx.msk [tilespmem:v4+s24+$0x0], $0xffff  }
0x142: {  	s19 =	sadd.s32 $0x2, s17;
	v2 =	vld [tilespmem:s16+$0xFFFFFFE0]  }
0x143: {  	v4 =	vmov s19;
	v3 =	vld [tilespmem:s16+$0xFFFFFFF0]  }
0x144: {  	v4 =	vand.u32 $0xFFFFFFFE, v4  }
0x145: {  	v4 =	vbroadcast v4, $0x0;
	_ =	sdelay $0x1  }
0x146: {  	v2 =	vmul.f32 v2, v1  }
0x147: {  	v1 =	vmul.f32 v3, v1  }
0x148: {  	[tilespmem:s16+$0xFFFFFFE0] =	vst v2  }
0x149: {  	[tilespmem:s16+$0xFFFFFFF0] =	vst v1;
	v1 =	vld [tilespmem:s16+$0x10]  }
0x14a: {  	v2 =	vld.idx.msk [tilespmem:v4+s24+$0x0], $0xffff  }
0x14b: {  	v3 =	vld [tilespmem:s16+$0x0];
	_ =	sdelay $0x2  }
0x14c: {  	s19 =	sadd.s32 $0x3, s17;
	s17 =	smov.u32 s18  }
0x14d: {  	v4 =	vmov s19  }
0x14e: {  	v1 =	vmul.f32 v1, v2;
	v3 =	vmul.f32 v3, v2;
	_ =	sdelay $0x1  }
0x14f: {  	[tilespmem:s16+$0x10] =	vst v1  }
0x150: {  	[tilespmem:s16+$0x0] =	vst v3;
	v1 =	vld [tilespmem:s16+$0x30]  }
.Ltmp3:
0x151: {  	v2 =	vld.idx.msk [tilespmem:v4+s24+$0x0], $0xffff;
	(pc) =	sbr.rel @p0 .LBB2_9-.Ltmp3, $4  }
0x152: {  	v4 =	vld [tilespmem:s16+$0x20]  }
0x153: {  	v3 =	vmov s18  }
0x154: {  	v3 =	vand.u32 $0xFFFFFFFC, v3  }
0x155: {  	s18 =	sadd.s32 $0x4, s18;
	v3 =	vbroadcast v3, $0x0  }
0x156: {  	_ = 	snop  }
0x157: {  	v1 =	vmul.f32 v1, v2  }
0x158: {  	v4 =	vmul.f32 v4, v2  }
0x159: {  	[tilespmem:s16+$0x30] =	vst v1  }
0x15a: {  	[tilespmem:s16+$0x20] =	vst v4  }
0x15b: {  	s16 =	sadd.s32 $0x80, s16;
	v1 =	vld.idx.msk [tilespmem:v3+s24+$0x0], $0xffff  }
0x15c: {  	s18 =	sadd.s32 $0x1, s17;
	v2 =	vld [tilespmem:s16+$0xFFFFFFC0]  }
0x15d: {  	v61 =	vmov s18;
	v3 =	vld [tilespmem:s16+$0xFFFFFFD0]  }
0x15e: {  	v4 =	vand.u32 $0xFFFFFFFD, v61  }
0x15f: {  	v4 =	vbroadcast v4, $0x0;
	_ =	sdelay $0x1  }
0x160: {  	v2 =	vmul.f32 v2, v1  }
0x161: {  	v1 =	vmul.f32 v3, v1  }
0x162: {  	[tilespmem:s16+$0xFFFFFFC0] =	vst v2  }
0x163: {  	[tilespmem:s16+$0xFFFFFFD0] =	vst v1;
	v2 =	vld [tilespmem:s16+$0xFFFFFFE0]  }
0x164: {  	s19 =	sadd.s32 $0x2, s17;
	v1 =	vld.idx.msk [tilespmem:v4+s24+$0x0], $0xffff  }
0x165: {  	v62 =	vmov s19;
	v3 =	vld [tilespmem:s16+$0xFFFFFFF0]  }
0x166: {  	v4 =	vand.u32 $0xFFFFFFFE, v62  }
0x167: {  	v4 =	vbroadcast v4, $0x0;
	_ =	sdelay $0x1  }
0x168: {  	v2 =	vmul.f32 v2, v1  }
0x169: {  	v1 =	vmul.f32 v3, v1  }
0x16a: {  	[tilespmem:s16+$0xFFFFFFE0] =	vst v2  }
0x16b: {  	[tilespmem:s16+$0xFFFFFFF0] =	vst v1;
	v1 =	vld [tilespmem:s16+$0x10]  }
0x16c: {  	v2 =	vld.idx.msk [tilespmem:v4+s24+$0x0], $0xffff  }
0x16d: {  	v3 =	vld [tilespmem:s16+$0x0];
	_ =	sdelay $0x1  }
0x16e: {  	s19 =	sadd.s32 $0x3, s17  }
0x16f: {  	v63 =	vmov s19  }
0x170: {  	v1 =	vmul.f32 v1, v2  }
0x171: {  	v2 =	vmul.f32 v3, v2  }
0x172: {  	[tilespmem:s16+$0x10] =	vst v1  }
0x173: {  	[tilespmem:s16+$0x0] =	vst v2;
	v2 =	vld [tilespmem:s16+$0x20]  }
0x174: {  	v1 =	vld.idx.msk [tilespmem:v63+s24+$0x0], $0xffff  }
0x175: {  	v3 =	vld [tilespmem:s16+$0x30];
	_ =	sdelay $0x3  }
0x176: {  	v2 =	vmul.f32 v2, v1  }
0x177: {  	s15 =	sadd.s32 $0x1, s15;
	v1 =	vmul.f32 v3, v1  }
0x178: {  	p0 =	sne.s32 s15, $0x28;
	[tilespmem:s16+$0x20] =	vst v2  }
.Ltmp4:
0x179: {  	[tilespmem:s16+$0x30] =	vst v1;
	(pc) =	sbr.rel @p0 .LBB2_8-.Ltmp4, $4  }
0x17a: {  	[spmem:s1] =	stream.indirect.scatter.add.f32 [tilespmem:s0], [sflag:$0x3], $0x80, s28, s31, $0xb8;
	[tilespmem:$0x1E600] =	vst v63  }
0x17b: {  	_ =	swait.ge [sflag:s23], $0x8000  }
0x17c: {  	[sflag:s23] =	ssyncset.done $0x0  }
0x17d: {  	[sflag:s23] =	ssyncadd.s32 $0xFFFF8000  }
0x17e: {  	[bflag:$0x0] =	sbarrier.arrive $0xFFFF  }
0x17f: {  	s14 =	rddreg [dreg:$0xd]  }
0x180: {  	[hbm:s14], [sflag:s25] =	dma.local [spmem:s13], $0x2800  }
0x181: {  	_ =	swait.ge [sflag:s23], $0x2800  }
0x182: {  	s2 =	sadd.s32 $0x1, s2;
	s25 =	rddreg [dreg:$0x4]  }
0x183: {  	p0 =	sne.s32 s2, s25  }
.Ltmp5:
0x184: {  	_ = 	snop;
	(pc) =	sbr.rel @p0 .LBB2_1-.Ltmp5, $4  }
0x185: {  	[sflag:s23] =	ssyncset.done $0x0  }
0x186: {  	[sflag:s23] =	ssyncadd.s32 $0xFFFFD800  }
0x187: {  	[bflag:$0x0] =	sbarrier.arrive $0xFFFF  }
0x188: {  	s19 =	smov.u32 s20  }
0x189: {  	_ =	sfence.sel $0x180000  }
0x18a: {  	[bflag:$0x0] =	sbarrier.arrive $0xFFFF  }
0x18b: {  	_ =	strace $0x9000004D  }
0x18c: {  	s0 =	stileid.u32;
	[bflag:$0x2] =	sbarrier.arrive $0xFFFF  }
0x18d: {  	p0 =	sne.s32 s0, $0x0;
	s0 =	rddreg [dreg:$0x3]  }
0x18e: {  	s0 =	sadd.s32 @!p0 $0x100000, s0  }
0x18f: {  	[sflag:s0] =	ssyncadd.tile.s32 @!p0 $0x1;
	_ =	shalt  }
.Lfunc_end2:
_tile_overlayer_lowered:
.L_overlay_start_2:
0x190: {  	(tag) =	ssettag $0x2  }
0x191: {  	s0 =	rddreg [dreg:$0x0];
	s2 =	stileid.u32  }
0x192: {  	s1 =	rddreg [dreg:$0x1];
	p0 =	sne.s32 s2, $0x0  }
0x193: {  	s3 =	rddreg [dreg:$0x2];
	[bflag:$0x3] =	sbarrier.arrive $0xFFFF;
	s2 =	simm.s32 @!p0 $0x1C03  }
0x194: {  	[timem:s3], [sflag:s2] =	dma.local @!p0 [hbm:s0], s1  }
0x195: {  	s0 =	simm.s32 @!p0 $0x3  }
0x196: {  	_ =	swait.ge @!p0 [sflag:s0], s1  }
0x197: {  	s1 =	ssub.s32 @!p0 $0x0, s1;
	[sflag:s0] =	ssyncset.done @!p0 $0x0  }
0x198: {  	[sflag:s0] =	ssyncadd.s32 @!p0 s1  }
0x199: {  	[bflag:$0x3] =	sbarrier.arrive $0xFFFF  }
0x19a: {  	_ =	shalt  }

</sc_bundles>
